<compile_context>
chip_gen: v7x
topology: tpu7x:2x2x1
jax: 0.10.2.dev20260603
libtpu: 0.0.44.dev20260713+nightly
codegen_flags: <defaults>
</compile_context>

<pallas_src>
import functools

import jax
import jax.numpy as jnp
from jax import lax
from jax.experimental import pallas as pl
from jax.experimental.pallas import tpu as pltpu
from jax.experimental.pallas import tpu_sc as plsc

_N = 10000
_E = 320000
_NODE_IN = 128
_EDGE_IN = 16
_ND = 128
_ED = 64

_NW = 32
_EPW = _E // _NW
_CH = 80
_NCH = _EPW // _CH
_NP = 10240
_RPT = _NP // 16

_F32 = jnp.float32


def _mesh():
    return plsc.VectorSubcoreMesh(core_axis_name="c", subcore_axis_name="s")



def _sc_gather(tbl, src3, dst3):
    nw, nch, ch = src3.shape
    epw = nch * ch
    ne = nw * epw

    @functools.partial(
        pl.kernel,
        mesh=_mesh(),
        out_type=[jax.ShapeDtypeStruct((ne, _ND), _F32),
                  jax.ShapeDtypeStruct((ne, _ND), _F32)],
        scratch_types=(
            [pltpu.VMEM((nch, ch), jnp.int32)] * 2
            + [pltpu.VMEM((ch, _ND), _F32)] * 6
            + [pltpu.SemaphoreType.DMA] * 12),
    )
    def k(tbl_hbm, src_hbm, dst_hbm, gs_hbm, gd_hbm,
          sidx, didx, bs0, bs1, bs2, bd0, bd1, bd2,
          g0, g1, g2, h0, h1, h2, w0, w1, w2, x0, x1, x2):
        wid = lax.axis_index("s") * 2 + lax.axis_index("c")
        pltpu.sync_copy(src_hbm.at[wid], sidx)
        pltpu.sync_copy(dst_hbm.at[wid], didx)
        bss, bds = (bs0, bs1, bs2), (bd0, bd1, bd2)
        gss, gds = (g0, g1, g2), (h0, h1, h2)
        wss, wds = (w0, w1, w2), (x0, x1, x2)

        def issue(c, j):
            pltpu.async_copy(tbl_hbm.at[sidx.at[c]], bss[j], gss[j])
            pltpu.async_copy(tbl_hbm.at[didx.at[c]], bds[j], gds[j])

        def wait_g(c, j):
            pltpu.make_async_copy(tbl_hbm.at[sidx.at[c]], bss[j],
                                  gss[j]).wait()
            pltpu.make_async_copy(tbl_hbm.at[didx.at[c]], bds[j],
                                  gds[j]).wait()

        def wr(c, j):
            base = wid * epw + c * ch
            pltpu.async_copy(bss[j], gs_hbm.at[pl.ds(base, ch)], wss[j])
            pltpu.async_copy(bds[j], gd_hbm.at[pl.ds(base, ch)], wds[j])

        def wait_w(c, j):
            base = wid * epw + c * ch
            pltpu.make_async_copy(bss[j], gs_hbm.at[pl.ds(base, ch)],
                                  wss[j]).wait()
            pltpu.make_async_copy(bds[j], gd_hbm.at[pl.ds(base, ch)],
                                  wds[j]).wait()

        issue(0, 0)
        issue(1, 1)
        wait_g(0, 0)
        wr(0, 0)
        issue(2, 2)
        wait_g(1, 1)
        wr(1, 1)
        wait_w(0, 0)
        issue(3, 0)

        def body(g, carry):
            for i in range(3):
                c = 3 * g + 2 + i
                j = (2 + i) % 3
                j2 = (1 + i) % 3

                wait_g(c, j)
                wr(c, j)

                @pl.when(c + 2 < nch)
                def _():
                    wait_w(c - 1, j2)
                    issue(c + 2, j2)

            return carry

        nloop = (nch - 2) // 3
        lax.fori_loop(0, nloop, body, 0)
        for c in range(3 * nloop + 2, nch):
            wait_g(c, c % 3)
            wr(c, c % 3)
        for c in range(nch - 3, nch):
            wait_w(c, c % 3)

    return k(tbl, src3, dst3)


def _sc_segment_sum(vals, dst3, zeros):

    nw, nch, ch = dst3.shape
    epw = nch * ch

    @functools.partial(
        pl.kernel,
        mesh=_mesh(),
        out_type=jax.ShapeDtypeStruct((2 * _NP, _ND), _F32),
        scratch_types=[pltpu.VMEM((nch, ch), jnp.int32),
                       pltpu.VMEM((ch, _ND), _F32),
                       pltpu.VMEM((ch, _ND), _F32),
                       pltpu.VMEM_SHARED((_NP, _ND), _F32),
                       pltpu.SemaphoreType.DMA,
                       pltpu.SemaphoreType.DMA],
    )
    def k(vals_hbm, dst_hbm, z_hbm, out_hbm, didx, bv0, bv1, acc, v0, v1):
        cid = lax.axis_index("c")
        sid = lax.axis_index("s")
        wid = sid * 2 + cid
        r0 = sid * _RPT
        pltpu.sync_copy(z_hbm.at[pl.ds(r0, _RPT)], acc.at[pl.ds(r0, _RPT)])
        pltpu.sync_copy(dst_hbm.at[wid], didx)
        plsc.subcore_barrier()
        bvs, vs = (bv0, bv1), (v0, v1)

        for j in range(2):
            pltpu.async_copy(
                vals_hbm.at[pl.ds(wid * epw + j * ch, ch)], bvs[j], vs[j])

        def step(c, j):
            base = wid * epw + c * ch
            pltpu.make_async_copy(
                vals_hbm.at[pl.ds(base, ch)], bvs[j], vs[j]).wait()
            pltpu.sync_copy(bvs[j], acc.at[didx.at[c]], add=True)

            @pl.when(c + 2 < nch)
            def _():
                pltpu.async_copy(
                    vals_hbm.at[pl.ds(base + 2 * ch, ch)], bvs[j], vs[j])

        def body(g, carry):
            step(2 * g, 0)
            step(2 * g + 1, 1)
            return carry

        lax.fori_loop(0, nch // 2, body, 0)
        if nch % 2:
            step(nch - 1, 0)
        plsc.subcore_barrier()
        pltpu.sync_copy(acc.at[pl.ds(r0, _RPT)],
                        out_hbm.at[pl.ds(cid * _NP + r0, _RPT)])

    return k(vals, dst3, zeros)



_BN = 2000
_BE = 4000


def _full(shape):
    return pl.BlockSpec(shape, lambda i: tuple(0 for _ in shape))


def _rows(block, width):
    return pl.BlockSpec((block, width), lambda i: (i, 0))


def _node_embed(x, Wne, bne, Wsd):
    def body(x_ref, w_ref, b_ref, wsd_ref, nf_ref, t_ref):
        nf = jnp.dot(x_ref[...], w_ref[...],
                     preferred_element_type=_F32) + b_ref[...]
        nf_ref[...] = nf
        t_ref[...] = jnp.dot(nf, wsd_ref[...], preferred_element_type=_F32)

    return pl.pallas_call(
        body,
        grid=(_N // _BN,),
        in_specs=[_rows(_BN, _NODE_IN), _full((_NODE_IN, _ND)),
                  _full((1, _ND)), _full((_ND, _ND))],
        out_specs=[_rows(_BN, _ND), _rows(_BN, _ND)],
        out_shape=[jax.ShapeDtypeStruct((_N, _ND), _F32),
                   jax.ShapeDtypeStruct((_N, _ND), _F32)],
    )(x, Wne, bne.reshape(1, _ND), Wsd)


def _edge_embed(ea, Wee, bee, off, ne):
    ob = off // _BE

    def body(a_ref, w_ref, b_ref, o_ref):
        o_ref[...] = jnp.dot(a_ref[...], w_ref[...],
                             preferred_element_type=_F32) + b_ref[...]

    return pl.pallas_call(
        body,
        grid=(ne // _BE,),
        in_specs=[pl.BlockSpec((_BE, _EDGE_IN), lambda i: (i + ob, 0)),
                  _full((_EDGE_IN, _ED)), _full((1, _ED))],
        out_specs=_rows(_BE, _ED),
        out_shape=jax.ShapeDtypeStruct((ne, _ED), _F32),
    )(ea, Wee, bee.reshape(1, _ED))


def _edge_mlp(gs, gd, ef, W1e, b1, W2, b2, out_pad):
    ne, ef_w = ef.shape
    out_w = _ND if out_pad else _ED

    def body(gs_ref, gd_ref, ef_ref, w1_ref, b1_ref, w2_ref, b2_ref, o_ref):
        efv = ef_ref[...] if ef_w == _ED else ef_ref[:, :_ED]
        h = (gs_ref[:, :_ED] + gd_ref[:, _ED:]
             + jnp.dot(efv, w1_ref[...], preferred_element_type=_F32)
             + b1_ref[...])
        h = jnp.maximum(h, 0.0)
        o = jnp.dot(h, w2_ref[...], preferred_element_type=_F32) + b2_ref[...]
        o = jnp.maximum(o, 0.0)
        if out_pad:
            o_ref[...] = jnp.concatenate(
                [o, jnp.zeros((o.shape[0], _ND - _ED), _F32)], axis=1)
        else:
            o_ref[...] = o

    k1 = W1e.shape[0]
    return pl.pallas_call(
        body,
        grid=(ne // _BE,),
        in_specs=[_rows(_BE, _ND), _rows(_BE, _ND), _rows(_BE, ef_w),
                  _full((k1, _ED)), _full((1, _ED)),
                  _full((_ED, _ED)), _full((1, _ED))],
        out_specs=_rows(_BE, out_w),
        out_shape=jax.ShapeDtypeStruct((ne, out_w), _F32),
    )(gs, gd, ef, W1e, b1.reshape(1, _ED), W2, b2.reshape(1, _ED))


def _edge_mlp_head(gs, gd, ef, W1e, b1, W2, b2, We1, be1, We2, be2):
    ne, ef_w = ef.shape
    dh = We1.shape[1]

    def body(gs_ref, gd_ref, ef_ref, w1_ref, b1_ref, w2_ref, b2_ref,
             we1_ref, be1_ref, we2_ref, be2_ref, o_ref):
        efv = ef_ref[...] if ef_w == _ED else ef_ref[:, :_ED]
        h = (gs_ref[:, :_ED] + gd_ref[:, _ED:]
             + jnp.dot(efv, w1_ref[...], preferred_element_type=_F32)
             + b1_ref[...])
        h = jnp.maximum(h, 0.0)
        o = jnp.dot(h, w2_ref[...], preferred_element_type=_F32) + b2_ref[...]
        o = jnp.maximum(o, 0.0)
        ch = jnp.maximum(
            jnp.dot(o, we1_ref[...], preferred_element_type=_F32)
            + be1_ref[...], 0.0)
        o_ref[...] = (jnp.dot(ch, we2_ref[...], preferred_element_type=_F32)
                      + be2_ref[...])

    return pl.pallas_call(
        body,
        grid=(ne // _BE,),
        in_specs=[_rows(_BE, _ND), _rows(_BE, _ND), _rows(_BE, ef_w),
                  _full((_ED, _ED)), _full((1, _ED)),
                  _full((_ED, _ED)), _full((1, _ED)),
                  _full((_ED, dh)), _full((1, dh)),
                  _full((dh, 1)), _full((1, 1))],
        out_specs=_rows(_BE, 1),
        out_shape=jax.ShapeDtypeStruct((ne, 1), _F32),
    )(gs, gd, ef, W1e, b1.reshape(1, _ED), W2, b2.reshape(1, _ED),
      We1, be1.reshape(1, dh), We2, be2.reshape(1, 1))


def _node_update(nf, aggs, Wn1, Wn2, bn, Wsd, head=None):
    na = len(aggs)
    agg_specs = [_rows(_BN, _ND)] * na

    def agg_sum(arefs):
        s = arefs[0][:, :_ED]
        for a in arefs[1:]:
            s = s + a[:, :_ED]
        return s

    if head is None:
        def body(*refs):
            nf_ref = refs[0]
            arefs = refs[1:1 + na]
            wn1_ref, wn2_ref, b_ref, wsd_ref, nf2_ref, t_ref = refs[1 + na:]
            h = (jnp.dot(nf_ref[...], wn1_ref[...],
                         preferred_element_type=_F32)
                 + jnp.dot(agg_sum(arefs), wn2_ref[...],
                           preferred_element_type=_F32)
                 + b_ref[...])
            nf2 = jnp.maximum(h, 0.0)
            nf2_ref[...] = nf2
            t_ref[...] = jnp.dot(nf2, wsd_ref[...],
                                 preferred_element_type=_F32)

        return pl.pallas_call(
            body,
            grid=(_N // _BN,),
            in_specs=[_rows(_BN, _ND)] + agg_specs
            + [_full((_ND, _ND)), _full((_ED, _ND)), _full((1, _ND)),
               _full((_ND, _ND))],
            out_specs=[_rows(_BN, _ND), _rows(_BN, _ND)],
            out_shape=[jax.ShapeDtypeStruct((_N, _ND), _F32),
                       jax.ShapeDtypeStruct((_N, _ND), _F32)],
        )(nf, *aggs, Wn1, Wn2, bn.reshape(1, _ND), Wsd)

    Wc1, bc1, Wc2, bc2 = head
    dh = Wc1.shape[1]

    def body(*refs):
        nf_ref = refs[0]
        arefs = refs[1:1 + na]
        (wn1_ref, wn2_ref, b_ref, wsd_ref, wc1_ref, bc1_ref, wc2_ref,
         bc2_ref, t_ref, p_ref) = refs[1 + na:]
        h = (jnp.dot(nf_ref[...], wn1_ref[...], preferred_element_type=_F32)
             + jnp.dot(agg_sum(arefs), wn2_ref[...],
                       preferred_element_type=_F32)
             + b_ref[...])
        nf2 = jnp.maximum(h, 0.0)
        t_ref[...] = jnp.dot(nf2, wsd_ref[...], preferred_element_type=_F32)
        ch = jnp.maximum(
            jnp.dot(nf2, wc1_ref[...], preferred_element_type=_F32)
            + bc1_ref[...], 0.0)
        p_ref[...] = (jnp.dot(ch, wc2_ref[...], preferred_element_type=_F32)
                      + bc2_ref[...])

    return pl.pallas_call(
        body,
        grid=(_N // _BN,),
        in_specs=[_rows(_BN, _ND)] + agg_specs
        + [_full((_ND, _ND)), _full((_ED, _ND)), _full((1, _ND)),
           _full((_ND, _ND)),
           _full((_ND, dh)), _full((1, dh)),
           _full((dh, 1)), _full((1, 1))],
        out_specs=[_rows(_BN, _ND), _rows(_BN, 1)],
        out_shape=[jax.ShapeDtypeStruct((_N, _ND), _F32),
                   jax.ShapeDtypeStruct((_N, 1), _F32)],
    )(nf, *aggs, Wn1, Wn2, bn.reshape(1, _ND), Wsd,
      Wc1, bc1.reshape(1, dh), Wc2, bc2.reshape(1, 1))



def kernel(x, edge_attr, edge_index, node_types, params):
    p = params
    Wne, bne = p['node_emb'][0]
    Wee, bee = p['edge_emb'][0]
    (W1, b1), (W2, b2) = p['edge_mlp']
    Wn, bn = p['node_upd'][0]
    (Wc1, bc1), (Wc2, bc2) = p['node_cls']
    (We1, be1), (We2, be2) = p['edge_cls']

    Wsd = jnp.concatenate([W1[:_ND], W1[_ND:2 * _ND]], axis=1)
    W1e = W1[2 * _ND:]
    Wn1, Wn2 = Wn[:_ND], Wn[_ND:]

    src3 = edge_index[0].reshape(_NW, _NCH, _CH)
    dst3 = edge_index[1].reshape(_NW, _NCH, _CH)
    zeros = jnp.zeros((_NP, _ND), _F32)

    nf, tbl = _node_embed(x, Wne, bne, Wsd)
    ef = _edge_embed(edge_attr, Wee, bee, 0, _E)

    gs, gd = _sc_gather(tbl, src3, dst3)
    ef = _edge_mlp(gs, gd, ef, W1e, b1, W2, b2, out_pad=True)
    aggp = _sc_segment_sum(ef, dst3, zeros)
    nf, tbl = _node_update(nf, [aggp[:_N], aggp[_NP:_NP + _N]],
                           Wn1, Wn2, bn, Wsd)
    gs, gd = _sc_gather(tbl, src3, dst3)
    ef = _edge_mlp(gs, gd, ef, W1e, b1, W2, b2, out_pad=True)
    aggp = _sc_segment_sum(ef, dst3, zeros)
    tbl, pred_node = _node_update(nf, [aggp[:_N], aggp[_NP:_NP + _N]],
                                  Wn1, Wn2, bn, Wsd,
                                  head=(Wc1, bc1, Wc2, bc2))
    gs, gd = _sc_gather(tbl, src3, dst3)
    pred_edge = _edge_mlp_head(gs, gd, ef, W1e, b1, W2, b2,
                               We1, be1, We2, be2)

    return (pred_edge[:, 0], pred_node[:, 0])

# --- scband reference (transcript-rebuilt; emitter-appended) ---
"""Pipeline reference for scband-classification-mpnsimple-63702954935069 (READ-ONLY COPY).

The authoritative reference and input builder live on the scoring server;
editing this copy changes nothing except your own understanding.
"""

import jax, jax.numpy as jnp
import numpy as np

N = 10000
E = 320000
NODE_IN = 128
EDGE_IN = 16
ND = 128
ED = 64
EH = 64
STEPS = 2
EDGE_STEPS = 1


def _init_linear(key, din, dout):
    k1, k2 = jax.random.split(key)
    W = jax.random.normal(k1, (din, dout), dtype=jnp.float32) * (1.0 / np.sqrt(din))
    b = jnp.zeros((dout,), dtype=jnp.float32)
    return (W, b)


def setup_inputs(seed: int = 0):
    key = jax.random.key(seed)
    ks = jax.random.split(key, 16)
    x = jax.random.normal(ks[0], (N, NODE_IN), dtype=jnp.float32)
    edge_attr = jax.random.normal(ks[1], (E, EDGE_IN), dtype=jnp.float32)
    edge_index = jax.random.randint(ks[2], (2, E), 0, N).astype(jnp.int32)
    node_types = jax.random.randint(ks[3], (N,), 0, 17).astype(jnp.int32)
    params = {
        'node_emb': [_init_linear(ks[4], NODE_IN, ND)],
        'edge_emb': [_init_linear(ks[5], EDGE_IN, ED)],
        'edge_mlp': [_init_linear(ks[6], 2 * ND + ED, EH), _init_linear(ks[7], EH, ED)],
        'node_upd': [_init_linear(ks[8], ND + ED, ND)],
        'node_cls': [_init_linear(ks[9], ND, 64), _init_linear(ks[10], 64, 1)],
        'edge_cls': [_init_linear(ks[11], ED, 32), _init_linear(ks[12], 32, 1)],
    }
    return {"x": x, "edge_attr": edge_attr, "edge_index": edge_index,
            "node_types": node_types, "params": params}


def _mlp(layers, h, relu_last=False):
    n = len(layers)
    for i, (W, b) in enumerate(layers):
        h = h @ W + b
        if i < n - 1 or relu_last:
            h = jax.nn.relu(h)
    return h


def _mp_step(params, nf, ef, src, dst):
    # edge update: message MLP over [x_src, x_dst, e]
    m_in = jnp.concatenate([nf[src], nf[dst], ef], axis=1)
    ef_new = _mlp(params['edge_mlp'], m_in, relu_last=True)
    # aggregate messages at destination nodes (aggr='add')
    agg = jax.ops.segment_sum(ef_new, dst, num_segments=N)
    # node update MLP
    nf_new = _mlp(params['node_upd'], jnp.concatenate([nf, agg], axis=1), relu_last=True)
    return nf_new, ef_new


def reference(x, edge_attr, edge_index, node_types, params):
    # node_types summarized with 'not' -> identity; AGGR_TYPE='agnostic' so unused
    src = edge_index[0]
    dst = edge_index[1]
    nf = _mlp(params['node_emb'], x)
    ef = _mlp(params['edge_emb'], edge_attr)
    for _ in range(STEPS):
        nf, ef = _mp_step(params, nf, ef, src, dst)
    pred_node = jnp.squeeze(_mlp(params['node_cls'], nf), axis=-1)
    for _ in range(EDGE_STEPS):
        nf, ef = _mp_step(params, nf, ef, src, dst)
    pred_edge = jnp.squeeze(_mlp(params['edge_cls'], ef), axis=-1)
    return (pred_edge, pred_node)

if __name__ == "__main__":
    import jax
    _d = setup_inputs()
    print(jax.jit(kernel)(*tuple(_d.values())))

</pallas_src>

<mosaic_0001>
#map = affine_map<(d0, d1) -> (0, 0)>
#map1 = affine_map<(d0, d1) -> (0, 0, 0)>
module attributes {stable_mosaic.version = 14 : i64} {
  func.func @k(%arg0: i32, %arg1: i32, %arg2: memref<10000x128xf32, #tpu.memory_space<hbm>>, %arg3: memref<32x125x80xi32, #tpu.memory_space<hbm>>, %arg4: memref<32x125x80xi32, #tpu.memory_space<hbm>>, %arg5: memref<320000x128xf32, #tpu.memory_space<hbm>>, %arg6: memref<320000x128xf32, #tpu.memory_space<hbm>>, %arg7: memref<125x80xi32, #tpu.memory_space<vmem>>, %arg8: memref<125x80xi32, #tpu.memory_space<vmem>>, %arg9: memref<80x128xf32, #tpu.memory_space<vmem>>, %arg10: memref<80x128xf32, #tpu.memory_space<vmem>>, %arg11: memref<80x128xf32, #tpu.memory_space<vmem>>, %arg12: memref<80x128xf32, #tpu.memory_space<vmem>>, %arg13: memref<80x128xf32, #tpu.memory_space<vmem>>, %arg14: memref<80x128xf32, #tpu.memory_space<vmem>>, %arg15: memref<!tpu.dma_semaphore, #tpu.memory_space<semaphore_mem>>, %arg16: memref<!tpu.dma_semaphore, #tpu.memory_space<semaphore_mem>>, %arg17: memref<!tpu.dma_semaphore, #tpu.memory_space<semaphore_mem>>, %arg18: memref<!tpu.dma_semaphore, #tpu.memory_space<semaphore_mem>>, %arg19: memref<!tpu.dma_semaphore, #tpu.memory_space<semaphore_mem>>, %arg20: memref<!tpu.dma_semaphore, #tpu.memory_space<semaphore_mem>>, %arg21: memref<!tpu.dma_semaphore, #tpu.memory_space<semaphore_mem>>, %arg22: memref<!tpu.dma_semaphore, #tpu.memory_space<semaphore_mem>>, %arg23: memref<!tpu.dma_semaphore, #tpu.memory_space<semaphore_mem>>, %arg24: memref<!tpu.dma_semaphore, #tpu.memory_space<semaphore_mem>>, %arg25: memref<!tpu.dma_semaphore, #tpu.memory_space<semaphore_mem>>, %arg26: memref<!tpu.dma_semaphore, #tpu.memory_space<semaphore_mem>>) attributes {dimension_semantics = [#tpu.dimension_semantics<core_parallel>, #tpu.dimension_semantics<subcore_parallel>], iteration_bounds = array<i64: 2, 16>, scalar_prefetch = 0 : i64, scratch_operands = 20 : i64, tpu.core_type = #tpu.core_type<sc_vector_subcore>, window_params = [{transform_indices = #map}, {transform_indices = #map1}, {transform_indices = #map1}, {transform_indices = #map}, {transform_indices = #map}]} {
    %mul3A = arith.constant 2 : i32
    %mul3A_0 = arith.muli %arg1, %mul3A : i32
    %add3A = arith.addi %mul3A_0, %arg0 : i32
    "tpu.region"() ({
      %run_scoped3A = tpu.sem_alloc : memref<!tpu.dma_semaphore, #tpu.memory_space<semaphore_mem>>
      %dma_start3A_160 = arith.constant 0 : i32
      %dma_start3A_161 = arith.constant 0 : i32
      %dma_start3A_162 = tpu.memref_slice %arg3[%add3A, %dma_start3A_160, %dma_start3A_161] : memref<32x125x80xi32, #tpu.memory_space<hbm>> -> memref<1x125x80xi32, #tpu.memory_space<hbm>>
      %dma_start3A_163 = tpu.memref_squeeze %dma_start3A_162 : memref<1x125x80xi32, #tpu.memory_space<hbm>> -> memref<125x80xi32, #tpu.memory_space<hbm>>
      %dma_start3A_164 = arith.constant 0 : i32
      %dma_start3A_165 = arith.constant 0 : i32
      %dma_start3A_166 = tpu.memref_slice %arg3[%add3A, %dma_start3A_164, %dma_start3A_165] : memref<32x125x80xi32, #tpu.memory_space<hbm>> -> memref<1x125x80xi32, #tpu.memory_space<hbm>>
      %dma_start3A_167 = tpu.memref_squeeze %dma_start3A_166 : memref<1x125x80xi32, #tpu.memory_space<hbm>> -> memref<125x80xi32, #tpu.memory_space<hbm>>
      tpu.enqueue_dma source(%dma_start3A_167 : memref<125x80xi32, #tpu.memory_space<hbm>>) target(%arg7 : memref<125x80xi32, #tpu.memory_space<vmem>>) target_semaphore(%run_scoped3A : memref<!tpu.dma_semaphore, #tpu.memory_space<semaphore_mem>>)
      %dma_wait3A_168 = arith.constant 0 : i32
      %dma_wait3A_169 = arith.constant 0 : i32
      %dma_wait3A_170 = tpu.memref_slice %arg3[%add3A, %dma_wait3A_168, %dma_wait3A_169] : memref<32x125x80xi32, #tpu.memory_space<hbm>> -> memref<1x125x80xi32, #tpu.memory_space<hbm>>
      %dma_wait3A_171 = tpu.memref_squeeze %dma_wait3A_170 : memref<1x125x80xi32, #tpu.memory_space<hbm>> -> memref<125x80xi32, #tpu.memory_space<hbm>>
      %dma_wait3A_172 = arith.constant 0 : i32
      %dma_wait3A_173 = arith.constant 0 : i32
      %dma_wait3A_174 = tpu.memref_slice %arg3[%add3A, %dma_wait3A_172, %dma_wait3A_173] : memref<32x125x80xi32, #tpu.memory_space<hbm>> -> memref<1x125x80xi32, #tpu.memory_space<hbm>>
      %dma_wait3A_175 = tpu.memref_squeeze %dma_wait3A_174 : memref<1x125x80xi32, #tpu.memory_space<hbm>> -> memref<125x80xi32, #tpu.memory_space<hbm>>
      tpu.wait_dma2 semaphore(%run_scoped3A : memref<!tpu.dma_semaphore, #tpu.memory_space<semaphore_mem>>) src(%dma_wait3A_175 : memref<125x80xi32, #tpu.memory_space<hbm>>) dst(%arg7 : memref<125x80xi32, #tpu.memory_space<vmem>>)
      tpu.yield
    }) : () -> ()
    "tpu.region"() ({
      %run_scoped3A = tpu.sem_alloc : memref<!tpu.dma_semaphore, #tpu.memory_space<semaphore_mem>>
      %dma_start3A_160 = arith.constant 0 : i32
      %dma_start3A_161 = arith.constant 0 : i32
      %dma_start3A_162 = tpu.memref_slice %arg4[%add3A, %dma_start3A_160, %dma_start3A_161] : memref<32x125x80xi32, #tpu.memory_space<hbm>> -> memref<1x125x80xi32, #tpu.memory_space<hbm>>
      %dma_start3A_163 = tpu.memref_squeeze %dma_start3A_162 : memref<1x125x80xi32, #tpu.memory_space<hbm>> -> memref<125x80xi32, #tpu.memory_space<hbm>>
      %dma_start3A_164 = arith.constant 0 : i32
      %dma_start3A_165 = arith.constant 0 : i32
      %dma_start3A_166 = tpu.memref_slice %arg4[%add3A, %dma_start3A_164, %dma_start3A_165] : memref<32x125x80xi32, #tpu.memory_space<hbm>> -> memref<1x125x80xi32, #tpu.memory_space<hbm>>
      %dma_start3A_167 = tpu.memref_squeeze %dma_start3A_166 : memref<1x125x80xi32, #tpu.memory_space<hbm>> -> memref<125x80xi32, #tpu.memory_space<hbm>>
      tpu.enqueue_dma source(%dma_start3A_167 : memref<125x80xi32, #tpu.memory_space<hbm>>) target(%arg8 : memref<125x80xi32, #tpu.memory_space<vmem>>) target_semaphore(%run_scoped3A : memref<!tpu.dma_semaphore, #tpu.memory_space<semaphore_mem>>)
      %dma_wait3A_168 = arith.constant 0 : i32
      %dma_wait3A_169 = arith.constant 0 : i32
      %dma_wait3A_170 = tpu.memref_slice %arg4[%add3A, %dma_wait3A_168, %dma_wait3A_169] : memref<32x125x80xi32, #tpu.memory_space<hbm>> -> memref<1x125x80xi32, #tpu.memory_space<hbm>>
      %dma_wait3A_171 = tpu.memref_squeeze %dma_wait3A_170 : memref<1x125x80xi32, #tpu.memory_space<hbm>> -> memref<125x80xi32, #tpu.memory_space<hbm>>
      %dma_wait3A_172 = arith.constant 0 : i32
      %dma_wait3A_173 = arith.constant 0 : i32
      %dma_wait3A_174 = tpu.memref_slice %arg4[%add3A, %dma_wait3A_172, %dma_wait3A_173] : memref<32x125x80xi32, #tpu.memory_space<hbm>> -> memref<1x125x80xi32, #tpu.memory_space<hbm>>
      %dma_wait3A_175 = tpu.memref_squeeze %dma_wait3A_174 : memref<1x125x80xi32, #tpu.memory_space<hbm>> -> memref<125x80xi32, #tpu.memory_space<hbm>>
      tpu.wait_dma2 semaphore(%run_scoped3A : memref<!tpu.dma_semaphore, #tpu.memory_space<semaphore_mem>>) src(%dma_wait3A_175 : memref<125x80xi32, #tpu.memory_space<hbm>>) dst(%arg8 : memref<125x80xi32, #tpu.memory_space<vmem>>)
      tpu.yield
    }) : () -> ()
    %dma_start3A = arith.constant 0 : i32
    %dma_start3A_1 = arith.constant 0 : i32
    %dma_start3A_2 = tpu.memref_slice %arg7[%dma_start3A, %dma_start3A_1] : memref<125x80xi32, #tpu.memory_space<vmem>> -> memref<1x80xi32, #tpu.memory_space<vmem>>
    %dma_start3A_3 = tpu.memref_squeeze %dma_start3A_2 : memref<1x80xi32, #tpu.memory_space<vmem>> -> memref<80xi32, #tpu.memory_space<vmem>>
    %dma_start3A_4 = arith.constant 0 : i32
    %dma_start3A_5 = arith.constant 0 : i32
    %dma_start3A_6 = tpu.memref_slice %arg2[%dma_start3A_4, %dma_start3A_5] : memref<10000x128xf32, #tpu.memory_space<hbm>> -> memref<10000x128xf32, #tpu.memory_space<hbm>>
    tpu.enqueue_indirect_dma source(%dma_start3A_6 : memref<10000x128xf32, #tpu.memory_space<hbm>>) target(%arg9 : memref<80x128xf32, #tpu.memory_space<vmem>>) offsets(%dma_start3A_3 : memref<80xi32, #tpu.memory_space<vmem>>) semaphore(%arg15 : memref<!tpu.dma_semaphore, #tpu.memory_space<semaphore_mem>>)
    %dma_start3A_7 = arith.constant 0 : i32
    %dma_start3A_8 = arith.constant 0 : i32
    %dma_start3A_9 = tpu.memref_slice %arg8[%dma_start3A_7, %dma_start3A_8] : memref<125x80xi32, #tpu.memory_space<vmem>> -> memref<1x80xi32, #tpu.memory_space<vmem>>
    %dma_start3A_10 = tpu.memref_squeeze %dma_start3A_9 : memref<1x80xi32, #tpu.memory_space<vmem>> -> memref<80xi32, #tpu.memory_space<vmem>>
    %dma_start3A_11 = arith.constant 0 : i32
    %dma_start3A_12 = arith.constant 0 : i32
    %dma_start3A_13 = tpu.memref_slice %arg2[%dma_start3A_11, %dma_start3A_12] : memref<10000x128xf32, #tpu.memory_space<hbm>> -> memref<10000x128xf32, #tpu.memory_space<hbm>>
    tpu.enqueue_indirect_dma source(%dma_start3A_13 : memref<10000x128xf32, #tpu.memory_space<hbm>>) target(%arg12 : memref<80x128xf32, #tpu.memory_space<vmem>>) offsets(%dma_start3A_10 : memref<80xi32, #tpu.memory_space<vmem>>) semaphore(%arg18 : memref<!tpu.dma_semaphore, #tpu.memory_space<semaphore_mem>>)
    %dma_start3A_14 = arith.constant 1 : i32
    %dma_start3A_15 = arith.constant 0 : i32
    %dma_start3A_16 = tpu.memref_slice %arg7[%dma_start3A_14, %dma_start3A_15] : memref<125x80xi32, #tpu.memory_space<vmem>> -> memref<1x80xi32, #tpu.memory_space<vmem>>
    %dma_start3A_17 = tpu.memref_squeeze %dma_start3A_16 : memref<1x80xi32, #tpu.memory_space<vmem>> -> memref<80xi32, #tpu.memory_space<vmem>>
    %dma_start3A_18 = arith.constant 0 : i32
    %dma_start3A_19 = arith.constant 0 : i32
    %dma_start3A_20 = tpu.memref_slice %arg2[%dma_start3A_18, %dma_start3A_19] : memref<10000x128xf32, #tpu.memory_space<hbm>> -> memref<10000x128xf32, #tpu.memory_space<hbm>>
    tpu.enqueue_indirect_dma source(%dma_start3A_20 : memref<10000x128xf32, #tpu.memory_space<hbm>>) target(%arg10 : memref<80x128xf32, #tpu.memory_space<vmem>>) offsets(%dma_start3A_17 : memref<80xi32, #tpu.memory_space<vmem>>) semaphore(%arg16 : memref<!tpu.dma_semaphore, #tpu.memory_space<semaphore_mem>>)
    %dma_start3A_21 = arith.constant 1 : i32
    %dma_start3A_22 = arith.constant 0 : i32
    %dma_start3A_23 = tpu.memref_slice %arg8[%dma_start3A_21, %dma_start3A_22] : memref<125x80xi32, #tpu.memory_space<vmem>> -> memref<1x80xi32, #tpu.memory_space<vmem>>
    %dma_start3A_24 = tpu.memref_squeeze %dma_start3A_23 : memref<1x80xi32, #tpu.memory_space<vmem>> -> memref<80xi32, #tpu.memory_space<vmem>>
    %dma_start3A_25 = arith.constant 0 : i32
    %dma_start3A_26 = arith.constant 0 : i32
    %dma_start3A_27 = tpu.memref_slice %arg2[%dma_start3A_25, %dma_start3A_26] : memref<10000x128xf32, #tpu.memory_space<hbm>> -> memref<10000x128xf32, #tpu.memory_space<hbm>>
    tpu.enqueue_indirect_dma source(%dma_start3A_27 : memref<10000x128xf32, #tpu.memory_space<hbm>>) target(%arg13 : memref<80x128xf32, #tpu.memory_space<vmem>>) offsets(%dma_start3A_24 : memref<80xi32, #tpu.memory_space<vmem>>) semaphore(%arg19 : memref<!tpu.dma_semaphore, #tpu.memory_space<semaphore_mem>>)
    %dma_wait3A = arith.constant 0 : i32
    %dma_wait3A_28 = arith.constant 0 : i32
    %dma_wait3A_29 = tpu.memref_slice %arg7[%dma_wait3A, %dma_wait3A_28] : memref<125x80xi32, #tpu.memory_space<vmem>> -> memref<1x80xi32, #tpu.memory_space<vmem>>
    %dma_wait3A_30 = tpu.memref_squeeze %dma_wait3A_29 : memref<1x80xi32, #tpu.memory_space<vmem>> -> memref<80xi32, #tpu.memory_space<vmem>>
    %dma_wait3A_31 = arith.constant 0 : i32
    %dma_wait3A_32 = arith.constant 0 : i32
    %dma_wait3A_33 = tpu.memref_slice %arg2[%dma_wait3A_31, %dma_wait3A_32] : memref<10000x128xf32, #tpu.memory_space<hbm>> -> memref<10000x128xf32, #tpu.memory_space<hbm>>
    tpu.wait_indirect_dma semaphore(%arg15 : memref<!tpu.dma_semaphore, #tpu.memory_space<semaphore_mem>>) src(%dma_wait3A_33 : memref<10000x128xf32, #tpu.memory_space<hbm>>) dst(%arg9 : memref<80x128xf32, #tpu.memory_space<vmem>>)
    %dma_wait3A_34 = arith.constant 0 : i32
    %dma_wait3A_35 = arith.constant 0 : i32
    %dma_wait3A_36 = tpu.memref_slice %arg8[%dma_wait3A_34, %dma_wait3A_35] : memref<125x80xi32, #tpu.memory_space<vmem>> -> memref<1x80xi32, #tpu.memory_space<vmem>>
    %dma_wait3A_37 = tpu.memref_squeeze %dma_wait3A_36 : memref<1x80xi32, #tpu.memory_space<vmem>> -> memref<80xi32, #tpu.memory_space<vmem>>
    %dma_wait3A_38 = arith.constant 0 : i32
    %dma_wait3A_39 = arith.constant 0 : i32
    %dma_wait3A_40 = tpu.memref_slice %arg2[%dma_wait3A_38, %dma_wait3A_39] : memref<10000x128xf32, #tpu.memory_space<hbm>> -> memref<10000x128xf32, #tpu.memory_space<hbm>>
    tpu.wait_indirect_dma semaphore(%arg18 : memref<!tpu.dma_semaphore, #tpu.memory_space<semaphore_mem>>) src(%dma_wait3A_40 : memref<10000x128xf32, #tpu.memory_space<hbm>>) dst(%arg12 : memref<80x128xf32, #tpu.memory_space<vmem>>)
    %mul3A_41 = arith.constant 10000 : i32
    %mul3A_42 = arith.muli %add3A, %mul3A_41 : i32
    %add3A_43 = arith.constant 0 : i32
    %add3A_44 = arith.addi %mul3A_42, %add3A_43 : i32
    %dma_start3A_45 = arith.constant 0 : i32
    %dma_start3A_46 = tpu.memref_slice %arg5[%add3A_44, %dma_start3A_45] : memref<320000x128xf32, #tpu.memory_space<hbm>> -> memref<80x128xf32, #tpu.memory_space<hbm>>
    %dma_start3A_47 = arith.constant 0 : i32
    %dma_start3A_48 = tpu.memref_slice %arg5[%add3A_44, %dma_start3A_47] : memref<320000x128xf32, #tpu.memory_space<hbm>> -> memref<80x128xf32, #tpu.memory_space<hbm>>
    tpu.enqueue_dma source(%arg9 : memref<80x128xf32, #tpu.memory_space<vmem>>) target(%dma_start3A_48 : memref<80x128xf32, #tpu.memory_space<hbm>>) target_semaphore(%arg21 : memref<!tpu.dma_semaphore, #tpu.memory_space<semaphore_mem>>)
    %dma_start3A_49 = arith.constant 0 : i32
    %dma_start3A_50 = tpu.memref_slice %arg6[%add3A_44, %dma_start3A_49] : memref<320000x128xf32, #tpu.memory_space<hbm>> -> memref<80x128xf32, #tpu.memory_space<hbm>>
    %dma_start3A_51 = arith.constant 0 : i32
    %dma_start3A_52 = tpu.memref_slice %arg6[%add3A_44, %dma_start3A_51] : memref<320000x128xf32, #tpu.memory_space<hbm>> -> memref<80x128xf32, #tpu.memory_space<hbm>>
    tpu.enqueue_dma source(%arg12 : memref<80x128xf32, #tpu.memory_space<vmem>>) target(%dma_start3A_52 : memref<80x128xf32, #tpu.memory_space<hbm>>) target_semaphore(%arg24 : memref<!tpu.dma_semaphore, #tpu.memory_space<semaphore_mem>>)
    %dma_start3A_53 = arith.constant 2 : i32
    %dma_start3A_54 = arith.constant 0 : i32
    %dma_start3A_55 = tpu.memref_slice %arg7[%dma_start3A_53, %dma_start3A_54] : memref<125x80xi32, #tpu.memory_space<vmem>> -> memref<1x80xi32, #tpu.memory_space<vmem>>
    %dma_start3A_56 = tpu.memref_squeeze %dma_start3A_55 : memref<1x80xi32, #tpu.memory_space<vmem>> -> memref<80xi32, #tpu.memory_space<vmem>>
    %dma_start3A_57 = arith.constant 0 : i32
    %dma_start3A_58 = arith.constant 0 : i32
    %dma_start3A_59 = tpu.memref_slice %arg2[%dma_start3A_57, %dma_start3A_58] : memref<10000x128xf32, #tpu.memory_space<hbm>> -> memref<10000x128xf32, #tpu.memory_space<hbm>>
    tpu.enqueue_indirect_dma source(%dma_start3A_59 : memref<10000x128xf32, #tpu.memory_space<hbm>>) target(%arg11 : memref<80x128xf32, #tpu.memory_space<vmem>>) offsets(%dma_start3A_56 : memref<80xi32, #tpu.memory_space<vmem>>) semaphore(%arg17 : memref<!tpu.dma_semaphore, #tpu.memory_space<semaphore_mem>>)
    %dma_start3A_60 = arith.constant 2 : i32
    %dma_start3A_61 = arith.constant 0 : i32
    %dma_start3A_62 = tpu.memref_slice %arg8[%dma_start3A_60, %dma_start3A_61] : memref<125x80xi32, #tpu.memory_space<vmem>> -> memref<1x80xi32, #tpu.memory_space<vmem>>
    %dma_start3A_63 = tpu.memref_squeeze %dma_start3A_62 : memref<1x80xi32, #tpu.memory_space<vmem>> -> memref<80xi32, #tpu.memory_space<vmem>>
    %dma_start3A_64 = arith.constant 0 : i32
    %dma_start3A_65 = arith.constant 0 : i32
    %dma_start3A_66 = tpu.memref_slice %arg2[%dma_start3A_64, %dma_start3A_65] : memref<10000x128xf32, #tpu.memory_space<hbm>> -> memref<10000x128xf32, #tpu.memory_space<hbm>>
    tpu.enqueue_indirect_dma source(%dma_start3A_66 : memref<10000x128xf32, #tpu.memory_space<hbm>>) target(%arg14 : memref<80x128xf32, #tpu.memory_space<vmem>>) offsets(%dma_start3A_63 : memref<80xi32, #tpu.memory_space<vmem>>) semaphore(%arg20 : memref<!tpu.dma_semaphore, #tpu.memory_space<semaphore_mem>>)
    %dma_wait3A_67 = arith.constant 1 : i32
    %dma_wait3A_68 = arith.constant 0 : i32
    %dma_wait3A_69 = tpu.memref_slice %arg7[%dma_wait3A_67, %dma_wait3A_68] : memref<125x80xi32, #tpu.memory_space<vmem>> -> memref<1x80xi32, #tpu.memory_space<vmem>>
    %dma_wait3A_70 = tpu.memref_squeeze %dma_wait3A_69 : memref<1x80xi32, #tpu.memory_space<vmem>> -> memref<80xi32, #tpu.memory_space<vmem>>
    %dma_wait3A_71 = arith.constant 0 : i32
    %dma_wait3A_72 = arith.constant 0 : i32
    %dma_wait3A_73 = tpu.memref_slice %arg2[%dma_wait3A_71, %dma_wait3A_72] : memref<10000x128xf32, #tpu.memory_space<hbm>> -> memref<10000x128xf32, #tpu.memory_space<hbm>>
    tpu.wait_indirect_dma semaphore(%arg16 : memref<!tpu.dma_semaphore, #tpu.memory_space<semaphore_mem>>) src(%dma_wait3A_73 : memref<10000x128xf32, #tpu.memory_space<hbm>>) dst(%arg10 : memref<80x128xf32, #tpu.memory_space<vmem>>)
    %dma_wait3A_74 = arith.constant 1 : i32
    %dma_wait3A_75 = arith.constant 0 : i32
    %dma_wait3A_76 = tpu.memref_slice %arg8[%dma_wait3A_74, %dma_wait3A_75] : memref<125x80xi32, #tpu.memory_space<vmem>> -> memref<1x80xi32, #tpu.memory_space<vmem>>
    %dma_wait3A_77 = tpu.memref_squeeze %dma_wait3A_76 : memref<1x80xi32, #tpu.memory_space<vmem>> -> memref<80xi32, #tpu.memory_space<vmem>>
    %dma_wait3A_78 = arith.constant 0 : i32
    %dma_wait3A_79 = arith.constant 0 : i32
    %dma_wait3A_80 = tpu.memref_slice %arg2[%dma_wait3A_78, %dma_wait3A_79] : memref<10000x128xf32, #tpu.memory_space<hbm>> -> memref<10000x128xf32, #tpu.memory_space<hbm>>
    tpu.wait_indirect_dma semaphore(%arg19 : memref<!tpu.dma_semaphore, #tpu.memory_space<semaphore_mem>>) src(%dma_wait3A_80 : memref<10000x128xf32, #tpu.memory_space<hbm>>) dst(%arg13 : memref<80x128xf32, #tpu.memory_space<vmem>>)
    %mul3A_81 = arith.constant 10000 : i32
    %mul3A_82 = arith.muli %add3A, %mul3A_81 : i32
    %add3A_83 = arith.constant 80 : i32
    %add3A_84 = arith.addi %mul3A_82, %add3A_83 : i32
    %dma_start3A_85 = arith.constant 0 : i32
    %dma_start3A_86 = tpu.memref_slice %arg5[%add3A_84, %dma_start3A_85] : memref<320000x128xf32, #tpu.memory_space<hbm>> -> memref<80x128xf32, #tpu.memory_space<hbm>>
    %dma_start3A_87 = arith.constant 0 : i32
    %dma_start3A_88 = tpu.memref_slice %arg5[%add3A_84, %dma_start3A_87] : memref<320000x128xf32, #tpu.memory_space<hbm>> -> memref<80x128xf32, #tpu.memory_space<hbm>>
    tpu.enqueue_dma source(%arg10 : memref<80x128xf32, #tpu.memory_space<vmem>>) target(%dma_start3A_88 : memref<80x128xf32, #tpu.memory_space<hbm>>) target_semaphore(%arg22 : memref<!tpu.dma_semaphore, #tpu.memory_space<semaphore_mem>>)
    %dma_start3A_89 = arith.constant 0 : i32
    %dma_start3A_90 = tpu.memref_slice %arg6[%add3A_84, %dma_start3A_89] : memref<320000x128xf32, #tpu.memory_space<hbm>> -> memref<80x128xf32, #tpu.memory_space<hbm>>
    %dma_start3A_91 = arith.constant 0 : i32
    %dma_start3A_92 = tpu.memref_slice %arg6[%add3A_84, %dma_start3A_91] : memref<320000x128xf32, #tpu.memory_space<hbm>> -> memref<80x128xf32, #tpu.memory_space<hbm>>
    tpu.enqueue_dma source(%arg13 : memref<80x128xf32, #tpu.memory_space<vmem>>) target(%dma_start3A_92 : memref<80x128xf32, #tpu.memory_space<hbm>>) target_semaphore(%arg25 : memref<!tpu.dma_semaphore, #tpu.memory_space<semaphore_mem>>)
    %mul3A_93 = arith.constant 10000 : i32
    %mul3A_94 = arith.muli %add3A, %mul3A_93 : i32
    %add3A_95 = arith.constant 0 : i32
    %add3A_96 = arith.addi %mul3A_94, %add3A_95 : i32
    %dma_wait3A_97 = arith.constant 0 : i32
    %dma_wait3A_98 = tpu.memref_slice %arg5[%add3A_96, %dma_wait3A_97] : memref<320000x128xf32, #tpu.memory_space<hbm>> -> memref<80x128xf32, #tpu.memory_space<hbm>>
    %dma_wait3A_99 = arith.constant 0 : i32
    %dma_wait3A_100 = tpu.memref_slice %arg5[%add3A_96, %dma_wait3A_99] : memref<320000x128xf32, #tpu.memory_space<hbm>> -> memref<80x128xf32, #tpu.memory_space<hbm>>
    tpu.wait_dma2 semaphore(%arg21 : memref<!tpu.dma_semaphore, #tpu.memory_space<semaphore_mem>>) src(%arg9 : memref<80x128xf32, #tpu.memory_space<vmem>>) dst(%dma_wait3A_100 : memref<80x128xf32, #tpu.memory_space<hbm>>)
    %dma_wait3A_101 = arith.constant 0 : i32
    %dma_wait3A_102 = tpu.memref_slice %arg6[%add3A_96, %dma_wait3A_101] : memref<320000x128xf32, #tpu.memory_space<hbm>> -> memref<80x128xf32, #tpu.memory_space<hbm>>
    %dma_wait3A_103 = arith.constant 0 : i32
    %dma_wait3A_104 = tpu.memref_slice %arg6[%add3A_96, %dma_wait3A_103] : memref<320000x128xf32, #tpu.memory_space<hbm>> -> memref<80x128xf32, #tpu.memory_space<hbm>>
    tpu.wait_dma2 semaphore(%arg24 : memref<!tpu.dma_semaphore, #tpu.memory_space<semaphore_mem>>) src(%arg12 : memref<80x128xf32, #tpu.memory_space<vmem>>) dst(%dma_wait3A_104 : memref<80x128xf32, #tpu.memory_space<hbm>>)
    %dma_start3A_105 = arith.constant 3 : i32
    %dma_start3A_106 = arith.constant 0 : i32
    %dma_start3A_107 = tpu.memref_slice %arg7[%dma_start3A_105, %dma_start3A_106] : memref<125x80xi32, #tpu.memory_space<vmem>> -> memref<1x80xi32, #tpu.memory_space<vmem>>
    %dma_start3A_108 = tpu.memref_squeeze %dma_start3A_107 : memref<1x80xi32, #tpu.memory_space<vmem>> -> memref<80xi32, #tpu.memory_space<vmem>>
    %dma_start3A_109 = arith.constant 0 : i32
    %dma_start3A_110 = arith.constant 0 : i32
    %dma_start3A_111 = tpu.memref_slice %arg2[%dma_start3A_109, %dma_start3A_110] : memref<10000x128xf32, #tpu.memory_space<hbm>> -> memref<10000x128xf32, #tpu.memory_space<hbm>>
    tpu.enqueue_indirect_dma source(%dma_start3A_111 : memref<10000x128xf32, #tpu.memory_space<hbm>>) target(%arg9 : memref<80x128xf32, #tpu.memory_space<vmem>>) offsets(%dma_start3A_108 : memref<80xi32, #tpu.memory_space<vmem>>) semaphore(%arg15 : memref<!tpu.dma_semaphore, #tpu.memory_space<semaphore_mem>>)
    %dma_start3A_112 = arith.constant 3 : i32
    %dma_start3A_113 = arith.constant 0 : i32
    %dma_start3A_114 = tpu.memref_slice %arg8[%dma_start3A_112, %dma_start3A_113] : memref<125x80xi32, #tpu.memory_space<vmem>> -> memref<1x80xi32, #tpu.memory_space<vmem>>
    %dma_start3A_115 = tpu.memref_squeeze %dma_start3A_114 : memref<1x80xi32, #tpu.memory_space<vmem>> -> memref<80xi32, #tpu.memory_space<vmem>>
    %dma_start3A_116 = arith.constant 0 : i32
    %dma_start3A_117 = arith.constant 0 : i32
    %dma_start3A_118 = tpu.memref_slice %arg2[%dma_start3A_116, %dma_start3A_117] : memref<10000x128xf32, #tpu.memory_space<hbm>> -> memref<10000x128xf32, #tpu.memory_space<hbm>>
    tpu.enqueue_indirect_dma source(%dma_start3A_118 : memref<10000x128xf32, #tpu.memory_space<hbm>>) target(%arg12 : memref<80x128xf32, #tpu.memory_space<vmem>>) offsets(%dma_start3A_115 : memref<80xi32, #tpu.memory_space<vmem>>) semaphore(%arg18 : memref<!tpu.dma_semaphore, #tpu.memory_space<semaphore_mem>>)
    %scan3A = arith.constant 0 : i32
    %scan3A_119 = arith.constant 0 : i32
    %scan3A_120 = arith.constant 41 : i32
    %scan3A_121 = arith.addi %scan3A_119, %scan3A_120 : i32
    %scan3A_122 = arith.constant 1 : i32
    scf.for %scan3A_160 = %scan3A_119 to %scan3A_121 step %scan3A_122  : i32 {
      %mul3A_161 = arith.constant 3 : i32
      %mul3A_162 = arith.muli %mul3A_161, %scan3A_160 : i32
      %add3A_163 = arith.constant 2 : i32
      %add3A_164 = arith.addi %mul3A_162, %add3A_163 : i32
      %add3A_165 = arith.constant 0 : i32
      %add3A_166 = arith.addi %add3A_164, %add3A_165 : i32
      %dma_wait3A_167 = arith.constant 0 : i32
      %dma_wait3A_168 = tpu.memref_slice %arg7[%add3A_166, %dma_wait3A_167] : memref<125x80xi32, #tpu.memory_space<vmem>> -> memref<1x80xi32, #tpu.memory_space<vmem>>
      %dma_wait3A_169 = tpu.memref_squeeze %dma_wait3A_168 : memref<1x80xi32, #tpu.memory_space<vmem>> -> memref<80xi32, #tpu.memory_space<vmem>>
      %dma_wait3A_170 = arith.constant 0 : i32
      %dma_wait3A_171 = arith.constant 0 : i32
      %dma_wait3A_172 = tpu.memref_slice %arg2[%dma_wait3A_170, %dma_wait3A_171] : memref<10000x128xf32, #tpu.memory_space<hbm>> -> memref<10000x128xf32, #tpu.memory_space<hbm>>
      tpu.wait_indirect_dma semaphore(%arg17 : memref<!tpu.dma_semaphore, #tpu.memory_space<semaphore_mem>>) src(%dma_wait3A_172 : memref<10000x128xf32, #tpu.memory_space<hbm>>) dst(%arg11 : memref<80x128xf32, #tpu.memory_space<vmem>>)
      %dma_wait3A_173 = arith.constant 0 : i32
      %dma_wait3A_174 = tpu.memref_slice %arg8[%add3A_166, %dma_wait3A_173] : memref<125x80xi32, #tpu.memory_space<vmem>> -> memref<1x80xi32, #tpu.memory_space<vmem>>
      %dma_wait3A_175 = tpu.memref_squeeze %dma_wait3A_174 : memref<1x80xi32, #tpu.memory_space<vmem>> -> memref<80xi32, #tpu.memory_space<vmem>>
      %dma_wait3A_176 = arith.constant 0 : i32
      %dma_wait3A_177 = arith.constant 0 : i32
      %dma_wait3A_178 = tpu.memref_slice %arg2[%dma_wait3A_176, %dma_wait3A_177] : memref<10000x128xf32, #tpu.memory_space<hbm>> -> memref<10000x128xf32, #tpu.memory_space<hbm>>
      tpu.wait_indirect_dma semaphore(%arg20 : memref<!tpu.dma_semaphore, #tpu.memory_space<semaphore_mem>>) src(%dma_wait3A_178 : memref<10000x128xf32, #tpu.memory_space<hbm>>) dst(%arg14 : memref<80x128xf32, #tpu.memory_space<vmem>>)
      %mul3A_179 = arith.constant 10000 : i32
      %mul3A_180 = arith.muli %add3A, %mul3A_179 : i32
      %mul3A_181 = arith.constant 80 : i32
      %mul3A_182 = arith.muli %add3A_166, %mul3A_181 : i32
      %add3A_183 = arith.addi %mul3A_180, %mul3A_182 : i32
      %dma_start3A_184 = arith.constant 0 : i32
      %dma_start3A_185 = tpu.memref_slice %arg5[%add3A_183, %dma_start3A_184] : memref<320000x128xf32, #tpu.memory_space<hbm>> -> memref<80x128xf32, #tpu.memory_space<hbm>>
      %dma_start3A_186 = arith.constant 0 : i32
      %dma_start3A_187 = tpu.memref_slice %arg5[%add3A_183, %dma_start3A_186] : memref<320000x128xf32, #tpu.memory_space<hbm>> -> memref<80x128xf32, #tpu.memory_space<hbm>>
      tpu.enqueue_dma source(%arg11 : memref<80x128xf32, #tpu.memory_space<vmem>>) target(%dma_start3A_187 : memref<80x128xf32, #tpu.memory_space<hbm>>) target_semaphore(%arg23 : memref<!tpu.dma_semaphore, #tpu.memory_space<semaphore_mem>>)
      %dma_start3A_188 = arith.constant 0 : i32
      %dma_start3A_189 = tpu.memref_slice %arg6[%add3A_183, %dma_start3A_188] : memref<320000x128xf32, #tpu.memory_space<hbm>> -> memref<80x128xf32, #tpu.memory_space<hbm>>
      %dma_start3A_190 = arith.constant 0 : i32
      %dma_start3A_191 = tpu.memref_slice %arg6[%add3A_183, %dma_start3A_190] : memref<320000x128xf32, #tpu.memory_space<hbm>> -> memref<80x128xf32, #tpu.memory_space<hbm>>
      tpu.enqueue_dma source(%arg14 : memref<80x128xf32, #tpu.memory_space<vmem>>) target(%dma_start3A_191 : memref<80x128xf32, #tpu.memory_space<hbm>>) target_semaphore(%arg26 : memref<!tpu.dma_semaphore, #tpu.memory_space<semaphore_mem>>)
      %add3A_192 = arith.constant 2 : i32
      %add3A_193 = arith.addi %add3A_166, %add3A_192 : i32
      %lt3A = arith.constant 125 : i32
      %lt3A_194 = arith.cmpi slt, %add3A_193, %lt3A : i32
      %convert_element_type3A = arith.extui %lt3A_194 : i1 to i32
      %cond3A = arith.constant 0 : i32
      %cond3A_195 = arith.cmpi ne, %convert_element_type3A, %cond3A : i32
      scf.if %cond3A_195 {
        %sub3A = arith.constant 1 : i32
        %sub3A_272 = arith.subi %add3A_166, %sub3A : i32
        %mul3A_273 = arith.constant 10000 : i32
        %mul3A_274 = arith.muli %add3A, %mul3A_273 : i32
        %mul3A_275 = arith.constant 80 : i32
        %mul3A_276 = arith.muli %sub3A_272, %mul3A_275 : i32
        %add3A_277 = arith.addi %mul3A_274, %mul3A_276 : i32
        %dma_wait3A_278 = arith.constant 0 : i32
        %dma_wait3A_279 = tpu.memref_slice %arg5[%add3A_277, %dma_wait3A_278] : memref<320000x128xf32, #tpu.memory_space<hbm>> -> memref<80x128xf32, #tpu.memory_space<hbm>>
        %dma_wait3A_280 = arith.constant 0 : i32
        %dma_wait3A_281 = tpu.memref_slice %arg5[%add3A_277, %dma_wait3A_280] : memref<320000x128xf32, #tpu.memory_space<hbm>> -> memref<80x128xf32, #tpu.memory_space<hbm>>
        tpu.wait_dma2 semaphore(%arg22 : memref<!tpu.dma_semaphore, #tpu.memory_space<semaphore_mem>>) src(%arg10 : memref<80x128xf32, #tpu.memory_space<vmem>>) dst(%dma_wait3A_281 : memref<80x128xf32, #tpu.memory_space<hbm>>)
        %dma_wait3A_282 = arith.constant 0 : i32
        %dma_wait3A_283 = tpu.memref_slice %arg6[%add3A_277, %dma_wait3A_282] : memref<320000x128xf32, #tpu.memory_space<hbm>> -> memref<80x128xf32, #tpu.memory_space<hbm>>
        %dma_wait3A_284 = arith.constant 0 : i32
        %dma_wait3A_285 = tpu.memref_slice %arg6[%add3A_277, %dma_wait3A_284] : memref<320000x128xf32, #tpu.memory_space<hbm>> -> memref<80x128xf32, #tpu.memory_space<hbm>>
        tpu.wait_dma2 semaphore(%arg25 : memref<!tpu.dma_semaphore, #tpu.memory_space<semaphore_mem>>) src(%arg13 : memref<80x128xf32, #tpu.memory_space<vmem>>) dst(%dma_wait3A_285 : memref<80x128xf32, #tpu.memory_space<hbm>>)
        %add3A_286 = arith.constant 2 : i32
        %add3A_287 = arith.addi %add3A_166, %add3A_286 : i32
        %dma_start3A_288 = arith.constant 0 : i32
        %dma_start3A_289 = tpu.memref_slice %arg7[%add3A_287, %dma_start3A_288] : memref<125x80xi32, #tpu.memory_space<vmem>> -> memref<1x80xi32, #tpu.memory_space<vmem>>
        %dma_start3A_290 = tpu.memref_squeeze %dma_start3A_289 : memref<1x80xi32, #tpu.memory_space<vmem>> -> memref<80xi32, #tpu.memory_space<vmem>>
        %dma_start3A_291 = arith.constant 0 : i32
        %dma_start3A_292 = arith.constant 0 : i32
        %dma_start3A_293 = tpu.memref_slice %arg2[%dma_start3A_291, %dma_start3A_292] : memref<10000x128xf32, #tpu.memory_space<hbm>> -> memref<10000x128xf32, #tpu.memory_space<hbm>>
        tpu.enqueue_indirect_dma source(%dma_start3A_293 : memref<10000x128xf32, #tpu.memory_space<hbm>>) target(%arg10 : memref<80x128xf32, #tpu.memory_space<vmem>>) offsets(%dma_start3A_290 : memref<80xi32, #tpu.memory_space<vmem>>) semaphore(%arg16 : memref<!tpu.dma_semaphore, #tpu.memory_space<semaphore_mem>>)
        %dma_start3A_294 = arith.constant 0 : i32
        %dma_start3A_295 = tpu.memref_slice %arg8[%add3A_287, %dma_start3A_294] : memref<125x80xi32, #tpu.memory_space<vmem>> -> memref<1x80xi32, #tpu.memory_space<vmem>>
        %dma_start3A_296 = tpu.memref_squeeze %dma_start3A_295 : memref<1x80xi32, #tpu.memory_space<vmem>> -> memref<80xi32, #tpu.memory_space<vmem>>
        %dma_start3A_297 = arith.constant 0 : i32
        %dma_start3A_298 = arith.constant 0 : i32
        %dma_start3A_299 = tpu.memref_slice %arg2[%dma_start3A_297, %dma_start3A_298] : memref<10000x128xf32, #tpu.memory_space<hbm>> -> memref<10000x128xf32, #tpu.memory_space<hbm>>
        tpu.enqueue_indirect_dma source(%dma_start3A_299 : memref<10000x128xf32, #tpu.memory_space<hbm>>) target(%arg13 : memref<80x128xf32, #tpu.memory_space<vmem>>) offsets(%dma_start3A_296 : memref<80xi32, #tpu.memory_space<vmem>>) semaphore(%arg19 : memref<!tpu.dma_semaphore, #tpu.memory_space<semaphore_mem>>)
      } else {
      }
      %mul3A_196 = arith.constant 3 : i32
      %mul3A_197 = arith.muli %mul3A_196, %scan3A_160 : i32
      %add3A_198 = arith.constant 2 : i32
      %add3A_199 = arith.addi %mul3A_197, %add3A_198 : i32
      %add3A_200 = arith.constant 1 : i32
      %add3A_201 = arith.addi %add3A_199, %add3A_200 : i32
      %dma_wait3A_202 = arith.constant 0 : i32
      %dma_wait3A_203 = tpu.memref_slice %arg7[%add3A_201, %dma_wait3A_202] : memref<125x80xi32, #tpu.memory_space<vmem>> -> memref<1x80xi32, #tpu.memory_space<vmem>>
      %dma_wait3A_204 = tpu.memref_squeeze %dma_wait3A_203 : memref<1x80xi32, #tpu.memory_space<vmem>> -> memref<80xi32, #tpu.memory_space<vmem>>
      %dma_wait3A_205 = arith.constant 0 : i32
      %dma_wait3A_206 = arith.constant 0 : i32
      %dma_wait3A_207 = tpu.memref_slice %arg2[%dma_wait3A_205, %dma_wait3A_206] : memref<10000x128xf32, #tpu.memory_space<hbm>> -> memref<10000x128xf32, #tpu.memory_space<hbm>>
      tpu.wait_indirect_dma semaphore(%arg15 : memref<!tpu.dma_semaphore, #tpu.memory_space<semaphore_mem>>) src(%dma_wait3A_207 : memref<10000x128xf32, #tpu.memory_space<hbm>>) dst(%arg9 : memref<80x128xf32, #tpu.memory_space<vmem>>)
      %dma_wait3A_208 = arith.constant 0 : i32
      %dma_wait3A_209 = tpu.memref_slice %arg8[%add3A_201, %dma_wait3A_208] : memref<125x80xi32, #tpu.memory_space<vmem>> -> memref<1x80xi32, #tpu.memory_space<vmem>>
      %dma_wait3A_210 = tpu.memref_squeeze %dma_wait3A_209 : memref<1x80xi32, #tpu.memory_space<vmem>> -> memref<80xi32, #tpu.memory_space<vmem>>
      %dma_wait3A_211 = arith.constant 0 : i32
      %dma_wait3A_212 = arith.constant 0 : i32
      %dma_wait3A_213 = tpu.memref_slice %arg2[%dma_wait3A_211, %dma_wait3A_212] : memref<10000x128xf32, #tpu.memory_space<hbm>> -> memref<10000x128xf32, #tpu.memory_space<hbm>>
      tpu.wait_indirect_dma semaphore(%arg18 : memref<!tpu.dma_semaphore, #tpu.memory_space<semaphore_mem>>) src(%dma_wait3A_213 : memref<10000x128xf32, #tpu.memory_space<hbm>>) dst(%arg12 : memref<80x128xf32, #tpu.memory_space<vmem>>)
      %mul3A_214 = arith.constant 10000 : i32
      %mul3A_215 = arith.muli %add3A, %mul3A_214 : i32
      %mul3A_216 = arith.constant 80 : i32
      %mul3A_217 = arith.muli %add3A_201, %mul3A_216 : i32
      %add3A_218 = arith.addi %mul3A_215, %mul3A_217 : i32
      %dma_start3A_219 = arith.constant 0 : i32
      %dma_start3A_220 = tpu.memref_slice %arg5[%add3A_218, %dma_start3A_219] : memref<320000x128xf32, #tpu.memory_space<hbm>> -> memref<80x128xf32, #tpu.memory_space<hbm>>
      %dma_start3A_221 = arith.constant 0 : i32
      %dma_start3A_222 = tpu.memref_slice %arg5[%add3A_218, %dma_start3A_221] : memref<320000x128xf32, #tpu.memory_space<hbm>> -> memref<80x128xf32, #tpu.memory_space<hbm>>
      tpu.enqueue_dma source(%arg9 : memref<80x128xf32, #tpu.memory_space<vmem>>) target(%dma_start3A_222 : memref<80x128xf32, #tpu.memory_space<hbm>>) target_semaphore(%arg21 : memref<!tpu.dma_semaphore, #tpu.memory_space<semaphore_mem>>)
      %dma_start3A_223 = arith.constant 0 : i32
      %dma_start3A_224 = tpu.memref_slice %arg6[%add3A_218, %dma_start3A_223] : memref<320000x128xf32, #tpu.memory_space<hbm>> -> memref<80x128xf32, #tpu.memory_space<hbm>>
      %dma_start3A_225 = arith.constant 0 : i32
      %dma_start3A_226 = tpu.memref_slice %arg6[%add3A_218, %dma_start3A_225] : memref<320000x128xf32, #tpu.memory_space<hbm>> -> memref<80x128xf32, #tpu.memory_space<hbm>>
      tpu.enqueue_dma source(%arg12 : memref<80x128xf32, #tpu.memory_space<vmem>>) target(%dma_start3A_226 : memref<80x128xf32, #tpu.memory_space<hbm>>) target_semaphore(%arg24 : memref<!tpu.dma_semaphore, #tpu.memory_space<semaphore_mem>>)
      %add3A_227 = arith.constant 2 : i32
      %add3A_228 = arith.addi %add3A_201, %add3A_227 : i32
      %lt3A_229 = arith.constant 125 : i32
      %lt3A_230 = arith.cmpi slt, %add3A_228, %lt3A_229 : i32
      %convert_element_type3A_231 = arith.extui %lt3A_230 : i1 to i32
      %cond3A_232 = arith.constant 0 : i32
      %cond3A_233 = arith.cmpi ne, %convert_element_type3A_231, %cond3A_232 : i32
      scf.if %cond3A_233 {
        %sub3A = arith.constant 1 : i32
        %sub3A_272 = arith.subi %add3A_201, %sub3A : i32
        %mul3A_273 = arith.constant 10000 : i32
        %mul3A_274 = arith.muli %add3A, %mul3A_273 : i32
        %mul3A_275 = arith.constant 80 : i32
        %mul3A_276 = arith.muli %sub3A_272, %mul3A_275 : i32
        %add3A_277 = arith.addi %mul3A_274, %mul3A_276 : i32
        %dma_wait3A_278 = arith.constant 0 : i32
        %dma_wait3A_279 = tpu.memref_slice %arg5[%add3A_277, %dma_wait3A_278] : memref<320000x128xf32, #tpu.memory_space<hbm>> -> memref<80x128xf32, #tpu.memory_space<hbm>>
        %dma_wait3A_280 = arith.constant 0 : i32
        %dma_wait3A_281 = tpu.memref_slice %arg5[%add3A_277, %dma_wait3A_280] : memref<320000x128xf32, #tpu.memory_space<hbm>> -> memref<80x128xf32, #tpu.memory_space<hbm>>
        tpu.wait_dma2 semaphore(%arg23 : memref<!tpu.dma_semaphore, #tpu.memory_space<semaphore_mem>>) src(%arg11 : memref<80x128xf32, #tpu.memory_space<vmem>>) dst(%dma_wait3A_281 : memref<80x128xf32, #tpu.memory_space<hbm>>)
        %dma_wait3A_282 = arith.constant 0 : i32
        %dma_wait3A_283 = tpu.memref_slice %arg6[%add3A_277, %dma_wait3A_282] : memref<320000x128xf32, #tpu.memory_space<hbm>> -> memref<80x128xf32, #tpu.memory_space<hbm>>
        %dma_wait3A_284 = arith.constant 0 : i32
        %dma_wait3A_285 = tpu.memref_slice %arg6[%add3A_277, %dma_wait3A_284] : memref<320000x128xf32, #tpu.memory_space<hbm>> -> memref<80x128xf32, #tpu.memory_space<hbm>>
        tpu.wait_dma2 semaphore(%arg26 : memref<!tpu.dma_semaphore, #tpu.memory_space<semaphore_mem>>) src(%arg14 : memref<80x128xf32, #tpu.memory_space<vmem>>) dst(%dma_wait3A_285 : memref<80x128xf32, #tpu.memory_space<hbm>>)
        %add3A_286 = arith.constant 2 : i32
        %add3A_287 = arith.addi %add3A_201, %add3A_286 : i32
        %dma_start3A_288 = arith.constant 0 : i32
        %dma_start3A_289 = tpu.memref_slice %arg7[%add3A_287, %dma_start3A_288] : memref<125x80xi32, #tpu.memory_space<vmem>> -> memref<1x80xi32, #tpu.memory_space<vmem>>
        %dma_start3A_290 = tpu.memref_squeeze %dma_start3A_289 : memref<1x80xi32, #tpu.memory_space<vmem>> -> memref<80xi32, #tpu.memory_space<vmem>>
        %dma_start3A_291 = arith.constant 0 : i32
        %dma_start3A_292 = arith.constant 0 : i32
        %dma_start3A_293 = tpu.memref_slice %arg2[%dma_start3A_291, %dma_start3A_292] : memref<10000x128xf32, #tpu.memory_space<hbm>> -> memref<10000x128xf32, #tpu.memory_space<hbm>>
        tpu.enqueue_indirect_dma source(%dma_start3A_293 : memref<10000x128xf32, #tpu.memory_space<hbm>>) target(%arg11 : memref<80x128xf32, #tpu.memory_space<vmem>>) offsets(%dma_start3A_290 : memref<80xi32, #tpu.memory_space<vmem>>) semaphore(%arg17 : memref<!tpu.dma_semaphore, #tpu.memory_space<semaphore_mem>>)
        %dma_start3A_294 = arith.constant 0 : i32
        %dma_start3A_295 = tpu.memref_slice %arg8[%add3A_287, %dma_start3A_294] : memref<125x80xi32, #tpu.memory_space<vmem>> -> memref<1x80xi32, #tpu.memory_space<vmem>>
        %dma_start3A_296 = tpu.memref_squeeze %dma_start3A_295 : memref<1x80xi32, #tpu.memory_space<vmem>> -> memref<80xi32, #tpu.memory_space<vmem>>
        %dma_start3A_297 = arith.constant 0 : i32
        %dma_start3A_298 = arith.constant 0 : i32
        %dma_start3A_299 = tpu.memref_slice %arg2[%dma_start3A_297, %dma_start3A_298] : memref<10000x128xf32, #tpu.memory_space<hbm>> -> memref<10000x128xf32, #tpu.memory_space<hbm>>
        tpu.enqueue_indirect_dma source(%dma_start3A_299 : memref<10000x128xf32, #tpu.memory_space<hbm>>) target(%arg14 : memref<80x128xf32, #tpu.memory_space<vmem>>) offsets(%dma_start3A_296 : memref<80xi32, #tpu.memory_space<vmem>>) semaphore(%arg20 : memref<!tpu.dma_semaphore, #tpu.memory_space<semaphore_mem>>)
      } else {
      }
      %mul3A_234 = arith.constant 3 : i32
      %mul3A_235 = arith.muli %mul3A_234, %scan3A_160 : i32
      %add3A_236 = arith.constant 2 : i32
      %add3A_237 = arith.addi %mul3A_235, %add3A_236 : i32
      %add3A_238 = arith.constant 2 : i32
      %add3A_239 = arith.addi %add3A_237, %add3A_238 : i32
      %dma_wait3A_240 = arith.constant 0 : i32
      %dma_wait3A_241 = tpu.memref_slice %arg7[%add3A_239, %dma_wait3A_240] : memref<125x80xi32, #tpu.memory_space<vmem>> -> memref<1x80xi32, #tpu.memory_space<vmem>>
      %dma_wait3A_242 = tpu.memref_squeeze %dma_wait3A_241 : memref<1x80xi32, #tpu.memory_space<vmem>> -> memref<80xi32, #tpu.memory_space<vmem>>
      %dma_wait3A_243 = arith.constant 0 : i32
      %dma_wait3A_244 = arith.constant 0 : i32
      %dma_wait3A_245 = tpu.memref_slice %arg2[%dma_wait3A_243, %dma_wait3A_244] : memref<10000x128xf32, #tpu.memory_space<hbm>> -> memref<10000x128xf32, #tpu.memory_space<hbm>>
      tpu.wait_indirect_dma semaphore(%arg16 : memref<!tpu.dma_semaphore, #tpu.memory_space<semaphore_mem>>) src(%dma_wait3A_245 : memref<10000x128xf32, #tpu.memory_space<hbm>>) dst(%arg10 : memref<80x128xf32, #tpu.memory_space<vmem>>)
      %dma_wait3A_246 = arith.constant 0 : i32
      %dma_wait3A_247 = tpu.memref_slice %arg8[%add3A_239, %dma_wait3A_246] : memref<125x80xi32, #tpu.memory_space<vmem>> -> memref<1x80xi32, #tpu.memory_space<vmem>>
      %dma_wait3A_248 = tpu.memref_squeeze %dma_wait3A_247 : memref<1x80xi32, #tpu.memory_space<vmem>> -> memref<80xi32, #tpu.memory_space<vmem>>
      %dma_wait3A_249 = arith.constant 0 : i32
      %dma_wait3A_250 = arith.constant 0 : i32
      %dma_wait3A_251 = tpu.memref_slice %arg2[%dma_wait3A_249, %dma_wait3A_250] : memref<10000x128xf32, #tpu.memory_space<hbm>> -> memref<10000x128xf32, #tpu.memory_space<hbm>>
      tpu.wait_indirect_dma semaphore(%arg19 : memref<!tpu.dma_semaphore, #tpu.memory_space<semaphore_mem>>) src(%dma_wait3A_251 : memref<10000x128xf32, #tpu.memory_space<hbm>>) dst(%arg13 : memref<80x128xf32, #tpu.memory_space<vmem>>)
      %mul3A_252 = arith.constant 10000 : i32
      %mul3A_253 = arith.muli %add3A, %mul3A_252 : i32
      %mul3A_254 = arith.constant 80 : i32
      %mul3A_255 = arith.muli %add3A_239, %mul3A_254 : i32
      %add3A_256 = arith.addi %mul3A_253, %mul3A_255 : i32
      %dma_start3A_257 = arith.constant 0 : i32
      %dma_start3A_258 = tpu.memref_slice %arg5[%add3A_256, %dma_start3A_257] : memref<320000x128xf32, #tpu.memory_space<hbm>> -> memref<80x128xf32, #tpu.memory_space<hbm>>
      %dma_start3A_259 = arith.constant 0 : i32
      %dma_start3A_260 = tpu.memref_slice %arg5[%add3A_256, %dma_start3A_259] : memref<320000x128xf32, #tpu.memory_space<hbm>> -> memref<80x128xf32, #tpu.memory_space<hbm>>
      tpu.enqueue_dma source(%arg10 : memref<80x128xf32, #tpu.memory_space<vmem>>) target(%dma_start3A_260 : memref<80x128xf32, #tpu.memory_space<hbm>>) target_semaphore(%arg22 : memref<!tpu.dma_semaphore, #tpu.memory_space<semaphore_mem>>)
      %dma_start3A_261 = arith.constant 0 : i32
      %dma_start3A_262 = tpu.memref_slice %arg6[%add3A_256, %dma_start3A_261] : memref<320000x128xf32, #tpu.memory_space<hbm>> -> memref<80x128xf32, #tpu.memory_space<hbm>>
      %dma_start3A_263 = arith.constant 0 : i32
      %dma_start3A_264 = tpu.memref_slice %arg6[%add3A_256, %dma_start3A_263] : memref<320000x128xf32, #tpu.memory_space<hbm>> -> memref<80x128xf32, #tpu.memory_space<hbm>>
      tpu.enqueue_dma source(%arg13 : memref<80x128xf32, #tpu.memory_space<vmem>>) target(%dma_start3A_264 : memref<80x128xf32, #tpu.memory_space<hbm>>) target_semaphore(%arg25 : memref<!tpu.dma_semaphore, #tpu.memory_space<semaphore_mem>>)
      %add3A_265 = arith.constant 2 : i32
      %add3A_266 = arith.addi %add3A_239, %add3A_265 : i32
      %lt3A_267 = arith.constant 125 : i32
      %lt3A_268 = arith.cmpi slt, %add3A_266, %lt3A_267 : i32
      %convert_element_type3A_269 = arith.extui %lt3A_268 : i1 to i32
      %cond3A_270 = arith.constant 0 : i32
      %cond3A_271 = arith.cmpi ne, %convert_element_type3A_269, %cond3A_270 : i32
      scf.if %cond3A_271 {
        %sub3A = arith.constant 1 : i32
        %sub3A_272 = arith.subi %add3A_239, %sub3A : i32
        %mul3A_273 = arith.constant 10000 : i32
        %mul3A_274 = arith.muli %add3A, %mul3A_273 : i32
        %mul3A_275 = arith.constant 80 : i32
        %mul3A_276 = arith.muli %sub3A_272, %mul3A_275 : i32
        %add3A_277 = arith.addi %mul3A_274, %mul3A_276 : i32
        %dma_wait3A_278 = arith.constant 0 : i32
        %dma_wait3A_279 = tpu.memref_slice %arg5[%add3A_277, %dma_wait3A_278] : memref<320000x128xf32, #tpu.memory_space<hbm>> -> memref<80x128xf32, #tpu.memory_space<hbm>>
        %dma_wait3A_280 = arith.constant 0 : i32
        %dma_wait3A_281 = tpu.memref_slice %arg5[%add3A_277, %dma_wait3A_280] : memref<320000x128xf32, #tpu.memory_space<hbm>> -> memref<80x128xf32, #tpu.memory_space<hbm>>
        tpu.wait_dma2 semaphore(%arg21 : memref<!tpu.dma_semaphore, #tpu.memory_space<semaphore_mem>>) src(%arg9 : memref<80x128xf32, #tpu.memory_space<vmem>>) dst(%dma_wait3A_281 : memref<80x128xf32, #tpu.memory_space<hbm>>)
        %dma_wait3A_282 = arith.constant 0 : i32
        %dma_wait3A_283 = tpu.memref_slice %arg6[%add3A_277, %dma_wait3A_282] : memref<320000x128xf32, #tpu.memory_space<hbm>> -> memref<80x128xf32, #tpu.memory_space<hbm>>
        %dma_wait3A_284 = arith.constant 0 : i32
        %dma_wait3A_285 = tpu.memref_slice %arg6[%add3A_277, %dma_wait3A_284] : memref<320000x128xf32, #tpu.memory_space<hbm>> -> memref<80x128xf32, #tpu.memory_space<hbm>>
        tpu.wait_dma2 semaphore(%arg24 : memref<!tpu.dma_semaphore, #tpu.memory_space<semaphore_mem>>) src(%arg12 : memref<80x128xf32, #tpu.memory_space<vmem>>) dst(%dma_wait3A_285 : memref<80x128xf32, #tpu.memory_space<hbm>>)
        %add3A_286 = arith.constant 2 : i32
        %add3A_287 = arith.addi %add3A_239, %add3A_286 : i32
        %dma_start3A_288 = arith.constant 0 : i32
        %dma_start3A_289 = tpu.memref_slice %arg7[%add3A_287, %dma_start3A_288] : memref<125x80xi32, #tpu.memory_space<vmem>> -> memref<1x80xi32, #tpu.memory_space<vmem>>
        %dma_start3A_290 = tpu.memref_squeeze %dma_start3A_289 : memref<1x80xi32, #tpu.memory_space<vmem>> -> memref<80xi32, #tpu.memory_space<vmem>>
        %dma_start3A_291 = arith.constant 0 : i32
        %dma_start3A_292 = arith.constant 0 : i32
        %dma_start3A_293 = tpu.memref_slice %arg2[%dma_start3A_291, %dma_start3A_292] : memref<10000x128xf32, #tpu.memory_space<hbm>> -> memref<10000x128xf32, #tpu.memory_space<hbm>>
        tpu.enqueue_indirect_dma source(%dma_start3A_293 : memref<10000x128xf32, #tpu.memory_space<hbm>>) target(%arg9 : memref<80x128xf32, #tpu.memory_space<vmem>>) offsets(%dma_start3A_290 : memref<80xi32, #tpu.memory_space<vmem>>) semaphore(%arg15 : memref<!tpu.dma_semaphore, #tpu.memory_space<semaphore_mem>>)
        %dma_start3A_294 = arith.constant 0 : i32
        %dma_start3A_295 = tpu.memref_slice %arg8[%add3A_287, %dma_start3A_294] : memref<125x80xi32, #tpu.memory_space<vmem>> -> memref<1x80xi32, #tpu.memory_space<vmem>>
        %dma_start3A_296 = tpu.memref_squeeze %dma_start3A_295 : memref<1x80xi32, #tpu.memory_space<vmem>> -> memref<80xi32, #tpu.memory_space<vmem>>
        %dma_start3A_297 = arith.constant 0 : i32
        %dma_start3A_298 = arith.constant 0 : i32
        %dma_start3A_299 = tpu.memref_slice %arg2[%dma_start3A_297, %dma_start3A_298] : memref<10000x128xf32, #tpu.memory_space<hbm>> -> memref<10000x128xf32, #tpu.memory_space<hbm>>
        tpu.enqueue_indirect_dma source(%dma_start3A_299 : memref<10000x128xf32, #tpu.memory_space<hbm>>) target(%arg12 : memref<80x128xf32, #tpu.memory_space<vmem>>) offsets(%dma_start3A_296 : memref<80xi32, #tpu.memory_space<vmem>>) semaphore(%arg18 : memref<!tpu.dma_semaphore, #tpu.memory_space<semaphore_mem>>)
      } else {
      }
    }
    %scan3A_123 = arith.constant 41 : i32
    %mul3A_124 = arith.constant 10000 : i32
    %mul3A_125 = arith.muli %add3A, %mul3A_124 : i32
    %add3A_126 = arith.constant 9760 : i32
    %add3A_127 = arith.addi %mul3A_125, %add3A_126 : i32
    %dma_wait3A_128 = arith.constant 0 : i32
    %dma_wait3A_129 = tpu.memref_slice %arg5[%add3A_127, %dma_wait3A_128] : memref<320000x128xf32, #tpu.memory_space<hbm>> -> memref<80x128xf32, #tpu.memory_space<hbm>>
    %dma_wait3A_130 = arith.constant 0 : i32
    %dma_wait3A_131 = tpu.memref_slice %arg5[%add3A_127, %dma_wait3A_130] : memref<320000x128xf32, #tpu.memory_space<hbm>> -> memref<80x128xf32, #tpu.memory_space<hbm>>
    tpu.wait_dma2 semaphore(%arg23 : memref<!tpu.dma_semaphore, #tpu.memory_space<semaphore_mem>>) src(%arg11 : memref<80x128xf32, #tpu.memory_space<vmem>>) dst(%dma_wait3A_131 : memref<80x128xf32, #tpu.memory_space<hbm>>)
    %dma_wait3A_132 = arith.constant 0 : i32
    %dma_wait3A_133 = tpu.memref_slice %arg6[%add3A_127, %dma_wait3A_132] : memref<320000x128xf32, #tpu.memory_space<hbm>> -> memref<80x128xf32, #tpu.memory_space<hbm>>
    %dma_wait3A_134 = arith.constant 0 : i32
    %dma_wait3A_135 = tpu.memref_slice %arg6[%add3A_127, %dma_wait3A_134] : memref<320000x128xf32, #tpu.memory_space<hbm>> -> memref<80x128xf32, #tpu.memory_space<hbm>>
    tpu.wait_dma2 semaphore(%arg26 : memref<!tpu.dma_semaphore, #tpu.memory_space<semaphore_mem>>) src(%arg14 : memref<80x128xf32, #tpu.memory_space<vmem>>) dst(%dma_wait3A_135 : memref<80x128xf32, #tpu.memory_space<hbm>>)
    %mul3A_136 = arith.constant 10000 : i32
    %mul3A_137 = arith.muli %add3A, %mul3A_136 : i32
    %add3A_138 = arith.constant 9840 : i32
    %add3A_139 = arith.addi %mul3A_137, %add3A_138 : i32
    %dma_wait3A_140 = arith.constant 0 : i32
    %dma_wait3A_141 = tpu.memref_slice %arg5[%add3A_139, %dma_wait3A_140] : memref<320000x128xf32, #tpu.memory_space<hbm>> -> memref<80x128xf32, #tpu.memory_space<hbm>>
    %dma_wait3A_142 = arith.constant 0 : i32
    %dma_wait3A_143 = tpu.memref_slice %arg5[%add3A_139, %dma_wait3A_142] : memref<320000x128xf32, #tpu.memory_space<hbm>> -> memref<80x128xf32, #tpu.memory_space<hbm>>
    tpu.wait_dma2 semaphore(%arg21 : memref<!tpu.dma_semaphore, #tpu.memory_space<semaphore_mem>>) src(%arg9 : memref<80x128xf32, #tpu.memory_space<vmem>>) dst(%dma_wait3A_143 : memref<80x128xf32, #tpu.memory_space<hbm>>)
    %dma_wait3A_144 = arith.constant 0 : i32
    %dma_wait3A_145 = tpu.memref_slice %arg6[%add3A_139, %dma_wait3A_144] : memref<320000x128xf32, #tpu.memory_space<hbm>> -> memref<80x128xf32, #tpu.memory_space<hbm>>
    %dma_wait3A_146 = arith.constant 0 : i32
    %dma_wait3A_147 = tpu.memref_slice %arg6[%add3A_139, %dma_wait3A_146] : memref<320000x128xf32, #tpu.memory_space<hbm>> -> memref<80x128xf32, #tpu.memory_space<hbm>>
    tpu.wait_dma2 semaphore(%arg24 : memref<!tpu.dma_semaphore, #tpu.memory_space<semaphore_mem>>) src(%arg12 : memref<80x128xf32, #tpu.memory_space<vmem>>) dst(%dma_wait3A_147 : memref<80x128xf32, #tpu.memory_space<hbm>>)
    %mul3A_148 = arith.constant 10000 : i32
    %mul3A_149 = arith.muli %add3A, %mul3A_148 : i32
    %add3A_150 = arith.constant 9920 : i32
    %add3A_151 = arith.addi %mul3A_149, %add3A_150 : i32
    %dma_wait3A_152 = arith.constant 0 : i32
    %dma_wait3A_153 = tpu.memref_slice %arg5[%add3A_151, %dma_wait3A_152] : memref<320000x128xf32, #tpu.memory_space<hbm>> -> memref<80x128xf32, #tpu.memory_space<hbm>>
    %dma_wait3A_154 = arith.constant 0 : i32
    %dma_wait3A_155 = tpu.memref_slice %arg5[%add3A_151, %dma_wait3A_154] : memref<320000x128xf32, #tpu.memory_space<hbm>> -> memref<80x128xf32, #tpu.memory_space<hbm>>
    tpu.wait_dma2 semaphore(%arg22 : memref<!tpu.dma_semaphore, #tpu.memory_space<semaphore_mem>>) src(%arg10 : memref<80x128xf32, #tpu.memory_space<vmem>>) dst(%dma_wait3A_155 : memref<80x128xf32, #tpu.memory_space<hbm>>)
    %dma_wait3A_156 = arith.constant 0 : i32
    %dma_wait3A_157 = tpu.memref_slice %arg6[%add3A_151, %dma_wait3A_156] : memref<320000x128xf32, #tpu.memory_space<hbm>> -> memref<80x128xf32, #tpu.memory_space<hbm>>
    %dma_wait3A_158 = arith.constant 0 : i32
    %dma_wait3A_159 = tpu.memref_slice %arg6[%add3A_151, %dma_wait3A_158] : memref<320000x128xf32, #tpu.memory_space<hbm>> -> memref<80x128xf32, #tpu.memory_space<hbm>>
    tpu.wait_dma2 semaphore(%arg25 : memref<!tpu.dma_semaphore, #tpu.memory_space<semaphore_mem>>) src(%arg13 : memref<80x128xf32, #tpu.memory_space<vmem>>) dst(%dma_wait3A_159 : memref<80x128xf32, #tpu.memory_space<hbm>>)
    return
  }
}

#map = affine_map<(d0, d1) -> (0, 0)>
#map1 = affine_map<(d0, d1) -> (0, 0, 0)>
module attributes {stable_mosaic.version = 14 : i64} {
  func.func @k(%arg0: i32, %arg1: i32, %arg2: memref<10000x128xf32, #tpu.memory_space<hbm>>, %arg3: memref<32x125x80xi32, #tpu.memory_space<hbm>>, %arg4: memref<32x125x80xi32, #tpu.memory_space<hbm>>, %arg5: memref<320000x128xf32, #tpu.memory_space<hbm>>, %arg6: memref<320000x128xf32, #tpu.memory_space<hbm>>, %arg7: memref<125x80xi32, #tpu.memory_space<vmem>>, %arg8: memref<125x80xi32, #tpu.memory_space<vmem>>, %arg9: memref<80x128xf32, #tpu.memory_space<vmem>>, %arg10: memref<80x128xf32, #tpu.memory_space<vmem>>, %arg11: memref<80x128xf32, #tpu.memory_space<vmem>>, %arg12: memref<80x128xf32, #tpu.memory_space<vmem>>, %arg13: memref<80x128xf32, #tpu.memory_space<vmem>>, %arg14: memref<80x128xf32, #tpu.memory_space<vmem>>, %arg15: memref<!tpu.dma_semaphore, #tpu.memory_space<semaphore_mem>>, %arg16: memref<!tpu.dma_semaphore, #tpu.memory_space<semaphore_mem>>, %arg17: memref<!tpu.dma_semaphore, #tpu.memory_space<semaphore_mem>>, %arg18: memref<!tpu.dma_semaphore, #tpu.memory_space<semaphore_mem>>, %arg19: memref<!tpu.dma_semaphore, #tpu.memory_space<semaphore_mem>>, %arg20: memref<!tpu.dma_semaphore, #tpu.memory_space<semaphore_mem>>, %arg21: memref<!tpu.dma_semaphore, #tpu.memory_space<semaphore_mem>>, %arg22: memref<!tpu.dma_semaphore, #tpu.memory_space<semaphore_mem>>, %arg23: memref<!tpu.dma_semaphore, #tpu.memory_space<semaphore_mem>>, %arg24: memref<!tpu.dma_semaphore, #tpu.memory_space<semaphore_mem>>, %arg25: memref<!tpu.dma_semaphore, #tpu.memory_space<semaphore_mem>>, %arg26: memref<!tpu.dma_semaphore, #tpu.memory_space<semaphore_mem>>) attributes {dimension_semantics = [#tpu.dimension_semantics<core_parallel>, #tpu.dimension_semantics<subcore_parallel>], iteration_bounds = array<i64: 2, 16>, scalar_prefetch = 0 : i64, scratch_operands = 20 : i64, tpu.core_type = #tpu.core_type<sc_vector_subcore>, window_params = [{transform_indices = #map}, {transform_indices = #map1}, {transform_indices = #map1}, {transform_indices = #map}, {transform_indices = #map}]} {
    %mul3A = arith.constant 2 : i32
    %mul3A_0 = arith.muli %arg1, %mul3A : i32
    %add3A = arith.addi %mul3A_0, %arg0 : i32
    "tpu.region"() ({
      %run_scoped3A = tpu.sem_alloc : memref<!tpu.dma_semaphore, #tpu.memory_space<semaphore_mem>>
      %dma_start3A_160 = arith.constant 0 : i32
      %dma_start3A_161 = arith.constant 0 : i32
      %dma_start3A_162 = tpu.memref_slice %arg3[%add3A, %dma_start3A_160, %dma_start3A_161] : memref<32x125x80xi32, #tpu.memory_space<hbm>> -> memref<1x125x80xi32, #tpu.memory_space<hbm>>
      %dma_start3A_163 = tpu.memref_squeeze %dma_start3A_162 : memref<1x125x80xi32, #tpu.memory_space<hbm>> -> memref<125x80xi32, #tpu.memory_space<hbm>>
      %dma_start3A_164 = arith.constant 0 : i32
      %dma_start3A_165 = arith.constant 0 : i32
      %dma_start3A_166 = tpu.memref_slice %arg3[%add3A, %dma_start3A_164, %dma_start3A_165] : memref<32x125x80xi32, #tpu.memory_space<hbm>> -> memref<1x125x80xi32, #tpu.memory_space<hbm>>
      %dma_start3A_167 = tpu.memref_squeeze %dma_start3A_166 : memref<1x125x80xi32, #tpu.memory_space<hbm>> -> memref<125x80xi32, #tpu.memory_space<hbm>>
      tpu.enqueue_dma source(%dma_start3A_167 : memref<125x80xi32, #tpu.memory_space<hbm>>) target(%arg7 : memref<125x80xi32, #tpu.memory_space<vmem>>) target_semaphore(%run_scoped3A : memref<!tpu.dma_semaphore, #tpu.memory_space<semaphore_mem>>)
      %dma_wait3A_168 = arith.constant 0 : i32
      %dma_wait3A_169 = arith.constant 0 : i32
      %dma_wait3A_170 = tpu.memref_slice %arg3[%add3A, %dma_wait3A_168, %dma_wait3A_169] : memref<32x125x80xi32, #tpu.memory_space<hbm>> -> memref<1x125x80xi32, #tpu.memory_space<hbm>>
      %dma_wait3A_171 = tpu.memref_squeeze %dma_wait3A_170 : memref<1x125x80xi32, #tpu.memory_space<hbm>> -> memref<125x80xi32, #tpu.memory_space<hbm>>
      %dma_wait3A_172 = arith.constant 0 : i32
      %dma_wait3A_173 = arith.constant 0 : i32
      %dma_wait3A_174 = tpu.memref_slice %arg3[%add3A, %dma_wait3A_172, %dma_wait3A_173] : memref<32x125x80xi32, #tpu.memory_space<hbm>> -> memref<1x125x80xi32, #tpu.memory_space<hbm>>
      %dma_wait3A_175 = tpu.memref_squeeze %dma_wait3A_174 : memref<1x125x80xi32, #tpu.memory_space<hbm>> -> memref<125x80xi32, #tpu.memory_space<hbm>>
      tpu.wait_dma2 semaphore(%run_scoped3A : memref<!tpu.dma_semaphore, #tpu.memory_space<semaphore_mem>>) src(%dma_wait3A_175 : memref<125x80xi32, #tpu.memory_space<hbm>>) dst(%arg7 : memref<125x80xi32, #tpu.memory_space<vmem>>)
      tpu.yield
    }) : () -> ()
    "tpu.region"() ({
      %run_scoped3A = tpu.sem_alloc : memref<!tpu.dma_semaphore, #tpu.memory_space<semaphore_mem>>
      %dma_start3A_160 = arith.constant 0 : i32
      %dma_start3A_161 = arith.constant 0 : i32
      %dma_start3A_162 = tpu.memref_slice %arg4[%add3A, %dma_start3A_160, %dma_start3A_161] : memref<32x125x80xi32, #tpu.memory_space<hbm>> -> memref<1x125x80xi32, #tpu.memory_space<hbm>>
      %dma_start3A_163 = tpu.memref_squeeze %dma_start3A_162 : memref<1x125x80xi32, #tpu.memory_space<hbm>> -> memref<125x80xi32, #tpu.memory_space<hbm>>
      %dma_start3A_164 = arith.constant 0 : i32
      %dma_start3A_165 = arith.constant 0 : i32
      %dma_start3A_166 = tpu.memref_slice %arg4[%add3A, %dma_start3A_164, %dma_start3A_165] : memref<32x125x80xi32, #tpu.memory_space<hbm>> -> memref<1x125x80xi32, #tpu.memory_space<hbm>>
      %dma_start3A_167 = tpu.memref_squeeze %dma_start3A_166 : memref<1x125x80xi32, #tpu.memory_space<hbm>> -> memref<125x80xi32, #tpu.memory_space<hbm>>
      tpu.enqueue_dma source(%dma_start3A_167 : memref<125x80xi32, #tpu.memory_space<hbm>>) target(%arg8 : memref<125x80xi32, #tpu.memory_space<vmem>>) target_semaphore(%run_scoped3A : memref<!tpu.dma_semaphore, #tpu.memory_space<semaphore_mem>>)
      %dma_wait3A_168 = arith.constant 0 : i32
      %dma_wait3A_169 = arith.constant 0 : i32
      %dma_wait3A_170 = tpu.memref_slice %arg4[%add3A, %dma_wait3A_168, %dma_wait3A_169] : memref<32x125x80xi32, #tpu.memory_space<hbm>> -> memref<1x125x80xi32, #tpu.memory_space<hbm>>
      %dma_wait3A_171 = tpu.memref_squeeze %dma_wait3A_170 : memref<1x125x80xi32, #tpu.memory_space<hbm>> -> memref<125x80xi32, #tpu.memory_space<hbm>>
      %dma_wait3A_172 = arith.constant 0 : i32
      %dma_wait3A_173 = arith.constant 0 : i32
      %dma_wait3A_174 = tpu.memref_slice %arg4[%add3A, %dma_wait3A_172, %dma_wait3A_173] : memref<32x125x80xi32, #tpu.memory_space<hbm>> -> memref<1x125x80xi32, #tpu.memory_space<hbm>>
      %dma_wait3A_175 = tpu.memref_squeeze %dma_wait3A_174 : memref<1x125x80xi32, #tpu.memory_space<hbm>> -> memref<125x80xi32, #tpu.memory_space<hbm>>
      tpu.wait_dma2 semaphore(%run_scoped3A : memref<!tpu.dma_semaphore, #tpu.memory_space<semaphore_mem>>) src(%dma_wait3A_175 : memref<125x80xi32, #tpu.memory_space<hbm>>) dst(%arg8 : memref<125x80xi32, #tpu.memory_space<vmem>>)
      tpu.yield
    }) : () -> ()
    %dma_start3A = arith.constant 0 : i32
    %dma_start3A_1 = arith.constant 0 : i32
    %dma_start3A_2 = tpu.memref_slice %arg7[%dma_start3A, %dma_start3A_1] : memref<125x80xi32, #tpu.memory_space<vmem>> -> memref<1x80xi32, #tpu.memory_space<vmem>>
    %dma_start3A_3 = tpu.memref_squeeze %dma_start3A_2 : memref<1x80xi32, #tpu.memory_space<vmem>> -> memref<80xi32, #tpu.memory_space<vmem>>
    %dma_start3A_4 = arith.constant 0 : i32
    %dma_start3A_5 = arith.constant 0 : i32
    %dma_start3A_6 = tpu.memref_slice %arg2[%dma_start3A_4, %dma_start3A_5] : memref<10000x128xf32, #tpu.memory_space<hbm>> -> memref<10000x128xf32, #tpu.memory_space<hbm>>
    tpu.enqueue_indirect_dma source(%dma_start3A_6 : memref<10000x128xf32, #tpu.memory_space<hbm>>) target(%arg9 : memref<80x128xf32, #tpu.memory_space<vmem>>) offsets(%dma_start3A_3 : memref<80xi32, #tpu.memory_space<vmem>>) semaphore(%arg15 : memref<!tpu.dma_semaphore, #tpu.memory_space<semaphore_mem>>)
    %dma_start3A_7 = arith.constant 0 : i32
    %dma_start3A_8 = arith.constant 0 : i32
    %dma_start3A_9 = tpu.memref_slice %arg8[%dma_start3A_7, %dma_start3A_8] : memref<125x80xi32, #tpu.memory_space<vmem>> -> memref<1x80xi32, #tpu.memory_space<vmem>>
    %dma_start3A_10 = tpu.memref_squeeze %dma_start3A_9 : memref<1x80xi32, #tpu.memory_space<vmem>> -> memref<80xi32, #tpu.memory_space<vmem>>
    %dma_start3A_11 = arith.constant 0 : i32
    %dma_start3A_12 = arith.constant 0 : i32
    %dma_start3A_13 = tpu.memref_slice %arg2[%dma_start3A_11, %dma_start3A_12] : memref<10000x128xf32, #tpu.memory_space<hbm>> -> memref<10000x128xf32, #tpu.memory_space<hbm>>
    tpu.enqueue_indirect_dma source(%dma_start3A_13 : memref<10000x128xf32, #tpu.memory_space<hbm>>) target(%arg12 : memref<80x128xf32, #tpu.memory_space<vmem>>) offsets(%dma_start3A_10 : memref<80xi32, #tpu.memory_space<vmem>>) semaphore(%arg18 : memref<!tpu.dma_semaphore, #tpu.memory_space<semaphore_mem>>)
    %dma_start3A_14 = arith.constant 1 : i32
    %dma_start3A_15 = arith.constant 0 : i32
    %dma_start3A_16 = tpu.memref_slice %arg7[%dma_start3A_14, %dma_start3A_15] : memref<125x80xi32, #tpu.memory_space<vmem>> -> memref<1x80xi32, #tpu.memory_space<vmem>>
    %dma_start3A_17 = tpu.memref_squeeze %dma_start3A_16 : memref<1x80xi32, #tpu.memory_space<vmem>> -> memref<80xi32, #tpu.memory_space<vmem>>
    %dma_start3A_18 = arith.constant 0 : i32
    %dma_start3A_19 = arith.constant 0 : i32
    %dma_start3A_20 = tpu.memref_slice %arg2[%dma_start3A_18, %dma_start3A_19] : memref<10000x128xf32, #tpu.memory_space<hbm>> -> memref<10000x128xf32, #tpu.memory_space<hbm>>
    tpu.enqueue_indirect_dma source(%dma_start3A_20 : memref<10000x128xf32, #tpu.memory_space<hbm>>) target(%arg10 : memref<80x128xf32, #tpu.memory_space<vmem>>) offsets(%dma_start3A_17 : memref<80xi32, #tpu.memory_space<vmem>>) semaphore(%arg16 : memref<!tpu.dma_semaphore, #tpu.memory_space<semaphore_mem>>)
    %dma_start3A_21 = arith.constant 1 : i32
    %dma_start3A_22 = arith.constant 0 : i32
    %dma_start3A_23 = tpu.memref_slice %arg8[%dma_start3A_21, %dma_start3A_22] : memref<125x80xi32, #tpu.memory_space<vmem>> -> memref<1x80xi32, #tpu.memory_space<vmem>>
    %dma_start3A_24 = tpu.memref_squeeze %dma_start3A_23 : memref<1x80xi32, #tpu.memory_space<vmem>> -> memref<80xi32, #tpu.memory_space<vmem>>
    %dma_start3A_25 = arith.constant 0 : i32
    %dma_start3A_26 = arith.constant 0 : i32
    %dma_start3A_27 = tpu.memref_slice %arg2[%dma_start3A_25, %dma_start3A_26] : memref<10000x128xf32, #tpu.memory_space<hbm>> -> memref<10000x128xf32, #tpu.memory_space<hbm>>
    tpu.enqueue_indirect_dma source(%dma_start3A_27 : memref<10000x128xf32, #tpu.memory_space<hbm>>) target(%arg13 : memref<80x128xf32, #tpu.memory_space<vmem>>) offsets(%dma_start3A_24 : memref<80xi32, #tpu.memory_space<vmem>>) semaphore(%arg19 : memref<!tpu.dma_semaphore, #tpu.memory_space<semaphore_mem>>)
    %dma_wait3A = arith.constant 0 : i32
    %dma_wait3A_28 = arith.constant 0 : i32
    %dma_wait3A_29 = tpu.memref_slice %arg7[%dma_wait3A, %dma_wait3A_28] : memref<125x80xi32, #tpu.memory_space<vmem>> -> memref<1x80xi32, #tpu.memory_space<vmem>>
    %dma_wait3A_30 = tpu.memref_squeeze %dma_wait3A_29 : memref<1x80xi32, #tpu.memory_space<vmem>> -> memref<80xi32, #tpu.memory_space<vmem>>
    %dma_wait3A_31 = arith.constant 0 : i32
    %dma_wait3A_32 = arith.constant 0 : i32
    %dma_wait3A_33 = tpu.memref_slice %arg2[%dma_wait3A_31, %dma_wait3A_32] : memref<10000x128xf32, #tpu.memory_space<hbm>> -> memref<10000x128xf32, #tpu.memory_space<hbm>>
    tpu.wait_indirect_dma semaphore(%arg15 : memref<!tpu.dma_semaphore, #tpu.memory_space<semaphore_mem>>) src(%dma_wait3A_33 : memref<10000x128xf32, #tpu.memory_space<hbm>>) dst(%arg9 : memref<80x128xf32, #tpu.memory_space<vmem>>)
    %dma_wait3A_34 = arith.constant 0 : i32
    %dma_wait3A_35 = arith.constant 0 : i32
    %dma_wait3A_36 = tpu.memref_slice %arg8[%dma_wait3A_34, %dma_wait3A_35] : memref<125x80xi32, #tpu.memory_space<vmem>> -> memref<1x80xi32, #tpu.memory_space<vmem>>
    %dma_wait3A_37 = tpu.memref_squeeze %dma_wait3A_36 : memref<1x80xi32, #tpu.memory_space<vmem>> -> memref<80xi32, #tpu.memory_space<vmem>>
    %dma_wait3A_38 = arith.constant 0 : i32
    %dma_wait3A_39 = arith.constant 0 : i32
    %dma_wait3A_40 = tpu.memref_slice %arg2[%dma_wait3A_38, %dma_wait3A_39] : memref<10000x128xf32, #tpu.memory_space<hbm>> -> memref<10000x128xf32, #tpu.memory_space<hbm>>
    tpu.wait_indirect_dma semaphore(%arg18 : memref<!tpu.dma_semaphore, #tpu.memory_space<semaphore_mem>>) src(%dma_wait3A_40 : memref<10000x128xf32, #tpu.memory_space<hbm>>) dst(%arg12 : memref<80x128xf32, #tpu.memory_space<vmem>>)
    %mul3A_41 = arith.constant 10000 : i32
    %mul3A_42 = arith.muli %add3A, %mul3A_41 : i32
    %add3A_43 = arith.constant 0 : i32
    %add3A_44 = arith.addi %mul3A_42, %add3A_43 : i32
    %dma_start3A_45 = arith.constant 0 : i32
    %dma_start3A_46 = tpu.memref_slice %arg5[%add3A_44, %dma_start3A_45] : memref<320000x128xf32, #tpu.memory_space<hbm>> -> memref<80x128xf32, #tpu.memory_space<hbm>>
    %dma_start3A_47 = arith.constant 0 : i32
    %dma_start3A_48 = tpu.memref_slice %arg5[%add3A_44, %dma_start3A_47] : memref<320000x128xf32, #tpu.memory_space<hbm>> -> memref<80x128xf32, #tpu.memory_space<hbm>>
    tpu.enqueue_dma source(%arg9 : memref<80x128xf32, #tpu.memory_space<vmem>>) target(%dma_start3A_48 : memref<80x128xf32, #tpu.memory_space<hbm>>) target_semaphore(%arg21 : memref<!tpu.dma_semaphore, #tpu.memory_space<semaphore_mem>>)
    %dma_start3A_49 = arith.constant 0 : i32
    %dma_start3A_50 = tpu.memref_slice %arg6[%add3A_44, %dma_start3A_49] : memref<320000x128xf32, #tpu.memory_space<hbm>> -> memref<80x128xf32, #tpu.memory_space<hbm>>
    %dma_start3A_51 = arith.constant 0 : i32
    %dma_start3A_52 = tpu.memref_slice %arg6[%add3A_44, %dma_start3A_51] : memref<320000x128xf32, #tpu.memory_space<hbm>> -> memref<80x128xf32, #tpu.memory_space<hbm>>
    tpu.enqueue_dma source(%arg12 : memref<80x128xf32, #tpu.memory_space<vmem>>) target(%dma_start3A_52 : memref<80x128xf32, #tpu.memory_space<hbm>>) target_semaphore(%arg24 : memref<!tpu.dma_semaphore, #tpu.memory_space<semaphore_mem>>)
    %dma_start3A_53 = arith.constant 2 : i32
    %dma_start3A_54 = arith.constant 0 : i32
    %dma_start3A_55 = tpu.memref_slice %arg7[%dma_start3A_53, %dma_start3A_54] : memref<125x80xi32, #tpu.memory_space<vmem>> -> memref<1x80xi32, #tpu.memory_space<vmem>>
    %dma_start3A_56 = tpu.memref_squeeze %dma_start3A_55 : memref<1x80xi32, #tpu.memory_space<vmem>> -> memref<80xi32, #tpu.memory_space<vmem>>
    %dma_start3A_57 = arith.constant 0 : i32
    %dma_start3A_58 = arith.constant 0 : i32
    %dma_start3A_59 = tpu.memref_slice %arg2[%dma_start3A_57, %dma_start3A_58] : memref<10000x128xf32, #tpu.memory_space<hbm>> -> memref<10000x128xf32, #tpu.memory_space<hbm>>
    tpu.enqueue_indirect_dma source(%dma_start3A_59 : memref<10000x128xf32, #tpu.memory_space<hbm>>) target(%arg11 : memref<80x128xf32, #tpu.memory_space<vmem>>) offsets(%dma_start3A_56 : memref<80xi32, #tpu.memory_space<vmem>>) semaphore(%arg17 : memref<!tpu.dma_semaphore, #tpu.memory_space<semaphore_mem>>)
    %dma_start3A_60 = arith.constant 2 : i32
    %dma_start3A_61 = arith.constant 0 : i32
    %dma_start3A_62 = tpu.memref_slice %arg8[%dma_start3A_60, %dma_start3A_61] : memref<125x80xi32, #tpu.memory_space<vmem>> -> memref<1x80xi32, #tpu.memory_space<vmem>>
    %dma_start3A_63 = tpu.memref_squeeze %dma_start3A_62 : memref<1x80xi32, #tpu.memory_space<vmem>> -> memref<80xi32, #tpu.memory_space<vmem>>
    %dma_start3A_64 = arith.constant 0 : i32
    %dma_start3A_65 = arith.constant 0 : i32
    %dma_start3A_66 = tpu.memref_slice %arg2[%dma_start3A_64, %dma_start3A_65] : memref<10000x128xf32, #tpu.memory_space<hbm>> -> memref<10000x128xf32, #tpu.memory_space<hbm>>
    tpu.enqueue_indirect_dma source(%dma_start3A_66 : memref<10000x128xf32, #tpu.memory_space<hbm>>) target(%arg14 : memref<80x128xf32, #tpu.memory_space<vmem>>) offsets(%dma_start3A_63 : memref<80xi32, #tpu.memory_space<vmem>>) semaphore(%arg20 : memref<!tpu.dma_semaphore, #tpu.memory_space<semaphore_mem>>)
    %dma_wait3A_67 = arith.constant 1 : i32
    %dma_wait3A_68 = arith.constant 0 : i32
    %dma_wait3A_69 = tpu.memref_slice %arg7[%dma_wait3A_67, %dma_wait3A_68] : memref<125x80xi32, #tpu.memory_space<vmem>> -> memref<1x80xi32, #tpu.memory_space<vmem>>
    %dma_wait3A_70 = tpu.memref_squeeze %dma_wait3A_69 : memref<1x80xi32, #tpu.memory_space<vmem>> -> memref<80xi32, #tpu.memory_space<vmem>>
    %dma_wait3A_71 = arith.constant 0 : i32
    %dma_wait3A_72 = arith.constant 0 : i32
    %dma_wait3A_73 = tpu.memref_slice %arg2[%dma_wait3A_71, %dma_wait3A_72] : memref<10000x128xf32, #tpu.memory_space<hbm>> -> memref<10000x128xf32, #tpu.memory_space<hbm>>
    tpu.wait_indirect_dma semaphore(%arg16 : memref<!tpu.dma_semaphore, #tpu.memory_space<semaphore_mem>>) src(%dma_wait3A_73 : memref<10000x128xf32, #tpu.memory_space<hbm>>) dst(%arg10 : memref<80x128xf32, #tpu.memory_space<vmem>>)
    %dma_wait3A_74 = arith.constant 1 : i32
    %dma_wait3A_75 = arith.constant 0 : i32
    %dma_wait3A_76 = tpu.memref_slice %arg8[%dma_wait3A_74, %dma_wait3A_75] : memref<125x80xi32, #tpu.memory_space<vmem>> -> memref<1x80xi32, #tpu.memory_space<vmem>>
    %dma_wait3A_77 = tpu.memref_squeeze %dma_wait3A_76 : memref<1x80xi32, #tpu.memory_space<vmem>> -> memref<80xi32, #tpu.memory_space<vmem>>
    %dma_wait3A_78 = arith.constant 0 : i32
    %dma_wait3A_79 = arith.constant 0 : i32
    %dma_wait3A_80 = tpu.memref_slice %arg2[%dma_wait3A_78, %dma_wait3A_79] : memref<10000x128xf32, #tpu.memory_space<hbm>> -> memref<10000x128xf32, #tpu.memory_space<hbm>>
    tpu.wait_indirect_dma semaphore(%arg19 : memref<!tpu.dma_semaphore, #tpu.memory_space<semaphore_mem>>) src(%dma_wait3A_80 : memref<10000x128xf32, #tpu.memory_space<hbm>>) dst(%arg13 : memref<80x128xf32, #tpu.memory_space<vmem>>)
    %mul3A_81 = arith.constant 10000 : i32
    %mul3A_82 = arith.muli %add3A, %mul3A_81 : i32
    %add3A_83 = arith.constant 80 : i32
    %add3A_84 = arith.addi %mul3A_82, %add3A_83 : i32
    %dma_start3A_85 = arith.constant 0 : i32
    %dma_start3A_86 = tpu.memref_slice %arg5[%add3A_84, %dma_start3A_85] : memref<320000x128xf32, #tpu.memory_space<hbm>> -> memref<80x128xf32, #tpu.memory_space<hbm>>
    %dma_start3A_87 = arith.constant 0 : i32
    %dma_start3A_88 = tpu.memref_slice %arg5[%add3A_84, %dma_start3A_87] : memref<320000x128xf32, #tpu.memory_space<hbm>> -> memref<80x128xf32, #tpu.memory_space<hbm>>
    tpu.enqueue_dma source(%arg10 : memref<80x128xf32, #tpu.memory_space<vmem>>) target(%dma_start3A_88 : memref<80x128xf32, #tpu.memory_space<hbm>>) target_semaphore(%arg22 : memref<!tpu.dma_semaphore, #tpu.memory_space<semaphore_mem>>)
    %dma_start3A_89 = arith.constant 0 : i32
    %dma_start3A_90 = tpu.memref_slice %arg6[%add3A_84, %dma_start3A_89] : memref<320000x128xf32, #tpu.memory_space<hbm>> -> memref<80x128xf32, #tpu.memory_space<hbm>>
    %dma_start3A_91 = arith.constant 0 : i32
    %dma_start3A_92 = tpu.memref_slice %arg6[%add3A_84, %dma_start3A_91] : memref<320000x128xf32, #tpu.memory_space<hbm>> -> memref<80x128xf32, #tpu.memory_space<hbm>>
    tpu.enqueue_dma source(%arg13 : memref<80x128xf32, #tpu.memory_space<vmem>>) target(%dma_start3A_92 : memref<80x128xf32, #tpu.memory_space<hbm>>) target_semaphore(%arg25 : memref<!tpu.dma_semaphore, #tpu.memory_space<semaphore_mem>>)
    %mul3A_93 = arith.constant 10000 : i32
    %mul3A_94 = arith.muli %add3A, %mul3A_93 : i32
    %add3A_95 = arith.constant 0 : i32
    %add3A_96 = arith.addi %mul3A_94, %add3A_95 : i32
    %dma_wait3A_97 = arith.constant 0 : i32
    %dma_wait3A_98 = tpu.memref_slice %arg5[%add3A_96, %dma_wait3A_97] : memref<320000x128xf32, #tpu.memory_space<hbm>> -> memref<80x128xf32, #tpu.memory_space<hbm>>
    %dma_wait3A_99 = arith.constant 0 : i32
    %dma_wait3A_100 = tpu.memref_slice %arg5[%add3A_96, %dma_wait3A_99] : memref<320000x128xf32, #tpu.memory_space<hbm>> -> memref<80x128xf32, #tpu.memory_space<hbm>>
    tpu.wait_dma2 semaphore(%arg21 : memref<!tpu.dma_semaphore, #tpu.memory_space<semaphore_mem>>) src(%arg9 : memref<80x128xf32, #tpu.memory_space<vmem>>) dst(%dma_wait3A_100 : memref<80x128xf32, #tpu.memory_space<hbm>>)
    %dma_wait3A_101 = arith.constant 0 : i32
    %dma_wait3A_102 = tpu.memref_slice %arg6[%add3A_96, %dma_wait3A_101] : memref<320000x128xf32, #tpu.memory_space<hbm>> -> memref<80x128xf32, #tpu.memory_space<hbm>>
    %dma_wait3A_103 = arith.constant 0 : i32
    %dma_wait3A_104 = tpu.memref_slice %arg6[%add3A_96, %dma_wait3A_103] : memref<320000x128xf32, #tpu.memory_space<hbm>> -> memref<80x128xf32, #tpu.memory_space<hbm>>
    tpu.wait_dma2 semaphore(%arg24 : memref<!tpu.dma_semaphore, #tpu.memory_space<semaphore_mem>>) src(%arg12 : memref<80x128xf32, #tpu.memory_space<vmem>>) dst(%dma_wait3A_104 : memref<80x128xf32, #tpu.memory_space<hbm>>)
    %dma_start3A_105 = arith.constant 3 : i32
    %dma_start3A_106 = arith.constant 0 : i32
    %dma_start3A_107 = tpu.memref_slice %arg7[%dma_start3A_105, %dma_start3A_106] : memref<125x80xi32, #tpu.memory_space<vmem>> -> memref<1x80xi32, #tpu.memory_space<vmem>>
    %dma_start3A_108 = tpu.memref_squeeze %dma_start3A_107 : memref<1x80xi32, #tpu.memory_space<vmem>> -> memref<80xi32, #tpu.memory_space<vmem>>
    %dma_start3A_109 = arith.constant 0 : i32
    %dma_start3A_110 = arith.constant 0 : i32
    %dma_start3A_111 = tpu.memref_slice %arg2[%dma_start3A_109, %dma_start3A_110] : memref<10000x128xf32, #tpu.memory_space<hbm>> -> memref<10000x128xf32, #tpu.memory_space<hbm>>
    tpu.enqueue_indirect_dma source(%dma_start3A_111 : memref<10000x128xf32, #tpu.memory_space<hbm>>) target(%arg9 : memref<80x128xf32, #tpu.memory_space<vmem>>) offsets(%dma_start3A_108 : memref<80xi32, #tpu.memory_space<vmem>>) semaphore(%arg15 : memref<!tpu.dma_semaphore, #tpu.memory_space<semaphore_mem>>)
    %dma_start3A_112 = arith.constant 3 : i32
    %dma_start3A_113 = arith.constant 0 : i32
    %dma_start3A_114 = tpu.memref_slice %arg8[%dma_start3A_112, %dma_start3A_113] : memref<125x80xi32, #tpu.memory_space<vmem>> -> memref<1x80xi32, #tpu.memory_space<vmem>>
    %dma_start3A_115 = tpu.memref_squeeze %dma_start3A_114 : memref<1x80xi32, #tpu.memory_space<vmem>> -> memref<80xi32, #tpu.memory_space<vmem>>
    %dma_start3A_116 = arith.constant 0 : i32
    %dma_start3A_117 = arith.constant 0 : i32
    %dma_start3A_118 = tpu.memref_slice %arg2[%dma_start3A_116, %dma_start3A_117] : memref<10000x128xf32, #tpu.memory_space<hbm>> -> memref<10000x128xf32, #tpu.memory_space<hbm>>
    tpu.enqueue_indirect_dma source(%dma_start3A_118 : memref<10000x128xf32, #tpu.memory_space<hbm>>) target(%arg12 : memref<80x128xf32, #tpu.memory_space<vmem>>) offsets(%dma_start3A_115 : memref<80xi32, #tpu.memory_space<vmem>>) semaphore(%arg18 : memref<!tpu.dma_semaphore, #tpu.memory_space<semaphore_mem>>)
    %scan3A = arith.constant 0 : i32
    %scan3A_119 = arith.constant 0 : i32
    %scan3A_120 = arith.constant 41 : i32
    %scan3A_121 = arith.addi %scan3A_119, %scan3A_120 : i32
    %scan3A_122 = arith.constant 1 : i32
    scf.for %scan3A_160 = %scan3A_119 to %scan3A_121 step %scan3A_122  : i32 {
      %mul3A_161 = arith.constant 3 : i32
      %mul3A_162 = arith.muli %mul3A_161, %scan3A_160 : i32
      %add3A_163 = arith.constant 2 : i32
      %add3A_164 = arith.addi %mul3A_162, %add3A_163 : i32
      %add3A_165 = arith.constant 0 : i32
      %add3A_166 = arith.addi %add3A_164, %add3A_165 : i32
      %dma_wait3A_167 = arith.constant 0 : i32
      %dma_wait3A_168 = tpu.memref_slice %arg7[%add3A_166, %dma_wait3A_167] : memref<125x80xi32, #tpu.memory_space<vmem>> -> memref<1x80xi32, #tpu.memory_space<vmem>>
      %dma_wait3A_169 = tpu.memref_squeeze %dma_wait3A_168 : memref<1x80xi32, #tpu.memory_space<vmem>> -> memref<80xi32, #tpu.memory_space<vmem>>
      %dma_wait3A_170 = arith.constant 0 : i32
      %dma_wait3A_171 = arith.constant 0 : i32
      %dma_wait3A_172 = tpu.memref_slice %arg2[%dma_wait3A_170, %dma_wait3A_171] : memref<10000x128xf32, #tpu.memory_space<hbm>> -> memref<10000x128xf32, #tpu.memory_space<hbm>>
      tpu.wait_indirect_dma semaphore(%arg17 : memref<!tpu.dma_semaphore, #tpu.memory_space<semaphore_mem>>) src(%dma_wait3A_172 : memref<10000x128xf32, #tpu.memory_space<hbm>>) dst(%arg11 : memref<80x128xf32, #tpu.memory_space<vmem>>)
      %dma_wait3A_173 = arith.constant 0 : i32
      %dma_wait3A_174 = tpu.memref_slice %arg8[%add3A_166, %dma_wait3A_173] : memref<125x80xi32, #tpu.memory_space<vmem>> -> memref<1x80xi32, #tpu.memory_space<vmem>>
      %dma_wait3A_175 = tpu.memref_squeeze %dma_wait3A_174 : memref<1x80xi32, #tpu.memory_space<vmem>> -> memref<80xi32, #tpu.memory_space<vmem>>
      %dma_wait3A_176 = arith.constant 0 : i32
      %dma_wait3A_177 = arith.constant 0 : i32
      %dma_wait3A_178 = tpu.memref_slice %arg2[%dma_wait3A_176, %dma_wait3A_177] : memref<10000x128xf32, #tpu.memory_space<hbm>> -> memref<10000x128xf32, #tpu.memory_space<hbm>>
      tpu.wait_indirect_dma semaphore(%arg20 : memref<!tpu.dma_semaphore, #tpu.memory_space<semaphore_mem>>) src(%dma_wait3A_178 : memref<10000x128xf32, #tpu.memory_space<hbm>>) dst(%arg14 : memref<80x128xf32, #tpu.memory_space<vmem>>)
      %mul3A_179 = arith.constant 10000 : i32
      %mul3A_180 = arith.muli %add3A, %mul3A_179 : i32
      %mul3A_181 = arith.constant 80 : i32
      %mul3A_182 = arith.muli %add3A_166, %mul3A_181 : i32
      %add3A_183 = arith.addi %mul3A_180, %mul3A_182 : i32
      %dma_start3A_184 = arith.constant 0 : i32
      %dma_start3A_185 = tpu.memref_slice %arg5[%add3A_183, %dma_start3A_184] : memref<320000x128xf32, #tpu.memory_space<hbm>> -> memref<80x128xf32, #tpu.memory_space<hbm>>
      %dma_start3A_186 = arith.constant 0 : i32
      %dma_start3A_187 = tpu.memref_slice %arg5[%add3A_183, %dma_start3A_186] : memref<320000x128xf32, #tpu.memory_space<hbm>> -> memref<80x128xf32, #tpu.memory_space<hbm>>
      tpu.enqueue_dma source(%arg11 : memref<80x128xf32, #tpu.memory_space<vmem>>) target(%dma_start3A_187 : memref<80x128xf32, #tpu.memory_space<hbm>>) target_semaphore(%arg23 : memref<!tpu.dma_semaphore, #tpu.memory_space<semaphore_mem>>)
      %dma_start3A_188 = arith.constant 0 : i32
      %dma_start3A_189 = tpu.memref_slice %arg6[%add3A_183, %dma_start3A_188] : memref<320000x128xf32, #tpu.memory_space<hbm>> -> memref<80x128xf32, #tpu.memory_space<hbm>>
      %dma_start3A_190 = arith.constant 0 : i32
      %dma_start3A_191 = tpu.memref_slice %arg6[%add3A_183, %dma_start3A_190] : memref<320000x128xf32, #tpu.memory_space<hbm>> -> memref<80x128xf32, #tpu.memory_space<hbm>>
      tpu.enqueue_dma source(%arg14 : memref<80x128xf32, #tpu.memory_space<vmem>>) target(%dma_start3A_191 : memref<80x128xf32, #tpu.memory_space<hbm>>) target_semaphore(%arg26 : memref<!tpu.dma_semaphore, #tpu.memory_space<semaphore_mem>>)
      %add3A_192 = arith.constant 2 : i32
      %add3A_193 = arith.addi %add3A_166, %add3A_192 : i32
      %lt3A = arith.constant 125 : i32
      %lt3A_194 = arith.cmpi slt, %add3A_193, %lt3A : i32
      %convert_element_type3A = arith.extui %lt3A_194 : i1 to i32
      %cond3A = arith.constant 0 : i32
      %cond3A_195 = arith.cmpi ne, %convert_element_type3A, %cond3A : i32
      scf.if %cond3A_195 {
        %sub3A = arith.constant 1 : i32
        %sub3A_272 = arith.subi %add3A_166, %sub3A : i32
        %mul3A_273 = arith.constant 10000 : i32
        %mul3A_274 = arith.muli %add3A, %mul3A_273 : i32
        %mul3A_275 = arith.constant 80 : i32
        %mul3A_276 = arith.muli %sub3A_272, %mul3A_275 : i32
        %add3A_277 = arith.addi %mul3A_274, %mul3A_276 : i32
        %dma_wait3A_278 = arith.constant 0 : i32
        %dma_wait3A_279 = tpu.memref_slice %arg5[%add3A_277, %dma_wait3A_278] : memref<320000x128xf32, #tpu.memory_space<hbm>> -> memref<80x128xf32, #tpu.memory_space<hbm>>
        %dma_wait3A_280 = arith.constant 0 : i32
        %dma_wait3A_281 = tpu.memref_slice %arg5[%add3A_277, %dma_wait3A_280] : memref<320000x128xf32, #tpu.memory_space<hbm>> -> memref<80x128xf32, #tpu.memory_space<hbm>>
        tpu.wait_dma2 semaphore(%arg22 : memref<!tpu.dma_semaphore, #tpu.memory_space<semaphore_mem>>) src(%arg10 : memref<80x128xf32, #tpu.memory_space<vmem>>) dst(%dma_wait3A_281 : memref<80x128xf32, #tpu.memory_space<hbm>>)
        %dma_wait3A_282 = arith.constant 0 : i32
        %dma_wait3A_283 = tpu.memref_slice %arg6[%add3A_277, %dma_wait3A_282] : memref<320000x128xf32, #tpu.memory_space<hbm>> -> memref<80x128xf32, #tpu.memory_space<hbm>>
        %dma_wait3A_284 = arith.constant 0 : i32
        %dma_wait3A_285 = tpu.memref_slice %arg6[%add3A_277, %dma_wait3A_284] : memref<320000x128xf32, #tpu.memory_space<hbm>> -> memref<80x128xf32, #tpu.memory_space<hbm>>
        tpu.wait_dma2 semaphore(%arg25 : memref<!tpu.dma_semaphore, #tpu.memory_space<semaphore_mem>>) src(%arg13 : memref<80x128xf32, #tpu.memory_space<vmem>>) dst(%dma_wait3A_285 : memref<80x128xf32, #tpu.memory_space<hbm>>)
        %add3A_286 = arith.constant 2 : i32
        %add3A_287 = arith.addi %add3A_166, %add3A_286 : i32
        %dma_start3A_288 = arith.constant 0 : i32
        %dma_start3A_289 = tpu.memref_slice %arg7[%add3A_287, %dma_start3A_288] : memref<125x80xi32, #tpu.memory_space<vmem>> -> memref<1x80xi32, #tpu.memory_space<vmem>>
        %dma_start3A_290 = tpu.memref_squeeze %dma_start3A_289 : memref<1x80xi32, #tpu.memory_space<vmem>> -> memref<80xi32, #tpu.memory_space<vmem>>
        %dma_start3A_291 = arith.constant 0 : i32
        %dma_start3A_292 = arith.constant 0 : i32
        %dma_start3A_293 = tpu.memref_slice %arg2[%dma_start3A_291, %dma_start3A_292] : memref<10000x128xf32, #tpu.memory_space<hbm>> -> memref<10000x128xf32, #tpu.memory_space<hbm>>
        tpu.enqueue_indirect_dma source(%dma_start3A_293 : memref<10000x128xf32, #tpu.memory_space<hbm>>) target(%arg10 : memref<80x128xf32, #tpu.memory_space<vmem>>) offsets(%dma_start3A_290 : memref<80xi32, #tpu.memory_space<vmem>>) semaphore(%arg16 : memref<!tpu.dma_semaphore, #tpu.memory_space<semaphore_mem>>)
        %dma_start3A_294 = arith.constant 0 : i32
        %dma_start3A_295 = tpu.memref_slice %arg8[%add3A_287, %dma_start3A_294] : memref<125x80xi32, #tpu.memory_space<vmem>> -> memref<1x80xi32, #tpu.memory_space<vmem>>
        %dma_start3A_296 = tpu.memref_squeeze %dma_start3A_295 : memref<1x80xi32, #tpu.memory_space<vmem>> -> memref<80xi32, #tpu.memory_space<vmem>>
        %dma_start3A_297 = arith.constant 0 : i32
        %dma_start3A_298 = arith.constant 0 : i32
        %dma_start3A_299 = tpu.memref_slice %arg2[%dma_start3A_297, %dma_start3A_298] : memref<10000x128xf32, #tpu.memory_space<hbm>> -> memref<10000x128xf32, #tpu.memory_space<hbm>>
        tpu.enqueue_indirect_dma source(%dma_start3A_299 : memref<10000x128xf32, #tpu.memory_space<hbm>>) target(%arg13 : memref<80x128xf32, #tpu.memory_space<vmem>>) offsets(%dma_start3A_296 : memref<80xi32, #tpu.memory_space<vmem>>) semaphore(%arg19 : memref<!tpu.dma_semaphore, #tpu.memory_space<semaphore_mem>>)
      } else {
      }
      %mul3A_196 = arith.constant 3 : i32
      %mul3A_197 = arith.muli %mul3A_196, %scan3A_160 : i32
      %add3A_198 = arith.constant 2 : i32
      %add3A_199 = arith.addi %mul3A_197, %add3A_198 : i32
      %add3A_200 = arith.constant 1 : i32
      %add3A_201 = arith.addi %add3A_199, %add3A_200 : i32
      %dma_wait3A_202 = arith.constant 0 : i32
      %dma_wait3A_203 = tpu.memref_slice %arg7[%add3A_201, %dma_wait3A_202] : memref<125x80xi32, #tpu.memory_space<vmem>> -> memref<1x80xi32, #tpu.memory_space<vmem>>
      %dma_wait3A_204 = tpu.memref_squeeze %dma_wait3A_203 : memref<1x80xi32, #tpu.memory_space<vmem>> -> memref<80xi32, #tpu.memory_space<vmem>>
      %dma_wait3A_205 = arith.constant 0 : i32
      %dma_wait3A_206 = arith.constant 0 : i32
      %dma_wait3A_207 = tpu.memref_slice %arg2[%dma_wait3A_205, %dma_wait3A_206] : memref<10000x128xf32, #tpu.memory_space<hbm>> -> memref<10000x128xf32, #tpu.memory_space<hbm>>
      tpu.wait_indirect_dma semaphore(%arg15 : memref<!tpu.dma_semaphore, #tpu.memory_space<semaphore_mem>>) src(%dma_wait3A_207 : memref<10000x128xf32, #tpu.memory_space<hbm>>) dst(%arg9 : memref<80x128xf32, #tpu.memory_space<vmem>>)
      %dma_wait3A_208 = arith.constant 0 : i32
      %dma_wait3A_209 = tpu.memref_slice %arg8[%add3A_201, %dma_wait3A_208] : memref<125x80xi32, #tpu.memory_space<vmem>> -> memref<1x80xi32, #tpu.memory_space<vmem>>
      %dma_wait3A_210 = tpu.memref_squeeze %dma_wait3A_209 : memref<1x80xi32, #tpu.memory_space<vmem>> -> memref<80xi32, #tpu.memory_space<vmem>>
      %dma_wait3A_211 = arith.constant 0 : i32
      %dma_wait3A_212 = arith.constant 0 : i32
      %dma_wait3A_213 = tpu.memref_slice %arg2[%dma_wait3A_211, %dma_wait3A_212] : memref<10000x128xf32, #tpu.memory_space<hbm>> -> memref<10000x128xf32, #tpu.memory_space<hbm>>
      tpu.wait_indirect_dma semaphore(%arg18 : memref<!tpu.dma_semaphore, #tpu.memory_space<semaphore_mem>>) src(%dma_wait3A_213 : memref<10000x128xf32, #tpu.memory_space<hbm>>) dst(%arg12 : memref<80x128xf32, #tpu.memory_space<vmem>>)
      %mul3A_214 = arith.constant 10000 : i32
      %mul3A_215 = arith.muli %add3A, %mul3A_214 : i32
      %mul3A_216 = arith.constant 80 : i32
      %mul3A_217 = arith.muli %add3A_201, %mul3A_216 : i32
      %add3A_218 = arith.addi %mul3A_215, %mul3A_217 : i32
      %dma_start3A_219 = arith.constant 0 : i32
      %dma_start3A_220 = tpu.memref_slice %arg5[%add3A_218, %dma_start3A_219] : memref<320000x128xf32, #tpu.memory_space<hbm>> -> memref<80x128xf32, #tpu.memory_space<hbm>>
      %dma_start3A_221 = arith.constant 0 : i32
      %dma_start3A_222 = tpu.memref_slice %arg5[%add3A_218, %dma_start3A_221] : memref<320000x128xf32, #tpu.memory_space<hbm>> -> memref<80x128xf32, #tpu.memory_space<hbm>>
      tpu.enqueue_dma source(%arg9 : memref<80x128xf32, #tpu.memory_space<vmem>>) target(%dma_start3A_222 : memref<80x128xf32, #tpu.memory_space<hbm>>) target_semaphore(%arg21 : memref<!tpu.dma_semaphore, #tpu.memory_space<semaphore_mem>>)
      %dma_start3A_223 = arith.constant 0 : i32
      %dma_start3A_224 = tpu.memref_slice %arg6[%add3A_218, %dma_start3A_223] : memref<320000x128xf32, #tpu.memory_space<hbm>> -> memref<80x128xf32, #tpu.memory_space<hbm>>
      %dma_start3A_225 = arith.constant 0 : i32
      %dma_start3A_226 = tpu.memref_slice %arg6[%add3A_218, %dma_start3A_225] : memref<320000x128xf32, #tpu.memory_space<hbm>> -> memref<80x128xf32, #tpu.memory_space<hbm>>
      tpu.enqueue_dma source(%arg12 : memref<80x128xf32, #tpu.memory_space<vmem>>) target(%dma_start3A_226 : memref<80x128xf32, #tpu.memory_space<hbm>>) target_semaphore(%arg24 : memref<!tpu.dma_semaphore, #tpu.memory_space<semaphore_mem>>)
      %add3A_227 = arith.constant 2 : i32
      %add3A_228 = arith.addi %add3A_201, %add3A_227 : i32
      %lt3A_229 = arith.constant 125 : i32
      %lt3A_230 = arith.cmpi slt, %add3A_228, %lt3A_229 : i32
      %convert_element_type3A_231 = arith.extui %lt3A_230 : i1 to i32
      %cond3A_232 = arith.constant 0 : i32
      %cond3A_233 = arith.cmpi ne, %convert_element_type3A_231, %cond3A_232 : i32
      scf.if %cond3A_233 {
        %sub3A = arith.constant 1 : i32
        %sub3A_272 = arith.subi %add3A_201, %sub3A : i32
        %mul3A_273 = arith.constant 10000 : i32
        %mul3A_274 = arith.muli %add3A, %mul3A_273 : i32
        %mul3A_275 = arith.constant 80 : i32
        %mul3A_276 = arith.muli %sub3A_272, %mul3A_275 : i32
        %add3A_277 = arith.addi %mul3A_274, %mul3A_276 : i32
        %dma_wait3A_278 = arith.constant 0 : i32
        %dma_wait3A_279 = tpu.memref_slice %arg5[%add3A_277, %dma_wait3A_278] : memref<320000x128xf32, #tpu.memory_space<hbm>> -> memref<80x128xf32, #tpu.memory_space<hbm>>
        %dma_wait3A_280 = arith.constant 0 : i32
        %dma_wait3A_281 = tpu.memref_slice %arg5[%add3A_277, %dma_wait3A_280] : memref<320000x128xf32, #tpu.memory_space<hbm>> -> memref<80x128xf32, #tpu.memory_space<hbm>>
        tpu.wait_dma2 semaphore(%arg23 : memref<!tpu.dma_semaphore, #tpu.memory_space<semaphore_mem>>) src(%arg11 : memref<80x128xf32, #tpu.memory_space<vmem>>) dst(%dma_wait3A_281 : memref<80x128xf32, #tpu.memory_space<hbm>>)
        %dma_wait3A_282 = arith.constant 0 : i32
        %dma_wait3A_283 = tpu.memref_slice %arg6[%add3A_277, %dma_wait3A_282] : memref<320000x128xf32, #tpu.memory_space<hbm>> -> memref<80x128xf32, #tpu.memory_space<hbm>>
        %dma_wait3A_284 = arith.constant 0 : i32
        %dma_wait3A_285 = tpu.memref_slice %arg6[%add3A_277, %dma_wait3A_284] : memref<320000x128xf32, #tpu.memory_space<hbm>> -> memref<80x128xf32, #tpu.memory_space<hbm>>
        tpu.wait_dma2 semaphore(%arg26 : memref<!tpu.dma_semaphore, #tpu.memory_space<semaphore_mem>>) src(%arg14 : memref<80x128xf32, #tpu.memory_space<vmem>>) dst(%dma_wait3A_285 : memref<80x128xf32, #tpu.memory_space<hbm>>)
        %add3A_286 = arith.constant 2 : i32
        %add3A_287 = arith.addi %add3A_201, %add3A_286 : i32
        %dma_start3A_288 = arith.constant 0 : i32
        %dma_start3A_289 = tpu.memref_slice %arg7[%add3A_287, %dma_start3A_288] : memref<125x80xi32, #tpu.memory_space<vmem>> -> memref<1x80xi32, #tpu.memory_space<vmem>>
        %dma_start3A_290 = tpu.memref_squeeze %dma_start3A_289 : memref<1x80xi32, #tpu.memory_space<vmem>> -> memref<80xi32, #tpu.memory_space<vmem>>
        %dma_start3A_291 = arith.constant 0 : i32
        %dma_start3A_292 = arith.constant 0 : i32
        %dma_start3A_293 = tpu.memref_slice %arg2[%dma_start3A_291, %dma_start3A_292] : memref<10000x128xf32, #tpu.memory_space<hbm>> -> memref<10000x128xf32, #tpu.memory_space<hbm>>
        tpu.enqueue_indirect_dma source(%dma_start3A_293 : memref<10000x128xf32, #tpu.memory_space<hbm>>) target(%arg11 : memref<80x128xf32, #tpu.memory_space<vmem>>) offsets(%dma_start3A_290 : memref<80xi32, #tpu.memory_space<vmem>>) semaphore(%arg17 : memref<!tpu.dma_semaphore, #tpu.memory_space<semaphore_mem>>)
        %dma_start3A_294 = arith.constant 0 : i32
        %dma_start3A_295 = tpu.memref_slice %arg8[%add3A_287, %dma_start3A_294] : memref<125x80xi32, #tpu.memory_space<vmem>> -> memref<1x80xi32, #tpu.memory_space<vmem>>
        %dma_start3A_296 = tpu.memref_squeeze %dma_start3A_295 : memref<1x80xi32, #tpu.memory_space<vmem>> -> memref<80xi32, #tpu.memory_space<vmem>>
        %dma_start3A_297 = arith.constant 0 : i32
        %dma_start3A_298 = arith.constant 0 : i32
        %dma_start3A_299 = tpu.memref_slice %arg2[%dma_start3A_297, %dma_start3A_298] : memref<10000x128xf32, #tpu.memory_space<hbm>> -> memref<10000x128xf32, #tpu.memory_space<hbm>>
        tpu.enqueue_indirect_dma source(%dma_start3A_299 : memref<10000x128xf32, #tpu.memory_space<hbm>>) target(%arg14 : memref<80x128xf32, #tpu.memory_space<vmem>>) offsets(%dma_start3A_296 : memref<80xi32, #tpu.memory_space<vmem>>) semaphore(%arg20 : memref<!tpu.dma_semaphore, #tpu.memory_space<semaphore_mem>>)
      } else {
      }
      %mul3A_234 = arith.constant 3 : i32
      %mul3A_235 = arith.muli %mul3A_234, %scan3A_160 : i32
      %add3A_236 = arith.constant 2 : i32
      %add3A_237 = arith.addi %mul3A_235, %add3A_236 : i32
      %add3A_238 = arith.constant 2 : i32
      %add3A_239 = arith.addi %add3A_237, %add3A_238 : i32
      %dma_wait3A_240 = arith.constant 0 : i32
      %dma_wait3A_241 = tpu.memref_slice %arg7[%add3A_239, %dma_wait3A_240] : memref<125x80xi32, #tpu.memory_space<vmem>> -> memref<1x80xi32, #tpu.memory_space<vmem>>
      %dma_wait3A_242 = tpu.memref_squeeze %dma_wait3A_241 : memref<1x80xi32, #tpu.memory_space<vmem>> -> memref<80xi32, #tpu.memory_space<vmem>>
      %dma_wait3A_243 = arith.constant 0 : i32
      %dma_wait3A_244 = arith.constant 0 : i32
      %dma_wait3A_245 = tpu.memref_slice %arg2[%dma_wait3A_243, %dma_wait3A_244] : memref<10000x128xf32, #tpu.memory_space<hbm>> -> memref<10000x128xf32, #tpu.memory_space<hbm>>
      tpu.wait_indirect_dma semaphore(%arg16 : memref<!tpu.dma_semaphore, #tpu.memory_space<semaphore_mem>>) src(%dma_wait3A_245 : memref<10000x128xf32, #tpu.memory_space<hbm>>) dst(%arg10 : memref<80x128xf32, #tpu.memory_space<vmem>>)
      %dma_wait3A_246 = arith.constant 0 : i32
      %dma_wait3A_247 = tpu.memref_slice %arg8[%add3A_239, %dma_wait3A_246] : memref<125x80xi32, #tpu.memory_space<vmem>> -> memref<1x80xi32, #tpu.memory_space<vmem>>
      %dma_wait3A_248 = tpu.memref_squeeze %dma_wait3A_247 : memref<1x80xi32, #tpu.memory_space<vmem>> -> memref<80xi32, #tpu.memory_space<vmem>>
      %dma_wait3A_249 = arith.constant 0 : i32
      %dma_wait3A_250 = arith.constant 0 : i32
      %dma_wait3A_251 = tpu.memref_slice %arg2[%dma_wait3A_249, %dma_wait3A_250] : memref<10000x128xf32, #tpu.memory_space<hbm>> -> memref<10000x128xf32, #tpu.memory_space<hbm>>
      tpu.wait_indirect_dma semaphore(%arg19 : memref<!tpu.dma_semaphore, #tpu.memory_space<semaphore_mem>>) src(%dma_wait3A_251 : memref<10000x128xf32, #tpu.memory_space<hbm>>) dst(%arg13 : memref<80x128xf32, #tpu.memory_space<vmem>>)
      %mul3A_252 = arith.constant 10000 : i32
      %mul3A_253 = arith.muli %add3A, %mul3A_252 : i32
      %mul3A_254 = arith.constant 80 : i32
      %mul3A_255 = arith.muli %add3A_239, %mul3A_254 : i32
      %add3A_256 = arith.addi %mul3A_253, %mul3A_255 : i32
      %dma_start3A_257 = arith.constant 0 : i32
      %dma_start3A_258 = tpu.memref_slice %arg5[%add3A_256, %dma_start3A_257] : memref<320000x128xf32, #tpu.memory_space<hbm>> -> memref<80x128xf32, #tpu.memory_space<hbm>>
      %dma_start3A_259 = arith.constant 0 : i32
      %dma_start3A_260 = tpu.memref_slice %arg5[%add3A_256, %dma_start3A_259] : memref<320000x128xf32, #tpu.memory_space<hbm>> -> memref<80x128xf32, #tpu.memory_space<hbm>>
      tpu.enqueue_dma source(%arg10 : memref<80x128xf32, #tpu.memory_space<vmem>>) target(%dma_start3A_260 : memref<80x128xf32, #tpu.memory_space<hbm>>) target_semaphore(%arg22 : memref<!tpu.dma_semaphore, #tpu.memory_space<semaphore_mem>>)
      %dma_start3A_261 = arith.constant 0 : i32
      %dma_start3A_262 = tpu.memref_slice %arg6[%add3A_256, %dma_start3A_261] : memref<320000x128xf32, #tpu.memory_space<hbm>> -> memref<80x128xf32, #tpu.memory_space<hbm>>
      %dma_start3A_263 = arith.constant 0 : i32
      %dma_start3A_264 = tpu.memref_slice %arg6[%add3A_256, %dma_start3A_263] : memref<320000x128xf32, #tpu.memory_space<hbm>> -> memref<80x128xf32, #tpu.memory_space<hbm>>
      tpu.enqueue_dma source(%arg13 : memref<80x128xf32, #tpu.memory_space<vmem>>) target(%dma_start3A_264 : memref<80x128xf32, #tpu.memory_space<hbm>>) target_semaphore(%arg25 : memref<!tpu.dma_semaphore, #tpu.memory_space<semaphore_mem>>)
      %add3A_265 = arith.constant 2 : i32
      %add3A_266 = arith.addi %add3A_239, %add3A_265 : i32
      %lt3A_267 = arith.constant 125 : i32
      %lt3A_268 = arith.cmpi slt, %add3A_266, %lt3A_267 : i32
      %convert_element_type3A_269 = arith.extui %lt3A_268 : i1 to i32
      %cond3A_270 = arith.constant 0 : i32
      %cond3A_271 = arith.cmpi ne, %convert_element_type3A_269, %cond3A_270 : i32
      scf.if %cond3A_271 {
        %sub3A = arith.constant 1 : i32
        %sub3A_272 = arith.subi %add3A_239, %sub3A : i32
        %mul3A_273 = arith.constant 10000 : i32
        %mul3A_274 = arith.muli %add3A, %mul3A_273 : i32
        %mul3A_275 = arith.constant 80 : i32
        %mul3A_276 = arith.muli %sub3A_272, %mul3A_275 : i32
        %add3A_277 = arith.addi %mul3A_274, %mul3A_276 : i32
        %dma_wait3A_278 = arith.constant 0 : i32
        %dma_wait3A_279 = tpu.memref_slice %arg5[%add3A_277, %dma_wait3A_278] : memref<320000x128xf32, #tpu.memory_space<hbm>> -> memref<80x128xf32, #tpu.memory_space<hbm>>
        %dma_wait3A_280 = arith.constant 0 : i32
        %dma_wait3A_281 = tpu.memref_slice %arg5[%add3A_277, %dma_wait3A_280] : memref<320000x128xf32, #tpu.memory_space<hbm>> -> memref<80x128xf32, #tpu.memory_space<hbm>>
        tpu.wait_dma2 semaphore(%arg21 : memref<!tpu.dma_semaphore, #tpu.memory_space<semaphore_mem>>) src(%arg9 : memref<80x128xf32, #tpu.memory_space<vmem>>) dst(%dma_wait3A_281 : memref<80x128xf32, #tpu.memory_space<hbm>>)
        %dma_wait3A_282 = arith.constant 0 : i32
        %dma_wait3A_283 = tpu.memref_slice %arg6[%add3A_277, %dma_wait3A_282] : memref<320000x128xf32, #tpu.memory_space<hbm>> -> memref<80x128xf32, #tpu.memory_space<hbm>>
        %dma_wait3A_284 = arith.constant 0 : i32
        %dma_wait3A_285 = tpu.memref_slice %arg6[%add3A_277, %dma_wait3A_284] : memref<320000x128xf32, #tpu.memory_space<hbm>> -> memref<80x128xf32, #tpu.memory_space<hbm>>
        tpu.wait_dma2 semaphore(%arg24 : memref<!tpu.dma_semaphore, #tpu.memory_space<semaphore_mem>>) src(%arg12 : memref<80x128xf32, #tpu.memory_space<vmem>>) dst(%dma_wait3A_285 : memref<80x128xf32, #tpu.memory_space<hbm>>)
        %add3A_286 = arith.constant 2 : i32
        %add3A_287 = arith.addi %add3A_239, %add3A_286 : i32
        %dma_start3A_288 = arith.constant 0 : i32
        %dma_start3A_289 = tpu.memref_slice %arg7[%add3A_287, %dma_start3A_288] : memref<125x80xi32, #tpu.memory_space<vmem>> -> memref<1x80xi32, #tpu.memory_space<vmem>>
        %dma_start3A_290 = tpu.memref_squeeze %dma_start3A_289 : memref<1x80xi32, #tpu.memory_space<vmem>> -> memref<80xi32, #tpu.memory_space<vmem>>
        %dma_start3A_291 = arith.constant 0 : i32
        %dma_start3A_292 = arith.constant 0 : i32
        %dma_start3A_293 = tpu.memref_slice %arg2[%dma_start3A_291, %dma_start3A_292] : memref<10000x128xf32, #tpu.memory_space<hbm>> -> memref<10000x128xf32, #tpu.memory_space<hbm>>
        tpu.enqueue_indirect_dma source(%dma_start3A_293 : memref<10000x128xf32, #tpu.memory_space<hbm>>) target(%arg9 : memref<80x128xf32, #tpu.memory_space<vmem>>) offsets(%dma_start3A_290 : memref<80xi32, #tpu.memory_space<vmem>>) semaphore(%arg15 : memref<!tpu.dma_semaphore, #tpu.memory_space<semaphore_mem>>)
        %dma_start3A_294 = arith.constant 0 : i32
        %dma_start3A_295 = tpu.memref_slice %arg8[%add3A_287, %dma_start3A_294] : memref<125x80xi32, #tpu.memory_space<vmem>> -> memref<1x80xi32, #tpu.memory_space<vmem>>
        %dma_start3A_296 = tpu.memref_squeeze %dma_start3A_295 : memref<1x80xi32, #tpu.memory_space<vmem>> -> memref<80xi32, #tpu.memory_space<vmem>>
        %dma_start3A_297 = arith.constant 0 : i32
        %dma_start3A_298 = arith.constant 0 : i32
        %dma_start3A_299 = tpu.memref_slice %arg2[%dma_start3A_297, %dma_start3A_298] : memref<10000x128xf32, #tpu.memory_space<hbm>> -> memref<10000x128xf32, #tpu.memory_space<hbm>>
        tpu.enqueue_indirect_dma source(%dma_start3A_299 : memref<10000x128xf32, #tpu.memory_space<hbm>>) target(%arg12 : memref<80x128xf32, #tpu.memory_space<vmem>>) offsets(%dma_start3A_296 : memref<80xi32, #tpu.memory_space<vmem>>) semaphore(%arg18 : memref<!tpu.dma_semaphore, #tpu.memory_space<semaphore_mem>>)
      } else {
      }
    }
    %scan3A_123 = arith.constant 41 : i32
    %mul3A_124 = arith.constant 10000 : i32
    %mul3A_125 = arith.muli %add3A, %mul3A_124 : i32
    %add3A_126 = arith.constant 9760 : i32
    %add3A_127 = arith.addi %mul3A_125, %add3A_126 : i32
    %dma_wait3A_128 = arith.constant 0 : i32
    %dma_wait3A_129 = tpu.memref_slice %arg5[%add3A_127, %dma_wait3A_128] : memref<320000x128xf32, #tpu.memory_space<hbm>> -> memref<80x128xf32, #tpu.memory_space<hbm>>
    %dma_wait3A_130 = arith.constant 0 : i32
    %dma_wait3A_131 = tpu.memref_slice %arg5[%add3A_127, %dma_wait3A_130] : memref<320000x128xf32, #tpu.memory_space<hbm>> -> memref<80x128xf32, #tpu.memory_space<hbm>>
    tpu.wait_dma2 semaphore(%arg23 : memref<!tpu.dma_semaphore, #tpu.memory_space<semaphore_mem>>) src(%arg11 : memref<80x128xf32, #tpu.memory_space<vmem>>) dst(%dma_wait3A_131 : memref<80x128xf32, #tpu.memory_space<hbm>>)
    %dma_wait3A_132 = arith.constant 0 : i32
    %dma_wait3A_133 = tpu.memref_slice %arg6[%add3A_127, %dma_wait3A_132] : memref<320000x128xf32, #tpu.memory_space<hbm>> -> memref<80x128xf32, #tpu.memory_space<hbm>>
    %dma_wait3A_134 = arith.constant 0 : i32
    %dma_wait3A_135 = tpu.memref_slice %arg6[%add3A_127, %dma_wait3A_134] : memref<320000x128xf32, #tpu.memory_space<hbm>> -> memref<80x128xf32, #tpu.memory_space<hbm>>
    tpu.wait_dma2 semaphore(%arg26 : memref<!tpu.dma_semaphore, #tpu.memory_space<semaphore_mem>>) src(%arg14 : memref<80x128xf32, #tpu.memory_space<vmem>>) dst(%dma_wait3A_135 : memref<80x128xf32, #tpu.memory_space<hbm>>)
    %mul3A_136 = arith.constant 10000 : i32
    %mul3A_137 = arith.muli %add3A, %mul3A_136 : i32
    %add3A_138 = arith.constant 9840 : i32
    %add3A_139 = arith.addi %mul3A_137, %add3A_138 : i32
    %dma_wait3A_140 = arith.constant 0 : i32
    %dma_wait3A_141 = tpu.memref_slice %arg5[%add3A_139, %dma_wait3A_140] : memref<320000x128xf32, #tpu.memory_space<hbm>> -> memref<80x128xf32, #tpu.memory_space<hbm>>
    %dma_wait3A_142 = arith.constant 0 : i32
    %dma_wait3A_143 = tpu.memref_slice %arg5[%add3A_139, %dma_wait3A_142] : memref<320000x128xf32, #tpu.memory_space<hbm>> -> memref<80x128xf32, #tpu.memory_space<hbm>>
    tpu.wait_dma2 semaphore(%arg21 : memref<!tpu.dma_semaphore, #tpu.memory_space<semaphore_mem>>) src(%arg9 : memref<80x128xf32, #tpu.memory_space<vmem>>) dst(%dma_wait3A_143 : memref<80x128xf32, #tpu.memory_space<hbm>>)
    %dma_wait3A_144 = arith.constant 0 : i32
    %dma_wait3A_145 = tpu.memref_slice %arg6[%add3A_139, %dma_wait3A_144] : memref<320000x128xf32, #tpu.memory_space<hbm>> -> memref<80x128xf32, #tpu.memory_space<hbm>>
    %dma_wait3A_146 = arith.constant 0 : i32
    %dma_wait3A_147 = tpu.memref_slice %arg6[%add3A_139, %dma_wait3A_146] : memref<320000x128xf32, #tpu.memory_space<hbm>> -> memref<80x128xf32, #tpu.memory_space<hbm>>
    tpu.wait_dma2 semaphore(%arg24 : memref<!tpu.dma_semaphore, #tpu.memory_space<semaphore_mem>>) src(%arg12 : memref<80x128xf32, #tpu.memory_space<vmem>>) dst(%dma_wait3A_147 : memref<80x128xf32, #tpu.memory_space<hbm>>)
    %mul3A_148 = arith.constant 10000 : i32
    %mul3A_149 = arith.muli %add3A, %mul3A_148 : i32
    %add3A_150 = arith.constant 9920 : i32
    %add3A_151 = arith.addi %mul3A_149, %add3A_150 : i32
    %dma_wait3A_152 = arith.constant 0 : i32
    %dma_wait3A_153 = tpu.memref_slice %arg5[%add3A_151, %dma_wait3A_152] : memref<320000x128xf32, #tpu.memory_space<hbm>> -> memref<80x128xf32, #tpu.memory_space<hbm>>
    %dma_wait3A_154 = arith.constant 0 : i32
    %dma_wait3A_155 = tpu.memref_slice %arg5[%add3A_151, %dma_wait3A_154] : memref<320000x128xf32, #tpu.memory_space<hbm>> -> memref<80x128xf32, #tpu.memory_space<hbm>>
    tpu.wait_dma2 semaphore(%arg22 : memref<!tpu.dma_semaphore, #tpu.memory_space<semaphore_mem>>) src(%arg10 : memref<80x128xf32, #tpu.memory_space<vmem>>) dst(%dma_wait3A_155 : memref<80x128xf32, #tpu.memory_space<hbm>>)
    %dma_wait3A_156 = arith.constant 0 : i32
    %dma_wait3A_157 = tpu.memref_slice %arg6[%add3A_151, %dma_wait3A_156] : memref<320000x128xf32, #tpu.memory_space<hbm>> -> memref<80x128xf32, #tpu.memory_space<hbm>>
    %dma_wait3A_158 = arith.constant 0 : i32
    %dma_wait3A_159 = tpu.memref_slice %arg6[%add3A_151, %dma_wait3A_158] : memref<320000x128xf32, #tpu.memory_space<hbm>> -> memref<80x128xf32, #tpu.memory_space<hbm>>
    tpu.wait_dma2 semaphore(%arg25 : memref<!tpu.dma_semaphore, #tpu.memory_space<semaphore_mem>>) src(%arg13 : memref<80x128xf32, #tpu.memory_space<vmem>>) dst(%dma_wait3A_159 : memref<80x128xf32, #tpu.memory_space<hbm>>)
    return
  }
}

#map = affine_map<(d0, d1) -> (0, 0)>
#map1 = affine_map<(d0, d1) -> (0, 0, 0)>
module attributes {stable_mosaic.version = 14 : i64} {
  func.func @k(%arg0: i32, %arg1: i32, %arg2: memref<320000x128xf32, #tpu.memory_space<hbm>>, %arg3: memref<32x125x80xi32, #tpu.memory_space<hbm>>, %arg4: memref<10240x128xf32, #tpu.memory_space<hbm>>, %arg5: memref<20480x128xf32, #tpu.memory_space<hbm>>, %arg6: memref<125x80xi32, #tpu.memory_space<vmem>>, %arg7: memref<80x128xf32, #tpu.memory_space<vmem>>, %arg8: memref<80x128xf32, #tpu.memory_space<vmem>>, %arg9: memref<10240x128xf32, #tpu.memory_space<vmem_shared>>, %arg10: memref<!tpu.dma_semaphore, #tpu.memory_space<semaphore_mem>>, %arg11: memref<!tpu.dma_semaphore, #tpu.memory_space<semaphore_mem>>) attributes {dimension_semantics = [#tpu.dimension_semantics<core_parallel>, #tpu.dimension_semantics<subcore_parallel>], iteration_bounds = array<i64: 2, 16>, scalar_prefetch = 0 : i64, scratch_operands = 6 : i64, tpu.core_type = #tpu.core_type<sc_vector_subcore>, window_params = [{transform_indices = #map}, {transform_indices = #map1}, {transform_indices = #map}, {transform_indices = #map}]} {
    %mul3A = arith.constant 2 : i32
    %mul3A_0 = arith.muli %arg1, %mul3A : i32
    %add3A = arith.addi %mul3A_0, %arg0 : i32
    %mul3A_1 = arith.constant 640 : i32
    %mul3A_2 = arith.muli %arg1, %mul3A_1 : i32
    "tpu.region"() ({
      %run_scoped3A_34 = tpu.sem_alloc : memref<!tpu.dma_semaphore, #tpu.memory_space<semaphore_mem>>
      %dma_start3A_35 = arith.constant 0 : i32
      %dma_start3A_36 = tpu.memref_slice %arg9[%mul3A_2, %dma_start3A_35] : memref<10240x128xf32, #tpu.memory_space<vmem_shared>> -> memref<640x128xf32, #tpu.memory_space<vmem_shared>>
      %dma_start3A_37 = arith.constant 0 : i32
      %dma_start3A_38 = tpu.memref_slice %arg4[%mul3A_2, %dma_start3A_37] : memref<10240x128xf32, #tpu.memory_space<hbm>> -> memref<640x128xf32, #tpu.memory_space<hbm>>
      tpu.enqueue_dma source(%dma_start3A_38 : memref<640x128xf32, #tpu.memory_space<hbm>>) target(%dma_start3A_36 : memref<640x128xf32, #tpu.memory_space<vmem_shared>>) target_semaphore(%run_scoped3A_34 : memref<!tpu.dma_semaphore, #tpu.memory_space<semaphore_mem>>)
      %dma_wait3A_39 = arith.constant 0 : i32
      %dma_wait3A_40 = tpu.memref_slice %arg9[%mul3A_2, %dma_wait3A_39] : memref<10240x128xf32, #tpu.memory_space<vmem_shared>> -> memref<640x128xf32, #tpu.memory_space<vmem_shared>>
      %dma_wait3A_41 = arith.constant 0 : i32
      %dma_wait3A_42 = tpu.memref_slice %arg4[%mul3A_2, %dma_wait3A_41] : memref<10240x128xf32, #tpu.memory_space<hbm>> -> memref<640x128xf32, #tpu.memory_space<hbm>>
      tpu.wait_dma2 semaphore(%run_scoped3A_34 : memref<!tpu.dma_semaphore, #tpu.memory_space<semaphore_mem>>) src(%dma_wait3A_42 : memref<640x128xf32, #tpu.memory_space<hbm>>) dst(%dma_wait3A_40 : memref<640x128xf32, #tpu.memory_space<vmem_shared>>)
      tpu.yield
    }) : () -> ()
    "tpu.region"() ({
      %run_scoped3A_34 = tpu.sem_alloc : memref<!tpu.dma_semaphore, #tpu.memory_space<semaphore_mem>>
      %dma_start3A_35 = arith.constant 0 : i32
      %dma_start3A_36 = arith.constant 0 : i32
      %dma_start3A_37 = tpu.memref_slice %arg3[%add3A, %dma_start3A_35, %dma_start3A_36] : memref<32x125x80xi32, #tpu.memory_space<hbm>> -> memref<1x125x80xi32, #tpu.memory_space<hbm>>
      %dma_start3A_38 = tpu.memref_squeeze %dma_start3A_37 : memref<1x125x80xi32, #tpu.memory_space<hbm>> -> memref<125x80xi32, #tpu.memory_space<hbm>>
      %dma_start3A_39 = arith.constant 0 : i32
      %dma_start3A_40 = arith.constant 0 : i32
      %dma_start3A_41 = tpu.memref_slice %arg3[%add3A, %dma_start3A_39, %dma_start3A_40] : memref<32x125x80xi32, #tpu.memory_space<hbm>> -> memref<1x125x80xi32, #tpu.memory_space<hbm>>
      %dma_start3A_42 = tpu.memref_squeeze %dma_start3A_41 : memref<1x125x80xi32, #tpu.memory_space<hbm>> -> memref<125x80xi32, #tpu.memory_space<hbm>>
      tpu.enqueue_dma source(%dma_start3A_42 : memref<125x80xi32, #tpu.memory_space<hbm>>) target(%arg6 : memref<125x80xi32, #tpu.memory_space<vmem>>) target_semaphore(%run_scoped3A_34 : memref<!tpu.dma_semaphore, #tpu.memory_space<semaphore_mem>>)
      %dma_wait3A_43 = arith.constant 0 : i32
      %dma_wait3A_44 = arith.constant 0 : i32
      %dma_wait3A_45 = tpu.memref_slice %arg3[%add3A, %dma_wait3A_43, %dma_wait3A_44] : memref<32x125x80xi32, #tpu.memory_space<hbm>> -> memref<1x125x80xi32, #tpu.memory_space<hbm>>
      %dma_wait3A_46 = tpu.memref_squeeze %dma_wait3A_45 : memref<1x125x80xi32, #tpu.memory_space<hbm>> -> memref<125x80xi32, #tpu.memory_space<hbm>>
      %dma_wait3A_47 = arith.constant 0 : i32
      %dma_wait3A_48 = arith.constant 0 : i32
      %dma_wait3A_49 = tpu.memref_slice %arg3[%add3A, %dma_wait3A_47, %dma_wait3A_48] : memref<32x125x80xi32, #tpu.memory_space<hbm>> -> memref<1x125x80xi32, #tpu.memory_space<hbm>>
      %dma_wait3A_50 = tpu.memref_squeeze %dma_wait3A_49 : memref<1x125x80xi32, #tpu.memory_space<hbm>> -> memref<125x80xi32, #tpu.memory_space<hbm>>
      tpu.wait_dma2 semaphore(%run_scoped3A_34 : memref<!tpu.dma_semaphore, #tpu.memory_space<semaphore_mem>>) src(%dma_wait3A_50 : memref<125x80xi32, #tpu.memory_space<hbm>>) dst(%arg6 : memref<125x80xi32, #tpu.memory_space<vmem>>)
      tpu.yield
    }) : () -> ()
    %barrier3A = arith.constant 0 : index
    tpu.barrier barrier_id(%barrier3A)
    %mul3A_3 = arith.constant 10000 : i32
    %mul3A_4 = arith.muli %add3A, %mul3A_3 : i32
    %add3A_5 = arith.constant 0 : i32
    %add3A_6 = arith.addi %mul3A_4, %add3A_5 : i32
    %dma_start3A = arith.constant 0 : i32
    %dma_start3A_7 = tpu.memref_slice %arg2[%add3A_6, %dma_start3A] : memref<320000x128xf32, #tpu.memory_space<hbm>> -> memref<80x128xf32, #tpu.memory_space<hbm>>
    %dma_start3A_8 = arith.constant 0 : i32
    %dma_start3A_9 = tpu.memref_slice %arg2[%add3A_6, %dma_start3A_8] : memref<320000x128xf32, #tpu.memory_space<hbm>> -> memref<80x128xf32, #tpu.memory_space<hbm>>
    tpu.enqueue_dma source(%dma_start3A_9 : memref<80x128xf32, #tpu.memory_space<hbm>>) target(%arg7 : memref<80x128xf32, #tpu.memory_space<vmem>>) target_semaphore(%arg10 : memref<!tpu.dma_semaphore, #tpu.memory_space<semaphore_mem>>)
    %mul3A_10 = arith.constant 10000 : i32
    %mul3A_11 = arith.muli %add3A, %mul3A_10 : i32
    %add3A_12 = arith.constant 80 : i32
    %add3A_13 = arith.addi %mul3A_11, %add3A_12 : i32
    %dma_start3A_14 = arith.constant 0 : i32
    %dma_start3A_15 = tpu.memref_slice %arg2[%add3A_13, %dma_start3A_14] : memref<320000x128xf32, #tpu.memory_space<hbm>> -> memref<80x128xf32, #tpu.memory_space<hbm>>
    %dma_start3A_16 = arith.constant 0 : i32
    %dma_start3A_17 = tpu.memref_slice %arg2[%add3A_13, %dma_start3A_16] : memref<320000x128xf32, #tpu.memory_space<hbm>> -> memref<80x128xf32, #tpu.memory_space<hbm>>
    tpu.enqueue_dma source(%dma_start3A_17 : memref<80x128xf32, #tpu.memory_space<hbm>>) target(%arg8 : memref<80x128xf32, #tpu.memory_space<vmem>>) target_semaphore(%arg11 : memref<!tpu.dma_semaphore, #tpu.memory_space<semaphore_mem>>)
    %scan3A = arith.constant 0 : i32
    %scan3A_18 = arith.constant 0 : i32
    %scan3A_19 = arith.constant 62 : i32
    %scan3A_20 = arith.addi %scan3A_18, %scan3A_19 : i32
    %scan3A_21 = arith.constant 1 : i32
    scf.for %scan3A_34 = %scan3A_18 to %scan3A_20 step %scan3A_21  : i32 {
      %mul3A_35 = arith.constant 2 : i32
      %mul3A_36 = arith.muli %mul3A_35, %scan3A_34 : i32
      %mul3A_37 = arith.constant 10000 : i32
      %mul3A_38 = arith.muli %add3A, %mul3A_37 : i32
      %mul3A_39 = arith.constant 80 : i32
      %mul3A_40 = arith.muli %mul3A_36, %mul3A_39 : i32
      %add3A_41 = arith.addi %mul3A_38, %mul3A_40 : i32
      %dma_wait3A_42 = arith.constant 0 : i32
      %dma_wait3A_43 = tpu.memref_slice %arg2[%add3A_41, %dma_wait3A_42] : memref<320000x128xf32, #tpu.memory_space<hbm>> -> memref<80x128xf32, #tpu.memory_space<hbm>>
      %dma_wait3A_44 = arith.constant 0 : i32
      %dma_wait3A_45 = tpu.memref_slice %arg2[%add3A_41, %dma_wait3A_44] : memref<320000x128xf32, #tpu.memory_space<hbm>> -> memref<80x128xf32, #tpu.memory_space<hbm>>
      tpu.wait_dma2 semaphore(%arg10 : memref<!tpu.dma_semaphore, #tpu.memory_space<semaphore_mem>>) src(%dma_wait3A_45 : memref<80x128xf32, #tpu.memory_space<hbm>>) dst(%arg7 : memref<80x128xf32, #tpu.memory_space<vmem>>)
      "tpu.region"() ({
        %run_scoped3A_70 = tpu.sem_alloc : memref<!tpu.dma_semaphore, #tpu.memory_space<semaphore_mem>>
        %dma_start3A_71 = arith.constant 0 : i32
        %dma_start3A_72 = tpu.memref_slice %arg6[%mul3A_36, %dma_start3A_71] : memref<125x80xi32, #tpu.memory_space<vmem>> -> memref<1x80xi32, #tpu.memory_space<vmem>>
        %dma_start3A_73 = tpu.memref_squeeze %dma_start3A_72 : memref<1x80xi32, #tpu.memory_space<vmem>> -> memref<80xi32, #tpu.memory_space<vmem>>
        %dma_start3A_74 = arith.constant 0 : i32
        %dma_start3A_75 = arith.constant 0 : i32
        %dma_start3A_76 = tpu.memref_slice %arg9[%dma_start3A_74, %dma_start3A_75] : memref<10240x128xf32, #tpu.memory_space<vmem_shared>> -> memref<10240x128xf32, #tpu.memory_space<vmem_shared>>
        tpu.enqueue_indirect_dma source(%arg7 : memref<80x128xf32, #tpu.memory_space<vmem>>) target(%dma_start3A_76 : memref<10240x128xf32, #tpu.memory_space<vmem_shared>>) offsets(%dma_start3A_73 : memref<80xi32, #tpu.memory_space<vmem>>) semaphore(%run_scoped3A_70 : memref<!tpu.dma_semaphore, #tpu.memory_space<semaphore_mem>>) {add = true}
        %dma_wait3A_77 = arith.constant 0 : i32
        %dma_wait3A_78 = tpu.memref_slice %arg6[%mul3A_36, %dma_wait3A_77] : memref<125x80xi32, #tpu.memory_space<vmem>> -> memref<1x80xi32, #tpu.memory_space<vmem>>
        %dma_wait3A_79 = tpu.memref_squeeze %dma_wait3A_78 : memref<1x80xi32, #tpu.memory_space<vmem>> -> memref<80xi32, #tpu.memory_space<vmem>>
        %dma_wait3A_80 = arith.constant 0 : i32
        %dma_wait3A_81 = arith.constant 0 : i32
        %dma_wait3A_82 = tpu.memref_slice %arg9[%dma_wait3A_80, %dma_wait3A_81] : memref<10240x128xf32, #tpu.memory_space<vmem_shared>> -> memref<10240x128xf32, #tpu.memory_space<vmem_shared>>
        tpu.wait_indirect_dma semaphore(%run_scoped3A_70 : memref<!tpu.dma_semaphore, #tpu.memory_space<semaphore_mem>>) src(%arg7 : memref<80x128xf32, #tpu.memory_space<vmem>>) dst(%dma_wait3A_82 : memref<10240x128xf32, #tpu.memory_space<vmem_shared>>)
        tpu.yield
      }) : () -> ()
      %add3A_46 = arith.constant 2 : i32
      %add3A_47 = arith.addi %mul3A_36, %add3A_46 : i32
      %lt3A = arith.constant 125 : i32
      %lt3A_48 = arith.cmpi slt, %add3A_47, %lt3A : i32
      %convert_element_type3A = arith.extui %lt3A_48 : i1 to i32
      %cond3A = arith.constant 0 : i32
      %cond3A_49 = arith.cmpi ne, %convert_element_type3A, %cond3A : i32
      scf.if %cond3A_49 {
        %add3A_70 = arith.constant 160 : i32
        %add3A_71 = arith.addi %add3A_41, %add3A_70 : i32
        %dma_start3A_72 = arith.constant 0 : i32
        %dma_start3A_73 = tpu.memref_slice %arg2[%add3A_71, %dma_start3A_72] : memref<320000x128xf32, #tpu.memory_space<hbm>> -> memref<80x128xf32, #tpu.memory_space<hbm>>
        %dma_start3A_74 = arith.constant 0 : i32
        %dma_start3A_75 = tpu.memref_slice %arg2[%add3A_71, %dma_start3A_74] : memref<320000x128xf32, #tpu.memory_space<hbm>> -> memref<80x128xf32, #tpu.memory_space<hbm>>
        tpu.enqueue_dma source(%dma_start3A_75 : memref<80x128xf32, #tpu.memory_space<hbm>>) target(%arg7 : memref<80x128xf32, #tpu.memory_space<vmem>>) target_semaphore(%arg10 : memref<!tpu.dma_semaphore, #tpu.memory_space<semaphore_mem>>)
      } else {
      }
      %mul3A_50 = arith.constant 2 : i32
      %mul3A_51 = arith.muli %mul3A_50, %scan3A_34 : i32
      %add3A_52 = arith.constant 1 : i32
      %add3A_53 = arith.addi %mul3A_51, %add3A_52 : i32
      %mul3A_54 = arith.constant 10000 : i32
      %mul3A_55 = arith.muli %add3A, %mul3A_54 : i32
      %mul3A_56 = arith.constant 80 : i32
      %mul3A_57 = arith.muli %add3A_53, %mul3A_56 : i32
      %add3A_58 = arith.addi %mul3A_55, %mul3A_57 : i32
      %dma_wait3A_59 = arith.constant 0 : i32
      %dma_wait3A_60 = tpu.memref_slice %arg2[%add3A_58, %dma_wait3A_59] : memref<320000x128xf32, #tpu.memory_space<hbm>> -> memref<80x128xf32, #tpu.memory_space<hbm>>
      %dma_wait3A_61 = arith.constant 0 : i32
      %dma_wait3A_62 = tpu.memref_slice %arg2[%add3A_58, %dma_wait3A_61] : memref<320000x128xf32, #tpu.memory_space<hbm>> -> memref<80x128xf32, #tpu.memory_space<hbm>>
      tpu.wait_dma2 semaphore(%arg11 : memref<!tpu.dma_semaphore, #tpu.memory_space<semaphore_mem>>) src(%dma_wait3A_62 : memref<80x128xf32, #tpu.memory_space<hbm>>) dst(%arg8 : memref<80x128xf32, #tpu.memory_space<vmem>>)
      "tpu.region"() ({
        %run_scoped3A_70 = tpu.sem_alloc : memref<!tpu.dma_semaphore, #tpu.memory_space<semaphore_mem>>
        %dma_start3A_71 = arith.constant 0 : i32
        %dma_start3A_72 = tpu.memref_slice %arg6[%add3A_53, %dma_start3A_71] : memref<125x80xi32, #tpu.memory_space<vmem>> -> memref<1x80xi32, #tpu.memory_space<vmem>>
        %dma_start3A_73 = tpu.memref_squeeze %dma_start3A_72 : memref<1x80xi32, #tpu.memory_space<vmem>> -> memref<80xi32, #tpu.memory_space<vmem>>
        %dma_start3A_74 = arith.constant 0 : i32
        %dma_start3A_75 = arith.constant 0 : i32
        %dma_start3A_76 = tpu.memref_slice %arg9[%dma_start3A_74, %dma_start3A_75] : memref<10240x128xf32, #tpu.memory_space<vmem_shared>> -> memref<10240x128xf32, #tpu.memory_space<vmem_shared>>
        tpu.enqueue_indirect_dma source(%arg8 : memref<80x128xf32, #tpu.memory_space<vmem>>) target(%dma_start3A_76 : memref<10240x128xf32, #tpu.memory_space<vmem_shared>>) offsets(%dma_start3A_73 : memref<80xi32, #tpu.memory_space<vmem>>) semaphore(%run_scoped3A_70 : memref<!tpu.dma_semaphore, #tpu.memory_space<semaphore_mem>>) {add = true}
        %dma_wait3A_77 = arith.constant 0 : i32
        %dma_wait3A_78 = tpu.memref_slice %arg6[%add3A_53, %dma_wait3A_77] : memref<125x80xi32, #tpu.memory_space<vmem>> -> memref<1x80xi32, #tpu.memory_space<vmem>>
        %dma_wait3A_79 = tpu.memref_squeeze %dma_wait3A_78 : memref<1x80xi32, #tpu.memory_space<vmem>> -> memref<80xi32, #tpu.memory_space<vmem>>
        %dma_wait3A_80 = arith.constant 0 : i32
        %dma_wait3A_81 = arith.constant 0 : i32
        %dma_wait3A_82 = tpu.memref_slice %arg9[%dma_wait3A_80, %dma_wait3A_81] : memref<10240x128xf32, #tpu.memory_space<vmem_shared>> -> memref<10240x128xf32, #tpu.memory_space<vmem_shared>>
        tpu.wait_indirect_dma semaphore(%run_scoped3A_70 : memref<!tpu.dma_semaphore, #tpu.memory_space<semaphore_mem>>) src(%arg8 : memref<80x128xf32, #tpu.memory_space<vmem>>) dst(%dma_wait3A_82 : memref<10240x128xf32, #tpu.memory_space<vmem_shared>>)
        tpu.yield
      }) : () -> ()
      %add3A_63 = arith.constant 2 : i32
      %add3A_64 = arith.addi %add3A_53, %add3A_63 : i32
      %lt3A_65 = arith.constant 125 : i32
      %lt3A_66 = arith.cmpi slt, %add3A_64, %lt3A_65 : i32
      %convert_element_type3A_67 = arith.extui %lt3A_66 : i1 to i32
      %cond3A_68 = arith.constant 0 : i32
      %cond3A_69 = arith.cmpi ne, %convert_element_type3A_67, %cond3A_68 : i32
      scf.if %cond3A_69 {
        %add3A_70 = arith.constant 160 : i32
        %add3A_71 = arith.addi %add3A_58, %add3A_70 : i32
        %dma_start3A_72 = arith.constant 0 : i32
        %dma_start3A_73 = tpu.memref_slice %arg2[%add3A_71, %dma_start3A_72] : memref<320000x128xf32, #tpu.memory_space<hbm>> -> memref<80x128xf32, #tpu.memory_space<hbm>>
        %dma_start3A_74 = arith.constant 0 : i32
        %dma_start3A_75 = tpu.memref_slice %arg2[%add3A_71, %dma_start3A_74] : memref<320000x128xf32, #tpu.memory_space<hbm>> -> memref<80x128xf32, #tpu.memory_space<hbm>>
        tpu.enqueue_dma source(%dma_start3A_75 : memref<80x128xf32, #tpu.memory_space<hbm>>) target(%arg8 : memref<80x128xf32, #tpu.memory_space<vmem>>) target_semaphore(%arg11 : memref<!tpu.dma_semaphore, #tpu.memory_space<semaphore_mem>>)
      } else {
      }
    }
    %scan3A_22 = arith.constant 62 : i32
    %mul3A_23 = arith.constant 10000 : i32
    %mul3A_24 = arith.muli %add3A, %mul3A_23 : i32
    %add3A_25 = arith.constant 9920 : i32
    %add3A_26 = arith.addi %mul3A_24, %add3A_25 : i32
    %dma_wait3A = arith.constant 0 : i32
    %dma_wait3A_27 = tpu.memref_slice %arg2[%add3A_26, %dma_wait3A] : memref<320000x128xf32, #tpu.memory_space<hbm>> -> memref<80x128xf32, #tpu.memory_space<hbm>>
    %dma_wait3A_28 = arith.constant 0 : i32
    %dma_wait3A_29 = tpu.memref_slice %arg2[%add3A_26, %dma_wait3A_28] : memref<320000x128xf32, #tpu.memory_space<hbm>> -> memref<80x128xf32, #tpu.memory_space<hbm>>
    tpu.wait_dma2 semaphore(%arg10 : memref<!tpu.dma_semaphore, #tpu.memory_space<semaphore_mem>>) src(%dma_wait3A_29 : memref<80x128xf32, #tpu.memory_space<hbm>>) dst(%arg7 : memref<80x128xf32, #tpu.memory_space<vmem>>)
    %run_scoped3A = arith.constant 124 : i32
    "tpu.region"() ({
      %run_scoped3A_34 = tpu.sem_alloc : memref<!tpu.dma_semaphore, #tpu.memory_space<semaphore_mem>>
      %dma_start3A_35 = arith.constant 0 : i32
      %dma_start3A_36 = tpu.memref_slice %arg6[%run_scoped3A, %dma_start3A_35] : memref<125x80xi32, #tpu.memory_space<vmem>> -> memref<1x80xi32, #tpu.memory_space<vmem>>
      %dma_start3A_37 = tpu.memref_squeeze %dma_start3A_36 : memref<1x80xi32, #tpu.memory_space<vmem>> -> memref<80xi32, #tpu.memory_space<vmem>>
      %dma_start3A_38 = arith.constant 0 : i32
      %dma_start3A_39 = arith.constant 0 : i32
      %dma_start3A_40 = tpu.memref_slice %arg9[%dma_start3A_38, %dma_start3A_39] : memref<10240x128xf32, #tpu.memory_space<vmem_shared>> -> memref<10240x128xf32, #tpu.memory_space<vmem_shared>>
      tpu.enqueue_indirect_dma source(%arg7 : memref<80x128xf32, #tpu.memory_space<vmem>>) target(%dma_start3A_40 : memref<10240x128xf32, #tpu.memory_space<vmem_shared>>) offsets(%dma_start3A_37 : memref<80xi32, #tpu.memory_space<vmem>>) semaphore(%run_scoped3A_34 : memref<!tpu.dma_semaphore, #tpu.memory_space<semaphore_mem>>) {add = true}
      %dma_wait3A_41 = arith.constant 0 : i32
      %dma_wait3A_42 = tpu.memref_slice %arg6[%run_scoped3A, %dma_wait3A_41] : memref<125x80xi32, #tpu.memory_space<vmem>> -> memref<1x80xi32, #tpu.memory_space<vmem>>
      %dma_wait3A_43 = tpu.memref_squeeze %dma_wait3A_42 : memref<1x80xi32, #tpu.memory_space<vmem>> -> memref<80xi32, #tpu.memory_space<vmem>>
      %dma_wait3A_44 = arith.constant 0 : i32
      %dma_wait3A_45 = arith.constant 0 : i32
      %dma_wait3A_46 = tpu.memref_slice %arg9[%dma_wait3A_44, %dma_wait3A_45] : memref<10240x128xf32, #tpu.memory_space<vmem_shared>> -> memref<10240x128xf32, #tpu.memory_space<vmem_shared>>
      tpu.wait_indirect_dma semaphore(%run_scoped3A_34 : memref<!tpu.dma_semaphore, #tpu.memory_space<semaphore_mem>>) src(%arg7 : memref<80x128xf32, #tpu.memory_space<vmem>>) dst(%dma_wait3A_46 : memref<10240x128xf32, #tpu.memory_space<vmem_shared>>)
      tpu.yield
    }) : () -> ()
    %barrier3A_30 = arith.constant 0 : index
    tpu.barrier barrier_id(%barrier3A_30)
    %mul3A_31 = arith.constant 10240 : i32
    %mul3A_32 = arith.muli %arg0, %mul3A_31 : i32
    %add3A_33 = arith.addi %mul3A_32, %mul3A_2 : i32
    "tpu.region"() ({
      %run_scoped3A_34 = tpu.sem_alloc : memref<!tpu.dma_semaphore, #tpu.memory_space<semaphore_mem>>
      %dma_start3A_35 = arith.constant 0 : i32
      %dma_start3A_36 = tpu.memref_slice %arg5[%add3A_33, %dma_start3A_35] : memref<20480x128xf32, #tpu.memory_space<hbm>> -> memref<640x128xf32, #tpu.memory_space<hbm>>
      %dma_start3A_37 = arith.constant 0 : i32
      %dma_start3A_38 = tpu.memref_slice %arg9[%mul3A_2, %dma_start3A_37] : memref<10240x128xf32, #tpu.memory_space<vmem_shared>> -> memref<640x128xf32, #tpu.memory_space<vmem_shared>>
      tpu.enqueue_dma source(%dma_start3A_38 : memref<640x128xf32, #tpu.memory_space<vmem_shared>>) target(%dma_start3A_36 : memref<640x128xf32, #tpu.memory_space<hbm>>) target_semaphore(%run_scoped3A_34 : memref<!tpu.dma_semaphore, #tpu.memory_space<semaphore_mem>>)
      %dma_wait3A_39 = arith.constant 0 : i32
      %dma_wait3A_40 = tpu.memref_slice %arg5[%add3A_33, %dma_wait3A_39] : memref<20480x128xf32, #tpu.memory_space<hbm>> -> memref<640x128xf32, #tpu.memory_space<hbm>>
      %dma_wait3A_41 = arith.constant 0 : i32
      %dma_wait3A_42 = tpu.memref_slice %arg9[%mul3A_2, %dma_wait3A_41] : memref<10240x128xf32, #tpu.memory_space<vmem_shared>> -> memref<640x128xf32, #tpu.memory_space<vmem_shared>>
      tpu.wait_dma2 semaphore(%run_scoped3A_34 : memref<!tpu.dma_semaphore, #tpu.memory_space<semaphore_mem>>) src(%dma_wait3A_42 : memref<640x128xf32, #tpu.memory_space<vmem_shared>>) dst(%dma_wait3A_40 : memref<640x128xf32, #tpu.memory_space<hbm>>)
      tpu.yield
    }) : () -> ()
    return
  }
}

#map = affine_map<(d0, d1) -> (0, 0)>
#map1 = affine_map<(d0, d1) -> (0, 0, 0)>
module attributes {stable_mosaic.version = 14 : i64} {
  func.func @k(%arg0: i32, %arg1: i32, %arg2: memref<320000x128xf32, #tpu.memory_space<hbm>>, %arg3: memref<32x125x80xi32, #tpu.memory_space<hbm>>, %arg4: memref<10240x128xf32, #tpu.memory_space<hbm>>, %arg5: memref<20480x128xf32, #tpu.memory_space<hbm>>, %arg6: memref<125x80xi32, #tpu.memory_space<vmem>>, %arg7: memref<80x128xf32, #tpu.memory_space<vmem>>, %arg8: memref<80x128xf32, #tpu.memory_space<vmem>>, %arg9: memref<10240x128xf32, #tpu.memory_space<vmem_shared>>, %arg10: memref<!tpu.dma_semaphore, #tpu.memory_space<semaphore_mem>>, %arg11: memref<!tpu.dma_semaphore, #tpu.memory_space<semaphore_mem>>) attributes {dimension_semantics = [#tpu.dimension_semantics<core_parallel>, #tpu.dimension_semantics<subcore_parallel>], iteration_bounds = array<i64: 2, 16>, scalar_prefetch = 0 : i64, scratch_operands = 6 : i64, tpu.core_type = #tpu.core_type<sc_vector_subcore>, window_params = [{transform_indices = #map}, {transform_indices = #map1}, {transform_indices = #map}, {transform_indices = #map}]} {
    %mul3A = arith.constant 2 : i32
    %mul3A_0 = arith.muli %arg1, %mul3A : i32
    %add3A = arith.addi %mul3A_0, %arg0 : i32
    %mul3A_1 = arith.constant 640 : i32
    %mul3A_2 = arith.muli %arg1, %mul3A_1 : i32
    "tpu.region"() ({
      %run_scoped3A_34 = tpu.sem_alloc : memref<!tpu.dma_semaphore, #tpu.memory_space<semaphore_mem>>
      %dma_start3A_35 = arith.constant 0 : i32
      %dma_start3A_36 = tpu.memref_slice %arg9[%mul3A_2, %dma_start3A_35] : memref<10240x128xf32, #tpu.memory_space<vmem_shared>> -> memref<640x128xf32, #tpu.memory_space<vmem_shared>>
      %dma_start3A_37 = arith.constant 0 : i32
      %dma_start3A_38 = tpu.memref_slice %arg4[%mul3A_2, %dma_start3A_37] : memref<10240x128xf32, #tpu.memory_space<hbm>> -> memref<640x128xf32, #tpu.memory_space<hbm>>
      tpu.enqueue_dma source(%dma_start3A_38 : memref<640x128xf32, #tpu.memory_space<hbm>>) target(%dma_start3A_36 : memref<640x128xf32, #tpu.memory_space<vmem_shared>>) target_semaphore(%run_scoped3A_34 : memref<!tpu.dma_semaphore, #tpu.memory_space<semaphore_mem>>)
      %dma_wait3A_39 = arith.constant 0 : i32
      %dma_wait3A_40 = tpu.memref_slice %arg9[%mul3A_2, %dma_wait3A_39] : memref<10240x128xf32, #tpu.memory_space<vmem_shared>> -> memref<640x128xf32, #tpu.memory_space<vmem_shared>>
      %dma_wait3A_41 = arith.constant 0 : i32
      %dma_wait3A_42 = tpu.memref_slice %arg4[%mul3A_2, %dma_wait3A_41] : memref<10240x128xf32, #tpu.memory_space<hbm>> -> memref<640x128xf32, #tpu.memory_space<hbm>>
      tpu.wait_dma2 semaphore(%run_scoped3A_34 : memref<!tpu.dma_semaphore, #tpu.memory_space<semaphore_mem>>) src(%dma_wait3A_42 : memref<640x128xf32, #tpu.memory_space<hbm>>) dst(%dma_wait3A_40 : memref<640x128xf32, #tpu.memory_space<vmem_shared>>)
      tpu.yield
    }) : () -> ()
    "tpu.region"() ({
      %run_scoped3A_34 = tpu.sem_alloc : memref<!tpu.dma_semaphore, #tpu.memory_space<semaphore_mem>>
      %dma_start3A_35 = arith.constant 0 : i32
      %dma_start3A_36 = arith.constant 0 : i32
      %dma_start3A_37 = tpu.memref_slice %arg3[%add3A, %dma_start3A_35, %dma_start3A_36] : memref<32x125x80xi32, #tpu.memory_space<hbm>> -> memref<1x125x80xi32, #tpu.memory_space<hbm>>
      %dma_start3A_38 = tpu.memref_squeeze %dma_start3A_37 : memref<1x125x80xi32, #tpu.memory_space<hbm>> -> memref<125x80xi32, #tpu.memory_space<hbm>>
      %dma_start3A_39 = arith.constant 0 : i32
      %dma_start3A_40 = arith.constant 0 : i32
      %dma_start3A_41 = tpu.memref_slice %arg3[%add3A, %dma_start3A_39, %dma_start3A_40] : memref<32x125x80xi32, #tpu.memory_space<hbm>> -> memref<1x125x80xi32, #tpu.memory_space<hbm>>
      %dma_start3A_42 = tpu.memref_squeeze %dma_start3A_41 : memref<1x125x80xi32, #tpu.memory_space<hbm>> -> memref<125x80xi32, #tpu.memory_space<hbm>>
      tpu.enqueue_dma source(%dma_start3A_42 : memref<125x80xi32, #tpu.memory_space<hbm>>) target(%arg6 : memref<125x80xi32, #tpu.memory_space<vmem>>) target_semaphore(%run_scoped3A_34 : memref<!tpu.dma_semaphore, #tpu.memory_space<semaphore_mem>>)
      %dma_wait3A_43 = arith.constant 0 : i32
      %dma_wait3A_44 = arith.constant 0 : i32
      %dma_wait3A_45 = tpu.memref_slice %arg3[%add3A, %dma_wait3A_43, %dma_wait3A_44] : memref<32x125x80xi32, #tpu.memory_space<hbm>> -> memref<1x125x80xi32, #tpu.memory_space<hbm>>
      %dma_wait3A_46 = tpu.memref_squeeze %dma_wait3A_45 : memref<1x125x80xi32, #tpu.memory_space<hbm>> -> memref<125x80xi32, #tpu.memory_space<hbm>>
      %dma_wait3A_47 = arith.constant 0 : i32
      %dma_wait3A_48 = arith.constant 0 : i32
      %dma_wait3A_49 = tpu.memref_slice %arg3[%add3A, %dma_wait3A_47, %dma_wait3A_48] : memref<32x125x80xi32, #tpu.memory_space<hbm>> -> memref<1x125x80xi32, #tpu.memory_space<hbm>>
      %dma_wait3A_50 = tpu.memref_squeeze %dma_wait3A_49 : memref<1x125x80xi32, #tpu.memory_space<hbm>> -> memref<125x80xi32, #tpu.memory_space<hbm>>
      tpu.wait_dma2 semaphore(%run_scoped3A_34 : memref<!tpu.dma_semaphore, #tpu.memory_space<semaphore_mem>>) src(%dma_wait3A_50 : memref<125x80xi32, #tpu.memory_space<hbm>>) dst(%arg6 : memref<125x80xi32, #tpu.memory_space<vmem>>)
      tpu.yield
    }) : () -> ()
    %barrier3A = arith.constant 0 : index
    tpu.barrier barrier_id(%barrier3A)
    %mul3A_3 = arith.constant 10000 : i32
    %mul3A_4 = arith.muli %add3A, %mul3A_3 : i32
    %add3A_5 = arith.constant 0 : i32
    %add3A_6 = arith.addi %mul3A_4, %add3A_5 : i32
    %dma_start3A = arith.constant 0 : i32
    %dma_start3A_7 = tpu.memref_slice %arg2[%add3A_6, %dma_start3A] : memref<320000x128xf32, #tpu.memory_space<hbm>> -> memref<80x128xf32, #tpu.memory_space<hbm>>
    %dma_start3A_8 = arith.constant 0 : i32
    %dma_start3A_9 = tpu.memref_slice %arg2[%add3A_6, %dma_start3A_8] : memref<320000x128xf32, #tpu.memory_space<hbm>> -> memref<80x128xf32, #tpu.memory_space<hbm>>
    tpu.enqueue_dma source(%dma_start3A_9 : memref<80x128xf32, #tpu.memory_space<hbm>>) target(%arg7 : memref<80x128xf32, #tpu.memory_space<vmem>>) target_semaphore(%arg10 : memref<!tpu.dma_semaphore, #tpu.memory_space<semaphore_mem>>)
    %mul3A_10 = arith.constant 10000 : i32
    %mul3A_11 = arith.muli %add3A, %mul3A_10 : i32
    %add3A_12 = arith.constant 80 : i32
    %add3A_13 = arith.addi %mul3A_11, %add3A_12 : i32
    %dma_start3A_14 = arith.constant 0 : i32
    %dma_start3A_15 = tpu.memref_slice %arg2[%add3A_13, %dma_start3A_14] : memref<320000x128xf32, #tpu.memory_space<hbm>> -> memref<80x128xf32, #tpu.memory_space<hbm>>
    %dma_start3A_16 = arith.constant 0 : i32
    %dma_start3A_17 = tpu.memref_slice %arg2[%add3A_13, %dma_start3A_16] : memref<320000x128xf32, #tpu.memory_space<hbm>> -> memref<80x128xf32, #tpu.memory_space<hbm>>
    tpu.enqueue_dma source(%dma_start3A_17 : memref<80x128xf32, #tpu.memory_space<hbm>>) target(%arg8 : memref<80x128xf32, #tpu.memory_space<vmem>>) target_semaphore(%arg11 : memref<!tpu.dma_semaphore, #tpu.memory_space<semaphore_mem>>)
    %scan3A = arith.constant 0 : i32
    %scan3A_18 = arith.constant 0 : i32
    %scan3A_19 = arith.constant 62 : i32
    %scan3A_20 = arith.addi %scan3A_18, %scan3A_19 : i32
    %scan3A_21 = arith.constant 1 : i32
    scf.for %scan3A_34 = %scan3A_18 to %scan3A_20 step %scan3A_21  : i32 {
      %mul3A_35 = arith.constant 2 : i32
      %mul3A_36 = arith.muli %mul3A_35, %scan3A_34 : i32
      %mul3A_37 = arith.constant 10000 : i32
      %mul3A_38 = arith.muli %add3A, %mul3A_37 : i32
      %mul3A_39 = arith.constant 80 : i32
      %mul3A_40 = arith.muli %mul3A_36, %mul3A_39 : i32
      %add3A_41 = arith.addi %mul3A_38, %mul3A_40 : i32
      %dma_wait3A_42 = arith.constant 0 : i32
      %dma_wait3A_43 = tpu.memref_slice %arg2[%add3A_41, %dma_wait3A_42] : memref<320000x128xf32, #tpu.memory_space<hbm>> -> memref<80x128xf32, #tpu.memory_space<hbm>>
      %dma_wait3A_44 = arith.constant 0 : i32
      %dma_wait3A_45 = tpu.memref_slice %arg2[%add3A_41, %dma_wait3A_44] : memref<320000x128xf32, #tpu.memory_space<hbm>> -> memref<80x128xf32, #tpu.memory_space<hbm>>
      tpu.wait_dma2 semaphore(%arg10 : memref<!tpu.dma_semaphore, #tpu.memory_space<semaphore_mem>>) src(%dma_wait3A_45 : memref<80x128xf32, #tpu.memory_space<hbm>>) dst(%arg7 : memref<80x128xf32, #tpu.memory_space<vmem>>)
      "tpu.region"() ({
        %run_scoped3A_70 = tpu.sem_alloc : memref<!tpu.dma_semaphore, #tpu.memory_space<semaphore_mem>>
        %dma_start3A_71 = arith.constant 0 : i32
        %dma_start3A_72 = tpu.memref_slice %arg6[%mul3A_36, %dma_start3A_71] : memref<125x80xi32, #tpu.memory_space<vmem>> -> memref<1x80xi32, #tpu.memory_space<vmem>>
        %dma_start3A_73 = tpu.memref_squeeze %dma_start3A_72 : memref<1x80xi32, #tpu.memory_space<vmem>> -> memref<80xi32, #tpu.memory_space<vmem>>
        %dma_start3A_74 = arith.constant 0 : i32
        %dma_start3A_75 = arith.constant 0 : i32
        %dma_start3A_76 = tpu.memref_slice %arg9[%dma_start3A_74, %dma_start3A_75] : memref<10240x128xf32, #tpu.memory_space<vmem_shared>> -> memref<10240x128xf32, #tpu.memory_space<vmem_shared>>
        tpu.enqueue_indirect_dma source(%arg7 : memref<80x128xf32, #tpu.memory_space<vmem>>) target(%dma_start3A_76 : memref<10240x128xf32, #tpu.memory_space<vmem_shared>>) offsets(%dma_start3A_73 : memref<80xi32, #tpu.memory_space<vmem>>) semaphore(%run_scoped3A_70 : memref<!tpu.dma_semaphore, #tpu.memory_space<semaphore_mem>>) {add = true}
        %dma_wait3A_77 = arith.constant 0 : i32
        %dma_wait3A_78 = tpu.memref_slice %arg6[%mul3A_36, %dma_wait3A_77] : memref<125x80xi32, #tpu.memory_space<vmem>> -> memref<1x80xi32, #tpu.memory_space<vmem>>
        %dma_wait3A_79 = tpu.memref_squeeze %dma_wait3A_78 : memref<1x80xi32, #tpu.memory_space<vmem>> -> memref<80xi32, #tpu.memory_space<vmem>>
        %dma_wait3A_80 = arith.constant 0 : i32
        %dma_wait3A_81 = arith.constant 0 : i32
        %dma_wait3A_82 = tpu.memref_slice %arg9[%dma_wait3A_80, %dma_wait3A_81] : memref<10240x128xf32, #tpu.memory_space<vmem_shared>> -> memref<10240x128xf32, #tpu.memory_space<vmem_shared>>
        tpu.wait_indirect_dma semaphore(%run_scoped3A_70 : memref<!tpu.dma_semaphore, #tpu.memory_space<semaphore_mem>>) src(%arg7 : memref<80x128xf32, #tpu.memory_space<vmem>>) dst(%dma_wait3A_82 : memref<10240x128xf32, #tpu.memory_space<vmem_shared>>)
        tpu.yield
      }) : () -> ()
      %add3A_46 = arith.constant 2 : i32
      %add3A_47 = arith.addi %mul3A_36, %add3A_46 : i32
      %lt3A = arith.constant 125 : i32
      %lt3A_48 = arith.cmpi slt, %add3A_47, %lt3A : i32
      %convert_element_type3A = arith.extui %lt3A_48 : i1 to i32
      %cond3A = arith.constant 0 : i32
      %cond3A_49 = arith.cmpi ne, %convert_element_type3A, %cond3A : i32
      scf.if %cond3A_49 {
        %add3A_70 = arith.constant 160 : i32
        %add3A_71 = arith.addi %add3A_41, %add3A_70 : i32
        %dma_start3A_72 = arith.constant 0 : i32
        %dma_start3A_73 = tpu.memref_slice %arg2[%add3A_71, %dma_start3A_72] : memref<320000x128xf32, #tpu.memory_space<hbm>> -> memref<80x128xf32, #tpu.memory_space<hbm>>
        %dma_start3A_74 = arith.constant 0 : i32
        %dma_start3A_75 = tpu.memref_slice %arg2[%add3A_71, %dma_start3A_74] : memref<320000x128xf32, #tpu.memory_space<hbm>> -> memref<80x128xf32, #tpu.memory_space<hbm>>
        tpu.enqueue_dma source(%dma_start3A_75 : memref<80x128xf32, #tpu.memory_space<hbm>>) target(%arg7 : memref<80x128xf32, #tpu.memory_space<vmem>>) target_semaphore(%arg10 : memref<!tpu.dma_semaphore, #tpu.memory_space<semaphore_mem>>)
      } else {
      }
      %mul3A_50 = arith.constant 2 : i32
      %mul3A_51 = arith.muli %mul3A_50, %scan3A_34 : i32
      %add3A_52 = arith.constant 1 : i32
      %add3A_53 = arith.addi %mul3A_51, %add3A_52 : i32
      %mul3A_54 = arith.constant 10000 : i32
      %mul3A_55 = arith.muli %add3A, %mul3A_54 : i32
      %mul3A_56 = arith.constant 80 : i32
      %mul3A_57 = arith.muli %add3A_53, %mul3A_56 : i32
      %add3A_58 = arith.addi %mul3A_55, %mul3A_57 : i32
      %dma_wait3A_59 = arith.constant 0 : i32
      %dma_wait3A_60 = tpu.memref_slice %arg2[%add3A_58, %dma_wait3A_59] : memref<320000x128xf32, #tpu.memory_space<hbm>> -> memref<80x128xf32, #tpu.memory_space<hbm>>
      %dma_wait3A_61 = arith.constant 0 : i32
      %dma_wait3A_62 = tpu.memref_slice %arg2[%add3A_58, %dma_wait3A_61] : memref<320000x128xf32, #tpu.memory_space<hbm>> -> memref<80x128xf32, #tpu.memory_space<hbm>>
      tpu.wait_dma2 semaphore(%arg11 : memref<!tpu.dma_semaphore, #tpu.memory_space<semaphore_mem>>) src(%dma_wait3A_62 : memref<80x128xf32, #tpu.memory_space<hbm>>) dst(%arg8 : memref<80x128xf32, #tpu.memory_space<vmem>>)
      "tpu.region"() ({
        %run_scoped3A_70 = tpu.sem_alloc : memref<!tpu.dma_semaphore, #tpu.memory_space<semaphore_mem>>
        %dma_start3A_71 = arith.constant 0 : i32
        %dma_start3A_72 = tpu.memref_slice %arg6[%add3A_53, %dma_start3A_71] : memref<125x80xi32, #tpu.memory_space<vmem>> -> memref<1x80xi32, #tpu.memory_space<vmem>>
        %dma_start3A_73 = tpu.memref_squeeze %dma_start3A_72 : memref<1x80xi32, #tpu.memory_space<vmem>> -> memref<80xi32, #tpu.memory_space<vmem>>
        %dma_start3A_74 = arith.constant 0 : i32
        %dma_start3A_75 = arith.constant 0 : i32
        %dma_start3A_76 = tpu.memref_slice %arg9[%dma_start3A_74, %dma_start3A_75] : memref<10240x128xf32, #tpu.memory_space<vmem_shared>> -> memref<10240x128xf32, #tpu.memory_space<vmem_shared>>
        tpu.enqueue_indirect_dma source(%arg8 : memref<80x128xf32, #tpu.memory_space<vmem>>) target(%dma_start3A_76 : memref<10240x128xf32, #tpu.memory_space<vmem_shared>>) offsets(%dma_start3A_73 : memref<80xi32, #tpu.memory_space<vmem>>) semaphore(%run_scoped3A_70 : memref<!tpu.dma_semaphore, #tpu.memory_space<semaphore_mem>>) {add = true}
        %dma_wait3A_77 = arith.constant 0 : i32
        %dma_wait3A_78 = tpu.memref_slice %arg6[%add3A_53, %dma_wait3A_77] : memref<125x80xi32, #tpu.memory_space<vmem>> -> memref<1x80xi32, #tpu.memory_space<vmem>>
        %dma_wait3A_79 = tpu.memref_squeeze %dma_wait3A_78 : memref<1x80xi32, #tpu.memory_space<vmem>> -> memref<80xi32, #tpu.memory_space<vmem>>
        %dma_wait3A_80 = arith.constant 0 : i32
        %dma_wait3A_81 = arith.constant 0 : i32
        %dma_wait3A_82 = tpu.memref_slice %arg9[%dma_wait3A_80, %dma_wait3A_81] : memref<10240x128xf32, #tpu.memory_space<vmem_shared>> -> memref<10240x128xf32, #tpu.memory_space<vmem_shared>>
        tpu.wait_indirect_dma semaphore(%run_scoped3A_70 : memref<!tpu.dma_semaphore, #tpu.memory_space<semaphore_mem>>) src(%arg8 : memref<80x128xf32, #tpu.memory_space<vmem>>) dst(%dma_wait3A_82 : memref<10240x128xf32, #tpu.memory_space<vmem_shared>>)
        tpu.yield
      }) : () -> ()
      %add3A_63 = arith.constant 2 : i32
      %add3A_64 = arith.addi %add3A_53, %add3A_63 : i32
      %lt3A_65 = arith.constant 125 : i32
      %lt3A_66 = arith.cmpi slt, %add3A_64, %lt3A_65 : i32
      %convert_element_type3A_67 = arith.extui %lt3A_66 : i1 to i32
      %cond3A_68 = arith.constant 0 : i32
      %cond3A_69 = arith.cmpi ne, %convert_element_type3A_67, %cond3A_68 : i32
      scf.if %cond3A_69 {
        %add3A_70 = arith.constant 160 : i32
        %add3A_71 = arith.addi %add3A_58, %add3A_70 : i32
        %dma_start3A_72 = arith.constant 0 : i32
        %dma_start3A_73 = tpu.memref_slice %arg2[%add3A_71, %dma_start3A_72] : memref<320000x128xf32, #tpu.memory_space<hbm>> -> memref<80x128xf32, #tpu.memory_space<hbm>>
        %dma_start3A_74 = arith.constant 0 : i32
        %dma_start3A_75 = tpu.memref_slice %arg2[%add3A_71, %dma_start3A_74] : memref<320000x128xf32, #tpu.memory_space<hbm>> -> memref<80x128xf32, #tpu.memory_space<hbm>>
        tpu.enqueue_dma source(%dma_start3A_75 : memref<80x128xf32, #tpu.memory_space<hbm>>) target(%arg8 : memref<80x128xf32, #tpu.memory_space<vmem>>) target_semaphore(%arg11 : memref<!tpu.dma_semaphore, #tpu.memory_space<semaphore_mem>>)
      } else {
      }
    }
    %scan3A_22 = arith.constant 62 : i32
    %mul3A_23 = arith.constant 10000 : i32
    %mul3A_24 = arith.muli %add3A, %mul3A_23 : i32
    %add3A_25 = arith.constant 9920 : i32
    %add3A_26 = arith.addi %mul3A_24, %add3A_25 : i32
    %dma_wait3A = arith.constant 0 : i32
    %dma_wait3A_27 = tpu.memref_slice %arg2[%add3A_26, %dma_wait3A] : memref<320000x128xf32, #tpu.memory_space<hbm>> -> memref<80x128xf32, #tpu.memory_space<hbm>>
    %dma_wait3A_28 = arith.constant 0 : i32
    %dma_wait3A_29 = tpu.memref_slice %arg2[%add3A_26, %dma_wait3A_28] : memref<320000x128xf32, #tpu.memory_space<hbm>> -> memref<80x128xf32, #tpu.memory_space<hbm>>
    tpu.wait_dma2 semaphore(%arg10 : memref<!tpu.dma_semaphore, #tpu.memory_space<semaphore_mem>>) src(%dma_wait3A_29 : memref<80x128xf32, #tpu.memory_space<hbm>>) dst(%arg7 : memref<80x128xf32, #tpu.memory_space<vmem>>)
    %run_scoped3A = arith.constant 124 : i32
    "tpu.region"() ({
      %run_scoped3A_34 = tpu.sem_alloc : memref<!tpu.dma_semaphore, #tpu.memory_space<semaphore_mem>>
      %dma_start3A_35 = arith.constant 0 : i32
      %dma_start3A_36 = tpu.memref_slice %arg6[%run_scoped3A, %dma_start3A_35] : memref<125x80xi32, #tpu.memory_space<vmem>> -> memref<1x80xi32, #tpu.memory_space<vmem>>
      %dma_start3A_37 = tpu.memref_squeeze %dma_start3A_36 : memref<1x80xi32, #tpu.memory_space<vmem>> -> memref<80xi32, #tpu.memory_space<vmem>>
      %dma_start3A_38 = arith.constant 0 : i32
      %dma_start3A_39 = arith.constant 0 : i32
      %dma_start3A_40 = tpu.memref_slice %arg9[%dma_start3A_38, %dma_start3A_39] : memref<10240x128xf32, #tpu.memory_space<vmem_shared>> -> memref<10240x128xf32, #tpu.memory_space<vmem_shared>>
      tpu.enqueue_indirect_dma source(%arg7 : memref<80x128xf32, #tpu.memory_space<vmem>>) target(%dma_start3A_40 : memref<10240x128xf32, #tpu.memory_space<vmem_shared>>) offsets(%dma_start3A_37 : memref<80xi32, #tpu.memory_space<vmem>>) semaphore(%run_scoped3A_34 : memref<!tpu.dma_semaphore, #tpu.memory_space<semaphore_mem>>) {add = true}
      %dma_wait3A_41 = arith.constant 0 : i32
      %dma_wait3A_42 = tpu.memref_slice %arg6[%run_scoped3A, %dma_wait3A_41] : memref<125x80xi32, #tpu.memory_space<vmem>> -> memref<1x80xi32, #tpu.memory_space<vmem>>
      %dma_wait3A_43 = tpu.memref_squeeze %dma_wait3A_42 : memref<1x80xi32, #tpu.memory_space<vmem>> -> memref<80xi32, #tpu.memory_space<vmem>>
      %dma_wait3A_44 = arith.constant 0 : i32
      %dma_wait3A_45 = arith.constant 0 : i32
      %dma_wait3A_46 = tpu.memref_slice %arg9[%dma_wait3A_44, %dma_wait3A_45] : memref<10240x128xf32, #tpu.memory_space<vmem_shared>> -> memref<10240x128xf32, #tpu.memory_space<vmem_shared>>
      tpu.wait_indirect_dma semaphore(%run_scoped3A_34 : memref<!tpu.dma_semaphore, #tpu.memory_space<semaphore_mem>>) src(%arg7 : memref<80x128xf32, #tpu.memory_space<vmem>>) dst(%dma_wait3A_46 : memref<10240x128xf32, #tpu.memory_space<vmem_shared>>)
      tpu.yield
    }) : () -> ()
    %barrier3A_30 = arith.constant 0 : index
    tpu.barrier barrier_id(%barrier3A_30)
    %mul3A_31 = arith.constant 10240 : i32
    %mul3A_32 = arith.muli %arg0, %mul3A_31 : i32
    %add3A_33 = arith.addi %mul3A_32, %mul3A_2 : i32
    "tpu.region"() ({
      %run_scoped3A_34 = tpu.sem_alloc : memref<!tpu.dma_semaphore, #tpu.memory_space<semaphore_mem>>
      %dma_start3A_35 = arith.constant 0 : i32
      %dma_start3A_36 = tpu.memref_slice %arg5[%add3A_33, %dma_start3A_35] : memref<20480x128xf32, #tpu.memory_space<hbm>> -> memref<640x128xf32, #tpu.memory_space<hbm>>
      %dma_start3A_37 = arith.constant 0 : i32
      %dma_start3A_38 = tpu.memref_slice %arg9[%mul3A_2, %dma_start3A_37] : memref<10240x128xf32, #tpu.memory_space<vmem_shared>> -> memref<640x128xf32, #tpu.memory_space<vmem_shared>>
      tpu.enqueue_dma source(%dma_start3A_38 : memref<640x128xf32, #tpu.memory_space<vmem_shared>>) target(%dma_start3A_36 : memref<640x128xf32, #tpu.memory_space<hbm>>) target_semaphore(%run_scoped3A_34 : memref<!tpu.dma_semaphore, #tpu.memory_space<semaphore_mem>>)
      %dma_wait3A_39 = arith.constant 0 : i32
      %dma_wait3A_40 = tpu.memref_slice %arg5[%add3A_33, %dma_wait3A_39] : memref<20480x128xf32, #tpu.memory_space<hbm>> -> memref<640x128xf32, #tpu.memory_space<hbm>>
      %dma_wait3A_41 = arith.constant 0 : i32
      %dma_wait3A_42 = tpu.memref_slice %arg9[%mul3A_2, %dma_wait3A_41] : memref<10240x128xf32, #tpu.memory_space<vmem_shared>> -> memref<640x128xf32, #tpu.memory_space<vmem_shared>>
      tpu.wait_dma2 semaphore(%run_scoped3A_34 : memref<!tpu.dma_semaphore, #tpu.memory_space<semaphore_mem>>) src(%dma_wait3A_42 : memref<640x128xf32, #tpu.memory_space<vmem_shared>>) dst(%dma_wait3A_40 : memref<640x128xf32, #tpu.memory_space<hbm>>)
      tpu.yield
    }) : () -> ()
    return
  }
}

#map = affine_map<(d0, d1) -> (0, 0)>
#map1 = affine_map<(d0, d1) -> (0, 0, 0)>
module attributes {stable_mosaic.version = 14 : i64} {
  func.func @k(%arg0: i32, %arg1: i32, %arg2: memref<10000x128xf32, #tpu.memory_space<hbm>>, %arg3: memref<32x125x80xi32, #tpu.memory_space<hbm>>, %arg4: memref<32x125x80xi32, #tpu.memory_space<hbm>>, %arg5: memref<320000x128xf32, #tpu.memory_space<hbm>>, %arg6: memref<320000x128xf32, #tpu.memory_space<hbm>>, %arg7: memref<125x80xi32, #tpu.memory_space<vmem>>, %arg8: memref<125x80xi32, #tpu.memory_space<vmem>>, %arg9: memref<80x128xf32, #tpu.memory_space<vmem>>, %arg10: memref<80x128xf32, #tpu.memory_space<vmem>>, %arg11: memref<80x128xf32, #tpu.memory_space<vmem>>, %arg12: memref<80x128xf32, #tpu.memory_space<vmem>>, %arg13: memref<80x128xf32, #tpu.memory_space<vmem>>, %arg14: memref<80x128xf32, #tpu.memory_space<vmem>>, %arg15: memref<!tpu.dma_semaphore, #tpu.memory_space<semaphore_mem>>, %arg16: memref<!tpu.dma_semaphore, #tpu.memory_space<semaphore_mem>>, %arg17: memref<!tpu.dma_semaphore, #tpu.memory_space<semaphore_mem>>, %arg18: memref<!tpu.dma_semaphore, #tpu.memory_space<semaphore_mem>>, %arg19: memref<!tpu.dma_semaphore, #tpu.memory_space<semaphore_mem>>, %arg20: memref<!tpu.dma_semaphore, #tpu.memory_space<semaphore_mem>>, %arg21: memref<!tpu.dma_semaphore, #tpu.memory_space<semaphore_mem>>, %arg22: memref<!tpu.dma_semaphore, #tpu.memory_space<semaphore_mem>>, %arg23: memref<!tpu.dma_semaphore, #tpu.memory_space<semaphore_mem>>, %arg24: memref<!tpu.dma_semaphore, #tpu.memory_space<semaphore_mem>>, %arg25: memref<!tpu.dma_semaphore, #tpu.memory_space<semaphore_mem>>, %arg26: memref<!tpu.dma_semaphore, #tpu.memory_space<semaphore_mem>>) attributes {dimension_semantics = [#tpu.dimension_semantics<core_parallel>, #tpu.dimension_semantics<subcore_parallel>], iteration_bounds = array<i64: 2, 16>, scalar_prefetch = 0 : i64, scratch_operands = 20 : i64, tpu.core_type = #tpu.core_type<sc_vector_subcore>, window_params = [{transform_indices = #map}, {transform_indices = #map1}, {transform_indices = #map1}, {transform_indices = #map}, {transform_indices = #map}]} {
    %mul3A = arith.constant 2 : i32
    %mul3A_0 = arith.muli %arg1, %mul3A : i32
    %add3A = arith.addi %mul3A_0, %arg0 : i32
    "tpu.region"() ({
      %run_scoped3A = tpu.sem_alloc : memref<!tpu.dma_semaphore, #tpu.memory_space<semaphore_mem>>
      %dma_start3A_160 = arith.constant 0 : i32
      %dma_start3A_161 = arith.constant 0 : i32
      %dma_start3A_162 = tpu.memref_slice %arg3[%add3A, %dma_start3A_160, %dma_start3A_161] : memref<32x125x80xi32, #tpu.memory_space<hbm>> -> memref<1x125x80xi32, #tpu.memory_space<hbm>>
      %dma_start3A_163 = tpu.memref_squeeze %dma_start3A_162 : memref<1x125x80xi32, #tpu.memory_space<hbm>> -> memref<125x80xi32, #tpu.memory_space<hbm>>
      %dma_start3A_164 = arith.constant 0 : i32
      %dma_start3A_165 = arith.constant 0 : i32
      %dma_start3A_166 = tpu.memref_slice %arg3[%add3A, %dma_start3A_164, %dma_start3A_165] : memref<32x125x80xi32, #tpu.memory_space<hbm>> -> memref<1x125x80xi32, #tpu.memory_space<hbm>>
      %dma_start3A_167 = tpu.memref_squeeze %dma_start3A_166 : memref<1x125x80xi32, #tpu.memory_space<hbm>> -> memref<125x80xi32, #tpu.memory_space<hbm>>
      tpu.enqueue_dma source(%dma_start3A_167 : memref<125x80xi32, #tpu.memory_space<hbm>>) target(%arg7 : memref<125x80xi32, #tpu.memory_space<vmem>>) target_semaphore(%run_scoped3A : memref<!tpu.dma_semaphore, #tpu.memory_space<semaphore_mem>>)
      %dma_wait3A_168 = arith.constant 0 : i32
      %dma_wait3A_169 = arith.constant 0 : i32
      %dma_wait3A_170 = tpu.memref_slice %arg3[%add3A, %dma_wait3A_168, %dma_wait3A_169] : memref<32x125x80xi32, #tpu.memory_space<hbm>> -> memref<1x125x80xi32, #tpu.memory_space<hbm>>
      %dma_wait3A_171 = tpu.memref_squeeze %dma_wait3A_170 : memref<1x125x80xi32, #tpu.memory_space<hbm>> -> memref<125x80xi32, #tpu.memory_space<hbm>>
      %dma_wait3A_172 = arith.constant 0 : i32
      %dma_wait3A_173 = arith.constant 0 : i32
      %dma_wait3A_174 = tpu.memref_slice %arg3[%add3A, %dma_wait3A_172, %dma_wait3A_173] : memref<32x125x80xi32, #tpu.memory_space<hbm>> -> memref<1x125x80xi32, #tpu.memory_space<hbm>>
      %dma_wait3A_175 = tpu.memref_squeeze %dma_wait3A_174 : memref<1x125x80xi32, #tpu.memory_space<hbm>> -> memref<125x80xi32, #tpu.memory_space<hbm>>
      tpu.wait_dma2 semaphore(%run_scoped3A : memref<!tpu.dma_semaphore, #tpu.memory_space<semaphore_mem>>) src(%dma_wait3A_175 : memref<125x80xi32, #tpu.memory_space<hbm>>) dst(%arg7 : memref<125x80xi32, #tpu.memory_space<vmem>>)
      tpu.yield
    }) : () -> ()
    "tpu.region"() ({
      %run_scoped3A = tpu.sem_alloc : memref<!tpu.dma_semaphore, #tpu.memory_space<semaphore_mem>>
      %dma_start3A_160 = arith.constant 0 : i32
      %dma_start3A_161 = arith.constant 0 : i32
      %dma_start3A_162 = tpu.memref_slice %arg4[%add3A, %dma_start3A_160, %dma_start3A_161] : memref<32x125x80xi32, #tpu.memory_space<hbm>> -> memref<1x125x80xi32, #tpu.memory_space<hbm>>
      %dma_start3A_163 = tpu.memref_squeeze %dma_start3A_162 : memref<1x125x80xi32, #tpu.memory_space<hbm>> -> memref<125x80xi32, #tpu.memory_space<hbm>>
      %dma_start3A_164 = arith.constant 0 : i32
      %dma_start3A_165 = arith.constant 0 : i32
      %dma_start3A_166 = tpu.memref_slice %arg4[%add3A, %dma_start3A_164, %dma_start3A_165] : memref<32x125x80xi32, #tpu.memory_space<hbm>> -> memref<1x125x80xi32, #tpu.memory_space<hbm>>
      %dma_start3A_167 = tpu.memref_squeeze %dma_start3A_166 : memref<1x125x80xi32, #tpu.memory_space<hbm>> -> memref<125x80xi32, #tpu.memory_space<hbm>>
      tpu.enqueue_dma source(%dma_start3A_167 : memref<125x80xi32, #tpu.memory_space<hbm>>) target(%arg8 : memref<125x80xi32, #tpu.memory_space<vmem>>) target_semaphore(%run_scoped3A : memref<!tpu.dma_semaphore, #tpu.memory_space<semaphore_mem>>)
      %dma_wait3A_168 = arith.constant 0 : i32
      %dma_wait3A_169 = arith.constant 0 : i32
      %dma_wait3A_170 = tpu.memref_slice %arg4[%add3A, %dma_wait3A_168, %dma_wait3A_169] : memref<32x125x80xi32, #tpu.memory_space<hbm>> -> memref<1x125x80xi32, #tpu.memory_space<hbm>>
      %dma_wait3A_171 = tpu.memref_squeeze %dma_wait3A_170 : memref<1x125x80xi32, #tpu.memory_space<hbm>> -> memref<125x80xi32, #tpu.memory_space<hbm>>
      %dma_wait3A_172 = arith.constant 0 : i32
      %dma_wait3A_173 = arith.constant 0 : i32
      %dma_wait3A_174 = tpu.memref_slice %arg4[%add3A, %dma_wait3A_172, %dma_wait3A_173] : memref<32x125x80xi32, #tpu.memory_space<hbm>> -> memref<1x125x80xi32, #tpu.memory_space<hbm>>
      %dma_wait3A_175 = tpu.memref_squeeze %dma_wait3A_174 : memref<1x125x80xi32, #tpu.memory_space<hbm>> -> memref<125x80xi32, #tpu.memory_space<hbm>>
      tpu.wait_dma2 semaphore(%run_scoped3A : memref<!tpu.dma_semaphore, #tpu.memory_space<semaphore_mem>>) src(%dma_wait3A_175 : memref<125x80xi32, #tpu.memory_space<hbm>>) dst(%arg8 : memref<125x80xi32, #tpu.memory_space<vmem>>)
      tpu.yield
    }) : () -> ()
    %dma_start3A = arith.constant 0 : i32
    %dma_start3A_1 = arith.constant 0 : i32
    %dma_start3A_2 = tpu.memref_slice %arg7[%dma_start3A, %dma_start3A_1] : memref<125x80xi32, #tpu.memory_space<vmem>> -> memref<1x80xi32, #tpu.memory_space<vmem>>
    %dma_start3A_3 = tpu.memref_squeeze %dma_start3A_2 : memref<1x80xi32, #tpu.memory_space<vmem>> -> memref<80xi32, #tpu.memory_space<vmem>>
    %dma_start3A_4 = arith.constant 0 : i32
    %dma_start3A_5 = arith.constant 0 : i32
    %dma_start3A_6 = tpu.memref_slice %arg2[%dma_start3A_4, %dma_start3A_5] : memref<10000x128xf32, #tpu.memory_space<hbm>> -> memref<10000x128xf32, #tpu.memory_space<hbm>>
    tpu.enqueue_indirect_dma source(%dma_start3A_6 : memref<10000x128xf32, #tpu.memory_space<hbm>>) target(%arg9 : memref<80x128xf32, #tpu.memory_space<vmem>>) offsets(%dma_start3A_3 : memref<80xi32, #tpu.memory_space<vmem>>) semaphore(%arg15 : memref<!tpu.dma_semaphore, #tpu.memory_space<semaphore_mem>>)
    %dma_start3A_7 = arith.constant 0 : i32
    %dma_start3A_8 = arith.constant 0 : i32
    %dma_start3A_9 = tpu.memref_slice %arg8[%dma_start3A_7, %dma_start3A_8] : memref<125x80xi32, #tpu.memory_space<vmem>> -> memref<1x80xi32, #tpu.memory_space<vmem>>
    %dma_start3A_10 = tpu.memref_squeeze %dma_start3A_9 : memref<1x80xi32, #tpu.memory_space<vmem>> -> memref<80xi32, #tpu.memory_space<vmem>>
    %dma_start3A_11 = arith.constant 0 : i32
    %dma_start3A_12 = arith.constant 0 : i32
    %dma_start3A_13 = tpu.memref_slice %arg2[%dma_start3A_11, %dma_start3A_12] : memref<10000x128xf32, #tpu.memory_space<hbm>> -> memref<10000x128xf32, #tpu.memory_space<hbm>>
    tpu.enqueue_indirect_dma source(%dma_start3A_13 : memref<10000x128xf32, #tpu.memory_space<hbm>>) target(%arg12 : memref<80x128xf32, #tpu.memory_space<vmem>>) offsets(%dma_start3A_10 : memref<80xi32, #tpu.memory_space<vmem>>) semaphore(%arg18 : memref<!tpu.dma_semaphore, #tpu.memory_space<semaphore_mem>>)
    %dma_start3A_14 = arith.constant 1 : i32
    %dma_start3A_15 = arith.constant 0 : i32
    %dma_start3A_16 = tpu.memref_slice %arg7[%dma_start3A_14, %dma_start3A_15] : memref<125x80xi32, #tpu.memory_space<vmem>> -> memref<1x80xi32, #tpu.memory_space<vmem>>
    %dma_start3A_17 = tpu.memref_squeeze %dma_start3A_16 : memref<1x80xi32, #tpu.memory_space<vmem>> -> memref<80xi32, #tpu.memory_space<vmem>>
    %dma_start3A_18 = arith.constant 0 : i32
    %dma_start3A_19 = arith.constant 0 : i32
    %dma_start3A_20 = tpu.memref_slice %arg2[%dma_start3A_18, %dma_start3A_19] : memref<10000x128xf32, #tpu.memory_space<hbm>> -> memref<10000x128xf32, #tpu.memory_space<hbm>>
    tpu.enqueue_indirect_dma source(%dma_start3A_20 : memref<10000x128xf32, #tpu.memory_space<hbm>>) target(%arg10 : memref<80x128xf32, #tpu.memory_space<vmem>>) offsets(%dma_start3A_17 : memref<80xi32, #tpu.memory_space<vmem>>) semaphore(%arg16 : memref<!tpu.dma_semaphore, #tpu.memory_space<semaphore_mem>>)
    %dma_start3A_21 = arith.constant 1 : i32
    %dma_start3A_22 = arith.constant 0 : i32
    %dma_start3A_23 = tpu.memref_slice %arg8[%dma_start3A_21, %dma_start3A_22] : memref<125x80xi32, #tpu.memory_space<vmem>> -> memref<1x80xi32, #tpu.memory_space<vmem>>
    %dma_start3A_24 = tpu.memref_squeeze %dma_start3A_23 : memref<1x80xi32, #tpu.memory_space<vmem>> -> memref<80xi32, #tpu.memory_space<vmem>>
    %dma_start3A_25 = arith.constant 0 : i32
    %dma_start3A_26 = arith.constant 0 : i32
    %dma_start3A_27 = tpu.memref_slice %arg2[%dma_start3A_25, %dma_start3A_26] : memref<10000x128xf32, #tpu.memory_space<hbm>> -> memref<10000x128xf32, #tpu.memory_space<hbm>>
    tpu.enqueue_indirect_dma source(%dma_start3A_27 : memref<10000x128xf32, #tpu.memory_space<hbm>>) target(%arg13 : memref<80x128xf32, #tpu.memory_space<vmem>>) offsets(%dma_start3A_24 : memref<80xi32, #tpu.memory_space<vmem>>) semaphore(%arg19 : memref<!tpu.dma_semaphore, #tpu.memory_space<semaphore_mem>>)
    %dma_wait3A = arith.constant 0 : i32
    %dma_wait3A_28 = arith.constant 0 : i32
    %dma_wait3A_29 = tpu.memref_slice %arg7[%dma_wait3A, %dma_wait3A_28] : memref<125x80xi32, #tpu.memory_space<vmem>> -> memref<1x80xi32, #tpu.memory_space<vmem>>
    %dma_wait3A_30 = tpu.memref_squeeze %dma_wait3A_29 : memref<1x80xi32, #tpu.memory_space<vmem>> -> memref<80xi32, #tpu.memory_space<vmem>>
    %dma_wait3A_31 = arith.constant 0 : i32
    %dma_wait3A_32 = arith.constant 0 : i32
    %dma_wait3A_33 = tpu.memref_slice %arg2[%dma_wait3A_31, %dma_wait3A_32] : memref<10000x128xf32, #tpu.memory_space<hbm>> -> memref<10000x128xf32, #tpu.memory_space<hbm>>
    tpu.wait_indirect_dma semaphore(%arg15 : memref<!tpu.dma_semaphore, #tpu.memory_space<semaphore_mem>>) src(%dma_wait3A_33 : memref<10000x128xf32, #tpu.memory_space<hbm>>) dst(%arg9 : memref<80x128xf32, #tpu.memory_space<vmem>>)
    %dma_wait3A_34 = arith.constant 0 : i32
    %dma_wait3A_35 = arith.constant 0 : i32
    %dma_wait3A_36 = tpu.memref_slice %arg8[%dma_wait3A_34, %dma_wait3A_35] : memref<125x80xi32, #tpu.memory_space<vmem>> -> memref<1x80xi32, #tpu.memory_space<vmem>>
    %dma_wait3A_37 = tpu.memref_squeeze %dma_wait3A_36 : memref<1x80xi32, #tpu.memory_space<vmem>> -> memref<80xi32, #tpu.memory_space<vmem>>
    %dma_wait3A_38 = arith.constant 0 : i32
    %dma_wait3A_39 = arith.constant 0 : i32
    %dma_wait3A_40 = tpu.memref_slice %arg2[%dma_wait3A_38, %dma_wait3A_39] : memref<10000x128xf32, #tpu.memory_space<hbm>> -> memref<10000x128xf32, #tpu.memory_space<hbm>>
    tpu.wait_indirect_dma semaphore(%arg18 : memref<!tpu.dma_semaphore, #tpu.memory_space<semaphore_mem>>) src(%dma_wait3A_40 : memref<10000x128xf32, #tpu.memory_space<hbm>>) dst(%arg12 : memref<80x128xf32, #tpu.memory_space<vmem>>)
    %mul3A_41 = arith.constant 10000 : i32
    %mul3A_42 = arith.muli %add3A, %mul3A_41 : i32
    %add3A_43 = arith.constant 0 : i32
    %add3A_44 = arith.addi %mul3A_42, %add3A_43 : i32
    %dma_start3A_45 = arith.constant 0 : i32
    %dma_start3A_46 = tpu.memref_slice %arg5[%add3A_44, %dma_start3A_45] : memref<320000x128xf32, #tpu.memory_space<hbm>> -> memref<80x128xf32, #tpu.memory_space<hbm>>
    %dma_start3A_47 = arith.constant 0 : i32
    %dma_start3A_48 = tpu.memref_slice %arg5[%add3A_44, %dma_start3A_47] : memref<320000x128xf32, #tpu.memory_space<hbm>> -> memref<80x128xf32, #tpu.memory_space<hbm>>
    tpu.enqueue_dma source(%arg9 : memref<80x128xf32, #tpu.memory_space<vmem>>) target(%dma_start3A_48 : memref<80x128xf32, #tpu.memory_space<hbm>>) target_semaphore(%arg21 : memref<!tpu.dma_semaphore, #tpu.memory_space<semaphore_mem>>)
    %dma_start3A_49 = arith.constant 0 : i32
    %dma_start3A_50 = tpu.memref_slice %arg6[%add3A_44, %dma_start3A_49] : memref<320000x128xf32, #tpu.memory_space<hbm>> -> memref<80x128xf32, #tpu.memory_space<hbm>>
    %dma_start3A_51 = arith.constant 0 : i32
    %dma_start3A_52 = tpu.memref_slice %arg6[%add3A_44, %dma_start3A_51] : memref<320000x128xf32, #tpu.memory_space<hbm>> -> memref<80x128xf32, #tpu.memory_space<hbm>>
    tpu.enqueue_dma source(%arg12 : memref<80x128xf32, #tpu.memory_space<vmem>>) target(%dma_start3A_52 : memref<80x128xf32, #tpu.memory_space<hbm>>) target_semaphore(%arg24 : memref<!tpu.dma_semaphore, #tpu.memory_space<semaphore_mem>>)
    %dma_start3A_53 = arith.constant 2 : i32
    %dma_start3A_54 = arith.constant 0 : i32
    %dma_start3A_55 = tpu.memref_slice %arg7[%dma_start3A_53, %dma_start3A_54] : memref<125x80xi32, #tpu.memory_space<vmem>> -> memref<1x80xi32, #tpu.memory_space<vmem>>
    %dma_start3A_56 = tpu.memref_squeeze %dma_start3A_55 : memref<1x80xi32, #tpu.memory_space<vmem>> -> memref<80xi32, #tpu.memory_space<vmem>>
    %dma_start3A_57 = arith.constant 0 : i32
    %dma_start3A_58 = arith.constant 0 : i32
    %dma_start3A_59 = tpu.memref_slice %arg2[%dma_start3A_57, %dma_start3A_58] : memref<10000x128xf32, #tpu.memory_space<hbm>> -> memref<10000x128xf32, #tpu.memory_space<hbm>>
    tpu.enqueue_indirect_dma source(%dma_start3A_59 : memref<10000x128xf32, #tpu.memory_space<hbm>>) target(%arg11 : memref<80x128xf32, #tpu.memory_space<vmem>>) offsets(%dma_start3A_56 : memref<80xi32, #tpu.memory_space<vmem>>) semaphore(%arg17 : memref<!tpu.dma_semaphore, #tpu.memory_space<semaphore_mem>>)
    %dma_start3A_60 = arith.constant 2 : i32
    %dma_start3A_61 = arith.constant 0 : i32
    %dma_start3A_62 = tpu.memref_slice %arg8[%dma_start3A_60, %dma_start3A_61] : memref<125x80xi32, #tpu.memory_space<vmem>> -> memref<1x80xi32, #tpu.memory_space<vmem>>
    %dma_start3A_63 = tpu.memref_squeeze %dma_start3A_62 : memref<1x80xi32, #tpu.memory_space<vmem>> -> memref<80xi32, #tpu.memory_space<vmem>>
    %dma_start3A_64 = arith.constant 0 : i32
    %dma_start3A_65 = arith.constant 0 : i32
    %dma_start3A_66 = tpu.memref_slice %arg2[%dma_start3A_64, %dma_start3A_65] : memref<10000x128xf32, #tpu.memory_space<hbm>> -> memref<10000x128xf32, #tpu.memory_space<hbm>>
    tpu.enqueue_indirect_dma source(%dma_start3A_66 : memref<10000x128xf32, #tpu.memory_space<hbm>>) target(%arg14 : memref<80x128xf32, #tpu.memory_space<vmem>>) offsets(%dma_start3A_63 : memref<80xi32, #tpu.memory_space<vmem>>) semaphore(%arg20 : memref<!tpu.dma_semaphore, #tpu.memory_space<semaphore_mem>>)
    %dma_wait3A_67 = arith.constant 1 : i32
    %dma_wait3A_68 = arith.constant 0 : i32
    %dma_wait3A_69 = tpu.memref_slice %arg7[%dma_wait3A_67, %dma_wait3A_68] : memref<125x80xi32, #tpu.memory_space<vmem>> -> memref<1x80xi32, #tpu.memory_space<vmem>>
    %dma_wait3A_70 = tpu.memref_squeeze %dma_wait3A_69 : memref<1x80xi32, #tpu.memory_space<vmem>> -> memref<80xi32, #tpu.memory_space<vmem>>
    %dma_wait3A_71 = arith.constant 0 : i32
    %dma_wait3A_72 = arith.constant 0 : i32
    %dma_wait3A_73 = tpu.memref_slice %arg2[%dma_wait3A_71, %dma_wait3A_72] : memref<10000x128xf32, #tpu.memory_space<hbm>> -> memref<10000x128xf32, #tpu.memory_space<hbm>>
    tpu.wait_indirect_dma semaphore(%arg16 : memref<!tpu.dma_semaphore, #tpu.memory_space<semaphore_mem>>) src(%dma_wait3A_73 : memref<10000x128xf32, #tpu.memory_space<hbm>>) dst(%arg10 : memref<80x128xf32, #tpu.memory_space<vmem>>)
    %dma_wait3A_74 = arith.constant 1 : i32
    %dma_wait3A_75 = arith.constant 0 : i32
    %dma_wait3A_76 = tpu.memref_slice %arg8[%dma_wait3A_74, %dma_wait3A_75] : memref<125x80xi32, #tpu.memory_space<vmem>> -> memref<1x80xi32, #tpu.memory_space<vmem>>
    %dma_wait3A_77 = tpu.memref_squeeze %dma_wait3A_76 : memref<1x80xi32, #tpu.memory_space<vmem>> -> memref<80xi32, #tpu.memory_space<vmem>>
    %dma_wait3A_78 = arith.constant 0 : i32
    %dma_wait3A_79 = arith.constant 0 : i32
    %dma_wait3A_80 = tpu.memref_slice %arg2[%dma_wait3A_78, %dma_wait3A_79] : memref<10000x128xf32, #tpu.memory_space<hbm>> -> memref<10000x128xf32, #tpu.memory_space<hbm>>
    tpu.wait_indirect_dma semaphore(%arg19 : memref<!tpu.dma_semaphore, #tpu.memory_space<semaphore_mem>>) src(%dma_wait3A_80 : memref<10000x128xf32, #tpu.memory_space<hbm>>) dst(%arg13 : memref<80x128xf32, #tpu.memory_space<vmem>>)
    %mul3A_81 = arith.constant 10000 : i32
    %mul3A_82 = arith.muli %add3A, %mul3A_81 : i32
    %add3A_83 = arith.constant 80 : i32
    %add3A_84 = arith.addi %mul3A_82, %add3A_83 : i32
    %dma_start3A_85 = arith.constant 0 : i32
    %dma_start3A_86 = tpu.memref_slice %arg5[%add3A_84, %dma_start3A_85] : memref<320000x128xf32, #tpu.memory_space<hbm>> -> memref<80x128xf32, #tpu.memory_space<hbm>>
    %dma_start3A_87 = arith.constant 0 : i32
    %dma_start3A_88 = tpu.memref_slice %arg5[%add3A_84, %dma_start3A_87] : memref<320000x128xf32, #tpu.memory_space<hbm>> -> memref<80x128xf32, #tpu.memory_space<hbm>>
    tpu.enqueue_dma source(%arg10 : memref<80x128xf32, #tpu.memory_space<vmem>>) target(%dma_start3A_88 : memref<80x128xf32, #tpu.memory_space<hbm>>) target_semaphore(%arg22 : memref<!tpu.dma_semaphore, #tpu.memory_space<semaphore_mem>>)
    %dma_start3A_89 = arith.constant 0 : i32
    %dma_start3A_90 = tpu.memref_slice %arg6[%add3A_84, %dma_start3A_89] : memref<320000x128xf32, #tpu.memory_space<hbm>> -> memref<80x128xf32, #tpu.memory_space<hbm>>
    %dma_start3A_91 = arith.constant 0 : i32
    %dma_start3A_92 = tpu.memref_slice %arg6[%add3A_84, %dma_start3A_91] : memref<320000x128xf32, #tpu.memory_space<hbm>> -> memref<80x128xf32, #tpu.memory_space<hbm>>
    tpu.enqueue_dma source(%arg13 : memref<80x128xf32, #tpu.memory_space<vmem>>) target(%dma_start3A_92 : memref<80x128xf32, #tpu.memory_space<hbm>>) target_semaphore(%arg25 : memref<!tpu.dma_semaphore, #tpu.memory_space<semaphore_mem>>)
    %mul3A_93 = arith.constant 10000 : i32
    %mul3A_94 = arith.muli %add3A, %mul3A_93 : i32
    %add3A_95 = arith.constant 0 : i32
    %add3A_96 = arith.addi %mul3A_94, %add3A_95 : i32
    %dma_wait3A_97 = arith.constant 0 : i32
    %dma_wait3A_98 = tpu.memref_slice %arg5[%add3A_96, %dma_wait3A_97] : memref<320000x128xf32, #tpu.memory_space<hbm>> -> memref<80x128xf32, #tpu.memory_space<hbm>>
    %dma_wait3A_99 = arith.constant 0 : i32
    %dma_wait3A_100 = tpu.memref_slice %arg5[%add3A_96, %dma_wait3A_99] : memref<320000x128xf32, #tpu.memory_space<hbm>> -> memref<80x128xf32, #tpu.memory_space<hbm>>
    tpu.wait_dma2 semaphore(%arg21 : memref<!tpu.dma_semaphore, #tpu.memory_space<semaphore_mem>>) src(%arg9 : memref<80x128xf32, #tpu.memory_space<vmem>>) dst(%dma_wait3A_100 : memref<80x128xf32, #tpu.memory_space<hbm>>)
    %dma_wait3A_101 = arith.constant 0 : i32
    %dma_wait3A_102 = tpu.memref_slice %arg6[%add3A_96, %dma_wait3A_101] : memref<320000x128xf32, #tpu.memory_space<hbm>> -> memref<80x128xf32, #tpu.memory_space<hbm>>
    %dma_wait3A_103 = arith.constant 0 : i32
    %dma_wait3A_104 = tpu.memref_slice %arg6[%add3A_96, %dma_wait3A_103] : memref<320000x128xf32, #tpu.memory_space<hbm>> -> memref<80x128xf32, #tpu.memory_space<hbm>>
    tpu.wait_dma2 semaphore(%arg24 : memref<!tpu.dma_semaphore, #tpu.memory_space<semaphore_mem>>) src(%arg12 : memref<80x128xf32, #tpu.memory_space<vmem>>) dst(%dma_wait3A_104 : memref<80x128xf32, #tpu.memory_space<hbm>>)
    %dma_start3A_105 = arith.constant 3 : i32
    %dma_start3A_106 = arith.constant 0 : i32
    %dma_start3A_107 = tpu.memref_slice %arg7[%dma_start3A_105, %dma_start3A_106] : memref<125x80xi32, #tpu.memory_space<vmem>> -> memref<1x80xi32, #tpu.memory_space<vmem>>
    %dma_start3A_108 = tpu.memref_squeeze %dma_start3A_107 : memref<1x80xi32, #tpu.memory_space<vmem>> -> memref<80xi32, #tpu.memory_space<vmem>>
    %dma_start3A_109 = arith.constant 0 : i32
    %dma_start3A_110 = arith.constant 0 : i32
    %dma_start3A_111 = tpu.memref_slice %arg2[%dma_start3A_109, %dma_start3A_110] : memref<10000x128xf32, #tpu.memory_space<hbm>> -> memref<10000x128xf32, #tpu.memory_space<hbm>>
    tpu.enqueue_indirect_dma source(%dma_start3A_111 : memref<10000x128xf32, #tpu.memory_space<hbm>>) target(%arg9 : memref<80x128xf32, #tpu.memory_space<vmem>>) offsets(%dma_start3A_108 : memref<80xi32, #tpu.memory_space<vmem>>) semaphore(%arg15 : memref<!tpu.dma_semaphore, #tpu.memory_space<semaphore_mem>>)
    %dma_start3A_112 = arith.constant 3 : i32
    %dma_start3A_113 = arith.constant 0 : i32
    %dma_start3A_114 = tpu.memref_slice %arg8[%dma_start3A_112, %dma_start3A_113] : memref<125x80xi32, #tpu.memory_space<vmem>> -> memref<1x80xi32, #tpu.memory_space<vmem>>
    %dma_start3A_115 = tpu.memref_squeeze %dma_start3A_114 : memref<1x80xi32, #tpu.memory_space<vmem>> -> memref<80xi32, #tpu.memory_space<vmem>>
    %dma_start3A_116 = arith.constant 0 : i32
    %dma_start3A_117 = arith.constant 0 : i32
    %dma_start3A_118 = tpu.memref_slice %arg2[%dma_start3A_116, %dma_start3A_117] : memref<10000x128xf32, #tpu.memory_space<hbm>> -> memref<10000x128xf32, #tpu.memory_space<hbm>>
    tpu.enqueue_indirect_dma source(%dma_start3A_118 : memref<10000x128xf32, #tpu.memory_space<hbm>>) target(%arg12 : memref<80x128xf32, #tpu.memory_space<vmem>>) offsets(%dma_start3A_115 : memref<80xi32, #tpu.memory_space<vmem>>) semaphore(%arg18 : memref<!tpu.dma_semaphore, #tpu.memory_space<semaphore_mem>>)
    %scan3A = arith.constant 0 : i32
    %scan3A_119 = arith.constant 0 : i32
    %scan3A_120 = arith.constant 41 : i32
    %scan3A_121 = arith.addi %scan3A_119, %scan3A_120 : i32
    %scan3A_122 = arith.constant 1 : i32
    scf.for %scan3A_160 = %scan3A_119 to %scan3A_121 step %scan3A_122  : i32 {
      %mul3A_161 = arith.constant 3 : i32
      %mul3A_162 = arith.muli %mul3A_161, %scan3A_160 : i32
      %add3A_163 = arith.constant 2 : i32
      %add3A_164 = arith.addi %mul3A_162, %add3A_163 : i32
      %add3A_165 = arith.constant 0 : i32
      %add3A_166 = arith.addi %add3A_164, %add3A_165 : i32
      %dma_wait3A_167 = arith.constant 0 : i32
      %dma_wait3A_168 = tpu.memref_slice %arg7[%add3A_166, %dma_wait3A_167] : memref<125x80xi32, #tpu.memory_space<vmem>> -> memref<1x80xi32, #tpu.memory_space<vmem>>
      %dma_wait3A_169 = tpu.memref_squeeze %dma_wait3A_168 : memref<1x80xi32, #tpu.memory_space<vmem>> -> memref<80xi32, #tpu.memory_space<vmem>>
      %dma_wait3A_170 = arith.constant 0 : i32
      %dma_wait3A_171 = arith.constant 0 : i32
      %dma_wait3A_172 = tpu.memref_slice %arg2[%dma_wait3A_170, %dma_wait3A_171] : memref<10000x128xf32, #tpu.memory_space<hbm>> -> memref<10000x128xf32, #tpu.memory_space<hbm>>
      tpu.wait_indirect_dma semaphore(%arg17 : memref<!tpu.dma_semaphore, #tpu.memory_space<semaphore_mem>>) src(%dma_wait3A_172 : memref<10000x128xf32, #tpu.memory_space<hbm>>) dst(%arg11 : memref<80x128xf32, #tpu.memory_space<vmem>>)
      %dma_wait3A_173 = arith.constant 0 : i32
      %dma_wait3A_174 = tpu.memref_slice %arg8[%add3A_166, %dma_wait3A_173] : memref<125x80xi32, #tpu.memory_space<vmem>> -> memref<1x80xi32, #tpu.memory_space<vmem>>
      %dma_wait3A_175 = tpu.memref_squeeze %dma_wait3A_174 : memref<1x80xi32, #tpu.memory_space<vmem>> -> memref<80xi32, #tpu.memory_space<vmem>>
      %dma_wait3A_176 = arith.constant 0 : i32
      %dma_wait3A_177 = arith.constant 0 : i32
      %dma_wait3A_178 = tpu.memref_slice %arg2[%dma_wait3A_176, %dma_wait3A_177] : memref<10000x128xf32, #tpu.memory_space<hbm>> -> memref<10000x128xf32, #tpu.memory_space<hbm>>
      tpu.wait_indirect_dma semaphore(%arg20 : memref<!tpu.dma_semaphore, #tpu.memory_space<semaphore_mem>>) src(%dma_wait3A_178 : memref<10000x128xf32, #tpu.memory_space<hbm>>) dst(%arg14 : memref<80x128xf32, #tpu.memory_space<vmem>>)
      %mul3A_179 = arith.constant 10000 : i32
      %mul3A_180 = arith.muli %add3A, %mul3A_179 : i32
      %mul3A_181 = arith.constant 80 : i32
      %mul3A_182 = arith.muli %add3A_166, %mul3A_181 : i32
      %add3A_183 = arith.addi %mul3A_180, %mul3A_182 : i32
      %dma_start3A_184 = arith.constant 0 : i32
      %dma_start3A_185 = tpu.memref_slice %arg5[%add3A_183, %dma_start3A_184] : memref<320000x128xf32, #tpu.memory_space<hbm>> -> memref<80x128xf32, #tpu.memory_space<hbm>>
      %dma_start3A_186 = arith.constant 0 : i32
      %dma_start3A_187 = tpu.memref_slice %arg5[%add3A_183, %dma_start3A_186] : memref<320000x128xf32, #tpu.memory_space<hbm>> -> memref<80x128xf32, #tpu.memory_space<hbm>>
      tpu.enqueue_dma source(%arg11 : memref<80x128xf32, #tpu.memory_space<vmem>>) target(%dma_start3A_187 : memref<80x128xf32, #tpu.memory_space<hbm>>) target_semaphore(%arg23 : memref<!tpu.dma_semaphore, #tpu.memory_space<semaphore_mem>>)
      %dma_start3A_188 = arith.constant 0 : i32
      %dma_start3A_189 = tpu.memref_slice %arg6[%add3A_183, %dma_start3A_188] : memref<320000x128xf32, #tpu.memory_space<hbm>> -> memref<80x128xf32, #tpu.memory_space<hbm>>
      %dma_start3A_190 = arith.constant 0 : i32
      %dma_start3A_191 = tpu.memref_slice %arg6[%add3A_183, %dma_start3A_190] : memref<320000x128xf32, #tpu.memory_space<hbm>> -> memref<80x128xf32, #tpu.memory_space<hbm>>
      tpu.enqueue_dma source(%arg14 : memref<80x128xf32, #tpu.memory_space<vmem>>) target(%dma_start3A_191 : memref<80x128xf32, #tpu.memory_space<hbm>>) target_semaphore(%arg26 : memref<!tpu.dma_semaphore, #tpu.memory_space<semaphore_mem>>)
      %add3A_192 = arith.constant 2 : i32
      %add3A_193 = arith.addi %add3A_166, %add3A_192 : i32
      %lt3A = arith.constant 125 : i32
      %lt3A_194 = arith.cmpi slt, %add3A_193, %lt3A : i32
      %convert_element_type3A = arith.extui %lt3A_194 : i1 to i32
      %cond3A = arith.constant 0 : i32
      %cond3A_195 = arith.cmpi ne, %convert_element_type3A, %cond3A : i32
      scf.if %cond3A_195 {
        %sub3A = arith.constant 1 : i32
        %sub3A_272 = arith.subi %add3A_166, %sub3A : i32
        %mul3A_273 = arith.constant 10000 : i32
        %mul3A_274 = arith.muli %add3A, %mul3A_273 : i32
        %mul3A_275 = arith.constant 80 : i32
        %mul3A_276 = arith.muli %sub3A_272, %mul3A_275 : i32
        %add3A_277 = arith.addi %mul3A_274, %mul3A_276 : i32
        %dma_wait3A_278 = arith.constant 0 : i32
        %dma_wait3A_279 = tpu.memref_slice %arg5[%add3A_277, %dma_wait3A_278] : memref<320000x128xf32, #tpu.memory_space<hbm>> -> memref<80x128xf32, #tpu.memory_space<hbm>>
        %dma_wait3A_280 = arith.constant 0 : i32
        %dma_wait3A_281 = tpu.memref_slice %arg5[%add3A_277, %dma_wait3A_280] : memref<320000x128xf32, #tpu.memory_space<hbm>> -> memref<80x128xf32, #tpu.memory_space<hbm>>
        tpu.wait_dma2 semaphore(%arg22 : memref<!tpu.dma_semaphore, #tpu.memory_space<semaphore_mem>>) src(%arg10 : memref<80x128xf32, #tpu.memory_space<vmem>>) dst(%dma_wait3A_281 : memref<80x128xf32, #tpu.memory_space<hbm>>)
        %dma_wait3A_282 = arith.constant 0 : i32
        %dma_wait3A_283 = tpu.memref_slice %arg6[%add3A_277, %dma_wait3A_282] : memref<320000x128xf32, #tpu.memory_space<hbm>> -> memref<80x128xf32, #tpu.memory_space<hbm>>
        %dma_wait3A_284 = arith.constant 0 : i32
        %dma_wait3A_285 = tpu.memref_slice %arg6[%add3A_277, %dma_wait3A_284] : memref<320000x128xf32, #tpu.memory_space<hbm>> -> memref<80x128xf32, #tpu.memory_space<hbm>>
        tpu.wait_dma2 semaphore(%arg25 : memref<!tpu.dma_semaphore, #tpu.memory_space<semaphore_mem>>) src(%arg13 : memref<80x128xf32, #tpu.memory_space<vmem>>) dst(%dma_wait3A_285 : memref<80x128xf32, #tpu.memory_space<hbm>>)
        %add3A_286 = arith.constant 2 : i32
        %add3A_287 = arith.addi %add3A_166, %add3A_286 : i32
        %dma_start3A_288 = arith.constant 0 : i32
        %dma_start3A_289 = tpu.memref_slice %arg7[%add3A_287, %dma_start3A_288] : memref<125x80xi32, #tpu.memory_space<vmem>> -> memref<1x80xi32, #tpu.memory_space<vmem>>
        %dma_start3A_290 = tpu.memref_squeeze %dma_start3A_289 : memref<1x80xi32, #tpu.memory_space<vmem>> -> memref<80xi32, #tpu.memory_space<vmem>>
        %dma_start3A_291 = arith.constant 0 : i32
        %dma_start3A_292 = arith.constant 0 : i32
        %dma_start3A_293 = tpu.memref_slice %arg2[%dma_start3A_291, %dma_start3A_292] : memref<10000x128xf32, #tpu.memory_space<hbm>> -> memref<10000x128xf32, #tpu.memory_space<hbm>>
        tpu.enqueue_indirect_dma source(%dma_start3A_293 : memref<10000x128xf32, #tpu.memory_space<hbm>>) target(%arg10 : memref<80x128xf32, #tpu.memory_space<vmem>>) offsets(%dma_start3A_290 : memref<80xi32, #tpu.memory_space<vmem>>) semaphore(%arg16 : memref<!tpu.dma_semaphore, #tpu.memory_space<semaphore_mem>>)
        %dma_start3A_294 = arith.constant 0 : i32
        %dma_start3A_295 = tpu.memref_slice %arg8[%add3A_287, %dma_start3A_294] : memref<125x80xi32, #tpu.memory_space<vmem>> -> memref<1x80xi32, #tpu.memory_space<vmem>>
        %dma_start3A_296 = tpu.memref_squeeze %dma_start3A_295 : memref<1x80xi32, #tpu.memory_space<vmem>> -> memref<80xi32, #tpu.memory_space<vmem>>
        %dma_start3A_297 = arith.constant 0 : i32
        %dma_start3A_298 = arith.constant 0 : i32
        %dma_start3A_299 = tpu.memref_slice %arg2[%dma_start3A_297, %dma_start3A_298] : memref<10000x128xf32, #tpu.memory_space<hbm>> -> memref<10000x128xf32, #tpu.memory_space<hbm>>
        tpu.enqueue_indirect_dma source(%dma_start3A_299 : memref<10000x128xf32, #tpu.memory_space<hbm>>) target(%arg13 : memref<80x128xf32, #tpu.memory_space<vmem>>) offsets(%dma_start3A_296 : memref<80xi32, #tpu.memory_space<vmem>>) semaphore(%arg19 : memref<!tpu.dma_semaphore, #tpu.memory_space<semaphore_mem>>)
      } else {
      }
      %mul3A_196 = arith.constant 3 : i32
      %mul3A_197 = arith.muli %mul3A_196, %scan3A_160 : i32
      %add3A_198 = arith.constant 2 : i32
      %add3A_199 = arith.addi %mul3A_197, %add3A_198 : i32
      %add3A_200 = arith.constant 1 : i32
      %add3A_201 = arith.addi %add3A_199, %add3A_200 : i32
      %dma_wait3A_202 = arith.constant 0 : i32
      %dma_wait3A_203 = tpu.memref_slice %arg7[%add3A_201, %dma_wait3A_202] : memref<125x80xi32, #tpu.memory_space<vmem>> -> memref<1x80xi32, #tpu.memory_space<vmem>>
      %dma_wait3A_204 = tpu.memref_squeeze %dma_wait3A_203 : memref<1x80xi32, #tpu.memory_space<vmem>> -> memref<80xi32, #tpu.memory_space<vmem>>
      %dma_wait3A_205 = arith.constant 0 : i32
      %dma_wait3A_206 = arith.constant 0 : i32
      %dma_wait3A_207 = tpu.memref_slice %arg2[%dma_wait3A_205, %dma_wait3A_206] : memref<10000x128xf32, #tpu.memory_space<hbm>> -> memref<10000x128xf32, #tpu.memory_space<hbm>>
      tpu.wait_indirect_dma semaphore(%arg15 : memref<!tpu.dma_semaphore, #tpu.memory_space<semaphore_mem>>) src(%dma_wait3A_207 : memref<10000x128xf32, #tpu.memory_space<hbm>>) dst(%arg9 : memref<80x128xf32, #tpu.memory_space<vmem>>)
      %dma_wait3A_208 = arith.constant 0 : i32
      %dma_wait3A_209 = tpu.memref_slice %arg8[%add3A_201, %dma_wait3A_208] : memref<125x80xi32, #tpu.memory_space<vmem>> -> memref<1x80xi32, #tpu.memory_space<vmem>>
      %dma_wait3A_210 = tpu.memref_squeeze %dma_wait3A_209 : memref<1x80xi32, #tpu.memory_space<vmem>> -> memref<80xi32, #tpu.memory_space<vmem>>
      %dma_wait3A_211 = arith.constant 0 : i32
      %dma_wait3A_212 = arith.constant 0 : i32
      %dma_wait3A_213 = tpu.memref_slice %arg2[%dma_wait3A_211, %dma_wait3A_212] : memref<10000x128xf32, #tpu.memory_space<hbm>> -> memref<10000x128xf32, #tpu.memory_space<hbm>>
      tpu.wait_indirect_dma semaphore(%arg18 : memref<!tpu.dma_semaphore, #tpu.memory_space<semaphore_mem>>) src(%dma_wait3A_213 : memref<10000x128xf32, #tpu.memory_space<hbm>>) dst(%arg12 : memref<80x128xf32, #tpu.memory_space<vmem>>)
      %mul3A_214 = arith.constant 10000 : i32
      %mul3A_215 = arith.muli %add3A, %mul3A_214 : i32
      %mul3A_216 = arith.constant 80 : i32
      %mul3A_217 = arith.muli %add3A_201, %mul3A_216 : i32
      %add3A_218 = arith.addi %mul3A_215, %mul3A_217 : i32
      %dma_start3A_219 = arith.constant 0 : i32
      %dma_start3A_220 = tpu.memref_slice %arg5[%add3A_218, %dma_start3A_219] : memref<320000x128xf32, #tpu.memory_space<hbm>> -> memref<80x128xf32, #tpu.memory_space<hbm>>
      %dma_start3A_221 = arith.constant 0 : i32
      %dma_start3A_222 = tpu.memref_slice %arg5[%add3A_218, %dma_start3A_221] : memref<320000x128xf32, #tpu.memory_space<hbm>> -> memref<80x128xf32, #tpu.memory_space<hbm>>
      tpu.enqueue_dma source(%arg9 : memref<80x128xf32, #tpu.memory_space<vmem>>) target(%dma_start3A_222 : memref<80x128xf32, #tpu.memory_space<hbm>>) target_semaphore(%arg21 : memref<!tpu.dma_semaphore, #tpu.memory_space<semaphore_mem>>)
      %dma_start3A_223 = arith.constant 0 : i32
      %dma_start3A_224 = tpu.memref_slice %arg6[%add3A_218, %dma_start3A_223] : memref<320000x128xf32, #tpu.memory_space<hbm>> -> memref<80x128xf32, #tpu.memory_space<hbm>>
      %dma_start3A_225 = arith.constant 0 : i32
      %dma_start3A_226 = tpu.memref_slice %arg6[%add3A_218, %dma_start3A_225] : memref<320000x128xf32, #tpu.memory_space<hbm>> -> memref<80x128xf32, #tpu.memory_space<hbm>>
      tpu.enqueue_dma source(%arg12 : memref<80x128xf32, #tpu.memory_space<vmem>>) target(%dma_start3A_226 : memref<80x128xf32, #tpu.memory_space<hbm>>) target_semaphore(%arg24 : memref<!tpu.dma_semaphore, #tpu.memory_space<semaphore_mem>>)
      %add3A_227 = arith.constant 2 : i32
      %add3A_228 = arith.addi %add3A_201, %add3A_227 : i32
      %lt3A_229 = arith.constant 125 : i32
      %lt3A_230 = arith.cmpi slt, %add3A_228, %lt3A_229 : i32
      %convert_element_type3A_231 = arith.extui %lt3A_230 : i1 to i32
      %cond3A_232 = arith.constant 0 : i32
      %cond3A_233 = arith.cmpi ne, %convert_element_type3A_231, %cond3A_232 : i32
      scf.if %cond3A_233 {
        %sub3A = arith.constant 1 : i32
        %sub3A_272 = arith.subi %add3A_201, %sub3A : i32
        %mul3A_273 = arith.constant 10000 : i32
        %mul3A_274 = arith.muli %add3A, %mul3A_273 : i32
        %mul3A_275 = arith.constant 80 : i32
        %mul3A_276 = arith.muli %sub3A_272, %mul3A_275 : i32
        %add3A_277 = arith.addi %mul3A_274, %mul3A_276 : i32
        %dma_wait3A_278 = arith.constant 0 : i32
        %dma_wait3A_279 = tpu.memref_slice %arg5[%add3A_277, %dma_wait3A_278] : memref<320000x128xf32, #tpu.memory_space<hbm>> -> memref<80x128xf32, #tpu.memory_space<hbm>>
        %dma_wait3A_280 = arith.constant 0 : i32
        %dma_wait3A_281 = tpu.memref_slice %arg5[%add3A_277, %dma_wait3A_280] : memref<320000x128xf32, #tpu.memory_space<hbm>> -> memref<80x128xf32, #tpu.memory_space<hbm>>
        tpu.wait_dma2 semaphore(%arg23 : memref<!tpu.dma_semaphore, #tpu.memory_space<semaphore_mem>>) src(%arg11 : memref<80x128xf32, #tpu.memory_space<vmem>>) dst(%dma_wait3A_281 : memref<80x128xf32, #tpu.memory_space<hbm>>)
        %dma_wait3A_282 = arith.constant 0 : i32
        %dma_wait3A_283 = tpu.memref_slice %arg6[%add3A_277, %dma_wait3A_282] : memref<320000x128xf32, #tpu.memory_space<hbm>> -> memref<80x128xf32, #tpu.memory_space<hbm>>
        %dma_wait3A_284 = arith.constant 0 : i32
        %dma_wait3A_285 = tpu.memref_slice %arg6[%add3A_277, %dma_wait3A_284] : memref<320000x128xf32, #tpu.memory_space<hbm>> -> memref<80x128xf32, #tpu.memory_space<hbm>>
        tpu.wait_dma2 semaphore(%arg26 : memref<!tpu.dma_semaphore, #tpu.memory_space<semaphore_mem>>) src(%arg14 : memref<80x128xf32, #tpu.memory_space<vmem>>) dst(%dma_wait3A_285 : memref<80x128xf32, #tpu.memory_space<hbm>>)
        %add3A_286 = arith.constant 2 : i32
        %add3A_287 = arith.addi %add3A_201, %add3A_286 : i32
        %dma_start3A_288 = arith.constant 0 : i32
        %dma_start3A_289 = tpu.memref_slice %arg7[%add3A_287, %dma_start3A_288] : memref<125x80xi32, #tpu.memory_space<vmem>> -> memref<1x80xi32, #tpu.memory_space<vmem>>
        %dma_start3A_290 = tpu.memref_squeeze %dma_start3A_289 : memref<1x80xi32, #tpu.memory_space<vmem>> -> memref<80xi32, #tpu.memory_space<vmem>>
        %dma_start3A_291 = arith.constant 0 : i32
        %dma_start3A_292 = arith.constant 0 : i32
        %dma_start3A_293 = tpu.memref_slice %arg2[%dma_start3A_291, %dma_start3A_292] : memref<10000x128xf32, #tpu.memory_space<hbm>> -> memref<10000x128xf32, #tpu.memory_space<hbm>>
        tpu.enqueue_indirect_dma source(%dma_start3A_293 : memref<10000x128xf32, #tpu.memory_space<hbm>>) target(%arg11 : memref<80x128xf32, #tpu.memory_space<vmem>>) offsets(%dma_start3A_290 : memref<80xi32, #tpu.memory_space<vmem>>) semaphore(%arg17 : memref<!tpu.dma_semaphore, #tpu.memory_space<semaphore_mem>>)
        %dma_start3A_294 = arith.constant 0 : i32
        %dma_start3A_295 = tpu.memref_slice %arg8[%add3A_287, %dma_start3A_294] : memref<125x80xi32, #tpu.memory_space<vmem>> -> memref<1x80xi32, #tpu.memory_space<vmem>>
        %dma_start3A_296 = tpu.memref_squeeze %dma_start3A_295 : memref<1x80xi32, #tpu.memory_space<vmem>> -> memref<80xi32, #tpu.memory_space<vmem>>
        %dma_start3A_297 = arith.constant 0 : i32
        %dma_start3A_298 = arith.constant 0 : i32
        %dma_start3A_299 = tpu.memref_slice %arg2[%dma_start3A_297, %dma_start3A_298] : memref<10000x128xf32, #tpu.memory_space<hbm>> -> memref<10000x128xf32, #tpu.memory_space<hbm>>
        tpu.enqueue_indirect_dma source(%dma_start3A_299 : memref<10000x128xf32, #tpu.memory_space<hbm>>) target(%arg14 : memref<80x128xf32, #tpu.memory_space<vmem>>) offsets(%dma_start3A_296 : memref<80xi32, #tpu.memory_space<vmem>>) semaphore(%arg20 : memref<!tpu.dma_semaphore, #tpu.memory_space<semaphore_mem>>)
      } else {
      }
      %mul3A_234 = arith.constant 3 : i32
      %mul3A_235 = arith.muli %mul3A_234, %scan3A_160 : i32
      %add3A_236 = arith.constant 2 : i32
      %add3A_237 = arith.addi %mul3A_235, %add3A_236 : i32
      %add3A_238 = arith.constant 2 : i32
      %add3A_239 = arith.addi %add3A_237, %add3A_238 : i32
      %dma_wait3A_240 = arith.constant 0 : i32
      %dma_wait3A_241 = tpu.memref_slice %arg7[%add3A_239, %dma_wait3A_240] : memref<125x80xi32, #tpu.memory_space<vmem>> -> memref<1x80xi32, #tpu.memory_space<vmem>>
      %dma_wait3A_242 = tpu.memref_squeeze %dma_wait3A_241 : memref<1x80xi32, #tpu.memory_space<vmem>> -> memref<80xi32, #tpu.memory_space<vmem>>
      %dma_wait3A_243 = arith.constant 0 : i32
      %dma_wait3A_244 = arith.constant 0 : i32
      %dma_wait3A_245 = tpu.memref_slice %arg2[%dma_wait3A_243, %dma_wait3A_244] : memref<10000x128xf32, #tpu.memory_space<hbm>> -> memref<10000x128xf32, #tpu.memory_space<hbm>>
      tpu.wait_indirect_dma semaphore(%arg16 : memref<!tpu.dma_semaphore, #tpu.memory_space<semaphore_mem>>) src(%dma_wait3A_245 : memref<10000x128xf32, #tpu.memory_space<hbm>>) dst(%arg10 : memref<80x128xf32, #tpu.memory_space<vmem>>)
      %dma_wait3A_246 = arith.constant 0 : i32
      %dma_wait3A_247 = tpu.memref_slice %arg8[%add3A_239, %dma_wait3A_246] : memref<125x80xi32, #tpu.memory_space<vmem>> -> memref<1x80xi32, #tpu.memory_space<vmem>>
      %dma_wait3A_248 = tpu.memref_squeeze %dma_wait3A_247 : memref<1x80xi32, #tpu.memory_space<vmem>> -> memref<80xi32, #tpu.memory_space<vmem>>
      %dma_wait3A_249 = arith.constant 0 : i32
      %dma_wait3A_250 = arith.constant 0 : i32
      %dma_wait3A_251 = tpu.memref_slice %arg2[%dma_wait3A_249, %dma_wait3A_250] : memref<10000x128xf32, #tpu.memory_space<hbm>> -> memref<10000x128xf32, #tpu.memory_space<hbm>>
      tpu.wait_indirect_dma semaphore(%arg19 : memref<!tpu.dma_semaphore, #tpu.memory_space<semaphore_mem>>) src(%dma_wait3A_251 : memref<10000x128xf32, #tpu.memory_space<hbm>>) dst(%arg13 : memref<80x128xf32, #tpu.memory_space<vmem>>)
      %mul3A_252 = arith.constant 10000 : i32
      %mul3A_253 = arith.muli %add3A, %mul3A_252 : i32
      %mul3A_254 = arith.constant 80 : i32
      %mul3A_255 = arith.muli %add3A_239, %mul3A_254 : i32
      %add3A_256 = arith.addi %mul3A_253, %mul3A_255 : i32
      %dma_start3A_257 = arith.constant 0 : i32
      %dma_start3A_258 = tpu.memref_slice %arg5[%add3A_256, %dma_start3A_257] : memref<320000x128xf32, #tpu.memory_space<hbm>> -> memref<80x128xf32, #tpu.memory_space<hbm>>
      %dma_start3A_259 = arith.constant 0 : i32
      %dma_start3A_260 = tpu.memref_slice %arg5[%add3A_256, %dma_start3A_259] : memref<320000x128xf32, #tpu.memory_space<hbm>> -> memref<80x128xf32, #tpu.memory_space<hbm>>
      tpu.enqueue_dma source(%arg10 : memref<80x128xf32, #tpu.memory_space<vmem>>) target(%dma_start3A_260 : memref<80x128xf32, #tpu.memory_space<hbm>>) target_semaphore(%arg22 : memref<!tpu.dma_semaphore, #tpu.memory_space<semaphore_mem>>)
      %dma_start3A_261 = arith.constant 0 : i32
      %dma_start3A_262 = tpu.memref_slice %arg6[%add3A_256, %dma_start3A_261] : memref<320000x128xf32, #tpu.memory_space<hbm>> -> memref<80x128xf32, #tpu.memory_space<hbm>>
      %dma_start3A_263 = arith.constant 0 : i32
      %dma_start3A_264 = tpu.memref_slice %arg6[%add3A_256, %dma_start3A_263] : memref<320000x128xf32, #tpu.memory_space<hbm>> -> memref<80x128xf32, #tpu.memory_space<hbm>>
      tpu.enqueue_dma source(%arg13 : memref<80x128xf32, #tpu.memory_space<vmem>>) target(%dma_start3A_264 : memref<80x128xf32, #tpu.memory_space<hbm>>) target_semaphore(%arg25 : memref<!tpu.dma_semaphore, #tpu.memory_space<semaphore_mem>>)
      %add3A_265 = arith.constant 2 : i32
      %add3A_266 = arith.addi %add3A_239, %add3A_265 : i32
      %lt3A_267 = arith.constant 125 : i32
      %lt3A_268 = arith.cmpi slt, %add3A_266, %lt3A_267 : i32
      %convert_element_type3A_269 = arith.extui %lt3A_268 : i1 to i32
      %cond3A_270 = arith.constant 0 : i32
      %cond3A_271 = arith.cmpi ne, %convert_element_type3A_269, %cond3A_270 : i32
      scf.if %cond3A_271 {
        %sub3A = arith.constant 1 : i32
        %sub3A_272 = arith.subi %add3A_239, %sub3A : i32
        %mul3A_273 = arith.constant 10000 : i32
        %mul3A_274 = arith.muli %add3A, %mul3A_273 : i32
        %mul3A_275 = arith.constant 80 : i32
        %mul3A_276 = arith.muli %sub3A_272, %mul3A_275 : i32
        %add3A_277 = arith.addi %mul3A_274, %mul3A_276 : i32
        %dma_wait3A_278 = arith.constant 0 : i32
        %dma_wait3A_279 = tpu.memref_slice %arg5[%add3A_277, %dma_wait3A_278] : memref<320000x128xf32, #tpu.memory_space<hbm>> -> memref<80x128xf32, #tpu.memory_space<hbm>>
        %dma_wait3A_280 = arith.constant 0 : i32
        %dma_wait3A_281 = tpu.memref_slice %arg5[%add3A_277, %dma_wait3A_280] : memref<320000x128xf32, #tpu.memory_space<hbm>> -> memref<80x128xf32, #tpu.memory_space<hbm>>
        tpu.wait_dma2 semaphore(%arg21 : memref<!tpu.dma_semaphore, #tpu.memory_space<semaphore_mem>>) src(%arg9 : memref<80x128xf32, #tpu.memory_space<vmem>>) dst(%dma_wait3A_281 : memref<80x128xf32, #tpu.memory_space<hbm>>)
        %dma_wait3A_282 = arith.constant 0 : i32
        %dma_wait3A_283 = tpu.memref_slice %arg6[%add3A_277, %dma_wait3A_282] : memref<320000x128xf32, #tpu.memory_space<hbm>> -> memref<80x128xf32, #tpu.memory_space<hbm>>
        %dma_wait3A_284 = arith.constant 0 : i32
        %dma_wait3A_285 = tpu.memref_slice %arg6[%add3A_277, %dma_wait3A_284] : memref<320000x128xf32, #tpu.memory_space<hbm>> -> memref<80x128xf32, #tpu.memory_space<hbm>>
        tpu.wait_dma2 semaphore(%arg24 : memref<!tpu.dma_semaphore, #tpu.memory_space<semaphore_mem>>) src(%arg12 : memref<80x128xf32, #tpu.memory_space<vmem>>) dst(%dma_wait3A_285 : memref<80x128xf32, #tpu.memory_space<hbm>>)
        %add3A_286 = arith.constant 2 : i32
        %add3A_287 = arith.addi %add3A_239, %add3A_286 : i32
        %dma_start3A_288 = arith.constant 0 : i32
        %dma_start3A_289 = tpu.memref_slice %arg7[%add3A_287, %dma_start3A_288] : memref<125x80xi32, #tpu.memory_space<vmem>> -> memref<1x80xi32, #tpu.memory_space<vmem>>
        %dma_start3A_290 = tpu.memref_squeeze %dma_start3A_289 : memref<1x80xi32, #tpu.memory_space<vmem>> -> memref<80xi32, #tpu.memory_space<vmem>>
        %dma_start3A_291 = arith.constant 0 : i32
        %dma_start3A_292 = arith.constant 0 : i32
        %dma_start3A_293 = tpu.memref_slice %arg2[%dma_start3A_291, %dma_start3A_292] : memref<10000x128xf32, #tpu.memory_space<hbm>> -> memref<10000x128xf32, #tpu.memory_space<hbm>>
        tpu.enqueue_indirect_dma source(%dma_start3A_293 : memref<10000x128xf32, #tpu.memory_space<hbm>>) target(%arg9 : memref<80x128xf32, #tpu.memory_space<vmem>>) offsets(%dma_start3A_290 : memref<80xi32, #tpu.memory_space<vmem>>) semaphore(%arg15 : memref<!tpu.dma_semaphore, #tpu.memory_space<semaphore_mem>>)
        %dma_start3A_294 = arith.constant 0 : i32
        %dma_start3A_295 = tpu.memref_slice %arg8[%add3A_287, %dma_start3A_294] : memref<125x80xi32, #tpu.memory_space<vmem>> -> memref<1x80xi32, #tpu.memory_space<vmem>>
        %dma_start3A_296 = tpu.memref_squeeze %dma_start3A_295 : memref<1x80xi32, #tpu.memory_space<vmem>> -> memref<80xi32, #tpu.memory_space<vmem>>
        %dma_start3A_297 = arith.constant 0 : i32
        %dma_start3A_298 = arith.constant 0 : i32
        %dma_start3A_299 = tpu.memref_slice %arg2[%dma_start3A_297, %dma_start3A_298] : memref<10000x128xf32, #tpu.memory_space<hbm>> -> memref<10000x128xf32, #tpu.memory_space<hbm>>
        tpu.enqueue_indirect_dma source(%dma_start3A_299 : memref<10000x128xf32, #tpu.memory_space<hbm>>) target(%arg12 : memref<80x128xf32, #tpu.memory_space<vmem>>) offsets(%dma_start3A_296 : memref<80xi32, #tpu.memory_space<vmem>>) semaphore(%arg18 : memref<!tpu.dma_semaphore, #tpu.memory_space<semaphore_mem>>)
      } else {
      }
    }
    %scan3A_123 = arith.constant 41 : i32
    %mul3A_124 = arith.constant 10000 : i32
    %mul3A_125 = arith.muli %add3A, %mul3A_124 : i32
    %add3A_126 = arith.constant 9760 : i32
    %add3A_127 = arith.addi %mul3A_125, %add3A_126 : i32
    %dma_wait3A_128 = arith.constant 0 : i32
    %dma_wait3A_129 = tpu.memref_slice %arg5[%add3A_127, %dma_wait3A_128] : memref<320000x128xf32, #tpu.memory_space<hbm>> -> memref<80x128xf32, #tpu.memory_space<hbm>>
    %dma_wait3A_130 = arith.constant 0 : i32
    %dma_wait3A_131 = tpu.memref_slice %arg5[%add3A_127, %dma_wait3A_130] : memref<320000x128xf32, #tpu.memory_space<hbm>> -> memref<80x128xf32, #tpu.memory_space<hbm>>
    tpu.wait_dma2 semaphore(%arg23 : memref<!tpu.dma_semaphore, #tpu.memory_space<semaphore_mem>>) src(%arg11 : memref<80x128xf32, #tpu.memory_space<vmem>>) dst(%dma_wait3A_131 : memref<80x128xf32, #tpu.memory_space<hbm>>)
    %dma_wait3A_132 = arith.constant 0 : i32
    %dma_wait3A_133 = tpu.memref_slice %arg6[%add3A_127, %dma_wait3A_132] : memref<320000x128xf32, #tpu.memory_space<hbm>> -> memref<80x128xf32, #tpu.memory_space<hbm>>
    %dma_wait3A_134 = arith.constant 0 : i32
    %dma_wait3A_135 = tpu.memref_slice %arg6[%add3A_127, %dma_wait3A_134] : memref<320000x128xf32, #tpu.memory_space<hbm>> -> memref<80x128xf32, #tpu.memory_space<hbm>>
    tpu.wait_dma2 semaphore(%arg26 : memref<!tpu.dma_semaphore, #tpu.memory_space<semaphore_mem>>) src(%arg14 : memref<80x128xf32, #tpu.memory_space<vmem>>) dst(%dma_wait3A_135 : memref<80x128xf32, #tpu.memory_space<hbm>>)
    %mul3A_136 = arith.constant 10000 : i32
    %mul3A_137 = arith.muli %add3A, %mul3A_136 : i32
    %add3A_138 = arith.constant 9840 : i32
    %add3A_139 = arith.addi %mul3A_137, %add3A_138 : i32
    %dma_wait3A_140 = arith.constant 0 : i32
    %dma_wait3A_141 = tpu.memref_slice %arg5[%add3A_139, %dma_wait3A_140] : memref<320000x128xf32, #tpu.memory_space<hbm>> -> memref<80x128xf32, #tpu.memory_space<hbm>>
    %dma_wait3A_142 = arith.constant 0 : i32
    %dma_wait3A_143 = tpu.memref_slice %arg5[%add3A_139, %dma_wait3A_142] : memref<320000x128xf32, #tpu.memory_space<hbm>> -> memref<80x128xf32, #tpu.memory_space<hbm>>
    tpu.wait_dma2 semaphore(%arg21 : memref<!tpu.dma_semaphore, #tpu.memory_space<semaphore_mem>>) src(%arg9 : memref<80x128xf32, #tpu.memory_space<vmem>>) dst(%dma_wait3A_143 : memref<80x128xf32, #tpu.memory_space<hbm>>)
    %dma_wait3A_144 = arith.constant 0 : i32
    %dma_wait3A_145 = tpu.memref_slice %arg6[%add3A_139, %dma_wait3A_144] : memref<320000x128xf32, #tpu.memory_space<hbm>> -> memref<80x128xf32, #tpu.memory_space<hbm>>
    %dma_wait3A_146 = arith.constant 0 : i32
    %dma_wait3A_147 = tpu.memref_slice %arg6[%add3A_139, %dma_wait3A_146] : memref<320000x128xf32, #tpu.memory_space<hbm>> -> memref<80x128xf32, #tpu.memory_space<hbm>>
    tpu.wait_dma2 semaphore(%arg24 : memref<!tpu.dma_semaphore, #tpu.memory_space<semaphore_mem>>) src(%arg12 : memref<80x128xf32, #tpu.memory_space<vmem>>) dst(%dma_wait3A_147 : memref<80x128xf32, #tpu.memory_space<hbm>>)
    %mul3A_148 = arith.constant 10000 : i32
    %mul3A_149 = arith.muli %add3A, %mul3A_148 : i32
    %add3A_150 = arith.constant 9920 : i32
    %add3A_151 = arith.addi %mul3A_149, %add3A_150 : i32
    %dma_wait3A_152 = arith.constant 0 : i32
    %dma_wait3A_153 = tpu.memref_slice %arg5[%add3A_151, %dma_wait3A_152] : memref<320000x128xf32, #tpu.memory_space<hbm>> -> memref<80x128xf32, #tpu.memory_space<hbm>>
    %dma_wait3A_154 = arith.constant 0 : i32
    %dma_wait3A_155 = tpu.memref_slice %arg5[%add3A_151, %dma_wait3A_154] : memref<320000x128xf32, #tpu.memory_space<hbm>> -> memref<80x128xf32, #tpu.memory_space<hbm>>
    tpu.wait_dma2 semaphore(%arg22 : memref<!tpu.dma_semaphore, #tpu.memory_space<semaphore_mem>>) src(%arg10 : memref<80x128xf32, #tpu.memory_space<vmem>>) dst(%dma_wait3A_155 : memref<80x128xf32, #tpu.memory_space<hbm>>)
    %dma_wait3A_156 = arith.constant 0 : i32
    %dma_wait3A_157 = tpu.memref_slice %arg6[%add3A_151, %dma_wait3A_156] : memref<320000x128xf32, #tpu.memory_space<hbm>> -> memref<80x128xf32, #tpu.memory_space<hbm>>
    %dma_wait3A_158 = arith.constant 0 : i32
    %dma_wait3A_159 = tpu.memref_slice %arg6[%add3A_151, %dma_wait3A_158] : memref<320000x128xf32, #tpu.memory_space<hbm>> -> memref<80x128xf32, #tpu.memory_space<hbm>>
    tpu.wait_dma2 semaphore(%arg25 : memref<!tpu.dma_semaphore, #tpu.memory_space<semaphore_mem>>) src(%arg13 : memref<80x128xf32, #tpu.memory_space<vmem>>) dst(%dma_wait3A_159 : memref<80x128xf32, #tpu.memory_space<hbm>>)
    return
  }
}

module attributes {stable_mosaic.version = 14 : i64} {
  func.func @body(%arg0: i32, %arg1: memref<2000x128xf32, #tpu.memory_space<vmem>>, %arg2: memref<128x128xf32, #tpu.memory_space<vmem>>, %arg3: memref<1x128xf32, #tpu.memory_space<vmem>>, %arg4: memref<128x128xf32, #tpu.memory_space<vmem>>, %arg5: memref<2000x128xf32, #tpu.memory_space<vmem>>, %arg6: memref<2000x128xf32, #tpu.memory_space<vmem>>) attributes {dimension_semantics = [#tpu.dimension_semantics<arbitrary>], iteration_bounds = array<i64: 5>, scalar_prefetch = 0 : i64, scratch_operands = 0 : i64, tpu.core_type = #tpu.core_type<tc>, window_params = [{transform_indices = @transform_0, window_bounds = array<i64: 2000, 128>}, {pipeline_mode = #tpu.pipeline_mode<synchronous>, transform_indices = @transform_1, window_bounds = array<i64: 128, 128>}, {pipeline_mode = #tpu.pipeline_mode<synchronous>, transform_indices = @transform_2, window_bounds = array<i64: 1, 128>}, {pipeline_mode = #tpu.pipeline_mode<synchronous>, transform_indices = @transform_3, window_bounds = array<i64: 128, 128>}, {transform_indices = @transform_4, window_bounds = array<i64: 2000, 128>}, {transform_indices = @transform_5, window_bounds = array<i64: 2000, 128>}]} {
    %get3A = arith.constant 0 : index
    %get3A_0 = arith.constant 0 : index
    %get3A_1 = vector.load %arg1[%get3A, %get3A_0] : memref<2000x128xf32, #tpu.memory_space<vmem>>, vector<2000x128xf32>
    %get3A_2 = arith.constant 0 : index
    %get3A_3 = arith.constant 0 : index
    %get3A_4 = vector.load %arg2[%get3A_2, %get3A_3] : memref<128x128xf32, #tpu.memory_space<vmem>>, vector<128x128xf32>
    %dot_general3A = arith.constant dense<0.000000e+00> : vector<2000x128xf32>
    %dot_general3A_5 = tpu.matmul %get3A_1, %get3A_4, %dot_general3A {dimension_numbers = #tpu.dot_dimension_numbers<[1], [0], [0], [1], [0, 0, 1, 1], [], []>, transpose_lhs_hint = false} : vector<2000x128xf32>, vector<128x128xf32>, vector<2000x128xf32> -> vector<2000x128xf32>
    %get3A_6 = arith.constant 0 : index
    %get3A_7 = arith.constant 0 : index
    %get3A_8 = vector.load %arg3[%get3A_6, %get3A_7] : memref<1x128xf32, #tpu.memory_space<vmem>>, vector<1x128xf32>
    %add3A = vector.broadcast %get3A_8 : vector<1x128xf32> to vector<2000x128xf32>
    %add3A_9 = arith.addf %dot_general3A_5, %add3A : vector<2000x128xf32>
    %swap3A = arith.constant 0 : index
    %swap3A_10 = arith.constant 0 : index
    %swap3A_11 = vector.load %arg5[%swap3A, %swap3A_10] : memref<2000x128xf32, #tpu.memory_space<vmem>>, vector<2000x128xf32>
    tpu.vector_store %arg5[%swap3A, %swap3A_10], %add3A_9 {strides = array<i32>} : memref<2000x128xf32, #tpu.memory_space<vmem>>, vector<2000x128xf32>,
    %get3A_12 = arith.constant 0 : index
    %get3A_13 = arith.constant 0 : index
    %get3A_14 = vector.load %arg4[%get3A_12, %get3A_13] : memref<128x128xf32, #tpu.memory_space<vmem>>, vector<128x128xf32>
    %dot_general3A_15 = arith.constant dense<0.000000e+00> : vector<2000x128xf32>
    %dot_general3A_16 = tpu.matmul %add3A_9, %get3A_14, %dot_general3A_15 {dimension_numbers = #tpu.dot_dimension_numbers<[1], [0], [0], [1], [0, 0, 1, 1], [], []>, transpose_lhs_hint = false} : vector<2000x128xf32>, vector<128x128xf32>, vector<2000x128xf32> -> vector<2000x128xf32>
    %swap3A_17 = arith.constant 0 : index
    %swap3A_18 = arith.constant 0 : index
    %swap3A_19 = vector.load %arg6[%swap3A_17, %swap3A_18] : memref<2000x128xf32, #tpu.memory_space<vmem>>, vector<2000x128xf32>
    tpu.vector_store %arg6[%swap3A_17, %swap3A_18], %dot_general3A_16 {strides = array<i32>} : memref<2000x128xf32, #tpu.memory_space<vmem>>, vector<2000x128xf32>,
    return
  }
  func.func @transform_0(%arg0: i32) -> (i32, i32) {
    %c0_i32 = arith.constant 0 : i32
    %c0_i32_0 = arith.constant 0 : i32
    return %arg0, %c0_i32 : i32, i32
  }
  func.func @transform_1(%arg0: i32) -> (i32, i32) {
    %c0_i32 = arith.constant 0 : i32
    %c0_i32_0 = arith.constant 0 : i32
    %c0_i32_1 = arith.constant 0 : i32
    return %c0_i32, %c0_i32_0 : i32, i32
  }
  func.func @transform_2(%arg0: i32) -> (i32, i32) {
    %c0_i32 = arith.constant 0 : i32
    %c0_i32_0 = arith.constant 0 : i32
    %c0_i32_1 = arith.constant 0 : i32
    return %c0_i32, %c0_i32_0 : i32, i32
  }
  func.func @transform_3(%arg0: i32) -> (i32, i32) {
    %c0_i32 = arith.constant 0 : i32
    %c0_i32_0 = arith.constant 0 : i32
    %c0_i32_1 = arith.constant 0 : i32
    return %c0_i32, %c0_i32_0 : i32, i32
  }
  func.func @transform_4(%arg0: i32) -> (i32, i32) {
    %c0_i32 = arith.constant 0 : i32
    %c0_i32_0 = arith.constant 0 : i32
    return %arg0, %c0_i32 : i32, i32
  }
  func.func @transform_5(%arg0: i32) -> (i32, i32) {
    %c0_i32 = arith.constant 0 : i32
    %c0_i32_0 = arith.constant 0 : i32
    return %arg0, %c0_i32 : i32, i32
  }
}

module attributes {stable_mosaic.version = 14 : i64} {
  func.func @body(%arg0: i32, %arg1: memref<4000x16xf32, #tpu.memory_space<vmem>>, %arg2: memref<16x64xf32, #tpu.memory_space<vmem>>, %arg3: memref<1x64xf32, #tpu.memory_space<vmem>>, %arg4: memref<4000x64xf32, #tpu.memory_space<vmem>>) attributes {dimension_semantics = [#tpu.dimension_semantics<arbitrary>], iteration_bounds = array<i64: 80>, scalar_prefetch = 0 : i64, scratch_operands = 0 : i64, tpu.core_type = #tpu.core_type<tc>, window_params = [{transform_indices = @transform_0, window_bounds = array<i64: 4000, 16>}, {pipeline_mode = #tpu.pipeline_mode<synchronous>, transform_indices = @transform_1, window_bounds = array<i64: 16, 64>}, {pipeline_mode = #tpu.pipeline_mode<synchronous>, transform_indices = @transform_2, window_bounds = array<i64: 1, 64>}, {transform_indices = @transform_3, window_bounds = array<i64: 4000, 64>}]} {
    %get3A = arith.constant 0 : index
    %get3A_0 = arith.constant 0 : index
    %get3A_1 = vector.load %arg1[%get3A, %get3A_0] : memref<4000x16xf32, #tpu.memory_space<vmem>>, vector<4000x16xf32>
    %get3A_2 = arith.constant 0 : index
    %get3A_3 = arith.constant 0 : index
    %get3A_4 = vector.load %arg2[%get3A_2, %get3A_3] : memref<16x64xf32, #tpu.memory_space<vmem>>, vector<16x64xf32>
    %dot_general3A = arith.constant dense<0.000000e+00> : vector<4000x64xf32>
    %dot_general3A_5 = tpu.matmul %get3A_1, %get3A_4, %dot_general3A {dimension_numbers = #tpu.dot_dimension_numbers<[1], [0], [0], [1], [0, 0, 1, 1], [], []>, transpose_lhs_hint = false} : vector<4000x16xf32>, vector<16x64xf32>, vector<4000x64xf32> -> vector<4000x64xf32>
    %get3A_6 = arith.constant 0 : index
    %get3A_7 = arith.constant 0 : index
    %get3A_8 = vector.load %arg3[%get3A_6, %get3A_7] : memref<1x64xf32, #tpu.memory_space<vmem>>, vector<1x64xf32>
    %add3A = vector.broadcast %get3A_8 : vector<1x64xf32> to vector<4000x64xf32>
    %add3A_9 = arith.addf %dot_general3A_5, %add3A : vector<4000x64xf32>
    %swap3A = arith.constant 0 : index
    %swap3A_10 = arith.constant 0 : index
    %swap3A_11 = vector.load %arg4[%swap3A, %swap3A_10] : memref<4000x64xf32, #tpu.memory_space<vmem>>, vector<4000x64xf32>
    tpu.vector_store %arg4[%swap3A, %swap3A_10], %add3A_9 {strides = array<i32>} : memref<4000x64xf32, #tpu.memory_space<vmem>>, vector<4000x64xf32>,
    return
  }
  func.func @transform_0(%arg0: i32) -> (i32, i32) {
    %add3A = arith.constant 0 : i32
    %add3A_0 = arith.addi %arg0, %add3A : i32
    %c0_i32 = arith.constant 0 : i32
    %c0_i32_1 = arith.constant 0 : i32
    return %add3A_0, %c0_i32 : i32, i32
  }
  func.func @transform_1(%arg0: i32) -> (i32, i32) {
    %c0_i32 = arith.constant 0 : i32
    %c0_i32_0 = arith.constant 0 : i32
    %c0_i32_1 = arith.constant 0 : i32
    return %c0_i32, %c0_i32_0 : i32, i32
  }
  func.func @transform_2(%arg0: i32) -> (i32, i32) {
    %c0_i32 = arith.constant 0 : i32
    %c0_i32_0 = arith.constant 0 : i32
    %c0_i32_1 = arith.constant 0 : i32
    return %c0_i32, %c0_i32_0 : i32, i32
  }
  func.func @transform_3(%arg0: i32) -> (i32, i32) {
    %c0_i32 = arith.constant 0 : i32
    %c0_i32_0 = arith.constant 0 : i32
    return %arg0, %c0_i32 : i32, i32
  }
}

module attributes {stable_mosaic.version = 14 : i64} {
  func.func @body(%arg0: i32, %arg1: memref<4000x128xf32, #tpu.memory_space<vmem>>, %arg2: memref<4000x128xf32, #tpu.memory_space<vmem>>, %arg3: memref<4000x64xf32, #tpu.memory_space<vmem>>, %arg4: memref<64x64xf32, #tpu.memory_space<vmem>>, %arg5: memref<1x64xf32, #tpu.memory_space<vmem>>, %arg6: memref<64x64xf32, #tpu.memory_space<vmem>>, %arg7: memref<1x64xf32, #tpu.memory_space<vmem>>, %arg8: memref<4000x128xf32, #tpu.memory_space<vmem>>) attributes {dimension_semantics = [#tpu.dimension_semantics<arbitrary>], iteration_bounds = array<i64: 80>, scalar_prefetch = 0 : i64, scratch_operands = 0 : i64, tpu.core_type = #tpu.core_type<tc>, window_params = [{transform_indices = @transform_0, window_bounds = array<i64: 4000, 128>}, {transform_indices = @transform_1, window_bounds = array<i64: 4000, 128>}, {transform_indices = @transform_2, window_bounds = array<i64: 4000, 64>}, {pipeline_mode = #tpu.pipeline_mode<synchronous>, transform_indices = @transform_3, window_bounds = array<i64: 64, 64>}, {pipeline_mode = #tpu.pipeline_mode<synchronous>, transform_indices = @transform_4, window_bounds = array<i64: 1, 64>}, {pipeline_mode = #tpu.pipeline_mode<synchronous>, transform_indices = @transform_5, window_bounds = array<i64: 64, 64>}, {pipeline_mode = #tpu.pipeline_mode<synchronous>, transform_indices = @transform_6, window_bounds = array<i64: 1, 64>}, {transform_indices = @transform_7, window_bounds = array<i64: 4000, 128>}]} {
    %get3A = arith.constant 0 : index
    %get3A_0 = arith.constant 0 : index
    %get3A_1 = vector.load %arg3[%get3A, %get3A_0] : memref<4000x64xf32, #tpu.memory_space<vmem>>, vector<4000x64xf32>
    %get3A_2 = arith.constant 0 : index
    %get3A_3 = arith.constant 0 : index
    %get3A_4 = vector.load %arg1[%get3A_2, %get3A_3] : memref<4000x128xf32, #tpu.memory_space<vmem>>, vector<4000x64xf32>
    %get3A_5 = arith.constant 0 : index
    %get3A_6 = arith.constant 64 : index
    %get3A_7 = vector.load %arg2[%get3A_5, %get3A_6] : memref<4000x128xf32, #tpu.memory_space<vmem>>, vector<4000x64xf32>
    %add3A = arith.addf %get3A_4, %get3A_7 : vector<4000x64xf32>
    %get3A_8 = arith.constant 0 : index
    %get3A_9 = arith.constant 0 : index
    %get3A_10 = vector.load %arg4[%get3A_8, %get3A_9] : memref<64x64xf32, #tpu.memory_space<vmem>>, vector<64x64xf32>
    %dot_general3A = arith.constant dense<0.000000e+00> : vector<4000x64xf32>
    %dot_general3A_11 = tpu.matmul %get3A_1, %get3A_10, %dot_general3A {dimension_numbers = #tpu.dot_dimension_numbers<[1], [0], [0], [1], [0, 0, 1, 1], [], []>, transpose_lhs_hint = false} : vector<4000x64xf32>, vector<64x64xf32>, vector<4000x64xf32> -> vector<4000x64xf32>
    %add3A_12 = arith.addf %add3A, %dot_general3A_11 : vector<4000x64xf32>
    %get3A_13 = arith.constant 0 : index
    %get3A_14 = arith.constant 0 : index
    %get3A_15 = vector.load %arg5[%get3A_13, %get3A_14] : memref<1x64xf32, #tpu.memory_space<vmem>>, vector<1x64xf32>
    %add3A_16 = vector.broadcast %get3A_15 : vector<1x64xf32> to vector<4000x64xf32>
    %add3A_17 = arith.addf %add3A_12, %add3A_16 : vector<4000x64xf32>
    %max3A = arith.constant 0.000000e+00 : f32
    %max3A_18 = vector.broadcast %max3A : f32 to vector<4000x64xf32>
    %max3A_19 = arith.maximumf %add3A_17, %max3A_18 : vector<4000x64xf32>
    %get3A_20 = arith.constant 0 : index
    %get3A_21 = arith.constant 0 : index
    %get3A_22 = vector.load %arg6[%get3A_20, %get3A_21] : memref<64x64xf32, #tpu.memory_space<vmem>>, vector<64x64xf32>
    %dot_general3A_23 = arith.constant dense<0.000000e+00> : vector<4000x64xf32>
    %dot_general3A_24 = tpu.matmul %max3A_19, %get3A_22, %dot_general3A_23 {dimension_numbers = #tpu.dot_dimension_numbers<[1], [0], [0], [1], [0, 0, 1, 1], [], []>, transpose_lhs_hint = false} : vector<4000x64xf32>, vector<64x64xf32>, vector<4000x64xf32> -> vector<4000x64xf32>
    %get3A_25 = arith.constant 0 : index
    %get3A_26 = arith.constant 0 : index
    %get3A_27 = vector.load %arg7[%get3A_25, %get3A_26] : memref<1x64xf32, #tpu.memory_space<vmem>>, vector<1x64xf32>
    %add3A_28 = vector.broadcast %get3A_27 : vector<1x64xf32> to vector<4000x64xf32>
    %add3A_29 = arith.addf %dot_general3A_24, %add3A_28 : vector<4000x64xf32>
    %max3A_30 = arith.constant 0.000000e+00 : f32
    %max3A_31 = vector.broadcast %max3A_30 : f32 to vector<4000x64xf32>
    %max3A_32 = arith.maximumf %add3A_29, %max3A_31 : vector<4000x64xf32>
    %broadcast_in_dim3A = arith.constant 0.000000e+00 : f32
    %broadcast_in_dim3A_33 = vector.broadcast %broadcast_in_dim3A : f32 to vector<4000x64xf32>
    %concatenate3A = tpu.concatenate %max3A_32, %broadcast_in_dim3A_33 in 1 : vector<4000x64xf32>, vector<4000x64xf32> -> vector<4000x128xf32>
    %swap3A = arith.constant 0 : index
    %swap3A_34 = arith.constant 0 : index
    %swap3A_35 = vector.load %arg8[%swap3A, %swap3A_34] : memref<4000x128xf32, #tpu.memory_space<vmem>>, vector<4000x128xf32>
    tpu.vector_store %arg8[%swap3A, %swap3A_34], %concatenate3A {strides = array<i32>} : memref<4000x128xf32, #tpu.memory_space<vmem>>, vector<4000x128xf32>,
    return
  }
  func.func @transform_0(%arg0: i32) -> (i32, i32) {
    %c0_i32 = arith.constant 0 : i32
    %c0_i32_0 = arith.constant 0 : i32
    return %arg0, %c0_i32 : i32, i32
  }
  func.func @transform_1(%arg0: i32) -> (i32, i32) {
    %c0_i32 = arith.constant 0 : i32
    %c0_i32_0 = arith.constant 0 : i32
    return %arg0, %c0_i32 : i32, i32
  }
  func.func @transform_2(%arg0: i32) -> (i32, i32) {
    %c0_i32 = arith.constant 0 : i32
    %c0_i32_0 = arith.constant 0 : i32
    return %arg0, %c0_i32 : i32, i32
  }
  func.func @transform_3(%arg0: i32) -> (i32, i32) {
    %c0_i32 = arith.constant 0 : i32
    %c0_i32_0 = arith.constant 0 : i32
    %c0_i32_1 = arith.constant 0 : i32
    return %c0_i32, %c0_i32_0 : i32, i32
  }
  func.func @transform_4(%arg0: i32) -> (i32, i32) {
    %c0_i32 = arith.constant 0 : i32
    %c0_i32_0 = arith.constant 0 : i32
    %c0_i32_1 = arith.constant 0 : i32
    return %c0_i32, %c0_i32_0 : i32, i32
  }
  func.func @transform_5(%arg0: i32) -> (i32, i32) {
    %c0_i32 = arith.constant 0 : i32
    %c0_i32_0 = arith.constant 0 : i32
    %c0_i32_1 = arith.constant 0 : i32
    return %c0_i32, %c0_i32_0 : i32, i32
  }
  func.func @transform_6(%arg0: i32) -> (i32, i32) {
    %c0_i32 = arith.constant 0 : i32
    %c0_i32_0 = arith.constant 0 : i32
    %c0_i32_1 = arith.constant 0 : i32
    return %c0_i32, %c0_i32_0 : i32, i32
  }
  func.func @transform_7(%arg0: i32) -> (i32, i32) {
    %c0_i32 = arith.constant 0 : i32
    %c0_i32_0 = arith.constant 0 : i32
    return %arg0, %c0_i32 : i32, i32
  }
}

module attributes {stable_mosaic.version = 14 : i64} {
  func.func @body(%arg0: i32, %arg1: memref<2000x128xf32, #tpu.memory_space<vmem>>, %arg2: memref<2000x128xf32, #tpu.memory_space<vmem>>, %arg3: memref<2000x128xf32, #tpu.memory_space<vmem>>, %arg4: memref<128x128xf32, #tpu.memory_space<vmem>>, %arg5: memref<64x128xf32, #tpu.memory_space<vmem>>, %arg6: memref<1x128xf32, #tpu.memory_space<vmem>>, %arg7: memref<128x128xf32, #tpu.memory_space<vmem>>, %arg8: memref<2000x128xf32, #tpu.memory_space<vmem>>, %arg9: memref<2000x128xf32, #tpu.memory_space<vmem>>) attributes {dimension_semantics = [#tpu.dimension_semantics<arbitrary>], iteration_bounds = array<i64: 5>, scalar_prefetch = 0 : i64, scratch_operands = 0 : i64, tpu.core_type = #tpu.core_type<tc>, window_params = [{transform_indices = @transform_0, window_bounds = array<i64: 2000, 128>}, {transform_indices = @transform_1, window_bounds = array<i64: 2000, 128>}, {transform_indices = @transform_2, window_bounds = array<i64: 2000, 128>}, {pipeline_mode = #tpu.pipeline_mode<synchronous>, transform_indices = @transform_3, window_bounds = array<i64: 128, 128>}, {pipeline_mode = #tpu.pipeline_mode<synchronous>, transform_indices = @transform_4, window_bounds = array<i64: 64, 128>}, {pipeline_mode = #tpu.pipeline_mode<synchronous>, transform_indices = @transform_5, window_bounds = array<i64: 1, 128>}, {pipeline_mode = #tpu.pipeline_mode<synchronous>, transform_indices = @transform_6, window_bounds = array<i64: 128, 128>}, {transform_indices = @transform_7, window_bounds = array<i64: 2000, 128>}, {transform_indices = @transform_8, window_bounds = array<i64: 2000, 128>}]} {
    %get3A = arith.constant 0 : index
    %get3A_0 = arith.constant 0 : index
    %get3A_1 = vector.load %arg1[%get3A, %get3A_0] : memref<2000x128xf32, #tpu.memory_space<vmem>>, vector<2000x128xf32>
    %get3A_2 = arith.constant 0 : index
    %get3A_3 = arith.constant 0 : index
    %get3A_4 = vector.load %arg4[%get3A_2, %get3A_3] : memref<128x128xf32, #tpu.memory_space<vmem>>, vector<128x128xf32>
    %dot_general3A = arith.constant dense<0.000000e+00> : vector<2000x128xf32>
    %dot_general3A_5 = tpu.matmul %get3A_1, %get3A_4, %dot_general3A {dimension_numbers = #tpu.dot_dimension_numbers<[1], [0], [0], [1], [0, 0, 1, 1], [], []>, transpose_lhs_hint = false} : vector<2000x128xf32>, vector<128x128xf32>, vector<2000x128xf32> -> vector<2000x128xf32>
    %get3A_6 = arith.constant 0 : index
    %get3A_7 = arith.constant 0 : index
    %get3A_8 = vector.load %arg2[%get3A_6, %get3A_7] : memref<2000x128xf32, #tpu.memory_space<vmem>>, vector<2000x64xf32>
    %get3A_9 = arith.constant 0 : index
    %get3A_10 = arith.constant 0 : index
    %get3A_11 = vector.load %arg3[%get3A_9, %get3A_10] : memref<2000x128xf32, #tpu.memory_space<vmem>>, vector<2000x64xf32>
    %add3A = arith.addf %get3A_8, %get3A_11 : vector<2000x64xf32>
    %get3A_12 = arith.constant 0 : index
    %get3A_13 = arith.constant 0 : index
    %get3A_14 = vector.load %arg5[%get3A_12, %get3A_13] : memref<64x128xf32, #tpu.memory_space<vmem>>, vector<64x128xf32>
    %dot_general3A_15 = arith.constant dense<0.000000e+00> : vector<2000x128xf32>
    %dot_general3A_16 = tpu.matmul %add3A, %get3A_14, %dot_general3A_15 {dimension_numbers = #tpu.dot_dimension_numbers<[1], [0], [0], [1], [0, 0, 1, 1], [], []>, transpose_lhs_hint = false} : vector<2000x64xf32>, vector<64x128xf32>, vector<2000x128xf32> -> vector<2000x128xf32>
    %add3A_17 = arith.addf %dot_general3A_5, %dot_general3A_16 : vector<2000x128xf32>
    %get3A_18 = arith.constant 0 : index
    %get3A_19 = arith.constant 0 : index
    %get3A_20 = vector.load %arg6[%get3A_18, %get3A_19] : memref<1x128xf32, #tpu.memory_space<vmem>>, vector<1x128xf32>
    %add3A_21 = vector.broadcast %get3A_20 : vector<1x128xf32> to vector<2000x128xf32>
    %add3A_22 = arith.addf %add3A_17, %add3A_21 : vector<2000x128xf32>
    %max3A = arith.constant 0.000000e+00 : f32
    %max3A_23 = vector.broadcast %max3A : f32 to vector<2000x128xf32>
    %max3A_24 = arith.maximumf %add3A_22, %max3A_23 : vector<2000x128xf32>
    %swap3A = arith.constant 0 : index
    %swap3A_25 = arith.constant 0 : index
    %swap3A_26 = vector.load %arg8[%swap3A, %swap3A_25] : memref<2000x128xf32, #tpu.memory_space<vmem>>, vector<2000x128xf32>
    tpu.vector_store %arg8[%swap3A, %swap3A_25], %max3A_24 {strides = array<i32>} : memref<2000x128xf32, #tpu.memory_space<vmem>>, vector<2000x128xf32>,
    %get3A_27 = arith.constant 0 : index
    %get3A_28 = arith.constant 0 : index
    %get3A_29 = vector.load %arg7[%get3A_27, %get3A_28] : memref<128x128xf32, #tpu.memory_space<vmem>>, vector<128x128xf32>
    %dot_general3A_30 = arith.constant dense<0.000000e+00> : vector<2000x128xf32>
    %dot_general3A_31 = tpu.matmul %max3A_24, %get3A_29, %dot_general3A_30 {dimension_numbers = #tpu.dot_dimension_numbers<[1], [0], [0], [1], [0, 0, 1, 1], [], []>, transpose_lhs_hint = false} : vector<2000x128xf32>, vector<128x128xf32>, vector<2000x128xf32> -> vector<2000x128xf32>
    %swap3A_32 = arith.constant 0 : index
    %swap3A_33 = arith.constant 0 : index
    %swap3A_34 = vector.load %arg9[%swap3A_32, %swap3A_33] : memref<2000x128xf32, #tpu.memory_space<vmem>>, vector<2000x128xf32>
    tpu.vector_store %arg9[%swap3A_32, %swap3A_33], %dot_general3A_31 {strides = array<i32>} : memref<2000x128xf32, #tpu.memory_space<vmem>>, vector<2000x128xf32>,
    return
  }
  func.func @transform_0(%arg0: i32) -> (i32, i32) {
    %c0_i32 = arith.constant 0 : i32
    %c0_i32_0 = arith.constant 0 : i32
    return %arg0, %c0_i32 : i32, i32
  }
  func.func @transform_1(%arg0: i32) -> (i32, i32) {
    %c0_i32 = arith.constant 0 : i32
    %c0_i32_0 = arith.constant 0 : i32
    return %arg0, %c0_i32 : i32, i32
  }
  func.func @transform_2(%arg0: i32) -> (i32, i32) {
    %c0_i32 = arith.constant 0 : i32
    %c0_i32_0 = arith.constant 0 : i32
    return %arg0, %c0_i32 : i32, i32
  }
  func.func @transform_3(%arg0: i32) -> (i32, i32) {
    %c0_i32 = arith.constant 0 : i32
    %c0_i32_0 = arith.constant 0 : i32
    %c0_i32_1 = arith.constant 0 : i32
    return %c0_i32, %c0_i32_0 : i32, i32
  }
  func.func @transform_4(%arg0: i32) -> (i32, i32) {
    %c0_i32 = arith.constant 0 : i32
    %c0_i32_0 = arith.constant 0 : i32
    %c0_i32_1 = arith.constant 0 : i32
    return %c0_i32, %c0_i32_0 : i32, i32
  }
  func.func @transform_5(%arg0: i32) -> (i32, i32) {
    %c0_i32 = arith.constant 0 : i32
    %c0_i32_0 = arith.constant 0 : i32
    %c0_i32_1 = arith.constant 0 : i32
    return %c0_i32, %c0_i32_0 : i32, i32
  }
  func.func @transform_6(%arg0: i32) -> (i32, i32) {
    %c0_i32 = arith.constant 0 : i32
    %c0_i32_0 = arith.constant 0 : i32
    %c0_i32_1 = arith.constant 0 : i32
    return %c0_i32, %c0_i32_0 : i32, i32
  }
  func.func @transform_7(%arg0: i32) -> (i32, i32) {
    %c0_i32 = arith.constant 0 : i32
    %c0_i32_0 = arith.constant 0 : i32
    return %arg0, %c0_i32 : i32, i32
  }
  func.func @transform_8(%arg0: i32) -> (i32, i32) {
    %c0_i32 = arith.constant 0 : i32
    %c0_i32_0 = arith.constant 0 : i32
    return %arg0, %c0_i32 : i32, i32
  }
}

module attributes {stable_mosaic.version = 14 : i64} {
  func.func @body(%arg0: i32, %arg1: memref<4000x128xf32, #tpu.memory_space<vmem>>, %arg2: memref<4000x128xf32, #tpu.memory_space<vmem>>, %arg3: memref<4000x128xf32, #tpu.memory_space<vmem>>, %arg4: memref<64x64xf32, #tpu.memory_space<vmem>>, %arg5: memref<1x64xf32, #tpu.memory_space<vmem>>, %arg6: memref<64x64xf32, #tpu.memory_space<vmem>>, %arg7: memref<1x64xf32, #tpu.memory_space<vmem>>, %arg8: memref<4000x128xf32, #tpu.memory_space<vmem>>) attributes {dimension_semantics = [#tpu.dimension_semantics<arbitrary>], iteration_bounds = array<i64: 80>, scalar_prefetch = 0 : i64, scratch_operands = 0 : i64, tpu.core_type = #tpu.core_type<tc>, window_params = [{transform_indices = @transform_0, window_bounds = array<i64: 4000, 128>}, {transform_indices = @transform_1, window_bounds = array<i64: 4000, 128>}, {transform_indices = @transform_2, window_bounds = array<i64: 4000, 128>}, {pipeline_mode = #tpu.pipeline_mode<synchronous>, transform_indices = @transform_3, window_bounds = array<i64: 64, 64>}, {pipeline_mode = #tpu.pipeline_mode<synchronous>, transform_indices = @transform_4, window_bounds = array<i64: 1, 64>}, {pipeline_mode = #tpu.pipeline_mode<synchronous>, transform_indices = @transform_5, window_bounds = array<i64: 64, 64>}, {pipeline_mode = #tpu.pipeline_mode<synchronous>, transform_indices = @transform_6, window_bounds = array<i64: 1, 64>}, {transform_indices = @transform_7, window_bounds = array<i64: 4000, 128>}]} {
    %get3A = arith.constant 0 : index
    %get3A_0 = arith.constant 0 : index
    %get3A_1 = vector.load %arg3[%get3A, %get3A_0] : memref<4000x128xf32, #tpu.memory_space<vmem>>, vector<4000x64xf32>
    %get3A_2 = arith.constant 0 : index
    %get3A_3 = arith.constant 0 : index
    %get3A_4 = vector.load %arg1[%get3A_2, %get3A_3] : memref<4000x128xf32, #tpu.memory_space<vmem>>, vector<4000x64xf32>
    %get3A_5 = arith.constant 0 : index
    %get3A_6 = arith.constant 64 : index
    %get3A_7 = vector.load %arg2[%get3A_5, %get3A_6] : memref<4000x128xf32, #tpu.memory_space<vmem>>, vector<4000x64xf32>
    %add3A = arith.addf %get3A_4, %get3A_7 : vector<4000x64xf32>
    %get3A_8 = arith.constant 0 : index
    %get3A_9 = arith.constant 0 : index
    %get3A_10 = vector.load %arg4[%get3A_8, %get3A_9] : memref<64x64xf32, #tpu.memory_space<vmem>>, vector<64x64xf32>
    %dot_general3A = arith.constant dense<0.000000e+00> : vector<4000x64xf32>
    %dot_general3A_11 = tpu.matmul %get3A_1, %get3A_10, %dot_general3A {dimension_numbers = #tpu.dot_dimension_numbers<[1], [0], [0], [1], [0, 0, 1, 1], [], []>, transpose_lhs_hint = false} : vector<4000x64xf32>, vector<64x64xf32>, vector<4000x64xf32> -> vector<4000x64xf32>
    %add3A_12 = arith.addf %add3A, %dot_general3A_11 : vector<4000x64xf32>
    %get3A_13 = arith.constant 0 : index
    %get3A_14 = arith.constant 0 : index
    %get3A_15 = vector.load %arg5[%get3A_13, %get3A_14] : memref<1x64xf32, #tpu.memory_space<vmem>>, vector<1x64xf32>
    %add3A_16 = vector.broadcast %get3A_15 : vector<1x64xf32> to vector<4000x64xf32>
    %add3A_17 = arith.addf %add3A_12, %add3A_16 : vector<4000x64xf32>
    %max3A = arith.constant 0.000000e+00 : f32
    %max3A_18 = vector.broadcast %max3A : f32 to vector<4000x64xf32>
    %max3A_19 = arith.maximumf %add3A_17, %max3A_18 : vector<4000x64xf32>
    %get3A_20 = arith.constant 0 : index
    %get3A_21 = arith.constant 0 : index
    %get3A_22 = vector.load %arg6[%get3A_20, %get3A_21] : memref<64x64xf32, #tpu.memory_space<vmem>>, vector<64x64xf32>
    %dot_general3A_23 = arith.constant dense<0.000000e+00> : vector<4000x64xf32>
    %dot_general3A_24 = tpu.matmul %max3A_19, %get3A_22, %dot_general3A_23 {dimension_numbers = #tpu.dot_dimension_numbers<[1], [0], [0], [1], [0, 0, 1, 1], [], []>, transpose_lhs_hint = false} : vector<4000x64xf32>, vector<64x64xf32>, vector<4000x64xf32> -> vector<4000x64xf32>
    %get3A_25 = arith.constant 0 : index
    %get3A_26 = arith.constant 0 : index
    %get3A_27 = vector.load %arg7[%get3A_25, %get3A_26] : memref<1x64xf32, #tpu.memory_space<vmem>>, vector<1x64xf32>
    %add3A_28 = vector.broadcast %get3A_27 : vector<1x64xf32> to vector<4000x64xf32>
    %add3A_29 = arith.addf %dot_general3A_24, %add3A_28 : vector<4000x64xf32>
    %max3A_30 = arith.constant 0.000000e+00 : f32
    %max3A_31 = vector.broadcast %max3A_30 : f32 to vector<4000x64xf32>
    %max3A_32 = arith.maximumf %add3A_29, %max3A_31 : vector<4000x64xf32>
    %broadcast_in_dim3A = arith.constant 0.000000e+00 : f32
    %broadcast_in_dim3A_33 = vector.broadcast %broadcast_in_dim3A : f32 to vector<4000x64xf32>
    %concatenate3A = tpu.concatenate %max3A_32, %broadcast_in_dim3A_33 in 1 : vector<4000x64xf32>, vector<4000x64xf32> -> vector<4000x128xf32>
    %swap3A = arith.constant 0 : index
    %swap3A_34 = arith.constant 0 : index
    %swap3A_35 = vector.load %arg8[%swap3A, %swap3A_34] : memref<4000x128xf32, #tpu.memory_space<vmem>>, vector<4000x128xf32>
    tpu.vector_store %arg8[%swap3A, %swap3A_34], %concatenate3A {strides = array<i32>} : memref<4000x128xf32, #tpu.memory_space<vmem>>, vector<4000x128xf32>,
    return
  }
  func.func @transform_0(%arg0: i32) -> (i32, i32) {
    %c0_i32 = arith.constant 0 : i32
    %c0_i32_0 = arith.constant 0 : i32
    return %arg0, %c0_i32 : i32, i32
  }
  func.func @transform_1(%arg0: i32) -> (i32, i32) {
    %c0_i32 = arith.constant 0 : i32
    %c0_i32_0 = arith.constant 0 : i32
    return %arg0, %c0_i32 : i32, i32
  }
  func.func @transform_2(%arg0: i32) -> (i32, i32) {
    %c0_i32 = arith.constant 0 : i32
    %c0_i32_0 = arith.constant 0 : i32
    return %arg0, %c0_i32 : i32, i32
  }
  func.func @transform_3(%arg0: i32) -> (i32, i32) {
    %c0_i32 = arith.constant 0 : i32
    %c0_i32_0 = arith.constant 0 : i32
    %c0_i32_1 = arith.constant 0 : i32
    return %c0_i32, %c0_i32_0 : i32, i32
  }
  func.func @transform_4(%arg0: i32) -> (i32, i32) {
    %c0_i32 = arith.constant 0 : i32
    %c0_i32_0 = arith.constant 0 : i32
    %c0_i32_1 = arith.constant 0 : i32
    return %c0_i32, %c0_i32_0 : i32, i32
  }
  func.func @transform_5(%arg0: i32) -> (i32, i32) {
    %c0_i32 = arith.constant 0 : i32
    %c0_i32_0 = arith.constant 0 : i32
    %c0_i32_1 = arith.constant 0 : i32
    return %c0_i32, %c0_i32_0 : i32, i32
  }
  func.func @transform_6(%arg0: i32) -> (i32, i32) {
    %c0_i32 = arith.constant 0 : i32
    %c0_i32_0 = arith.constant 0 : i32
    %c0_i32_1 = arith.constant 0 : i32
    return %c0_i32, %c0_i32_0 : i32, i32
  }
  func.func @transform_7(%arg0: i32) -> (i32, i32) {
    %c0_i32 = arith.constant 0 : i32
    %c0_i32_0 = arith.constant 0 : i32
    return %arg0, %c0_i32 : i32, i32
  }
}

module attributes {stable_mosaic.version = 14 : i64} {
  func.func @body(%arg0: i32, %arg1: memref<2000x128xf32, #tpu.memory_space<vmem>>, %arg2: memref<2000x128xf32, #tpu.memory_space<vmem>>, %arg3: memref<2000x128xf32, #tpu.memory_space<vmem>>, %arg4: memref<128x128xf32, #tpu.memory_space<vmem>>, %arg5: memref<64x128xf32, #tpu.memory_space<vmem>>, %arg6: memref<1x128xf32, #tpu.memory_space<vmem>>, %arg7: memref<128x128xf32, #tpu.memory_space<vmem>>, %arg8: memref<128x64xf32, #tpu.memory_space<vmem>>, %arg9: memref<1x64xf32, #tpu.memory_space<vmem>>, %arg10: memref<64x1xf32, #tpu.memory_space<vmem>>, %arg11: memref<1x1xf32, #tpu.memory_space<vmem>>, %arg12: memref<2000x128xf32, #tpu.memory_space<vmem>>, %arg13: memref<2000x1xf32, #tpu.memory_space<vmem>>) attributes {dimension_semantics = [#tpu.dimension_semantics<arbitrary>], iteration_bounds = array<i64: 5>, scalar_prefetch = 0 : i64, scratch_operands = 0 : i64, tpu.core_type = #tpu.core_type<tc>, window_params = [{transform_indices = @transform_0, window_bounds = array<i64: 2000, 128>}, {transform_indices = @transform_1, window_bounds = array<i64: 2000, 128>}, {transform_indices = @transform_2, window_bounds = array<i64: 2000, 128>}, {pipeline_mode = #tpu.pipeline_mode<synchronous>, transform_indices = @transform_3, window_bounds = array<i64: 128, 128>}, {pipeline_mode = #tpu.pipeline_mode<synchronous>, transform_indices = @transform_4, window_bounds = array<i64: 64, 128>}, {pipeline_mode = #tpu.pipeline_mode<synchronous>, transform_indices = @transform_5, window_bounds = array<i64: 1, 128>}, {pipeline_mode = #tpu.pipeline_mode<synchronous>, transform_indices = @transform_6, window_bounds = array<i64: 128, 128>}, {pipeline_mode = #tpu.pipeline_mode<synchronous>, transform_indices = @transform_7, window_bounds = array<i64: 128, 64>}, {pipeline_mode = #tpu.pipeline_mode<synchronous>, transform_indices = @transform_8, window_bounds = array<i64: 1, 64>}, {pipeline_mode = #tpu.pipeline_mode<synchronous>, transform_indices = @transform_9, window_bounds = array<i64: 64, 1>}, {pipeline_mode = #tpu.pipeline_mode<synchronous>, transform_indices = @transform_10, window_bounds = array<i64: 1, 1>}, {transform_indices = @transform_11, window_bounds = array<i64: 2000, 128>}, {transform_indices = @transform_12, window_bounds = array<i64: 2000, 1>}]} {
    %get3A = arith.constant 0 : index
    %get3A_0 = arith.constant 0 : index
    %get3A_1 = vector.load %arg1[%get3A, %get3A_0] : memref<2000x128xf32, #tpu.memory_space<vmem>>, vector<2000x128xf32>
    %get3A_2 = arith.constant 0 : index
    %get3A_3 = arith.constant 0 : index
    %get3A_4 = vector.load %arg4[%get3A_2, %get3A_3] : memref<128x128xf32, #tpu.memory_space<vmem>>, vector<128x128xf32>
    %dot_general3A = arith.constant dense<0.000000e+00> : vector<2000x128xf32>
    %dot_general3A_5 = tpu.matmul %get3A_1, %get3A_4, %dot_general3A {dimension_numbers = #tpu.dot_dimension_numbers<[1], [0], [0], [1], [0, 0, 1, 1], [], []>, transpose_lhs_hint = false} : vector<2000x128xf32>, vector<128x128xf32>, vector<2000x128xf32> -> vector<2000x128xf32>
    %get3A_6 = arith.constant 0 : index
    %get3A_7 = arith.constant 0 : index
    %get3A_8 = vector.load %arg2[%get3A_6, %get3A_7] : memref<2000x128xf32, #tpu.memory_space<vmem>>, vector<2000x64xf32>
    %get3A_9 = arith.constant 0 : index
    %get3A_10 = arith.constant 0 : index
    %get3A_11 = vector.load %arg3[%get3A_9, %get3A_10] : memref<2000x128xf32, #tpu.memory_space<vmem>>, vector<2000x64xf32>
    %add3A = arith.addf %get3A_8, %get3A_11 : vector<2000x64xf32>
    %get3A_12 = arith.constant 0 : index
    %get3A_13 = arith.constant 0 : index
    %get3A_14 = vector.load %arg5[%get3A_12, %get3A_13] : memref<64x128xf32, #tpu.memory_space<vmem>>, vector<64x128xf32>
    %dot_general3A_15 = arith.constant dense<0.000000e+00> : vector<2000x128xf32>
    %dot_general3A_16 = tpu.matmul %add3A, %get3A_14, %dot_general3A_15 {dimension_numbers = #tpu.dot_dimension_numbers<[1], [0], [0], [1], [0, 0, 1, 1], [], []>, transpose_lhs_hint = false} : vector<2000x64xf32>, vector<64x128xf32>, vector<2000x128xf32> -> vector<2000x128xf32>
    %add3A_17 = arith.addf %dot_general3A_5, %dot_general3A_16 : vector<2000x128xf32>
    %get3A_18 = arith.constant 0 : index
    %get3A_19 = arith.constant 0 : index
    %get3A_20 = vector.load %arg6[%get3A_18, %get3A_19] : memref<1x128xf32, #tpu.memory_space<vmem>>, vector<1x128xf32>
    %add3A_21 = vector.broadcast %get3A_20 : vector<1x128xf32> to vector<2000x128xf32>
    %add3A_22 = arith.addf %add3A_17, %add3A_21 : vector<2000x128xf32>
    %max3A = arith.constant 0.000000e+00 : f32
    %max3A_23 = vector.broadcast %max3A : f32 to vector<2000x128xf32>
    %max3A_24 = arith.maximumf %add3A_22, %max3A_23 : vector<2000x128xf32>
    %get3A_25 = arith.constant 0 : index
    %get3A_26 = arith.constant 0 : index
    %get3A_27 = vector.load %arg7[%get3A_25, %get3A_26] : memref<128x128xf32, #tpu.memory_space<vmem>>, vector<128x128xf32>
    %dot_general3A_28 = arith.constant dense<0.000000e+00> : vector<2000x128xf32>
    %dot_general3A_29 = tpu.matmul %max3A_24, %get3A_27, %dot_general3A_28 {dimension_numbers = #tpu.dot_dimension_numbers<[1], [0], [0], [1], [0, 0, 1, 1], [], []>, transpose_lhs_hint = false} : vector<2000x128xf32>, vector<128x128xf32>, vector<2000x128xf32> -> vector<2000x128xf32>
    %swap3A = arith.constant 0 : index
    %swap3A_30 = arith.constant 0 : index
    %swap3A_31 = vector.load %arg12[%swap3A, %swap3A_30] : memref<2000x128xf32, #tpu.memory_space<vmem>>, vector<2000x128xf32>
    tpu.vector_store %arg12[%swap3A, %swap3A_30], %dot_general3A_29 {strides = array<i32>} : memref<2000x128xf32, #tpu.memory_space<vmem>>, vector<2000x128xf32>,
    %get3A_32 = arith.constant 0 : index
    %get3A_33 = arith.constant 0 : index
    %get3A_34 = vector.load %arg8[%get3A_32, %get3A_33] : memref<128x64xf32, #tpu.memory_space<vmem>>, vector<128x64xf32>
    %dot_general3A_35 = arith.constant dense<0.000000e+00> : vector<2000x64xf32>
    %dot_general3A_36 = tpu.matmul %max3A_24, %get3A_34, %dot_general3A_35 {dimension_numbers = #tpu.dot_dimension_numbers<[1], [0], [0], [1], [0, 0, 1, 1], [], []>, transpose_lhs_hint = false} : vector<2000x128xf32>, vector<128x64xf32>, vector<2000x64xf32> -> vector<2000x64xf32>
    %get3A_37 = arith.constant 0 : index
    %get3A_38 = arith.constant 0 : index
    %get3A_39 = vector.load %arg9[%get3A_37, %get3A_38] : memref<1x64xf32, #tpu.memory_space<vmem>>, vector<1x64xf32>
    %add3A_40 = vector.broadcast %get3A_39 : vector<1x64xf32> to vector<2000x64xf32>
    %add3A_41 = arith.addf %dot_general3A_36, %add3A_40 : vector<2000x64xf32>
    %max3A_42 = arith.constant 0.000000e+00 : f32
    %max3A_43 = vector.broadcast %max3A_42 : f32 to vector<2000x64xf32>
    %max3A_44 = arith.maximumf %add3A_41, %max3A_43 : vector<2000x64xf32>
    %get3A_45 = arith.constant 0 : index
    %get3A_46 = arith.constant 0 : index
    %get3A_47 = vector.load %arg10[%get3A_45, %get3A_46] : memref<64x1xf32, #tpu.memory_space<vmem>>, vector<64x1xf32>
    %dot_general3A_48 = arith.constant dense<0.000000e+00> : vector<2000x1xf32>
    %dot_general3A_49 = tpu.matmul %max3A_44, %get3A_47, %dot_general3A_48 {dimension_numbers = #tpu.dot_dimension_numbers<[1], [0], [0], [1], [0, 0, 1, 1], [], []>, transpose_lhs_hint = false} : vector<2000x64xf32>, vector<64x1xf32>, vector<2000x1xf32> -> vector<2000x1xf32>
    %get3A_50 = arith.constant 0 : index
    %get3A_51 = arith.constant 0 : index
    %get3A_52 = vector.load %arg11[%get3A_50, %get3A_51] : memref<1x1xf32, #tpu.memory_space<vmem>>, vector<1x1xf32>
    %add3A_53 = vector.broadcast %get3A_52 : vector<1x1xf32> to vector<2000x1xf32>
    %add3A_54 = arith.addf %dot_general3A_49, %add3A_53 : vector<2000x1xf32>
    %swap3A_55 = arith.constant 0 : index
    %swap3A_56 = arith.constant 0 : index
    %swap3A_57 = vector.load %arg13[%swap3A_55, %swap3A_56] : memref<2000x1xf32, #tpu.memory_space<vmem>>, vector<2000x1xf32>
    tpu.vector_store %arg13[%swap3A_55, %swap3A_56], %add3A_54 {strides = array<i32>} : memref<2000x1xf32, #tpu.memory_space<vmem>>, vector<2000x1xf32>,
    return
  }
  func.func @transform_0(%arg0: i32) -> (i32, i32) {
    %c0_i32 = arith.constant 0 : i32
    %c0_i32_0 = arith.constant 0 : i32
    return %arg0, %c0_i32 : i32, i32
  }
  func.func @transform_1(%arg0: i32) -> (i32, i32) {
    %c0_i32 = arith.constant 0 : i32
    %c0_i32_0 = arith.constant 0 : i32
    return %arg0, %c0_i32 : i32, i32
  }
  func.func @transform_2(%arg0: i32) -> (i32, i32) {
    %c0_i32 = arith.constant 0 : i32
    %c0_i32_0 = arith.constant 0 : i32
    return %arg0, %c0_i32 : i32, i32
  }
  func.func @transform_3(%arg0: i32) -> (i32, i32) {
    %c0_i32 = arith.constant 0 : i32
    %c0_i32_0 = arith.constant 0 : i32
    %c0_i32_1 = arith.constant 0 : i32
    return %c0_i32, %c0_i32_0 : i32, i32
  }
  func.func @transform_4(%arg0: i32) -> (i32, i32) {
    %c0_i32 = arith.constant 0 : i32
    %c0_i32_0 = arith.constant 0 : i32
    %c0_i32_1 = arith.constant 0 : i32
    return %c0_i32, %c0_i32_0 : i32, i32
  }
  func.func @transform_5(%arg0: i32) -> (i32, i32) {
    %c0_i32 = arith.constant 0 : i32
    %c0_i32_0 = arith.constant 0 : i32
    %c0_i32_1 = arith.constant 0 : i32
    return %c0_i32, %c0_i32_0 : i32, i32
  }
  func.func @transform_6(%arg0: i32) -> (i32, i32) {
    %c0_i32 = arith.constant 0 : i32
    %c0_i32_0 = arith.constant 0 : i32
    %c0_i32_1 = arith.constant 0 : i32
    return %c0_i32, %c0_i32_0 : i32, i32
  }
  func.func @transform_7(%arg0: i32) -> (i32, i32) {
    %c0_i32 = arith.constant 0 : i32
    %c0_i32_0 = arith.constant 0 : i32
    %c0_i32_1 = arith.constant 0 : i32
    return %c0_i32, %c0_i32_0 : i32, i32
  }
  func.func @transform_8(%arg0: i32) -> (i32, i32) {
    %c0_i32 = arith.constant 0 : i32
    %c0_i32_0 = arith.constant 0 : i32
    %c0_i32_1 = arith.constant 0 : i32
    return %c0_i32, %c0_i32_0 : i32, i32
  }
  func.func @transform_9(%arg0: i32) -> (i32, i32) {
    %c0_i32 = arith.constant 0 : i32
    %c0_i32_0 = arith.constant 0 : i32
    %c0_i32_1 = arith.constant 0 : i32
    return %c0_i32, %c0_i32_0 : i32, i32
  }
  func.func @transform_10(%arg0: i32) -> (i32, i32) {
    %c0_i32 = arith.constant 0 : i32
    %c0_i32_0 = arith.constant 0 : i32
    %c0_i32_1 = arith.constant 0 : i32
    return %c0_i32, %c0_i32_0 : i32, i32
  }
  func.func @transform_11(%arg0: i32) -> (i32, i32) {
    %c0_i32 = arith.constant 0 : i32
    %c0_i32_0 = arith.constant 0 : i32
    return %arg0, %c0_i32 : i32, i32
  }
  func.func @transform_12(%arg0: i32) -> (i32, i32) {
    %c0_i32 = arith.constant 0 : i32
    %c0_i32_0 = arith.constant 0 : i32
    return %arg0, %c0_i32 : i32, i32
  }
}

module attributes {stable_mosaic.version = 14 : i64} {
  func.func @body(%arg0: i32, %arg1: memref<4000x128xf32, #tpu.memory_space<vmem>>, %arg2: memref<4000x128xf32, #tpu.memory_space<vmem>>, %arg3: memref<4000x128xf32, #tpu.memory_space<vmem>>, %arg4: memref<64x64xf32, #tpu.memory_space<vmem>>, %arg5: memref<1x64xf32, #tpu.memory_space<vmem>>, %arg6: memref<64x64xf32, #tpu.memory_space<vmem>>, %arg7: memref<1x64xf32, #tpu.memory_space<vmem>>, %arg8: memref<64x32xf32, #tpu.memory_space<vmem>>, %arg9: memref<1x32xf32, #tpu.memory_space<vmem>>, %arg10: memref<32x1xf32, #tpu.memory_space<vmem>>, %arg11: memref<1x1xf32, #tpu.memory_space<vmem>>, %arg12: memref<4000x1xf32, #tpu.memory_space<vmem>>) attributes {dimension_semantics = [#tpu.dimension_semantics<arbitrary>], iteration_bounds = array<i64: 80>, scalar_prefetch = 0 : i64, scratch_operands = 0 : i64, tpu.core_type = #tpu.core_type<tc>, window_params = [{transform_indices = @transform_0, window_bounds = array<i64: 4000, 128>}, {transform_indices = @transform_1, window_bounds = array<i64: 4000, 128>}, {transform_indices = @transform_2, window_bounds = array<i64: 4000, 128>}, {pipeline_mode = #tpu.pipeline_mode<synchronous>, transform_indices = @transform_3, window_bounds = array<i64: 64, 64>}, {pipeline_mode = #tpu.pipeline_mode<synchronous>, transform_indices = @transform_4, window_bounds = array<i64: 1, 64>}, {pipeline_mode = #tpu.pipeline_mode<synchronous>, transform_indices = @transform_5, window_bounds = array<i64: 64, 64>}, {pipeline_mode = #tpu.pipeline_mode<synchronous>, transform_indices = @transform_6, window_bounds = array<i64: 1, 64>}, {pipeline_mode = #tpu.pipeline_mode<synchronous>, transform_indices = @transform_7, window_bounds = array<i64: 64, 32>}, {pipeline_mode = #tpu.pipeline_mode<synchronous>, transform_indices = @transform_8, window_bounds = array<i64: 1, 32>}, {pipeline_mode = #tpu.pipeline_mode<synchronous>, transform_indices = @transform_9, window_bounds = array<i64: 32, 1>}, {pipeline_mode = #tpu.pipeline_mode<synchronous>, transform_indices = @transform_10, window_bounds = array<i64: 1, 1>}, {transform_indices = @transform_11, window_bounds = array<i64: 4000, 1>}]} {
    %get3A = arith.constant 0 : index
    %get3A_0 = arith.constant 0 : index
    %get3A_1 = vector.load %arg3[%get3A, %get3A_0] : memref<4000x128xf32, #tpu.memory_space<vmem>>, vector<4000x64xf32>
    %get3A_2 = arith.constant 0 : index
    %get3A_3 = arith.constant 0 : index
    %get3A_4 = vector.load %arg1[%get3A_2, %get3A_3] : memref<4000x128xf32, #tpu.memory_space<vmem>>, vector<4000x64xf32>
    %get3A_5 = arith.constant 0 : index
    %get3A_6 = arith.constant 64 : index
    %get3A_7 = vector.load %arg2[%get3A_5, %get3A_6] : memref<4000x128xf32, #tpu.memory_space<vmem>>, vector<4000x64xf32>
    %add3A = arith.addf %get3A_4, %get3A_7 : vector<4000x64xf32>
    %get3A_8 = arith.constant 0 : index
    %get3A_9 = arith.constant 0 : index
    %get3A_10 = vector.load %arg4[%get3A_8, %get3A_9] : memref<64x64xf32, #tpu.memory_space<vmem>>, vector<64x64xf32>
    %dot_general3A = arith.constant dense<0.000000e+00> : vector<4000x64xf32>
    %dot_general3A_11 = tpu.matmul %get3A_1, %get3A_10, %dot_general3A {dimension_numbers = #tpu.dot_dimension_numbers<[1], [0], [0], [1], [0, 0, 1, 1], [], []>, transpose_lhs_hint = false} : vector<4000x64xf32>, vector<64x64xf32>, vector<4000x64xf32> -> vector<4000x64xf32>
    %add3A_12 = arith.addf %add3A, %dot_general3A_11 : vector<4000x64xf32>
    %get3A_13 = arith.constant 0 : index
    %get3A_14 = arith.constant 0 : index
    %get3A_15 = vector.load %arg5[%get3A_13, %get3A_14] : memref<1x64xf32, #tpu.memory_space<vmem>>, vector<1x64xf32>
    %add3A_16 = vector.broadcast %get3A_15 : vector<1x64xf32> to vector<4000x64xf32>
    %add3A_17 = arith.addf %add3A_12, %add3A_16 : vector<4000x64xf32>
    %max3A = arith.constant 0.000000e+00 : f32
    %max3A_18 = vector.broadcast %max3A : f32 to vector<4000x64xf32>
    %max3A_19 = arith.maximumf %add3A_17, %max3A_18 : vector<4000x64xf32>
    %get3A_20 = arith.constant 0 : index
    %get3A_21 = arith.constant 0 : index
    %get3A_22 = vector.load %arg6[%get3A_20, %get3A_21] : memref<64x64xf32, #tpu.memory_space<vmem>>, vector<64x64xf32>
    %dot_general3A_23 = arith.constant dense<0.000000e+00> : vector<4000x64xf32>
    %dot_general3A_24 = tpu.matmul %max3A_19, %get3A_22, %dot_general3A_23 {dimension_numbers = #tpu.dot_dimension_numbers<[1], [0], [0], [1], [0, 0, 1, 1], [], []>, transpose_lhs_hint = false} : vector<4000x64xf32>, vector<64x64xf32>, vector<4000x64xf32> -> vector<4000x64xf32>
    %get3A_25 = arith.constant 0 : index
    %get3A_26 = arith.constant 0 : index
    %get3A_27 = vector.load %arg7[%get3A_25, %get3A_26] : memref<1x64xf32, #tpu.memory_space<vmem>>, vector<1x64xf32>
    %add3A_28 = vector.broadcast %get3A_27 : vector<1x64xf32> to vector<4000x64xf32>
    %add3A_29 = arith.addf %dot_general3A_24, %add3A_28 : vector<4000x64xf32>
    %max3A_30 = arith.constant 0.000000e+00 : f32
    %max3A_31 = vector.broadcast %max3A_30 : f32 to vector<4000x64xf32>
    %max3A_32 = arith.maximumf %add3A_29, %max3A_31 : vector<4000x64xf32>
    %get3A_33 = arith.constant 0 : index
    %get3A_34 = arith.constant 0 : index
    %get3A_35 = vector.load %arg8[%get3A_33, %get3A_34] : memref<64x32xf32, #tpu.memory_space<vmem>>, vector<64x32xf32>
    %dot_general3A_36 = arith.constant dense<0.000000e+00> : vector<4000x32xf32>
    %dot_general3A_37 = tpu.matmul %max3A_32, %get3A_35, %dot_general3A_36 {dimension_numbers = #tpu.dot_dimension_numbers<[1], [0], [0], [1], [0, 0, 1, 1], [], []>, transpose_lhs_hint = false} : vector<4000x64xf32>, vector<64x32xf32>, vector<4000x32xf32> -> vector<4000x32xf32>
    %get3A_38 = arith.constant 0 : index
    %get3A_39 = arith.constant 0 : index
    %get3A_40 = vector.load %arg9[%get3A_38, %get3A_39] : memref<1x32xf32, #tpu.memory_space<vmem>>, vector<1x32xf32>
    %add3A_41 = vector.broadcast %get3A_40 : vector<1x32xf32> to vector<4000x32xf32>
    %add3A_42 = arith.addf %dot_general3A_37, %add3A_41 : vector<4000x32xf32>
    %max3A_43 = arith.constant 0.000000e+00 : f32
    %max3A_44 = vector.broadcast %max3A_43 : f32 to vector<4000x32xf32>
    %max3A_45 = arith.maximumf %add3A_42, %max3A_44 : vector<4000x32xf32>
    %get3A_46 = arith.constant 0 : index
    %get3A_47 = arith.constant 0 : index
    %get3A_48 = vector.load %arg10[%get3A_46, %get3A_47] : memref<32x1xf32, #tpu.memory_space<vmem>>, vector<32x1xf32>
    %dot_general3A_49 = arith.constant dense<0.000000e+00> : vector<4000x1xf32>
    %dot_general3A_50 = tpu.matmul %max3A_45, %get3A_48, %dot_general3A_49 {dimension_numbers = #tpu.dot_dimension_numbers<[1], [0], [0], [1], [0, 0, 1, 1], [], []>, transpose_lhs_hint = false} : vector<4000x32xf32>, vector<32x1xf32>, vector<4000x1xf32> -> vector<4000x1xf32>
    %get3A_51 = arith.constant 0 : index
    %get3A_52 = arith.constant 0 : index
    %get3A_53 = vector.load %arg11[%get3A_51, %get3A_52] : memref<1x1xf32, #tpu.memory_space<vmem>>, vector<1x1xf32>
    %add3A_54 = vector.broadcast %get3A_53 : vector<1x1xf32> to vector<4000x1xf32>
    %add3A_55 = arith.addf %dot_general3A_50, %add3A_54 : vector<4000x1xf32>
    %swap3A = arith.constant 0 : index
    %swap3A_56 = arith.constant 0 : index
    %swap3A_57 = vector.load %arg12[%swap3A, %swap3A_56] : memref<4000x1xf32, #tpu.memory_space<vmem>>, vector<4000x1xf32>
    tpu.vector_store %arg12[%swap3A, %swap3A_56], %add3A_55 {strides = array<i32>} : memref<4000x1xf32, #tpu.memory_space<vmem>>, vector<4000x1xf32>,
    return
  }
  func.func @transform_0(%arg0: i32) -> (i32, i32) {
    %c0_i32 = arith.constant 0 : i32
    %c0_i32_0 = arith.constant 0 : i32
    return %arg0, %c0_i32 : i32, i32
  }
  func.func @transform_1(%arg0: i32) -> (i32, i32) {
    %c0_i32 = arith.constant 0 : i32
    %c0_i32_0 = arith.constant 0 : i32
    return %arg0, %c0_i32 : i32, i32
  }
  func.func @transform_2(%arg0: i32) -> (i32, i32) {
    %c0_i32 = arith.constant 0 : i32
    %c0_i32_0 = arith.constant 0 : i32
    return %arg0, %c0_i32 : i32, i32
  }
  func.func @transform_3(%arg0: i32) -> (i32, i32) {
    %c0_i32 = arith.constant 0 : i32
    %c0_i32_0 = arith.constant 0 : i32
    %c0_i32_1 = arith.constant 0 : i32
    return %c0_i32, %c0_i32_0 : i32, i32
  }
  func.func @transform_4(%arg0: i32) -> (i32, i32) {
    %c0_i32 = arith.constant 0 : i32
    %c0_i32_0 = arith.constant 0 : i32
    %c0_i32_1 = arith.constant 0 : i32
    return %c0_i32, %c0_i32_0 : i32, i32
  }
  func.func @transform_5(%arg0: i32) -> (i32, i32) {
    %c0_i32 = arith.constant 0 : i32
    %c0_i32_0 = arith.constant 0 : i32
    %c0_i32_1 = arith.constant 0 : i32
    return %c0_i32, %c0_i32_0 : i32, i32
  }
  func.func @transform_6(%arg0: i32) -> (i32, i32) {
    %c0_i32 = arith.constant 0 : i32
    %c0_i32_0 = arith.constant 0 : i32
    %c0_i32_1 = arith.constant 0 : i32
    return %c0_i32, %c0_i32_0 : i32, i32
  }
  func.func @transform_7(%arg0: i32) -> (i32, i32) {
    %c0_i32 = arith.constant 0 : i32
    %c0_i32_0 = arith.constant 0 : i32
    %c0_i32_1 = arith.constant 0 : i32
    return %c0_i32, %c0_i32_0 : i32, i32
  }
  func.func @transform_8(%arg0: i32) -> (i32, i32) {
    %c0_i32 = arith.constant 0 : i32
    %c0_i32_0 = arith.constant 0 : i32
    %c0_i32_1 = arith.constant 0 : i32
    return %c0_i32, %c0_i32_0 : i32, i32
  }
  func.func @transform_9(%arg0: i32) -> (i32, i32) {
    %c0_i32 = arith.constant 0 : i32
    %c0_i32_0 = arith.constant 0 : i32
    %c0_i32_1 = arith.constant 0 : i32
    return %c0_i32, %c0_i32_0 : i32, i32
  }
  func.func @transform_10(%arg0: i32) -> (i32, i32) {
    %c0_i32 = arith.constant 0 : i32
    %c0_i32_0 = arith.constant 0 : i32
    %c0_i32_1 = arith.constant 0 : i32
    return %c0_i32, %c0_i32_0 : i32, i32
  }
  func.func @transform_11(%arg0: i32) -> (i32, i32) {
    %c0_i32 = arith.constant 0 : i32
    %c0_i32_0 = arith.constant 0 : i32
    return %arg0, %c0_i32 : i32, i32
  }
}

</mosaic_0001>

<sc_bundles>
// kernel: kernel.14.cloned.1.call-start
scs
__scs_entry_jumppad:
0x0: {  	(pc) =	sbr.rel $0x88, $3  }
0x1: {  	(tag) =	ssettag $0x0;
	lr =	simm.s32 $0x1  }
0x2: {  	[smem:$0x3F8C] =	sst lr;
	_ =	strace $0xD0000000  }
0x3: {  	_ = 	snop  }
0x4: {  	_ = 	snop  }
0x5: {  	_ = 	snop  }
0x6: {  	_ = 	snop  }
0x7: {  	_ = 	snop  }
__scs_overlays_trampoline_lowered:
0x8: {  	[smem:$0x3F9B] =	sst s0  }
0x9: {  	[smem:$0x3F9C] =	sst s1  }
0xa: {  	[smem:$0x3F9D] =	sst s2  }
0xb: {  	[smem:$0x3F9E] =	sst s3  }
0xc: {  	[smem:$0x3F9F] =	sst s4  }
0xd: {  	[smem:$0x3FA0] =	sst s5  }
0xe: {  	[smem:$0x3FA1] =	sst s6  }
0xf: {  	[smem:$0x3FA2] =	sst s7  }
0x10: {  	[smem:$0x3FA3] =	sst s8  }
0x11: {  	[smem:$0x3FA4] =	sst s9;
	s0 =	simm.s32 @!p0 $0x0  }
0x12: {  	s1 =	sld [smem:$0x3F8A];
	s0 =	simm.s32 @p0 $0x1  }
0x13: {  	[smem:$0x3FA5] =	sst s0;
	s0 =	simm.s32 @!p1 $0x0  }
0x14: {  	s2 =	sld [smem:$0x3F89];
	s0 =	simm.s32 @p1 $0x1  }
0x15: {  	[smem:$0x3FA6] =	sst s0;
	s0 =	simm.s32 @!p2 $0x0  }
0x16: {  	s3 =	sld [smem:$0x3FDB];
	s0 =	simm.s32 @p2 $0x1  }
0x17: {  	s4 =	simm.s32 $0x1BF5;
	[smem:$0x3FA8] =	sst s0  }
0x18: {  	s0 =	sld [smem:$0x3F8B];
	_ =	swait.ge [sflag:s4], $0x0  }
0x19: {  	s7 =	sld [smem:$0x3F8C]  }
0x1a: {  	s8 =	sadd.s32 $0xFFFFE003, lr  }
0x1b: {  	s9 =	sadd.s32 $0xFFFFFEF7, lr;
	s5 =	simm.s32 $0xFFFFFFFF;
	p2 =	slt.u32 s8, $0xFFFFF086  }
0x1c: {  	p1 =	slt.u32 s9, $0xF7A;
	s5 =	simm.s32 @!p2 $0x0  }
0x1d: {  	s5 =	simm.s32 @p1 $0x1;
	p0 =	seq.s32 s7, s2  }
0x1e: {  	s7 =	smul.u32 @!p0 $0xF7A, s2;
	p2 =	seq.s32 @!p0 s5, $0x0  }
0x1f: {  	s9 =	smul.u32 $0xF7A, s1;
	s8 =	simm.s32 @!p0 $0x1BF5;
	p2 =	por !p2, p0  }
0x20: {  	[sflag:s8] =	ssyncset.s32 @!p0 $0xFFFFF086;
	s6 =	sadd.s32 @!p0 s3, s7;
	s7 =	simm.s32 @!p0 $0x108  }
0x21: {  	s3 =	sadd.s32 s3, s9;
	s6 =	sadd.s32 @!p0 $0x88, s6;
	s7 =	simm.s32 @p2 $0x1082  }
0x22: {  	[simem:s7], [sflag:s8] =	dma.local @!p0 [hbm:s6], $0xF7A  }
0x23: {  	s9 =	sor.u32 $0xD0000000, s2;
	s6 =	simm.s32 $0x108;
	_ =	swait.ge @!p0 [sflag:s8], $0x0  }
0x24: {  	s3 =	sadd.s32 $0x88, s3;
	s6 =	simm.s32 @!p1 $0x1082;
	[sflag:s4] =	ssyncset.s32 $0xFFFFF086  }
0x25: {  	[simem:s6], [sflag:s4] =	dma.local [hbm:s3], $0xF7A  }
0x26: {  	[smem:$0x3F8C] =	sst s1;
	(tag) =	ssettag s2;
	_ =	strace s9  }
0x27: {  	s1 =	sld [smem:$0x3F9C]  }
0x28: {  	s2 =	sld [smem:$0x3F9D]  }
0x29: {  	s4 =	sld [smem:$0x3F9F]  }
0x2a: {  	p0 =	seq.s32 s5, $0x0;
	s5 =	sld [smem:$0x3FA0]  }
0x2b: {  	s6 =	sld [smem:$0x3FA1]  }
0x2c: {  	s7 =	sld [smem:$0x3FA2]  }
0x2d: {  	s3 =	simm.s32 $0x108;
	s8 =	sld [smem:$0x3FA3]  }
0x2e: {  	s3 =	simm.s32 @!p0 $0x1082;
	s9 =	sld [smem:$0x3FA4]  }
0x2f: {  	lr =	sadd.s32 s0, s3;
	s0 =	sld [smem:$0x3F9B]  }
0x30: {  	s3 =	sld [smem:$0x3F9E]  }
0x31: {  	[smem:$0x3FA7] =	sst s10  }
0x32: {  	s10 =	sld [smem:$0x3FA5];
	_ =	sdelay $0x3  }
0x33: {  	p0 =	seq.s32 s10, $0x1;
	s10 =	sld [smem:$0x3FA7];
	_ =	sdelay $0x3  }
0x34: {  	[smem:$0x3FA7] =	sst s10  }
0x35: {  	s10 =	sld [smem:$0x3FA6];
	_ =	sdelay $0x3  }
0x36: {  	p1 =	seq.s32 s10, $0x1;
	s10 =	sld [smem:$0x3FA7];
	_ =	sdelay $0x3  }
0x37: {  	[smem:$0x3FA7] =	sst s10  }
0x38: {  	s10 =	sld [smem:$0x3FA8]  }
0x39: {  	_ = 	snop;
	(pc) =	sbr.ind lr, $3  }
0x3a: {  	_ = 	snop  }
0x3b: {  	_ = 	snop  }
0x3c: {  	p2 =	seq.s32 s10, $0x1;
	s10 =	sld [smem:$0x3FA7]  }
0x3d: {  	_ =	shalt  }
0x3e: {  	_ =	shalt  }
0x3f: {  	_ =	shalt  }
0x40: {  	_ =	shalt  }
0x41: {  	_ =	shalt  }
0x42: {  	_ =	shalt  }
0x43: {  	_ =	shalt  }
0x44: {  	_ =	shalt  }
0x45: {  	_ =	shalt  }
0x46: {  	_ =	shalt  }
0x47: {  	_ =	shalt  }
0x48: {  	_ =	shalt  }
0x49: {  	_ =	shalt  }
0x4a: {  	_ =	shalt  }
0x4b: {  	_ =	shalt  }
0x4c: {  	_ =	shalt  }
0x4d: {  	_ =	shalt  }
0x4e: {  	_ =	shalt  }
0x4f: {  	_ =	shalt  }
0x50: {  	_ =	shalt  }
0x51: {  	_ =	shalt  }
0x52: {  	_ =	shalt  }
0x53: {  	_ =	shalt  }
0x54: {  	_ =	shalt  }
0x55: {  	_ =	shalt  }
0x56: {  	_ =	shalt  }
0x57: {  	_ =	shalt  }
0x58: {  	_ =	shalt  }
0x59: {  	_ =	shalt  }
0x5a: {  	_ =	shalt  }
0x5b: {  	_ =	shalt  }
0x5c: {  	_ =	shalt  }
0x5d: {  	_ =	shalt  }
0x5e: {  	_ =	shalt  }
0x5f: {  	_ =	shalt  }
0x60: {  	_ =	shalt  }
0x61: {  	_ =	shalt  }
0x62: {  	_ =	shalt  }
0x63: {  	_ =	shalt  }
0x64: {  	_ =	shalt  }
0x65: {  	_ =	shalt  }
0x66: {  	_ =	shalt  }
0x67: {  	_ =	shalt  }
0x68: {  	_ =	shalt  }
0x69: {  	_ =	shalt  }
0x6a: {  	_ =	shalt  }
0x6b: {  	_ =	shalt  }
0x6c: {  	_ =	shalt  }
0x6d: {  	_ =	shalt  }
0x6e: {  	_ =	shalt  }
0x6f: {  	_ =	shalt  }
0x70: {  	_ =	shalt  }
0x71: {  	_ =	shalt  }
0x72: {  	_ =	shalt  }
0x73: {  	_ =	shalt  }
0x74: {  	_ =	shalt  }
0x75: {  	_ =	shalt  }
0x76: {  	_ =	shalt  }
0x77: {  	_ =	shalt  }
0x78: {  	_ =	shalt  }
0x79: {  	_ =	shalt  }
0x7a: {  	_ =	shalt  }
0x7b: {  	_ =	shalt  }
0x7c: {  	_ =	shalt  }
0x7d: {  	_ =	shalt  }
0x7e: {  	_ =	shalt  }
0x7f: {  	_ =	shalt  }
0x80: {  	_ =	shalt  }
0x81: {  	_ =	shalt  }
0x82: {  	_ =	shalt  }
0x83: {  	_ =	shalt  }
0x84: {  	_ =	shalt  }
0x85: {  	_ =	shalt  }
0x86: {  	_ =	shalt  }
0x87: {  	_ =	shalt  }
.Lfunc_end0:
.L_simem_size_0:
called_computation_lowered:
.L_overlay_start_0:
0x88: {  	s2 =	sld [smem:$0x3FD9]  }
0x89: {  	s3 =	sld [smem:$0x3FFE];
	_ =	sdelay $0x1  }
0x8a: {  	s1 =	srdreg.scid  }
0x8b: {  	s0 =	sand.u32 $0x1, s1  }
0x8c: {  	s16 =	sshll.u32 s0, $0xA;
	s2 =	sadd.s32 s3, s2  }
0x8d: {  	s2 =	sadd.s32 s2, s16  }
0x8e: {  	[smem:$0x3FB3] =	sst s2  }
0x8f: {  	_ = 	snop  }
0x90: {  	(tm) =	ssettm $0x1  }
0x91: {  	s17 =	sld [smem:$0x3FFB];
	_ =	sdelay $0x3  }
0x92: {  	_ =	strace s17  }
0x93: {  	s2 =	sld [smem:$0x3FFC];
	_ =	sdelay $0x3  }
0x94: {  	_ =	strace s2  }
0x95: {  	s2 =	sld [smem:$0x3FFD];
	_ =	sdelay $0x3  }
0x96: {  	_ =	strace s2  }
0x97: {  	_ =	strace $0x8FFFFFFF  }
0x98: {  	s18 =	sld [smem:$0x3FDB];
	_ =	sdelay $0x1  }
0x99: {  	s19 =	simm.s32 $_scs_section_size  }
0x9a: {  	s4 =	simm.s32 $_size__tile_overlayer_lowered;
	s5 =	simm.s32 $_tile_overlayer_lowered  }
0x9b: {  	s22 =	simm.s32 $0x1BFF;
	s21 =	sshll.u32 s5, $0x1;
	s2 =	sadd.s32 s19, s18  }
0x9c: {  	s6 =	simm.s32 $0x0;
	s20 =	sshll.u32 s4, $0x1;
	s4 =	sadd.s32 s21, s2  }
0x9d: {  	[timem:s6], [sflag:s22] =	dma.local [hbm:s4], s20  }
0x9e: {  	_ =	swait.ge [sflag:s22], s20  }
0x9f: {  	s3 =	ssub.s32 $0x0, s20;
	[sflag:s22] =	ssyncset.done $0x0  }
0xa0: {  	[sflag:s22] =	ssyncadd.s32 s3;
	_ =	sdelay $0x1  }
0xa1: {  	s23 =	simm.s32 $0x1B8B  }
0xa2: {  	_ =	swait.ge [sflag:s23], $0x1  }
0xa3: {  	[sflag:s23] =	ssyncset.done $0x0  }
0xa4: {  	s25 =	simm.s32 $0x1B8E;
	s24 =	sld [smem:$0x3FFE];
	[sflag:s23] =	ssyncadd.s32 $0xFFFFFFFF  }
0xa5: {  	s26 =	simm.s32 $execute0_lowered;
	[smem:$0x3FD2] =	sst s25  }
0xa6: {  	s4 =	sshll.u32 s26, $0x1;
	_ =	strace $0x80000046;
	[dreg:$0x1] =	wrdreg $0xFFFFFFFF  }
0xa7: {  	s28 =	simm.s32 $_size_execute0_lowered;
	s2 =	sadd.s32 s2, s4;
	[dreg:$0x0] =	wrdreg $0x0  }
0xa8: {  	s4 =	sshll.u32 s28, $0x1;
	[dreg:$0x2] =	wrdreg s2  }
0xa9: {  	[dreg:$0x3] =	wrdreg s4  }
0xaa: {  	[dreg:$0x4] =	wrdreg $0xC0  }
0xab: {  	_ =	task [dreg:s6], $0x5FFFF  }
0xac: {  	[dreg:$0x1] =	wrdreg $0xFFFFFFFF  }
0xad: {  	[dreg:$0x0] =	wrdreg $0x60  }
0xae: {  	[dreg:$0x2] =	wrdreg s24  }
0xaf: {  	[dreg:$0x3] =	wrdreg $0x9  }
0xb0: {  	_ =	task.clear_ibuf [dreg:s6], $0x4FFFF;
	_ =	strace $0x90000046  }
0xb1: {  	s29 =	simm.s32 $0x9;
	_ =	strace $0x80000048  }
0xb2: {  	_ =	swait.ge [sflag:s29], $0x1  }
0xb3: {  	[sflag:s29] =	ssyncadd.s32 $0xFFFFFFFF  }
0xb4: {  	_ =	strace $0x90000048  }
0xb5: {  	_ =	sfence  }
0xb6: {  	s30 =	sld [smem:$0x0];
	_ =	sdelay $0x2  }
0xb7: {  	s31 =	sshll.u32 s1, $0xD;
	s1 =	sshrl.u32 s1, $0x2  }
0xb8: {  	s3 =	sand.u32 $0x4000, s31;
	s1 =	sadd.s32 s1, s30  }
0xb9: {  	s0 =	sor.u32 s3, s0;
	s1 =	sshll.u32 s1, $0x11  }
0xba: {  	s0 =	sor.u32 s1, s0  }
0xbb: {  	s0 =	sadd.s32 $0x8F2B, s0  }
0xbc: {  	[sflag:s0] =	ssyncadd.remote.s32 $0x1  }
0xbd: {  	_ =	sfence.sel $0xFFFF  }
0xbe: {  	[dreg:$0x0] =	wrdreg $0xFFFFFFFF;
	(pc) =	sbr.abs _section_cstart, $3  }
0xbf: {  	[dreg:$0x1] =	wrdreg $0xFFFFFFFF  }
0xc0: {  	_ =	task.clear_ibuf [dreg:s6], $0x2FFFF;
	_ =	strace $0x9FFFFFFF  }
0xc1: {  	(tm) =	ssettm $0x7FFFFFFF  }
tec
execute0_lowered:
.L_overlay_start_1:
0x0: {  	(tag) =	ssettag $0x1  }
0x1: {  	s0 =	srdreg.scid  }
0x2: {  	s10 =	stileid.u32;
	s1 =	rddreg [dreg:$0x0]  }
0x3: {  	s2 =	simm.s32 $0x0;
	s16 =	simm.s32 $0x50;
	s17 =	simm.s32 $0x8000  }
0x4: {  	s18 =	simm.s32 $0xF800;
	s29 =	simm.s32 $0x14800;
	s30 =	simm.s32 $0x2  }
0x5: {  	s31 =	simm.s32 $0x5;
	s28 =	simm.s32 $0x6;
	s0 =	sand.u32 $0x1, s0  }
0x6: {  	s3 =	sshll.u32 s10, $0x1;
	[smem:$0x7FF] =	sst s2;
	s6 =	sadd.s32 $0x77000, s1  }
0x7: {  	s23 =	smul.u32 $0x4E200, s10;
	s4 =	sor.u32 s0, s3;
	_ =	strace $0x80000047  }
0x8: {  	s3 =	sadd.s32 $0x28C00, s1;
	s7 =	ssub.s32 $0x2, s0;
	s11 =	smul.u32 $0x27100, s0  }
0x9: {  	s0 =	simm.s32 $0xA;
	s5 =	sshll.u32 s4, $0xB;
	s8 =	smul.u32 $0x138800, s4  }
0xa: {  	s9 =	sshrl.u32 s7, $0x1;
	s25 =	sadd.s32 s23, s6;
	s5 =	sadd.s32 s5, s1  }
0xb: {  	s4 =	smul.u32 $0x27100, s4;
	[dreg:$0x9] =	wrdreg s25;
	s19 =	sadd.s32 $0x8C00, s5  }
0xc: {  	s1 =	sadd.s32 $0x559000, s1;
	s5 =	sadd.s32 $0x18C00, s5;
	[dreg:$0x2] =	wrdreg s19  }
0xd: {  	s7 =	ssub.s32 s7, s9;
	s20 =	sadd.s32 s6, s4;
	[dreg:$0x3] =	wrdreg s5  }
0xe: {  	s25 =	simm.s32 $0x3;
	s4 =	sadd.s32 s1, s4;
	[dreg:$0x4] =	wrdreg s20  }
0xf: {  	s8 =	sshrl.u32 s8, $0x3;
	s24 =	smax.u32 s7, $0x1;
	[dreg:$0x5] =	wrdreg s4  }
0x10: {  	s26 =	sadd.s32 s23, s1;
	s23 =	simm.s32 $0x1;
	[dreg:$0x8] =	wrdreg s24  }
.Ltmp0:
0x11: {  	s21 =	sadd.s32 $0x500, s8;
	[dreg:$0xa] =	wrdreg s26;
	(pc) =	sbr.rel .LBB2_1-.Ltmp0, $4  }
0x12: {  	s20 =	simm.s32 $0xA800;
	s24 =	simm.s32 $0x4;
	s26 =	simm.s32 $0xD000  }
0x13: {  	s19 =	simm.s32 $0x8;
	s22 =	sadd.s32 s6, s21;
	s5 =	sadd.s32 s1, s21  }
0x14: {  	s1 =	simm.s32 $0x7;
	s21 =	simm.s32 $0xB;
	[dreg:$0x6] =	wrdreg s22  }
0x15: {  	s6 =	simm.s32 $0x0;
	[dreg:$0x7] =	wrdreg s5;
	s22 =	simm.s32 $0x12000  }
.LBB2_4:
0x16: {  	s4 =	simm.s32 $0x9  }
0x17: {  	_ =	swait.ge [sflag:s4], $0x2800  }
0x18: {  	[sflag:s4] =	ssyncset.done $0x0  }
0x19: {  	s14 =	simm.s32 $0xC;
	[sflag:s4] =	ssyncadd.s32 $0xFFFFD800  }
0x1a: {  	_ =	swait.ge [sflag:s14], $0x2800  }
0x1b: {  	[sflag:s14] =	ssyncset.done $0x0  }
0x1c: {  	[sflag:s14] =	ssyncadd.s32 $0xFFFFD800  }
0x1d: {  	_ =	swait.ge [sflag:s1], $0x2800  }
0x1e: {  	[sflag:s1] =	ssyncset.done $0x0  }
0x1f: {  	[sflag:s1] =	ssyncadd.s32 $0xFFFFD800  }
0x20: {  	_ =	swait.ge [sflag:s0], $0x2800  }
0x21: {  	[sflag:s0] =	ssyncset.done $0x0  }
0x22: {  	[sflag:s0] =	ssyncadd.s32 $0xFFFFD800  }
0x23: {  	_ =	swait.ge [sflag:s19], $0x2800  }
0x24: {  	[sflag:s19] =	ssyncset.done $0x0  }
0x25: {  	[sflag:s19] =	ssyncadd.s32 $0xFFFFD800  }
0x26: {  	_ =	swait.ge [sflag:s21], $0x2800  }
0x27: {  	s6 =	sadd.s32 $0x1, s6;
	s15 =	rddreg [dreg:$0x8]  }
0x28: {  	p0 =	sne.s32 s6, s15  }
.Ltmp1:
0x29: {  	_ = 	snop;
	(pc) =	sbr.rel @!p0 .LBB2_5-.Ltmp1, $3  }
0x2a: {  	_ =	sdelay $0x1  }
0x2b: {  	[sflag:s21] =	ssyncset.done $0x0  }
0x2c: {  	[sflag:s21] =	ssyncadd.s32 $0xFFFFD800  }
.LBB2_1:
0x2d: {  	s4 =	rddreg [dreg:$0x2];
	s5 =	simm.s32 $0xD  }
0x2e: {  	[tilespmem:s2], [sflag:$0xD] =	stream.linear.gather [hbm4b:s4+s2], $0x3E80, $0x38;
	[tilespmem:$0x17000] =	vst v63  }
0x2f: {  	_ =	swait.ge [sflag:s5], $0x3E80  }
0x30: {  	[sflag:s5] =	ssyncset.done $0x0  }
0x31: {  	s7 =	simm.s32 $0x4000;
	s14 =	rddreg [dreg:$0x3];
	[sflag:s5] =	ssyncadd.s32 $0xFFFFC180  }
0x32: {  	[tilespmem:s7], [sflag:$0xD] =	stream.linear.gather [hbm4b:s14+s2], $0x3E80, $0x38;
	[tilespmem:$0x17000] =	vst v63  }
0x33: {  	_ =	swait.ge [sflag:s5], $0x3E80  }
0x34: {  	[sflag:s5] =	ssyncset.done $0x0  }
0x35: {  	[sflag:s5] =	ssyncadd.s32 $0xFFFFC180  }
0x36: {  	[tilespmem:s17], [sflag:$0x1] =	stream.indirect.gather [hbm4b:s3+s16], $0x80, s2, s16, $0xb8;
	[tilespmem:$0x17000] =	vst v63  }
0x37: {  	_ = 	snop  }
0x38: {  	[tilespmem:s18], [sflag:$0x4] =	stream.indirect.gather [hbm4b:s3+s16], $0x80, s7, s16, $0xb8;
	[tilespmem:$0x17000] =	vst v63  }
0x39: {  	s15 =	simm.s32 $0x80  }
0x3a: {  	[tilespmem:s20], [sflag:$0x2] =	stream.indirect.gather [hbm4b:s3+s16], $0x80, s15, s16, $0xb8;
	[tilespmem:$0x17000] =	vst v63  }
0x3b: {  	s5 =	simm.s32 $0x4080  }
0x3c: {  	[tilespmem:s22], [sflag:$0x5] =	stream.indirect.gather [hbm4b:s3+s16], $0x80, s5, s16, $0xb8;
	[tilespmem:$0x17000] =	vst v63  }
0x3d: {  	_ =	swait.ge [sflag:s23], $0x2800  }
0x3e: {  	[sflag:s23] =	ssyncset.done $0x0  }
0x3f: {  	[sflag:s23] =	ssyncadd.s32 $0xFFFFD800  }
0x40: {  	_ =	swait.ge [sflag:s24], $0x2800  }
0x41: {  	[sflag:s24] =	ssyncset.done $0x0  }
0x42: {  	s7 =	rddreg [dreg:$0x4];
	[sflag:s24] =	ssyncadd.s32 $0xFFFFD800  }
0x43: {  	[hbm4b:s7+s2] =	stream.linear.scatter [tilespmem:s17], [sflag:$0x7], $0x2800, $0x38;
	[tilespmem:$0x17000] =	vst v63  }
0x44: {  	s8 =	rddreg [dreg:$0x5]  }
0x45: {  	[hbm4b:s8+s2] =	stream.linear.scatter [tilespmem:s18], [sflag:$0xA], $0x2800, $0x38;
	[tilespmem:$0x17000] =	vst v63  }
0x46: {  	s9 =	simm.s32 $0x100  }
0x47: {  	[tilespmem:s26], [sflag:$0x3] =	stream.indirect.gather [hbm4b:s3+s16], $0x80, s9, s16, $0xb8;
	[tilespmem:$0x17000] =	vst v63  }
0x48: {  	s10 =	simm.s32 $0x4100  }
0x49: {  	[tilespmem:s29], [sflag:$0x6] =	stream.indirect.gather [hbm4b:s3+s16], $0x80, s10, s16, $0xb8;
	[tilespmem:$0x17000] =	vst v63  }
0x4a: {  	_ =	swait.ge [sflag:s30], $0x2800  }
0x4b: {  	[sflag:s30] =	ssyncset.done $0x0  }
0x4c: {  	[sflag:s30] =	ssyncadd.s32 $0xFFFFD800  }
0x4d: {  	_ =	swait.ge [sflag:s31], $0x2800  }
0x4e: {  	[sflag:s31] =	ssyncset.done $0x0  }
0x4f: {  	s12 =	rddreg [dreg:$0x6];
	[sflag:s31] =	ssyncadd.s32 $0xFFFFD800  }
0x50: {  	[hbm4b:s12+s2] =	stream.linear.scatter [tilespmem:s20], [sflag:$0x8], $0x2800, $0x38;
	[tilespmem:$0x17000] =	vst v63  }
0x51: {  	s13 =	rddreg [dreg:$0x7]  }
0x52: {  	[hbm4b:s13+s2] =	stream.linear.scatter [tilespmem:s22], [sflag:$0xB], $0x2800, $0x38;
	[tilespmem:$0x17000] =	vst v63  }
0x53: {  	_ =	swait.ge [sflag:s1], $0x2800  }
0x54: {  	[sflag:s1] =	ssyncset.done $0x0  }
0x55: {  	[sflag:s1] =	ssyncadd.s32 $0xFFFFD800  }
0x56: {  	_ =	swait.ge [sflag:s0], $0x2800  }
0x57: {  	[sflag:s0] =	ssyncset.done $0x0  }
0x58: {  	s14 =	simm.s32 $0x180;
	s13 =	rddreg [dreg:$0xa];
	[sflag:s0] =	ssyncadd.s32 $0xFFFFD800  }
0x59: {  	[tilespmem:s17], [sflag:$0x1] =	stream.indirect.gather [hbm4b:s3+s16], $0x80, s14, s16, $0xb8;
	[tilespmem:$0x17000] =	vst v63  }
0x5a: {  	s15 =	simm.s32 $0x4180;
	s9 =	simm.s32 $0x0;
	s12 =	rddreg [dreg:$0x9]  }
0x5b: {  	[tilespmem:s18], [sflag:$0x4] =	stream.indirect.gather [hbm4b:s3+s16], $0x80, s15, s16, $0xb8;
	[tilespmem:$0x17000] =	vst v63  }
.LBB2_2:
0x5c: {  	_ =	swait.ge [sflag:s25], $0x2800  }
0x5d: {  	[sflag:s25] =	ssyncset.done $0x0  }
0x5e: {  	[sflag:s25] =	ssyncadd.s32 $0xFFFFD800  }
0x5f: {  	_ =	swait.ge [sflag:s28], $0x2800  }
0x60: {  	s15 =	sadd.s32 s12, s11;
	[sflag:s28] =	ssyncset.done $0x0  }
0x61: {  	s8 =	sadd.s32 s13, s11;
	s10 =	sadd.s32 $0xA00, s15;
	[sflag:s28] =	ssyncadd.s32 $0xFFFFD800  }
0x62: {  	[hbm4b:s10+s2] =	stream.linear.scatter [tilespmem:s26], [sflag:$0x9], $0x2800, $0x38;
	[tilespmem:$0x17000] =	vst v63  }
0x63: {  	s7 =	sadd.s32 $0xA00, s8  }
0x64: {  	[hbm4b:s7+s2] =	stream.linear.scatter [tilespmem:s29], [sflag:$0xC], $0x2800, $0x38;
	[tilespmem:$0x17000] =	vst v63  }
0x65: {  	_ =	swait.ge [sflag:s19], $0x2800  }
0x66: {  	[sflag:s19] =	ssyncset.done $0x0  }
0x67: {  	[sflag:s19] =	ssyncadd.s32 $0xFFFFD800  }
0x68: {  	_ =	swait.ge [sflag:s21], $0x2800  }
0x69: {  	s10 =	sshra.s32 s9, $0x2;
	[sflag:s21] =	ssyncset.done $0x0  }
0x6a: {  	s7 =	sadd.s32 $0x200, s10;
	[sflag:s21] =	ssyncadd.s32 $0xFFFFD800  }
0x6b: {  	[tilespmem:s20], [sflag:$0x2] =	stream.indirect.gather [hbm4b:s3+s16], $0x80, s7, s16, $0xb8;
	[tilespmem:$0x17000] =	vst v63  }
0x6c: {  	s14 =	sadd.s32 $0x4200, s10  }
0x6d: {  	[tilespmem:s22], [sflag:$0x5] =	stream.indirect.gather [hbm4b:s3+s16], $0x80, s14, s16, $0xb8;
	[tilespmem:$0x17000] =	vst v63  }
0x6e: {  	_ =	swait.ge [sflag:s23], $0x2800  }
0x6f: {  	[sflag:s23] =	ssyncset.done $0x0  }
0x70: {  	[sflag:s23] =	ssyncadd.s32 $0xFFFFD800  }
0x71: {  	_ =	swait.ge [sflag:s24], $0x2800  }
0x72: {  	[sflag:s24] =	ssyncset.done $0x0  }
0x73: {  	p0 =	seq.s32 s9, $0xF000;
	s4 =	sadd.s32 $0xF00, s15;
	[sflag:s24] =	ssyncadd.s32 $0xFFFFD800  }
0x74: {  	[hbm4b:s4+s2] =	stream.linear.scatter [tilespmem:s17], [sflag:$0x7], $0x2800, $0x38;
	[tilespmem:$0x17000] =	vst v63  }
0x75: {  	s5 =	sadd.s32 $0xF00, s8;
	s7 =	simm.s32 @!p0 $0x9  }
0x76: {  	[hbm4b:s5+s2] =	stream.linear.scatter [tilespmem:s18], [sflag:$0xA], $0x2800, $0x38;
	[tilespmem:$0x17000] =	vst v63  }
0x77: {  	_ =	swait.ge @!p0 [sflag:s7], $0x2800  }
0x78: {  	[sflag:s7] =	ssyncset.done @!p0 $0x0  }
0x79: {  	[sflag:s7] =	ssyncadd.s32 @!p0 $0xFFFFD800;
	s7 =	simm.s32 @!p0 $0xC  }
0x7a: {  	_ =	swait.ge @!p0 [sflag:s7], $0x2800  }
0x7b: {  	[sflag:s7] =	ssyncset.done @!p0 $0x0  }
0x7c: {  	[sflag:s7] =	ssyncadd.s32 @!p0 $0xFFFFD800;
	s7 =	sshra.s32 @!p0 s9, $0x2  }
0x7d: {  	s14 =	simm.s32 @!p0 $0xD000;
	s5 =	simm.s32 @!p0 $0x50;
	s4 =	sadd.s32 @!p0 $0x280, s7  }
0x7e: {  	[tilespmem:s14], [sflag:$0x3] =	stream.indirect.gather @!p0 [hbm4b:s3+s5], $0x80, s4, s5, $0xb8;
	[tilespmem:$0x17000] =	vst v63  }
0x7f: {  	s4 =	sadd.s32 @!p0 $0x4280, s7;
	s7 =	simm.s32 @!p0 $0x14800  }
0x80: {  	[tilespmem:s7], [sflag:$0x6] =	stream.indirect.gather @!p0 [hbm4b:s3+s5], $0x80, s4, s5, $0xb8;
	[tilespmem:$0x17000] =	vst v63  }
0x81: {  	_ =	swait.ge [sflag:s30], $0x2800  }
0x82: {  	[sflag:s30] =	ssyncset.done $0x0  }
0x83: {  	[sflag:s30] =	ssyncadd.s32 $0xFFFFD800  }
0x84: {  	_ =	swait.ge [sflag:s31], $0x2800  }
.Ltmp2:
0x85: {  	[sflag:s31] =	ssyncset.done $0x0;
	(pc) =	sbr.rel @p0 .LBB2_4-.Ltmp2, $4  }
0x86: {  	s14 =	sadd.s32 $0x1400, s15;
	[sflag:s31] =	ssyncadd.s32 $0xFFFFD800  }
0x87: {  	[hbm4b:s14+s2] =	stream.linear.scatter [tilespmem:s20], [sflag:$0x8], $0x2800, $0x38;
	[tilespmem:$0x17000] =	vst v63  }
0x88: {  	s15 =	sadd.s32 $0x1400, s8  }
0x89: {  	[hbm4b:s15+s2] =	stream.linear.scatter [tilespmem:s22], [sflag:$0xB], $0x2800, $0x38;
	[tilespmem:$0x17000] =	vst v63  }
0x8a: {  	_ =	swait.ge [sflag:s1], $0x2800  }
0x8b: {  	[sflag:s1] =	ssyncset.done $0x0  }
0x8c: {  	[sflag:s1] =	ssyncadd.s32 $0xFFFFD800  }
0x8d: {  	_ =	swait.ge [sflag:s0], $0x2800  }
.Ltmp3:
0x8e: {  	[sflag:s0] =	ssyncset.done $0x0;
	(pc) =	sbr.rel .LBB2_2-.Ltmp3, $4  }
0x8f: {  	s4 =	sadd.s32 $0x300, s10;
	s15 =	sadd.s32 $0x4300, s10;
	[sflag:s0] =	ssyncadd.s32 $0xFFFFD800  }
0x90: {  	[tilespmem:s17], [sflag:$0x1] =	stream.indirect.gather [hbm4b:s3+s16], $0x80, s4, s16, $0xb8;
	[tilespmem:$0x17000] =	vst v63  }
0x91: {  	s9 =	sadd.s32 $0x600, s9;
	s12 =	sadd.s32 $0xF00, s12;
	s13 =	sadd.s32 $0xF00, s13  }
0x92: {  	[tilespmem:s18], [sflag:$0x4] =	stream.indirect.gather [hbm4b:s3+s16], $0x80, s15, s16, $0xb8;
	[tilespmem:$0x17000] =	vst v63  }
.LBB2_5:
0x93: {  	_ =	sfence.sel $0x180000  }
0x94: {  	[bflag:$0x0] =	sbarrier.arrive $0xFFFF  }
0x95: {  	_ =	strace $0x90000047  }
0x96: {  	s0 =	stileid.u32;
	[bflag:$0x2] =	sbarrier.arrive $0xFFFF  }
0x97: {  	p0 =	sne.s32 s0, $0x0;
	s0 =	rddreg [dreg:$0x1]  }
0x98: {  	s0 =	sadd.s32 @!p0 $0x100000, s0  }
0x99: {  	[sflag:s0] =	ssyncadd.tile.s32 @!p0 $0x1;
	_ =	shalt  }
.Lfunc_end2:
_tile_overlayer_lowered:
.L_overlay_start_2:
0x9a: {  	(tag) =	ssettag $0x2  }
0x9b: {  	s0 =	rddreg [dreg:$0x0];
	s2 =	stileid.u32  }
0x9c: {  	s1 =	rddreg [dreg:$0x1];
	p0 =	sne.s32 s2, $0x0  }
0x9d: {  	s3 =	rddreg [dreg:$0x2];
	[bflag:$0x3] =	sbarrier.arrive $0xFFFF;
	s2 =	simm.s32 @!p0 $0x1C0D  }
0x9e: {  	[timem:s3], [sflag:s2] =	dma.local @!p0 [hbm:s0], s1  }
0x9f: {  	s0 =	simm.s32 @!p0 $0xD  }
0xa0: {  	_ =	swait.ge @!p0 [sflag:s0], s1  }
0xa1: {  	s1 =	ssub.s32 @!p0 $0x0, s1;
	[sflag:s0] =	ssyncset.done @!p0 $0x0  }
0xa2: {  	[sflag:s0] =	ssyncadd.s32 @!p0 s1  }
0xa3: {  	[bflag:$0x3] =	sbarrier.arrive $0xFFFF  }
0xa4: {  	_ =	shalt  }

// kernel: kernel.17.cloned.1.call-start
scs
__scs_entry_jumppad:
0x0: {  	(pc) =	sbr.rel $0x88, $3  }
0x1: {  	(tag) =	ssettag $0x0;
	lr =	simm.s32 $0x1  }
0x2: {  	[smem:$0x3F8C] =	sst lr;
	_ =	strace $0xD0000000  }
0x3: {  	_ = 	snop  }
0x4: {  	_ = 	snop  }
0x5: {  	_ = 	snop  }
0x6: {  	_ = 	snop  }
0x7: {  	_ = 	snop  }
__scs_overlays_trampoline_lowered:
0x8: {  	[smem:$0x3F9B] =	sst s0  }
0x9: {  	[smem:$0x3F9C] =	sst s1  }
0xa: {  	[smem:$0x3F9D] =	sst s2  }
0xb: {  	[smem:$0x3F9E] =	sst s3  }
0xc: {  	[smem:$0x3F9F] =	sst s4  }
0xd: {  	[smem:$0x3FA0] =	sst s5  }
0xe: {  	[smem:$0x3FA1] =	sst s6  }
0xf: {  	[smem:$0x3FA2] =	sst s7  }
0x10: {  	[smem:$0x3FA3] =	sst s8  }
0x11: {  	[smem:$0x3FA4] =	sst s9;
	s0 =	simm.s32 @!p0 $0x0  }
0x12: {  	s1 =	sld [smem:$0x3F8A];
	s0 =	simm.s32 @p0 $0x1  }
0x13: {  	[smem:$0x3FA5] =	sst s0;
	s0 =	simm.s32 @!p1 $0x0  }
0x14: {  	s2 =	sld [smem:$0x3F89];
	s0 =	simm.s32 @p1 $0x1  }
0x15: {  	[smem:$0x3FA6] =	sst s0;
	s0 =	simm.s32 @!p2 $0x0  }
0x16: {  	s3 =	sld [smem:$0x3FDB];
	s0 =	simm.s32 @p2 $0x1  }
0x17: {  	s4 =	simm.s32 $0x1BF5;
	[smem:$0x3FA8] =	sst s0  }
0x18: {  	s0 =	sld [smem:$0x3F8B];
	_ =	swait.ge [sflag:s4], $0x0  }
0x19: {  	s7 =	sld [smem:$0x3F8C]  }
0x1a: {  	s8 =	sadd.s32 $0xFFFFE003, lr  }
0x1b: {  	s9 =	sadd.s32 $0xFFFFFEF7, lr;
	s5 =	simm.s32 $0xFFFFFFFF;
	p2 =	slt.u32 s8, $0xFFFFF086  }
0x1c: {  	p1 =	slt.u32 s9, $0xF7A;
	s5 =	simm.s32 @!p2 $0x0  }
0x1d: {  	s5 =	simm.s32 @p1 $0x1;
	p0 =	seq.s32 s7, s2  }
0x1e: {  	s7 =	smul.u32 @!p0 $0xF7A, s2;
	p2 =	seq.s32 @!p0 s5, $0x0  }
0x1f: {  	s9 =	smul.u32 $0xF7A, s1;
	s8 =	simm.s32 @!p0 $0x1BF5;
	p2 =	por !p2, p0  }
0x20: {  	[sflag:s8] =	ssyncset.s32 @!p0 $0xFFFFF086;
	s6 =	sadd.s32 @!p0 s3, s7;
	s7 =	simm.s32 @!p0 $0x108  }
0x21: {  	s3 =	sadd.s32 s3, s9;
	s6 =	sadd.s32 @!p0 $0x88, s6;
	s7 =	simm.s32 @p2 $0x1082  }
0x22: {  	[simem:s7], [sflag:s8] =	dma.local @!p0 [hbm:s6], $0xF7A  }
0x23: {  	s9 =	sor.u32 $0xD0000000, s2;
	s6 =	simm.s32 $0x108;
	_ =	swait.ge @!p0 [sflag:s8], $0x0  }
0x24: {  	s3 =	sadd.s32 $0x88, s3;
	s6 =	simm.s32 @!p1 $0x1082;
	[sflag:s4] =	ssyncset.s32 $0xFFFFF086  }
0x25: {  	[simem:s6], [sflag:s4] =	dma.local [hbm:s3], $0xF7A  }
0x26: {  	[smem:$0x3F8C] =	sst s1;
	(tag) =	ssettag s2;
	_ =	strace s9  }
0x27: {  	s1 =	sld [smem:$0x3F9C]  }
0x28: {  	s2 =	sld [smem:$0x3F9D]  }
0x29: {  	s4 =	sld [smem:$0x3F9F]  }
0x2a: {  	p0 =	seq.s32 s5, $0x0;
	s5 =	sld [smem:$0x3FA0]  }
0x2b: {  	s6 =	sld [smem:$0x3FA1]  }
0x2c: {  	s7 =	sld [smem:$0x3FA2]  }
0x2d: {  	s3 =	simm.s32 $0x108;
	s8 =	sld [smem:$0x3FA3]  }
0x2e: {  	s3 =	simm.s32 @!p0 $0x1082;
	s9 =	sld [smem:$0x3FA4]  }
0x2f: {  	lr =	sadd.s32 s0, s3;
	s0 =	sld [smem:$0x3F9B]  }
0x30: {  	s3 =	sld [smem:$0x3F9E]  }
0x31: {  	[smem:$0x3FA7] =	sst s10  }
0x32: {  	s10 =	sld [smem:$0x3FA5];
	_ =	sdelay $0x3  }
0x33: {  	p0 =	seq.s32 s10, $0x1;
	s10 =	sld [smem:$0x3FA7];
	_ =	sdelay $0x3  }
0x34: {  	[smem:$0x3FA7] =	sst s10  }
0x35: {  	s10 =	sld [smem:$0x3FA6];
	_ =	sdelay $0x3  }
0x36: {  	p1 =	seq.s32 s10, $0x1;
	s10 =	sld [smem:$0x3FA7];
	_ =	sdelay $0x3  }
0x37: {  	[smem:$0x3FA7] =	sst s10  }
0x38: {  	s10 =	sld [smem:$0x3FA8]  }
0x39: {  	_ = 	snop;
	(pc) =	sbr.ind lr, $3  }
0x3a: {  	_ = 	snop  }
0x3b: {  	_ = 	snop  }
0x3c: {  	p2 =	seq.s32 s10, $0x1;
	s10 =	sld [smem:$0x3FA7]  }
0x3d: {  	_ =	shalt  }
0x3e: {  	_ =	shalt  }
0x3f: {  	_ =	shalt  }
0x40: {  	_ =	shalt  }
0x41: {  	_ =	shalt  }
0x42: {  	_ =	shalt  }
0x43: {  	_ =	shalt  }
0x44: {  	_ =	shalt  }
0x45: {  	_ =	shalt  }
0x46: {  	_ =	shalt  }
0x47: {  	_ =	shalt  }
0x48: {  	_ =	shalt  }
0x49: {  	_ =	shalt  }
0x4a: {  	_ =	shalt  }
0x4b: {  	_ =	shalt  }
0x4c: {  	_ =	shalt  }
0x4d: {  	_ =	shalt  }
0x4e: {  	_ =	shalt  }
0x4f: {  	_ =	shalt  }
0x50: {  	_ =	shalt  }
0x51: {  	_ =	shalt  }
0x52: {  	_ =	shalt  }
0x53: {  	_ =	shalt  }
0x54: {  	_ =	shalt  }
0x55: {  	_ =	shalt  }
0x56: {  	_ =	shalt  }
0x57: {  	_ =	shalt  }
0x58: {  	_ =	shalt  }
0x59: {  	_ =	shalt  }
0x5a: {  	_ =	shalt  }
0x5b: {  	_ =	shalt  }
0x5c: {  	_ =	shalt  }
0x5d: {  	_ =	shalt  }
0x5e: {  	_ =	shalt  }
0x5f: {  	_ =	shalt  }
0x60: {  	_ =	shalt  }
0x61: {  	_ =	shalt  }
0x62: {  	_ =	shalt  }
0x63: {  	_ =	shalt  }
0x64: {  	_ =	shalt  }
0x65: {  	_ =	shalt  }
0x66: {  	_ =	shalt  }
0x67: {  	_ =	shalt  }
0x68: {  	_ =	shalt  }
0x69: {  	_ =	shalt  }
0x6a: {  	_ =	shalt  }
0x6b: {  	_ =	shalt  }
0x6c: {  	_ =	shalt  }
0x6d: {  	_ =	shalt  }
0x6e: {  	_ =	shalt  }
0x6f: {  	_ =	shalt  }
0x70: {  	_ =	shalt  }
0x71: {  	_ =	shalt  }
0x72: {  	_ =	shalt  }
0x73: {  	_ =	shalt  }
0x74: {  	_ =	shalt  }
0x75: {  	_ =	shalt  }
0x76: {  	_ =	shalt  }
0x77: {  	_ =	shalt  }
0x78: {  	_ =	shalt  }
0x79: {  	_ =	shalt  }
0x7a: {  	_ =	shalt  }
0x7b: {  	_ =	shalt  }
0x7c: {  	_ =	shalt  }
0x7d: {  	_ =	shalt  }
0x7e: {  	_ =	shalt  }
0x7f: {  	_ =	shalt  }
0x80: {  	_ =	shalt  }
0x81: {  	_ =	shalt  }
0x82: {  	_ =	shalt  }
0x83: {  	_ =	shalt  }
0x84: {  	_ =	shalt  }
0x85: {  	_ =	shalt  }
0x86: {  	_ =	shalt  }
0x87: {  	_ =	shalt  }
.Lfunc_end0:
.L_simem_size_0:
called_computation.1_lowered:
.L_overlay_start_0:
0x88: {  	s2 =	sld [smem:$0x3FD9]  }
0x89: {  	s3 =	sld [smem:$0x3FFE];
	_ =	sdelay $0x1  }
0x8a: {  	s1 =	srdreg.scid  }
0x8b: {  	s0 =	sand.u32 $0x1, s1  }
0x8c: {  	s16 =	sshll.u32 s0, $0xA;
	s2 =	sadd.s32 s3, s2  }
0x8d: {  	s2 =	sadd.s32 s2, s16  }
0x8e: {  	[smem:$0x3FB3] =	sst s2  }
0x8f: {  	_ = 	snop  }
0x90: {  	(tm) =	ssettm $0x1  }
0x91: {  	s17 =	sld [smem:$0x3FFB];
	_ =	sdelay $0x3  }
0x92: {  	_ =	strace s17  }
0x93: {  	s2 =	sld [smem:$0x3FFC];
	_ =	sdelay $0x3  }
0x94: {  	_ =	strace s2  }
0x95: {  	s2 =	sld [smem:$0x3FFD];
	_ =	sdelay $0x3  }
0x96: {  	_ =	strace s2  }
0x97: {  	_ =	strace $0x8FFFFFFF  }
0x98: {  	s18 =	sld [smem:$0x3FDB];
	_ =	sdelay $0x1  }
0x99: {  	s19 =	simm.s32 $_scs_section_size  }
0x9a: {  	s4 =	simm.s32 $_size__tile_overlayer_lowered;
	s5 =	simm.s32 $_tile_overlayer_lowered  }
0x9b: {  	s22 =	simm.s32 $0x1BFF;
	s21 =	sshll.u32 s5, $0x1;
	s2 =	sadd.s32 s19, s18  }
0x9c: {  	s6 =	simm.s32 $0x0;
	s20 =	sshll.u32 s4, $0x1;
	s4 =	sadd.s32 s21, s2  }
0x9d: {  	[timem:s6], [sflag:s22] =	dma.local [hbm:s4], s20  }
0x9e: {  	_ =	swait.ge [sflag:s22], s20  }
0x9f: {  	s3 =	ssub.s32 $0x0, s20;
	[sflag:s22] =	ssyncset.done $0x0  }
0xa0: {  	[sflag:s22] =	ssyncadd.s32 s3;
	_ =	sdelay $0x1  }
0xa1: {  	s23 =	simm.s32 $0x1B8B  }
0xa2: {  	_ =	swait.ge [sflag:s23], $0x1  }
0xa3: {  	[sflag:s23] =	ssyncset.done $0x0  }
0xa4: {  	s25 =	simm.s32 $0x1B8E;
	s24 =	sld [smem:$0x3FFE];
	[sflag:s23] =	ssyncadd.s32 $0xFFFFFFFF  }
0xa5: {  	s26 =	simm.s32 $execute0_lowered;
	[smem:$0x3FD2] =	sst s25  }
0xa6: {  	s4 =	sshll.u32 s26, $0x1;
	_ =	strace $0x80000049;
	[dreg:$0x1] =	wrdreg $0xFFFFFFFF  }
0xa7: {  	s28 =	simm.s32 $_size_execute0_lowered;
	s2 =	sadd.s32 s2, s4;
	[dreg:$0x0] =	wrdreg $0x0  }
0xa8: {  	s4 =	sshll.u32 s28, $0x1;
	[dreg:$0x2] =	wrdreg s2  }
0xa9: {  	[dreg:$0x3] =	wrdreg s4  }
0xaa: {  	[dreg:$0x4] =	wrdreg $0xC0  }
0xab: {  	_ =	task [dreg:s6], $0x5FFFF  }
0xac: {  	[dreg:$0x1] =	wrdreg $0xFFFFFFFF  }
0xad: {  	[dreg:$0x0] =	wrdreg $0x60  }
0xae: {  	[dreg:$0x2] =	wrdreg s24  }
0xaf: {  	[dreg:$0x3] =	wrdreg $0x90000  }
0xb0: {  	[dreg:$0x4] =	wrdreg $0x9  }
0xb1: {  	_ =	task.clear_ibuf [dreg:s6], $0x5FFFF;
	_ =	strace $0x90000049  }
0xb2: {  	s29 =	simm.s32 $0x9;
	_ =	strace $0x8000004B  }
0xb3: {  	_ =	swait.ge [sflag:s29], $0x1  }
0xb4: {  	[sflag:s29] =	ssyncadd.s32 $0xFFFFFFFF  }
0xb5: {  	_ =	strace $0x9000004B  }
0xb6: {  	_ =	sfence  }
0xb7: {  	s30 =	sld [smem:$0x0];
	_ =	sdelay $0x2  }
0xb8: {  	s31 =	sshll.u32 s1, $0xD;
	s1 =	sshrl.u32 s1, $0x2  }
0xb9: {  	s3 =	sand.u32 $0x4000, s31;
	s1 =	sadd.s32 s1, s30  }
0xba: {  	s0 =	sor.u32 s3, s0;
	s1 =	sshll.u32 s1, $0x11  }
0xbb: {  	s0 =	sor.u32 s1, s0  }
0xbc: {  	s0 =	sadd.s32 $0x8F2B, s0  }
0xbd: {  	[sflag:s0] =	ssyncadd.remote.s32 $0x1  }
0xbe: {  	_ =	sfence.sel $0xFFFF  }
0xbf: {  	[dreg:$0x0] =	wrdreg $0xFFFFFFFF;
	(pc) =	sbr.abs _section_cstart, $3  }
0xc0: {  	[dreg:$0x1] =	wrdreg $0xFFFFFFFF  }
0xc1: {  	_ =	task.clear_ibuf [dreg:s6], $0x2FFFF;
	_ =	strace $0x9FFFFFFF  }
0xc2: {  	(tm) =	ssettm $0x7FFFFFFF  }
0xc3: {  	_ =	shalt  }
tec
execute0_lowered:
.L_overlay_start_1:
0x0: {  	(tag) =	ssettag $0x1  }
0x1: {  	s4 =	rddreg [dreg:$0x0]  }
0x2: {  	s2 =	rddreg [dreg:$0x1]  }
0x3: {  	s0 =	rddreg [dreg:$0x2]  }
0x4: {  	s3 =	simm.s32 $0x0;
	s5 =	srdreg.scid;
	s1 =	stileid.u32  }
0x5: {  	s16 =	simm.s32 $0x6800;
	s17 =	simm.s32 $0x1;
	s18 =	simm.s32 $0x50  }
0x6: {  	s19 =	simm.s32 $0x2;
	s20 =	simm.s32 $0x3D00;
	s21 =	simm.s32 $0x3D80  }
0x7: {  	[smem:$0x7FF] =	sst s3;
	s8 =	sand.u32 $0x1, s5;
	s23 =	smul.u32 $0x2800, s1  }
0x8: {  	s22 =	sshll.u32 s1, $0x1;
	s10 =	sadd.s32 $0xA3B000, s4;
	s12 =	smul.u32 $0x50000, s1  }
0x9: {  	s26 =	sshll.u32 s1, $0x6;
	s30 =	smul.u32 $0x4E200, s1;
	_ =	strace $0x8000004A  }
0xa: {  	s6 =	sor.u32 s8, s22;
	s9 =	smul.u32 $0x28000, s8;
	s11 =	ssub.s32 $0x2, s8  }
0xb: {  	s31 =	smul.u32 $0x27100, s8;
	s22 =	simm.s32 $0x3E00;
	s7 =	sshll.u32 s6, $0xB  }
0xc: {  	s13 =	sadd.s32 s23, s4;
	s24 =	sshrl.u32 s11, $0x1;
	s28 =	smul.u32 $0x138800, s6  }
0xd: {  	s25 =	sshrl.u32 s12, $0x2;
	s29 =	smul.u32 $0x27100, s6;
	s7 =	sadd.s32 s7, s4  }
0xe: {  	s5 =	sadd.s32 s23, s9;
	s11 =	ssub.s32 s11, s24;
	s15 =	sadd.s32 s25, s2  }
0xf: {  	s23 =	simm.s32 $0x0;
	s14 =	sadd.s32 s5, s4;
	s4 =	sadd.s32 $0x77000, s13  }
0x10: {  	s5 =	sor.u32 $0x1C03, s26;
	s6 =	sadd.s32 $0x18C00, s7;
	s9 =	sshrl.u32 s28, $0x3  }
0x11: {  	s7 =	sadd.s32 s10, s29;
	s13 =	sadd.s32 s30, s10;
	s9 =	sadd.s32 s10, s9  }
0x12: {  	s10 =	smax.u32 s11, $0x1;
	s11 =	sadd.s32 $0x26C00, s7;
	s12 =	sadd.s32 s31, s13  }
0x13: {  	s13 =	sshrl.u32 s15, $0x3;
	s15 =	simm.s32 $0x4000;
	s8 =	sadd.s32 $0x500, s9  }
0x14: {  	s9 =	sadd.s32 $0x9F000, s14;
	s12 =	sadd.s32 $0xA00, s12;
	s14 =	simm.s32 $0x3  }
.LBB2_1:
0x15: {  	[spmem:s13], [sflag:s5] =	dma.local [hbm:s4], $0x2800  }
0x16: {  	_ =	swait.ge [sflag:s14], $0x2800  }
0x17: {  	[sflag:s14] =	ssyncset.done $0x0  }
0x18: {  	[sflag:s14] =	ssyncadd.s32 $0xFFFFD800  }
0x19: {  	[tilespmem:s3], [sflag:$0x3] =	stream.linear.gather [hbm4b:s6+s3], $0x3E80, $0x38;
	[tilespmem:$0x1D000] =	vst v63  }
0x1a: {  	_ =	swait.ge [sflag:s14], $0x3E80  }
0x1b: {  	[sflag:s14] =	ssyncset.done $0x0  }
0x1c: {  	[sflag:s14] =	ssyncadd.s32 $0xFFFFC180  }
0x1d: {  	[bflag:$0x0] =	sbarrier.arrive $0xFFFF  }
0x1e: {  	[tilespmem:s15], [sflag:$0x1] =	stream.linear.gather [hbm4b:s7+s3], $0x2800, $0x38;
	[tilespmem:$0x1D000] =	vst v63  }
0x1f: {  	_ = 	snop  }
0x20: {  	[tilespmem:s16], [sflag:$0x2] =	stream.linear.gather [hbm4b:s8+s3], $0x2800, $0x38;
	[tilespmem:$0x1D000] =	vst v63  }
0x21: {  	_ =	swait.ge [sflag:s17], $0x2800  }
0x22: {  	[sflag:s17] =	ssyncset.done $0x0  }
0x23: {  	s24 =	simm.s32 $0x0;
	[sflag:s17] =	ssyncadd.s32 $0xFFFFD800  }
0x24: {  	[spmem:s2] =	stream.indirect.scatter.add.f32 [tilespmem:s15], [sflag:$0x3], $0x80, s24, s18, $0xb8;
	[tilespmem:$0x1D000] =	vst v63  }
0x25: {  	_ =	swait.ge [sflag:s14], $0x2800  }
0x26: {  	[sflag:s14] =	ssyncset.done $0x0  }
0x27: {  	[sflag:s14] =	ssyncadd.s32 $0xFFFFD800  }
0x28: {  	[tilespmem:s15], [sflag:$0x1] =	stream.linear.gather [hbm4b:s12+s3], $0x2800, $0x38;
	[tilespmem:$0x1D000] =	vst v63  }
0x29: {  	_ =	swait.ge [sflag:s19], $0x2800  }
0x2a: {  	[sflag:s19] =	ssyncset.done $0x0  }
0x2b: {  	s31 =	simm.s32 $0x80;
	[sflag:s19] =	ssyncadd.s32 $0xFFFFD800  }
0x2c: {  	[spmem:s2] =	stream.indirect.scatter.add.f32 [tilespmem:s16], [sflag:$0x3], $0x80, s31, s18, $0xb8;
	[tilespmem:$0x1D000] =	vst v63  }
0x2d: {  	_ =	swait.ge [sflag:s14], $0x2800  }
0x2e: {  	s26 =	sadd.s32 $0x500, s12;
	[sflag:s14] =	ssyncset.done $0x0  }
0x2f: {  	s25 =	sadd.s32 $0xA00, s12;
	s24 =	simm.s32 $0x400;
	[sflag:s14] =	ssyncadd.s32 $0xFFFFD800  }
.LBB2_2:
0x30: {  	[tilespmem:s16], [sflag:$0x2] =	stream.linear.gather [hbm4b:s26+s3], $0x2800, $0x38;
	[tilespmem:$0x1D000] =	vst v63  }
0x31: {  	s26 =	smov.u32 s24  }
0x32: {  	p0 =	sne.s32 s24, $0xF000;
	s24 =	sadd.s32 $0x400, s24;
	_ =	swait.ge [sflag:s17], $0x2800  }
0x33: {  	[sflag:s17] =	ssyncset.done $0x0  }
0x34: {  	s26 =	sshra.s32 s26, $0x2;
	[sflag:s17] =	ssyncadd.s32 $0xFFFFD800  }
0x35: {  	[spmem:s2] =	stream.indirect.scatter.add.f32 [tilespmem:s15], [sflag:$0x3], $0x80, s26, s18, $0xb8;
	[tilespmem:$0x1D000] =	vst v63  }
0x36: {  	_ =	swait.ge [sflag:s14], $0x2800  }
0x37: {  	[sflag:s14] =	ssyncset.done $0x0  }
0x38: {  	[sflag:s14] =	ssyncadd.s32 $0xFFFFD800  }
0x39: {  	[tilespmem:s15], [sflag:$0x1] =	stream.linear.gather [hbm4b:s25+s3], $0x2800, $0x38;
	[tilespmem:$0x1D000] =	vst v63  }
0x3a: {  	_ =	swait.ge [sflag:s19], $0x2800  }
0x3b: {  	[sflag:s19] =	ssyncset.done $0x0  }
.Ltmp0:
0x3c: {  	s26 =	sadd.s32 $0x80, s26;
	[sflag:s19] =	ssyncadd.s32 $0xFFFFD800;
	(pc) =	sbr.rel @p0 .LBB2_2-.Ltmp0, $4  }
0x3d: {  	[spmem:s2] =	stream.indirect.scatter.add.f32 [tilespmem:s16], [sflag:$0x3], $0x80, s26, s18, $0xb8;
	[tilespmem:$0x1D000] =	vst v63  }
0x3e: {  	_ =	swait.ge [sflag:s14], $0x2800  }
0x3f: {  	[sflag:s14] =	ssyncset.done $0x0  }
0x40: {  	s26 =	sadd.s32 $0x500, s25;
	s25 =	sadd.s32 $0xA00, s25;
	[sflag:s14] =	ssyncadd.s32 $0xFFFFD800  }
0x41: {  	[tilespmem:s16], [sflag:$0x2] =	stream.linear.gather [hbm4b:s26+s3], $0x2800, $0x38;
	[tilespmem:$0x1D000] =	vst v63  }
0x42: {  	_ =	swait.ge [sflag:s17], $0x2800  }
0x43: {  	[sflag:s17] =	ssyncset.done $0x0  }
0x44: {  	[sflag:s17] =	ssyncadd.s32 $0xFFFFD800  }
0x45: {  	[spmem:s2] =	stream.indirect.scatter.add.f32 [tilespmem:s15], [sflag:$0x3], $0x80, s20, s18, $0xb8;
	[tilespmem:$0x1D000] =	vst v63  }
0x46: {  	_ =	swait.ge [sflag:s14], $0x2800  }
0x47: {  	[sflag:s14] =	ssyncset.done $0x0  }
0x48: {  	[sflag:s14] =	ssyncadd.s32 $0xFFFFD800  }
0x49: {  	[tilespmem:s15], [sflag:$0x1] =	stream.linear.gather [hbm4b:s11+s3], $0x2800, $0x38;
	[tilespmem:$0x1D000] =	vst v63  }
0x4a: {  	_ =	swait.ge [sflag:s19], $0x2800  }
0x4b: {  	[sflag:s19] =	ssyncset.done $0x0  }
0x4c: {  	[sflag:s19] =	ssyncadd.s32 $0xFFFFD800  }
0x4d: {  	[spmem:s2] =	stream.indirect.scatter.add.f32 [tilespmem:s16], [sflag:$0x3], $0x80, s21, s18, $0xb8;
	[tilespmem:$0x1D000] =	vst v63  }
0x4e: {  	_ =	swait.ge [sflag:s14], $0x2800  }
0x4f: {  	[sflag:s14] =	ssyncset.done $0x0  }
0x50: {  	[sflag:s14] =	ssyncadd.s32 $0xFFFFD800  }
0x51: {  	_ =	swait.ge [sflag:s17], $0x2800  }
0x52: {  	[sflag:s17] =	ssyncset.done $0x0  }
0x53: {  	[sflag:s17] =	ssyncadd.s32 $0xFFFFD800  }
0x54: {  	[spmem:s2] =	stream.indirect.scatter.add.f32 [tilespmem:s15], [sflag:$0x3], $0x80, s22, s18, $0xb8;
	[tilespmem:$0x1D000] =	vst v63  }
0x55: {  	_ =	swait.ge [sflag:s14], $0x2800  }
0x56: {  	s23 =	sadd.s32 $0x1, s23;
	[sflag:s14] =	ssyncset.done $0x0  }
0x57: {  	p0 =	sne.s32 s23, s10;
	[sflag:s14] =	ssyncadd.s32 $0xFFFFD800  }
.Ltmp1:
0x58: {  	[bflag:$0x0] =	sbarrier.arrive $0xFFFF;
	(pc) =	sbr.rel @p0 .LBB2_1-.Ltmp1, $4  }
0x59: {  	[hbm:s9], [sflag:s5] =	dma.local [spmem:s13], $0x2800  }
0x5a: {  	_ =	swait.ge [sflag:s14], $0x2800  }
0x5b: {  	[sflag:s14] =	ssyncset.done $0x0  }
0x5c: {  	[sflag:s14] =	ssyncadd.s32 $0xFFFFD800  }
0x5d: {  	_ =	sfence.sel $0x180000  }
0x5e: {  	[bflag:$0x0] =	sbarrier.arrive $0xFFFF  }
0x5f: {  	p0 =	sne.s32 s1, $0x0;
	_ =	strace $0x9000004A  }
0x60: {  	s0 =	sadd.s32 @!p0 $0x100000, s0;
	[bflag:$0x2] =	sbarrier.arrive $0xFFFF  }
0x61: {  	[sflag:s0] =	ssyncadd.tile.s32 @!p0 $0x1;
	_ =	shalt  }
.Lfunc_end2:
_tile_overlayer_lowered:
.L_overlay_start_2:
0x62: {  	(tag) =	ssettag $0x2  }
0x63: {  	s0 =	rddreg [dreg:$0x0];
	s2 =	stileid.u32  }
0x64: {  	s1 =	rddreg [dreg:$0x1];
	p0 =	sne.s32 s2, $0x0  }
0x65: {  	s3 =	rddreg [dreg:$0x2];
	[bflag:$0x3] =	sbarrier.arrive $0xFFFF;
	s2 =	simm.s32 @!p0 $0x1C03  }
0x66: {  	[timem:s3], [sflag:s2] =	dma.local @!p0 [hbm:s0], s1  }
0x67: {  	s0 =	simm.s32 @!p0 $0x3  }
0x68: {  	_ =	swait.ge @!p0 [sflag:s0], s1  }
0x69: {  	s1 =	ssub.s32 @!p0 $0x0, s1;
	[sflag:s0] =	ssyncset.done @!p0 $0x0  }
0x6a: {  	[sflag:s0] =	ssyncadd.s32 @!p0 s1  }
0x6b: {  	[bflag:$0x3] =	sbarrier.arrive $0xFFFF  }
0x6c: {  	_ =	shalt  }

// kernel: kernel.20.cloned.1.call-start
scs
__scs_entry_jumppad:
0x0: {  	(pc) =	sbr.rel $0x88, $3  }
0x1: {  	(tag) =	ssettag $0x0;
	lr =	simm.s32 $0x1  }
0x2: {  	[smem:$0x3F8C] =	sst lr;
	_ =	strace $0xD0000000  }
0x3: {  	_ = 	snop  }
0x4: {  	_ = 	snop  }
0x5: {  	_ = 	snop  }
0x6: {  	_ = 	snop  }
0x7: {  	_ = 	snop  }
__scs_overlays_trampoline_lowered:
0x8: {  	[smem:$0x3F9B] =	sst s0  }
0x9: {  	[smem:$0x3F9C] =	sst s1  }
0xa: {  	[smem:$0x3F9D] =	sst s2  }
0xb: {  	[smem:$0x3F9E] =	sst s3  }
0xc: {  	[smem:$0x3F9F] =	sst s4  }
0xd: {  	[smem:$0x3FA0] =	sst s5  }
0xe: {  	[smem:$0x3FA1] =	sst s6  }
0xf: {  	[smem:$0x3FA2] =	sst s7  }
0x10: {  	[smem:$0x3FA3] =	sst s8  }
0x11: {  	[smem:$0x3FA4] =	sst s9;
	s0 =	simm.s32 @!p0 $0x0  }
0x12: {  	s1 =	sld [smem:$0x3F8A];
	s0 =	simm.s32 @p0 $0x1  }
0x13: {  	[smem:$0x3FA5] =	sst s0;
	s0 =	simm.s32 @!p1 $0x0  }
0x14: {  	s2 =	sld [smem:$0x3F89];
	s0 =	simm.s32 @p1 $0x1  }
0x15: {  	[smem:$0x3FA6] =	sst s0;
	s0 =	simm.s32 @!p2 $0x0  }
0x16: {  	s3 =	sld [smem:$0x3FDB];
	s0 =	simm.s32 @p2 $0x1  }
0x17: {  	s4 =	simm.s32 $0x1BF5;
	[smem:$0x3FA8] =	sst s0  }
0x18: {  	s0 =	sld [smem:$0x3F8B];
	_ =	swait.ge [sflag:s4], $0x0  }
0x19: {  	s7 =	sld [smem:$0x3F8C]  }
0x1a: {  	s8 =	sadd.s32 $0xFFFFE003, lr  }
0x1b: {  	s9 =	sadd.s32 $0xFFFFFEF7, lr;
	s5 =	simm.s32 $0xFFFFFFFF;
	p2 =	slt.u32 s8, $0xFFFFF086  }
0x1c: {  	p1 =	slt.u32 s9, $0xF7A;
	s5 =	simm.s32 @!p2 $0x0  }
0x1d: {  	s5 =	simm.s32 @p1 $0x1;
	p0 =	seq.s32 s7, s2  }
0x1e: {  	s7 =	smul.u32 @!p0 $0xF7A, s2;
	p2 =	seq.s32 @!p0 s5, $0x0  }
0x1f: {  	s9 =	smul.u32 $0xF7A, s1;
	s8 =	simm.s32 @!p0 $0x1BF5;
	p2 =	por !p2, p0  }
0x20: {  	[sflag:s8] =	ssyncset.s32 @!p0 $0xFFFFF086;
	s6 =	sadd.s32 @!p0 s3, s7;
	s7 =	simm.s32 @!p0 $0x108  }
0x21: {  	s3 =	sadd.s32 s3, s9;
	s6 =	sadd.s32 @!p0 $0x88, s6;
	s7 =	simm.s32 @p2 $0x1082  }
0x22: {  	[simem:s7], [sflag:s8] =	dma.local @!p0 [hbm:s6], $0xF7A  }
0x23: {  	s9 =	sor.u32 $0xD0000000, s2;
	s6 =	simm.s32 $0x108;
	_ =	swait.ge @!p0 [sflag:s8], $0x0  }
0x24: {  	s3 =	sadd.s32 $0x88, s3;
	s6 =	simm.s32 @!p1 $0x1082;
	[sflag:s4] =	ssyncset.s32 $0xFFFFF086  }
0x25: {  	[simem:s6], [sflag:s4] =	dma.local [hbm:s3], $0xF7A  }
0x26: {  	[smem:$0x3F8C] =	sst s1;
	(tag) =	ssettag s2;
	_ =	strace s9  }
0x27: {  	s1 =	sld [smem:$0x3F9C]  }
0x28: {  	s2 =	sld [smem:$0x3F9D]  }
0x29: {  	s4 =	sld [smem:$0x3F9F]  }
0x2a: {  	p0 =	seq.s32 s5, $0x0;
	s5 =	sld [smem:$0x3FA0]  }
0x2b: {  	s6 =	sld [smem:$0x3FA1]  }
0x2c: {  	s7 =	sld [smem:$0x3FA2]  }
0x2d: {  	s3 =	simm.s32 $0x108;
	s8 =	sld [smem:$0x3FA3]  }
0x2e: {  	s3 =	simm.s32 @!p0 $0x1082;
	s9 =	sld [smem:$0x3FA4]  }
0x2f: {  	lr =	sadd.s32 s0, s3;
	s0 =	sld [smem:$0x3F9B]  }
0x30: {  	s3 =	sld [smem:$0x3F9E]  }
0x31: {  	[smem:$0x3FA7] =	sst s10  }
0x32: {  	s10 =	sld [smem:$0x3FA5];
	_ =	sdelay $0x3  }
0x33: {  	p0 =	seq.s32 s10, $0x1;
	s10 =	sld [smem:$0x3FA7];
	_ =	sdelay $0x3  }
0x34: {  	[smem:$0x3FA7] =	sst s10  }
0x35: {  	s10 =	sld [smem:$0x3FA6];
	_ =	sdelay $0x3  }
0x36: {  	p1 =	seq.s32 s10, $0x1;
	s10 =	sld [smem:$0x3FA7];
	_ =	sdelay $0x3  }
0x37: {  	[smem:$0x3FA7] =	sst s10  }
0x38: {  	s10 =	sld [smem:$0x3FA8]  }
0x39: {  	_ = 	snop;
	(pc) =	sbr.ind lr, $3  }
0x3a: {  	_ = 	snop  }
0x3b: {  	_ = 	snop  }
0x3c: {  	p2 =	seq.s32 s10, $0x1;
	s10 =	sld [smem:$0x3FA7]  }
0x3d: {  	_ =	shalt  }
0x3e: {  	_ =	shalt  }
0x3f: {  	_ =	shalt  }
0x40: {  	_ =	shalt  }
0x41: {  	_ =	shalt  }
0x42: {  	_ =	shalt  }
0x43: {  	_ =	shalt  }
0x44: {  	_ =	shalt  }
0x45: {  	_ =	shalt  }
0x46: {  	_ =	shalt  }
0x47: {  	_ =	shalt  }
0x48: {  	_ =	shalt  }
0x49: {  	_ =	shalt  }
0x4a: {  	_ =	shalt  }
0x4b: {  	_ =	shalt  }
0x4c: {  	_ =	shalt  }
0x4d: {  	_ =	shalt  }
0x4e: {  	_ =	shalt  }
0x4f: {  	_ =	shalt  }
0x50: {  	_ =	shalt  }
0x51: {  	_ =	shalt  }
0x52: {  	_ =	shalt  }
0x53: {  	_ =	shalt  }
0x54: {  	_ =	shalt  }
0x55: {  	_ =	shalt  }
0x56: {  	_ =	shalt  }
0x57: {  	_ =	shalt  }
0x58: {  	_ =	shalt  }
0x59: {  	_ =	shalt  }
0x5a: {  	_ =	shalt  }
0x5b: {  	_ =	shalt  }
0x5c: {  	_ =	shalt  }
0x5d: {  	_ =	shalt  }
0x5e: {  	_ =	shalt  }
0x5f: {  	_ =	shalt  }
0x60: {  	_ =	shalt  }
0x61: {  	_ =	shalt  }
0x62: {  	_ =	shalt  }
0x63: {  	_ =	shalt  }
0x64: {  	_ =	shalt  }
0x65: {  	_ =	shalt  }
0x66: {  	_ =	shalt  }
0x67: {  	_ =	shalt  }
0x68: {  	_ =	shalt  }
0x69: {  	_ =	shalt  }
0x6a: {  	_ =	shalt  }
0x6b: {  	_ =	shalt  }
0x6c: {  	_ =	shalt  }
0x6d: {  	_ =	shalt  }
0x6e: {  	_ =	shalt  }
0x6f: {  	_ =	shalt  }
0x70: {  	_ =	shalt  }
0x71: {  	_ =	shalt  }
0x72: {  	_ =	shalt  }
0x73: {  	_ =	shalt  }
0x74: {  	_ =	shalt  }
0x75: {  	_ =	shalt  }
0x76: {  	_ =	shalt  }
0x77: {  	_ =	shalt  }
0x78: {  	_ =	shalt  }
0x79: {  	_ =	shalt  }
0x7a: {  	_ =	shalt  }
0x7b: {  	_ =	shalt  }
0x7c: {  	_ =	shalt  }
0x7d: {  	_ =	shalt  }
0x7e: {  	_ =	shalt  }
0x7f: {  	_ =	shalt  }
0x80: {  	_ =	shalt  }
0x81: {  	_ =	shalt  }
0x82: {  	_ =	shalt  }
0x83: {  	_ =	shalt  }
0x84: {  	_ =	shalt  }
0x85: {  	_ =	shalt  }
0x86: {  	_ =	shalt  }
0x87: {  	_ =	shalt  }
.Lfunc_end0:
.L_simem_size_0:
called_computation.2_lowered:
.L_overlay_start_0:
0x88: {  	s2 =	sld [smem:$0x3FD9]  }
0x89: {  	s3 =	sld [smem:$0x3FFE];
	_ =	sdelay $0x1  }
0x8a: {  	s1 =	srdreg.scid  }
0x8b: {  	s0 =	sand.u32 $0x1, s1  }
0x8c: {  	s16 =	sshll.u32 s0, $0xA;
	s2 =	sadd.s32 s3, s2  }
0x8d: {  	s2 =	sadd.s32 s2, s16  }
0x8e: {  	[smem:$0x3FB3] =	sst s2  }
0x8f: {  	_ = 	snop  }
0x90: {  	(tm) =	ssettm $0x1  }
0x91: {  	s17 =	sld [smem:$0x3FFB];
	_ =	sdelay $0x3  }
0x92: {  	_ =	strace s17  }
0x93: {  	s2 =	sld [smem:$0x3FFC];
	_ =	sdelay $0x3  }
0x94: {  	_ =	strace s2  }
0x95: {  	s2 =	sld [smem:$0x3FFD];
	_ =	sdelay $0x3  }
0x96: {  	_ =	strace s2  }
0x97: {  	_ =	strace $0x8FFFFFFF  }
0x98: {  	s18 =	sld [smem:$0x3FDB];
	_ =	sdelay $0x1  }
0x99: {  	s19 =	simm.s32 $_scs_section_size  }
0x9a: {  	s4 =	simm.s32 $_size__tile_overlayer_lowered;
	s5 =	simm.s32 $_tile_overlayer_lowered  }
0x9b: {  	s22 =	simm.s32 $0x1BFF;
	s21 =	sshll.u32 s5, $0x1;
	s2 =	sadd.s32 s19, s18  }
0x9c: {  	s6 =	simm.s32 $0x0;
	s20 =	sshll.u32 s4, $0x1;
	s4 =	sadd.s32 s21, s2  }
0x9d: {  	[timem:s6], [sflag:s22] =	dma.local [hbm:s4], s20  }
0x9e: {  	_ =	swait.ge [sflag:s22], s20  }
0x9f: {  	s3 =	ssub.s32 $0x0, s20;
	[sflag:s22] =	ssyncset.done $0x0  }
0xa0: {  	[sflag:s22] =	ssyncadd.s32 s3;
	_ =	sdelay $0x1  }
0xa1: {  	s23 =	simm.s32 $0x1B8B  }
0xa2: {  	_ =	swait.ge [sflag:s23], $0x1  }
0xa3: {  	[sflag:s23] =	ssyncset.done $0x0  }
0xa4: {  	s25 =	simm.s32 $0x1B8E;
	s24 =	sld [smem:$0x3FFE];
	[sflag:s23] =	ssyncadd.s32 $0xFFFFFFFF  }
0xa5: {  	s26 =	simm.s32 $execute0_lowered;
	[smem:$0x3FD2] =	sst s25  }
0xa6: {  	s4 =	sshll.u32 s26, $0x1;
	_ =	strace $0x8000004C;
	[dreg:$0x1] =	wrdreg $0xFFFFFFFF  }
0xa7: {  	s28 =	simm.s32 $_size_execute0_lowered;
	s2 =	sadd.s32 s2, s4;
	[dreg:$0x0] =	wrdreg $0x0  }
0xa8: {  	s4 =	sshll.u32 s28, $0x1;
	[dreg:$0x2] =	wrdreg s2  }
0xa9: {  	[dreg:$0x3] =	wrdreg s4  }
0xaa: {  	[dreg:$0x4] =	wrdreg $0xC0  }
0xab: {  	_ =	task [dreg:s6], $0x5FFFF  }
0xac: {  	[dreg:$0x1] =	wrdreg $0xFFFFFFFF  }
0xad: {  	[dreg:$0x0] =	wrdreg $0x60  }
0xae: {  	[dreg:$0x2] =	wrdreg s24  }
0xaf: {  	[dreg:$0x3] =	wrdreg $0x9  }
0xb0: {  	_ =	task.clear_ibuf [dreg:s6], $0x4FFFF;
	_ =	strace $0x9000004C  }
0xb1: {  	s29 =	simm.s32 $0x9;
	_ =	strace $0x8000004E  }
0xb2: {  	_ =	swait.ge [sflag:s29], $0x1  }
0xb3: {  	[sflag:s29] =	ssyncadd.s32 $0xFFFFFFFF  }
0xb4: {  	_ =	strace $0x9000004E  }
0xb5: {  	_ =	sfence  }
0xb6: {  	s30 =	sld [smem:$0x0];
	_ =	sdelay $0x2  }
0xb7: {  	s31 =	sshll.u32 s1, $0xD;
	s1 =	sshrl.u32 s1, $0x2  }
0xb8: {  	s3 =	sand.u32 $0x4000, s31;
	s1 =	sadd.s32 s1, s30  }
0xb9: {  	s0 =	sor.u32 s3, s0;
	s1 =	sshll.u32 s1, $0x11  }
0xba: {  	s0 =	sor.u32 s1, s0  }
0xbb: {  	s0 =	sadd.s32 $0x8F2B, s0  }
0xbc: {  	[sflag:s0] =	ssyncadd.remote.s32 $0x1  }
0xbd: {  	_ =	sfence.sel $0xFFFF  }
0xbe: {  	[dreg:$0x0] =	wrdreg $0xFFFFFFFF;
	(pc) =	sbr.abs _section_cstart, $3  }
0xbf: {  	[dreg:$0x1] =	wrdreg $0xFFFFFFFF  }
0xc0: {  	_ =	task.clear_ibuf [dreg:s6], $0x2FFFF;
	_ =	strace $0x9FFFFFFF  }
0xc1: {  	(tm) =	ssettm $0x7FFFFFFF  }
tec
execute0_lowered:
.L_overlay_start_1:
0x0: {  	(tag) =	ssettag $0x1  }
0x1: {  	s0 =	srdreg.scid  }
0x2: {  	s10 =	stileid.u32;
	s1 =	rddreg [dreg:$0x0]  }
0x3: {  	s2 =	simm.s32 $0x0;
	s16 =	simm.s32 $0x50;
	s17 =	simm.s32 $0x8000  }
0x4: {  	s18 =	simm.s32 $0xF800;
	s29 =	simm.s32 $0x14800;
	s30 =	simm.s32 $0x2  }
0x5: {  	s31 =	simm.s32 $0x5;
	s28 =	simm.s32 $0x6;
	s0 =	sand.u32 $0x1, s0  }
0x6: {  	s3 =	sshll.u32 s10, $0x1;
	[smem:$0x7FF] =	sst s2;
	s6 =	sadd.s32 $0xC6200, s1  }
0x7: {  	s23 =	smul.u32 $0x4E200, s10;
	s4 =	sor.u32 s0, s3;
	_ =	strace $0x8000004D  }
0x8: {  	s3 =	sadd.s32 $0x29400, s1;
	s7 =	ssub.s32 $0x2, s0;
	s11 =	smul.u32 $0x27100, s0  }
0x9: {  	s0 =	simm.s32 $0xA;
	s5 =	sshll.u32 s4, $0xB;
	s8 =	smul.u32 $0x138800, s4  }
0xa: {  	s9 =	sshrl.u32 s7, $0x1;
	s25 =	sadd.s32 s23, s6;
	s5 =	sadd.s32 s5, s1  }
0xb: {  	s4 =	smul.u32 $0x27100, s4;
	[dreg:$0x9] =	wrdreg s25;
	s19 =	sadd.s32 $0x8C00, s5  }
0xc: {  	s1 =	sadd.s32 $0xF1D400, s1;
	s5 =	sadd.s32 $0x18C00, s5;
	[dreg:$0x2] =	wrdreg s19  }
0xd: {  	s7 =	ssub.s32 s7, s9;
	s20 =	sadd.s32 s6, s4;
	[dreg:$0x3] =	wrdreg s5  }
0xe: {  	s25 =	simm.s32 $0x3;
	s4 =	sadd.s32 s1, s4;
	[dreg:$0x4] =	wrdreg s20  }
0xf: {  	s8 =	sshrl.u32 s8, $0x3;
	s24 =	smax.u32 s7, $0x1;
	[dreg:$0x5] =	wrdreg s4  }
0x10: {  	s26 =	sadd.s32 s23, s1;
	s23 =	simm.s32 $0x1;
	[dreg:$0x8] =	wrdreg s24  }
.Ltmp0:
0x11: {  	s21 =	sadd.s32 $0x500, s8;
	[dreg:$0xa] =	wrdreg s26;
	(pc) =	sbr.rel .LBB2_1-.Ltmp0, $4  }
0x12: {  	s20 =	simm.s32 $0xA800;
	s24 =	simm.s32 $0x4;
	s26 =	simm.s32 $0xD000  }
0x13: {  	s19 =	simm.s32 $0x8;
	s22 =	sadd.s32 s6, s21;
	s5 =	sadd.s32 s1, s21  }
0x14: {  	s1 =	simm.s32 $0x7;
	s21 =	simm.s32 $0xB;
	[dreg:$0x6] =	wrdreg s22  }
0x15: {  	s6 =	simm.s32 $0x0;
	[dreg:$0x7] =	wrdreg s5;
	s22 =	simm.s32 $0x12000  }
.LBB2_4:
0x16: {  	s4 =	simm.s32 $0x9  }
0x17: {  	_ =	swait.ge [sflag:s4], $0x2800  }
0x18: {  	[sflag:s4] =	ssyncset.done $0x0  }
0x19: {  	s14 =	simm.s32 $0xC;
	[sflag:s4] =	ssyncadd.s32 $0xFFFFD800  }
0x1a: {  	_ =	swait.ge [sflag:s14], $0x2800  }
0x1b: {  	[sflag:s14] =	ssyncset.done $0x0  }
0x1c: {  	[sflag:s14] =	ssyncadd.s32 $0xFFFFD800  }
0x1d: {  	_ =	swait.ge [sflag:s1], $0x2800  }
0x1e: {  	[sflag:s1] =	ssyncset.done $0x0  }
0x1f: {  	[sflag:s1] =	ssyncadd.s32 $0xFFFFD800  }
0x20: {  	_ =	swait.ge [sflag:s0], $0x2800  }
0x21: {  	[sflag:s0] =	ssyncset.done $0x0  }
0x22: {  	[sflag:s0] =	ssyncadd.s32 $0xFFFFD800  }
0x23: {  	_ =	swait.ge [sflag:s19], $0x2800  }
0x24: {  	[sflag:s19] =	ssyncset.done $0x0  }
0x25: {  	[sflag:s19] =	ssyncadd.s32 $0xFFFFD800  }
0x26: {  	_ =	swait.ge [sflag:s21], $0x2800  }
0x27: {  	s6 =	sadd.s32 $0x1, s6;
	s15 =	rddreg [dreg:$0x8]  }
0x28: {  	p0 =	sne.s32 s6, s15  }
.Ltmp1:
0x29: {  	_ = 	snop;
	(pc) =	sbr.rel @!p0 .LBB2_5-.Ltmp1, $3  }
0x2a: {  	_ =	sdelay $0x1  }
0x2b: {  	[sflag:s21] =	ssyncset.done $0x0  }
0x2c: {  	[sflag:s21] =	ssyncadd.s32 $0xFFFFD800  }
.LBB2_1:
0x2d: {  	s4 =	rddreg [dreg:$0x2];
	s5 =	simm.s32 $0xD  }
0x2e: {  	[tilespmem:s2], [sflag:$0xD] =	stream.linear.gather [hbm4b:s4+s2], $0x3E80, $0x38;
	[tilespmem:$0x17000] =	vst v63  }
0x2f: {  	_ =	swait.ge [sflag:s5], $0x3E80  }
0x30: {  	[sflag:s5] =	ssyncset.done $0x0  }
0x31: {  	s7 =	simm.s32 $0x4000;
	s14 =	rddreg [dreg:$0x3];
	[sflag:s5] =	ssyncadd.s32 $0xFFFFC180  }
0x32: {  	[tilespmem:s7], [sflag:$0xD] =	stream.linear.gather [hbm4b:s14+s2], $0x3E80, $0x38;
	[tilespmem:$0x17000] =	vst v63  }
0x33: {  	_ =	swait.ge [sflag:s5], $0x3E80  }
0x34: {  	[sflag:s5] =	ssyncset.done $0x0  }
0x35: {  	[sflag:s5] =	ssyncadd.s32 $0xFFFFC180  }
0x36: {  	[tilespmem:s17], [sflag:$0x1] =	stream.indirect.gather [hbm4b:s3+s16], $0x80, s2, s16, $0xb8;
	[tilespmem:$0x17000] =	vst v63  }
0x37: {  	_ = 	snop  }
0x38: {  	[tilespmem:s18], [sflag:$0x4] =	stream.indirect.gather [hbm4b:s3+s16], $0x80, s7, s16, $0xb8;
	[tilespmem:$0x17000] =	vst v63  }
0x39: {  	s15 =	simm.s32 $0x80  }
0x3a: {  	[tilespmem:s20], [sflag:$0x2] =	stream.indirect.gather [hbm4b:s3+s16], $0x80, s15, s16, $0xb8;
	[tilespmem:$0x17000] =	vst v63  }
0x3b: {  	s5 =	simm.s32 $0x4080  }
0x3c: {  	[tilespmem:s22], [sflag:$0x5] =	stream.indirect.gather [hbm4b:s3+s16], $0x80, s5, s16, $0xb8;
	[tilespmem:$0x17000] =	vst v63  }
0x3d: {  	_ =	swait.ge [sflag:s23], $0x2800  }
0x3e: {  	[sflag:s23] =	ssyncset.done $0x0  }
0x3f: {  	[sflag:s23] =	ssyncadd.s32 $0xFFFFD800  }
0x40: {  	_ =	swait.ge [sflag:s24], $0x2800  }
0x41: {  	[sflag:s24] =	ssyncset.done $0x0  }
0x42: {  	s7 =	rddreg [dreg:$0x4];
	[sflag:s24] =	ssyncadd.s32 $0xFFFFD800  }
0x43: {  	[hbm4b:s7+s2] =	stream.linear.scatter [tilespmem:s17], [sflag:$0x7], $0x2800, $0x38;
	[tilespmem:$0x17000] =	vst v63  }
0x44: {  	s8 =	rddreg [dreg:$0x5]  }
0x45: {  	[hbm4b:s8+s2] =	stream.linear.scatter [tilespmem:s18], [sflag:$0xA], $0x2800, $0x38;
	[tilespmem:$0x17000] =	vst v63  }
0x46: {  	s9 =	simm.s32 $0x100  }
0x47: {  	[tilespmem:s26], [sflag:$0x3] =	stream.indirect.gather [hbm4b:s3+s16], $0x80, s9, s16, $0xb8;
	[tilespmem:$0x17000] =	vst v63  }
0x48: {  	s10 =	simm.s32 $0x4100  }
0x49: {  	[tilespmem:s29], [sflag:$0x6] =	stream.indirect.gather [hbm4b:s3+s16], $0x80, s10, s16, $0xb8;
	[tilespmem:$0x17000] =	vst v63  }
0x4a: {  	_ =	swait.ge [sflag:s30], $0x2800  }
0x4b: {  	[sflag:s30] =	ssyncset.done $0x0  }
0x4c: {  	[sflag:s30] =	ssyncadd.s32 $0xFFFFD800  }
0x4d: {  	_ =	swait.ge [sflag:s31], $0x2800  }
0x4e: {  	[sflag:s31] =	ssyncset.done $0x0  }
0x4f: {  	s12 =	rddreg [dreg:$0x6];
	[sflag:s31] =	ssyncadd.s32 $0xFFFFD800  }
0x50: {  	[hbm4b:s12+s2] =	stream.linear.scatter [tilespmem:s20], [sflag:$0x8], $0x2800, $0x38;
	[tilespmem:$0x17000] =	vst v63  }
0x51: {  	s13 =	rddreg [dreg:$0x7]  }
0x52: {  	[hbm4b:s13+s2] =	stream.linear.scatter [tilespmem:s22], [sflag:$0xB], $0x2800, $0x38;
	[tilespmem:$0x17000] =	vst v63  }
0x53: {  	_ =	swait.ge [sflag:s1], $0x2800  }
0x54: {  	[sflag:s1] =	ssyncset.done $0x0  }
0x55: {  	[sflag:s1] =	ssyncadd.s32 $0xFFFFD800  }
0x56: {  	_ =	swait.ge [sflag:s0], $0x2800  }
0x57: {  	[sflag:s0] =	ssyncset.done $0x0  }
0x58: {  	s14 =	simm.s32 $0x180;
	s13 =	rddreg [dreg:$0xa];
	[sflag:s0] =	ssyncadd.s32 $0xFFFFD800  }
0x59: {  	[tilespmem:s17], [sflag:$0x1] =	stream.indirect.gather [hbm4b:s3+s16], $0x80, s14, s16, $0xb8;
	[tilespmem:$0x17000] =	vst v63  }
0x5a: {  	s15 =	simm.s32 $0x4180;
	s9 =	simm.s32 $0x0;
	s12 =	rddreg [dreg:$0x9]  }
0x5b: {  	[tilespmem:s18], [sflag:$0x4] =	stream.indirect.gather [hbm4b:s3+s16], $0x80, s15, s16, $0xb8;
	[tilespmem:$0x17000] =	vst v63  }
.LBB2_2:
0x5c: {  	_ =	swait.ge [sflag:s25], $0x2800  }
0x5d: {  	[sflag:s25] =	ssyncset.done $0x0  }
0x5e: {  	[sflag:s25] =	ssyncadd.s32 $0xFFFFD800  }
0x5f: {  	_ =	swait.ge [sflag:s28], $0x2800  }
0x60: {  	s15 =	sadd.s32 s12, s11;
	[sflag:s28] =	ssyncset.done $0x0  }
0x61: {  	s8 =	sadd.s32 s13, s11;
	s10 =	sadd.s32 $0xA00, s15;
	[sflag:s28] =	ssyncadd.s32 $0xFFFFD800  }
0x62: {  	[hbm4b:s10+s2] =	stream.linear.scatter [tilespmem:s26], [sflag:$0x9], $0x2800, $0x38;
	[tilespmem:$0x17000] =	vst v63  }
0x63: {  	s7 =	sadd.s32 $0xA00, s8  }
0x64: {  	[hbm4b:s7+s2] =	stream.linear.scatter [tilespmem:s29], [sflag:$0xC], $0x2800, $0x38;
	[tilespmem:$0x17000] =	vst v63  }
0x65: {  	_ =	swait.ge [sflag:s19], $0x2800  }
0x66: {  	[sflag:s19] =	ssyncset.done $0x0  }
0x67: {  	[sflag:s19] =	ssyncadd.s32 $0xFFFFD800  }
0x68: {  	_ =	swait.ge [sflag:s21], $0x2800  }
0x69: {  	s10 =	sshra.s32 s9, $0x2;
	[sflag:s21] =	ssyncset.done $0x0  }
0x6a: {  	s7 =	sadd.s32 $0x200, s10;
	[sflag:s21] =	ssyncadd.s32 $0xFFFFD800  }
0x6b: {  	[tilespmem:s20], [sflag:$0x2] =	stream.indirect.gather [hbm4b:s3+s16], $0x80, s7, s16, $0xb8;
	[tilespmem:$0x17000] =	vst v63  }
0x6c: {  	s14 =	sadd.s32 $0x4200, s10  }
0x6d: {  	[tilespmem:s22], [sflag:$0x5] =	stream.indirect.gather [hbm4b:s3+s16], $0x80, s14, s16, $0xb8;
	[tilespmem:$0x17000] =	vst v63  }
0x6e: {  	_ =	swait.ge [sflag:s23], $0x2800  }
0x6f: {  	[sflag:s23] =	ssyncset.done $0x0  }
0x70: {  	[sflag:s23] =	ssyncadd.s32 $0xFFFFD800  }
0x71: {  	_ =	swait.ge [sflag:s24], $0x2800  }
0x72: {  	[sflag:s24] =	ssyncset.done $0x0  }
0x73: {  	p0 =	seq.s32 s9, $0xF000;
	s4 =	sadd.s32 $0xF00, s15;
	[sflag:s24] =	ssyncadd.s32 $0xFFFFD800  }
0x74: {  	[hbm4b:s4+s2] =	stream.linear.scatter [tilespmem:s17], [sflag:$0x7], $0x2800, $0x38;
	[tilespmem:$0x17000] =	vst v63  }
0x75: {  	s5 =	sadd.s32 $0xF00, s8;
	s7 =	simm.s32 @!p0 $0x9  }
0x76: {  	[hbm4b:s5+s2] =	stream.linear.scatter [tilespmem:s18], [sflag:$0xA], $0x2800, $0x38;
	[tilespmem:$0x17000] =	vst v63  }
0x77: {  	_ =	swait.ge @!p0 [sflag:s7], $0x2800  }
0x78: {  	[sflag:s7] =	ssyncset.done @!p0 $0x0  }
0x79: {  	[sflag:s7] =	ssyncadd.s32 @!p0 $0xFFFFD800;
	s7 =	simm.s32 @!p0 $0xC  }
0x7a: {  	_ =	swait.ge @!p0 [sflag:s7], $0x2800  }
0x7b: {  	[sflag:s7] =	ssyncset.done @!p0 $0x0  }
0x7c: {  	[sflag:s7] =	ssyncadd.s32 @!p0 $0xFFFFD800;
	s7 =	sshra.s32 @!p0 s9, $0x2  }
0x7d: {  	s14 =	simm.s32 @!p0 $0xD000;
	s5 =	simm.s32 @!p0 $0x50;
	s4 =	sadd.s32 @!p0 $0x280, s7  }
0x7e: {  	[tilespmem:s14], [sflag:$0x3] =	stream.indirect.gather @!p0 [hbm4b:s3+s5], $0x80, s4, s5, $0xb8;
	[tilespmem:$0x17000] =	vst v63  }
0x7f: {  	s4 =	sadd.s32 @!p0 $0x4280, s7;
	s7 =	simm.s32 @!p0 $0x14800  }
0x80: {  	[tilespmem:s7], [sflag:$0x6] =	stream.indirect.gather @!p0 [hbm4b:s3+s5], $0x80, s4, s5, $0xb8;
	[tilespmem:$0x17000] =	vst v63  }
0x81: {  	_ =	swait.ge [sflag:s30], $0x2800  }
0x82: {  	[sflag:s30] =	ssyncset.done $0x0  }
0x83: {  	[sflag:s30] =	ssyncadd.s32 $0xFFFFD800  }
0x84: {  	_ =	swait.ge [sflag:s31], $0x2800  }
.Ltmp2:
0x85: {  	[sflag:s31] =	ssyncset.done $0x0;
	(pc) =	sbr.rel @p0 .LBB2_4-.Ltmp2, $4  }
0x86: {  	s14 =	sadd.s32 $0x1400, s15;
	[sflag:s31] =	ssyncadd.s32 $0xFFFFD800  }
0x87: {  	[hbm4b:s14+s2] =	stream.linear.scatter [tilespmem:s20], [sflag:$0x8], $0x2800, $0x38;
	[tilespmem:$0x17000] =	vst v63  }
0x88: {  	s15 =	sadd.s32 $0x1400, s8  }
0x89: {  	[hbm4b:s15+s2] =	stream.linear.scatter [tilespmem:s22], [sflag:$0xB], $0x2800, $0x38;
	[tilespmem:$0x17000] =	vst v63  }
0x8a: {  	_ =	swait.ge [sflag:s1], $0x2800  }
0x8b: {  	[sflag:s1] =	ssyncset.done $0x0  }
0x8c: {  	[sflag:s1] =	ssyncadd.s32 $0xFFFFD800  }
0x8d: {  	_ =	swait.ge [sflag:s0], $0x2800  }
.Ltmp3:
0x8e: {  	[sflag:s0] =	ssyncset.done $0x0;
	(pc) =	sbr.rel .LBB2_2-.Ltmp3, $4  }
0x8f: {  	s4 =	sadd.s32 $0x300, s10;
	s15 =	sadd.s32 $0x4300, s10;
	[sflag:s0] =	ssyncadd.s32 $0xFFFFD800  }
0x90: {  	[tilespmem:s17], [sflag:$0x1] =	stream.indirect.gather [hbm4b:s3+s16], $0x80, s4, s16, $0xb8;
	[tilespmem:$0x17000] =	vst v63  }
0x91: {  	s9 =	sadd.s32 $0x600, s9;
	s12 =	sadd.s32 $0xF00, s12;
	s13 =	sadd.s32 $0xF00, s13  }
0x92: {  	[tilespmem:s18], [sflag:$0x4] =	stream.indirect.gather [hbm4b:s3+s16], $0x80, s15, s16, $0xb8;
	[tilespmem:$0x17000] =	vst v63  }
.LBB2_5:
0x93: {  	_ =	sfence.sel $0x180000  }
0x94: {  	[bflag:$0x0] =	sbarrier.arrive $0xFFFF  }
0x95: {  	_ =	strace $0x9000004D  }
0x96: {  	s0 =	stileid.u32;
	[bflag:$0x2] =	sbarrier.arrive $0xFFFF  }
0x97: {  	p0 =	sne.s32 s0, $0x0;
	s0 =	rddreg [dreg:$0x1]  }
0x98: {  	s0 =	sadd.s32 @!p0 $0x100000, s0  }
0x99: {  	[sflag:s0] =	ssyncadd.tile.s32 @!p0 $0x1;
	_ =	shalt  }
.Lfunc_end2:
_tile_overlayer_lowered:
.L_overlay_start_2:
0x9a: {  	(tag) =	ssettag $0x2  }
0x9b: {  	s0 =	rddreg [dreg:$0x0];
	s2 =	stileid.u32  }
0x9c: {  	s1 =	rddreg [dreg:$0x1];
	p0 =	sne.s32 s2, $0x0  }
0x9d: {  	s3 =	rddreg [dreg:$0x2];
	[bflag:$0x3] =	sbarrier.arrive $0xFFFF;
	s2 =	simm.s32 @!p0 $0x1C0D  }
0x9e: {  	[timem:s3], [sflag:s2] =	dma.local @!p0 [hbm:s0], s1  }
0x9f: {  	s0 =	simm.s32 @!p0 $0xD  }
0xa0: {  	_ =	swait.ge @!p0 [sflag:s0], s1  }
0xa1: {  	s1 =	ssub.s32 @!p0 $0x0, s1;
	[sflag:s0] =	ssyncset.done @!p0 $0x0  }
0xa2: {  	[sflag:s0] =	ssyncadd.s32 @!p0 s1  }
0xa3: {  	[bflag:$0x3] =	sbarrier.arrive $0xFFFF  }
0xa4: {  	_ =	shalt  }

// kernel: kernel.23.cloned.1.call-start
scs
__scs_entry_jumppad:
0x0: {  	(pc) =	sbr.rel $0x88, $3  }
0x1: {  	(tag) =	ssettag $0x0;
	lr =	simm.s32 $0x1  }
0x2: {  	[smem:$0x3F8C] =	sst lr;
	_ =	strace $0xD0000000  }
0x3: {  	_ = 	snop  }
0x4: {  	_ = 	snop  }
0x5: {  	_ = 	snop  }
0x6: {  	_ = 	snop  }
0x7: {  	_ = 	snop  }
__scs_overlays_trampoline_lowered:
0x8: {  	[smem:$0x3F9B] =	sst s0  }
0x9: {  	[smem:$0x3F9C] =	sst s1  }
0xa: {  	[smem:$0x3F9D] =	sst s2  }
0xb: {  	[smem:$0x3F9E] =	sst s3  }
0xc: {  	[smem:$0x3F9F] =	sst s4  }
0xd: {  	[smem:$0x3FA0] =	sst s5  }
0xe: {  	[smem:$0x3FA1] =	sst s6  }
0xf: {  	[smem:$0x3FA2] =	sst s7  }
0x10: {  	[smem:$0x3FA3] =	sst s8  }
0x11: {  	[smem:$0x3FA4] =	sst s9;
	s0 =	simm.s32 @!p0 $0x0  }
0x12: {  	s1 =	sld [smem:$0x3F8A];
	s0 =	simm.s32 @p0 $0x1  }
0x13: {  	[smem:$0x3FA5] =	sst s0;
	s0 =	simm.s32 @!p1 $0x0  }
0x14: {  	s2 =	sld [smem:$0x3F89];
	s0 =	simm.s32 @p1 $0x1  }
0x15: {  	[smem:$0x3FA6] =	sst s0;
	s0 =	simm.s32 @!p2 $0x0  }
0x16: {  	s3 =	sld [smem:$0x3FDB];
	s0 =	simm.s32 @p2 $0x1  }
0x17: {  	s4 =	simm.s32 $0x1BF5;
	[smem:$0x3FA8] =	sst s0  }
0x18: {  	s0 =	sld [smem:$0x3F8B];
	_ =	swait.ge [sflag:s4], $0x0  }
0x19: {  	s7 =	sld [smem:$0x3F8C]  }
0x1a: {  	s8 =	sadd.s32 $0xFFFFE003, lr  }
0x1b: {  	s9 =	sadd.s32 $0xFFFFFEF7, lr;
	s5 =	simm.s32 $0xFFFFFFFF;
	p2 =	slt.u32 s8, $0xFFFFF086  }
0x1c: {  	p1 =	slt.u32 s9, $0xF7A;
	s5 =	simm.s32 @!p2 $0x0  }
0x1d: {  	s5 =	simm.s32 @p1 $0x1;
	p0 =	seq.s32 s7, s2  }
0x1e: {  	s7 =	smul.u32 @!p0 $0xF7A, s2;
	p2 =	seq.s32 @!p0 s5, $0x0  }
0x1f: {  	s9 =	smul.u32 $0xF7A, s1;
	s8 =	simm.s32 @!p0 $0x1BF5;
	p2 =	por !p2, p0  }
0x20: {  	[sflag:s8] =	ssyncset.s32 @!p0 $0xFFFFF086;
	s6 =	sadd.s32 @!p0 s3, s7;
	s7 =	simm.s32 @!p0 $0x108  }
0x21: {  	s3 =	sadd.s32 s3, s9;
	s6 =	sadd.s32 @!p0 $0x88, s6;
	s7 =	simm.s32 @p2 $0x1082  }
0x22: {  	[simem:s7], [sflag:s8] =	dma.local @!p0 [hbm:s6], $0xF7A  }
0x23: {  	s9 =	sor.u32 $0xD0000000, s2;
	s6 =	simm.s32 $0x108;
	_ =	swait.ge @!p0 [sflag:s8], $0x0  }
0x24: {  	s3 =	sadd.s32 $0x88, s3;
	s6 =	simm.s32 @!p1 $0x1082;
	[sflag:s4] =	ssyncset.s32 $0xFFFFF086  }
0x25: {  	[simem:s6], [sflag:s4] =	dma.local [hbm:s3], $0xF7A  }
0x26: {  	[smem:$0x3F8C] =	sst s1;
	(tag) =	ssettag s2;
	_ =	strace s9  }
0x27: {  	s1 =	sld [smem:$0x3F9C]  }
0x28: {  	s2 =	sld [smem:$0x3F9D]  }
0x29: {  	s4 =	sld [smem:$0x3F9F]  }
0x2a: {  	p0 =	seq.s32 s5, $0x0;
	s5 =	sld [smem:$0x3FA0]  }
0x2b: {  	s6 =	sld [smem:$0x3FA1]  }
0x2c: {  	s7 =	sld [smem:$0x3FA2]  }
0x2d: {  	s3 =	simm.s32 $0x108;
	s8 =	sld [smem:$0x3FA3]  }
0x2e: {  	s3 =	simm.s32 @!p0 $0x1082;
	s9 =	sld [smem:$0x3FA4]  }
0x2f: {  	lr =	sadd.s32 s0, s3;
	s0 =	sld [smem:$0x3F9B]  }
0x30: {  	s3 =	sld [smem:$0x3F9E]  }
0x31: {  	[smem:$0x3FA7] =	sst s10  }
0x32: {  	s10 =	sld [smem:$0x3FA5];
	_ =	sdelay $0x3  }
0x33: {  	p0 =	seq.s32 s10, $0x1;
	s10 =	sld [smem:$0x3FA7];
	_ =	sdelay $0x3  }
0x34: {  	[smem:$0x3FA7] =	sst s10  }
0x35: {  	s10 =	sld [smem:$0x3FA6];
	_ =	sdelay $0x3  }
0x36: {  	p1 =	seq.s32 s10, $0x1;
	s10 =	sld [smem:$0x3FA7];
	_ =	sdelay $0x3  }
0x37: {  	[smem:$0x3FA7] =	sst s10  }
0x38: {  	s10 =	sld [smem:$0x3FA8]  }
0x39: {  	_ = 	snop;
	(pc) =	sbr.ind lr, $3  }
0x3a: {  	_ = 	snop  }
0x3b: {  	_ = 	snop  }
0x3c: {  	p2 =	seq.s32 s10, $0x1;
	s10 =	sld [smem:$0x3FA7]  }
0x3d: {  	_ =	shalt  }
0x3e: {  	_ =	shalt  }
0x3f: {  	_ =	shalt  }
0x40: {  	_ =	shalt  }
0x41: {  	_ =	shalt  }
0x42: {  	_ =	shalt  }
0x43: {  	_ =	shalt  }
0x44: {  	_ =	shalt  }
0x45: {  	_ =	shalt  }
0x46: {  	_ =	shalt  }
0x47: {  	_ =	shalt  }
0x48: {  	_ =	shalt  }
0x49: {  	_ =	shalt  }
0x4a: {  	_ =	shalt  }
0x4b: {  	_ =	shalt  }
0x4c: {  	_ =	shalt  }
0x4d: {  	_ =	shalt  }
0x4e: {  	_ =	shalt  }
0x4f: {  	_ =	shalt  }
0x50: {  	_ =	shalt  }
0x51: {  	_ =	shalt  }
0x52: {  	_ =	shalt  }
0x53: {  	_ =	shalt  }
0x54: {  	_ =	shalt  }
0x55: {  	_ =	shalt  }
0x56: {  	_ =	shalt  }
0x57: {  	_ =	shalt  }
0x58: {  	_ =	shalt  }
0x59: {  	_ =	shalt  }
0x5a: {  	_ =	shalt  }
0x5b: {  	_ =	shalt  }
0x5c: {  	_ =	shalt  }
0x5d: {  	_ =	shalt  }
0x5e: {  	_ =	shalt  }
0x5f: {  	_ =	shalt  }
0x60: {  	_ =	shalt  }
0x61: {  	_ =	shalt  }
0x62: {  	_ =	shalt  }
0x63: {  	_ =	shalt  }
0x64: {  	_ =	shalt  }
0x65: {  	_ =	shalt  }
0x66: {  	_ =	shalt  }
0x67: {  	_ =	shalt  }
0x68: {  	_ =	shalt  }
0x69: {  	_ =	shalt  }
0x6a: {  	_ =	shalt  }
0x6b: {  	_ =	shalt  }
0x6c: {  	_ =	shalt  }
0x6d: {  	_ =	shalt  }
0x6e: {  	_ =	shalt  }
0x6f: {  	_ =	shalt  }
0x70: {  	_ =	shalt  }
0x71: {  	_ =	shalt  }
0x72: {  	_ =	shalt  }
0x73: {  	_ =	shalt  }
0x74: {  	_ =	shalt  }
0x75: {  	_ =	shalt  }
0x76: {  	_ =	shalt  }
0x77: {  	_ =	shalt  }
0x78: {  	_ =	shalt  }
0x79: {  	_ =	shalt  }
0x7a: {  	_ =	shalt  }
0x7b: {  	_ =	shalt  }
0x7c: {  	_ =	shalt  }
0x7d: {  	_ =	shalt  }
0x7e: {  	_ =	shalt  }
0x7f: {  	_ =	shalt  }
0x80: {  	_ =	shalt  }
0x81: {  	_ =	shalt  }
0x82: {  	_ =	shalt  }
0x83: {  	_ =	shalt  }
0x84: {  	_ =	shalt  }
0x85: {  	_ =	shalt  }
0x86: {  	_ =	shalt  }
0x87: {  	_ =	shalt  }
.Lfunc_end0:
.L_simem_size_0:
called_computation.3_lowered:
.L_overlay_start_0:
0x88: {  	s2 =	sld [smem:$0x3FD9]  }
0x89: {  	s3 =	sld [smem:$0x3FFE];
	_ =	sdelay $0x1  }
0x8a: {  	s1 =	srdreg.scid  }
0x8b: {  	s0 =	sand.u32 $0x1, s1  }
0x8c: {  	s16 =	sshll.u32 s0, $0xA;
	s2 =	sadd.s32 s3, s2  }
0x8d: {  	s2 =	sadd.s32 s2, s16  }
0x8e: {  	[smem:$0x3FB3] =	sst s2  }
0x8f: {  	_ = 	snop  }
0x90: {  	(tm) =	ssettm $0x1  }
0x91: {  	s17 =	sld [smem:$0x3FFB];
	_ =	sdelay $0x3  }
0x92: {  	_ =	strace s17  }
0x93: {  	s2 =	sld [smem:$0x3FFC];
	_ =	sdelay $0x3  }
0x94: {  	_ =	strace s2  }
0x95: {  	s2 =	sld [smem:$0x3FFD];
	_ =	sdelay $0x3  }
0x96: {  	_ =	strace s2  }
0x97: {  	_ =	strace $0x8FFFFFFF  }
0x98: {  	s18 =	sld [smem:$0x3FDB];
	_ =	sdelay $0x1  }
0x99: {  	s19 =	simm.s32 $_scs_section_size  }
0x9a: {  	s4 =	simm.s32 $_size__tile_overlayer_lowered;
	s5 =	simm.s32 $_tile_overlayer_lowered  }
0x9b: {  	s22 =	simm.s32 $0x1BFF;
	s21 =	sshll.u32 s5, $0x1;
	s2 =	sadd.s32 s19, s18  }
0x9c: {  	s6 =	simm.s32 $0x0;
	s20 =	sshll.u32 s4, $0x1;
	s4 =	sadd.s32 s21, s2  }
0x9d: {  	[timem:s6], [sflag:s22] =	dma.local [hbm:s4], s20  }
0x9e: {  	_ =	swait.ge [sflag:s22], s20  }
0x9f: {  	s3 =	ssub.s32 $0x0, s20;
	[sflag:s22] =	ssyncset.done $0x0  }
0xa0: {  	[sflag:s22] =	ssyncadd.s32 s3;
	_ =	sdelay $0x1  }
0xa1: {  	s23 =	simm.s32 $0x1B8B  }
0xa2: {  	_ =	swait.ge [sflag:s23], $0x1  }
0xa3: {  	[sflag:s23] =	ssyncset.done $0x0  }
0xa4: {  	s25 =	simm.s32 $0x1B8E;
	s24 =	sld [smem:$0x3FFE];
	[sflag:s23] =	ssyncadd.s32 $0xFFFFFFFF  }
0xa5: {  	s26 =	simm.s32 $execute0_lowered;
	[smem:$0x3FD2] =	sst s25  }
0xa6: {  	s4 =	sshll.u32 s26, $0x1;
	_ =	strace $0x8000004F;
	[dreg:$0x1] =	wrdreg $0xFFFFFFFF  }
0xa7: {  	s28 =	simm.s32 $_size_execute0_lowered;
	s2 =	sadd.s32 s2, s4;
	[dreg:$0x0] =	wrdreg $0x0  }
0xa8: {  	s4 =	sshll.u32 s28, $0x1;
	[dreg:$0x2] =	wrdreg s2  }
0xa9: {  	[dreg:$0x3] =	wrdreg s4  }
0xaa: {  	[dreg:$0x4] =	wrdreg $0xC0  }
0xab: {  	_ =	task [dreg:s6], $0x5FFFF  }
0xac: {  	[dreg:$0x1] =	wrdreg $0xFFFFFFFF  }
0xad: {  	[dreg:$0x0] =	wrdreg $0x60  }
0xae: {  	[dreg:$0x2] =	wrdreg s24  }
0xaf: {  	[dreg:$0x3] =	wrdreg $0x90000  }
0xb0: {  	[dreg:$0x4] =	wrdreg $0x9  }
0xb1: {  	_ =	task.clear_ibuf [dreg:s6], $0x5FFFF;
	_ =	strace $0x9000004F  }
0xb2: {  	s29 =	simm.s32 $0x9;
	_ =	strace $0x80000051  }
0xb3: {  	_ =	swait.ge [sflag:s29], $0x1  }
0xb4: {  	[sflag:s29] =	ssyncadd.s32 $0xFFFFFFFF  }
0xb5: {  	_ =	strace $0x90000051  }
0xb6: {  	_ =	sfence  }
0xb7: {  	s30 =	sld [smem:$0x0];
	_ =	sdelay $0x2  }
0xb8: {  	s31 =	sshll.u32 s1, $0xD;
	s1 =	sshrl.u32 s1, $0x2  }
0xb9: {  	s3 =	sand.u32 $0x4000, s31;
	s1 =	sadd.s32 s1, s30  }
0xba: {  	s0 =	sor.u32 s3, s0;
	s1 =	sshll.u32 s1, $0x11  }
0xbb: {  	s0 =	sor.u32 s1, s0  }
0xbc: {  	s0 =	sadd.s32 $0x8F2B, s0  }
0xbd: {  	[sflag:s0] =	ssyncadd.remote.s32 $0x1  }
0xbe: {  	_ =	sfence.sel $0xFFFF  }
0xbf: {  	[dreg:$0x0] =	wrdreg $0xFFFFFFFF;
	(pc) =	sbr.abs _section_cstart, $3  }
0xc0: {  	[dreg:$0x1] =	wrdreg $0xFFFFFFFF  }
0xc1: {  	_ =	task.clear_ibuf [dreg:s6], $0x2FFFF;
	_ =	strace $0x9FFFFFFF  }
0xc2: {  	(tm) =	ssettm $0x7FFFFFFF  }
0xc3: {  	_ =	shalt  }
tec
execute0_lowered:
.L_overlay_start_1:
0x0: {  	(tag) =	ssettag $0x1  }
0x1: {  	s4 =	rddreg [dreg:$0x0]  }
0x2: {  	s2 =	rddreg [dreg:$0x1]  }
0x3: {  	s0 =	rddreg [dreg:$0x2]  }
0x4: {  	s3 =	simm.s32 $0x0;
	s5 =	srdreg.scid;
	s1 =	stileid.u32  }
0x5: {  	s16 =	simm.s32 $0x6800;
	s17 =	simm.s32 $0x1;
	s18 =	simm.s32 $0x50  }
0x6: {  	s19 =	simm.s32 $0x2;
	s20 =	simm.s32 $0x3D00;
	s21 =	simm.s32 $0x3D80  }
0x7: {  	[smem:$0x7FF] =	sst s3;
	s8 =	sand.u32 $0x1, s5;
	s23 =	smul.u32 $0x2800, s1  }
0x8: {  	s22 =	sshll.u32 s1, $0x1;
	s10 =	sadd.s32 $0x13FF400, s4;
	s12 =	smul.u32 $0x50000, s1  }
0x9: {  	s26 =	sshll.u32 s1, $0x6;
	s30 =	smul.u32 $0x4E200, s1;
	_ =	strace $0x80000050  }
0xa: {  	s6 =	sor.u32 s8, s22;
	s9 =	smul.u32 $0x28000, s8;
	s11 =	ssub.s32 $0x2, s8  }
0xb: {  	s31 =	smul.u32 $0x27100, s8;
	s22 =	simm.s32 $0x3E00;
	s7 =	sshll.u32 s6, $0xB  }
0xc: {  	s13 =	sadd.s32 s23, s4;
	s24 =	sshrl.u32 s11, $0x1;
	s28 =	smul.u32 $0x138800, s6  }
0xd: {  	s25 =	sshrl.u32 s12, $0x2;
	s29 =	smul.u32 $0x27100, s6;
	s7 =	sadd.s32 s7, s4  }
0xe: {  	s5 =	sadd.s32 s23, s9;
	s11 =	ssub.s32 s11, s24;
	s15 =	sadd.s32 s25, s2  }
0xf: {  	s23 =	simm.s32 $0x0;
	s14 =	sadd.s32 s5, s4;
	s4 =	sadd.s32 $0x77000, s13  }
0x10: {  	s5 =	sor.u32 $0x1C03, s26;
	s6 =	sadd.s32 $0x18C00, s7;
	s9 =	sshrl.u32 s28, $0x3  }
0x11: {  	s7 =	sadd.s32 s10, s29;
	s13 =	sadd.s32 s30, s10;
	s9 =	sadd.s32 s10, s9  }
0x12: {  	s10 =	smax.u32 s11, $0x1;
	s11 =	sadd.s32 $0x26C00, s7;
	s12 =	sadd.s32 s31, s13  }
0x13: {  	s13 =	sshrl.u32 s15, $0x3;
	s15 =	simm.s32 $0x4000;
	s8 =	sadd.s32 $0x500, s9  }
0x14: {  	s9 =	sadd.s32 $0xF1D400, s14;
	s12 =	sadd.s32 $0xA00, s12;
	s14 =	simm.s32 $0x3  }
.LBB2_1:
0x15: {  	[spmem:s13], [sflag:s5] =	dma.local [hbm:s4], $0x2800  }
0x16: {  	_ =	swait.ge [sflag:s14], $0x2800  }
0x17: {  	[sflag:s14] =	ssyncset.done $0x0  }
0x18: {  	[sflag:s14] =	ssyncadd.s32 $0xFFFFD800  }
0x19: {  	[tilespmem:s3], [sflag:$0x3] =	stream.linear.gather [hbm4b:s6+s3], $0x3E80, $0x38;
	[tilespmem:$0x1D000] =	vst v63  }
0x1a: {  	_ =	swait.ge [sflag:s14], $0x3E80  }
0x1b: {  	[sflag:s14] =	ssyncset.done $0x0  }
0x1c: {  	[sflag:s14] =	ssyncadd.s32 $0xFFFFC180  }
0x1d: {  	[bflag:$0x0] =	sbarrier.arrive $0xFFFF  }
0x1e: {  	[tilespmem:s15], [sflag:$0x1] =	stream.linear.gather [hbm4b:s7+s3], $0x2800, $0x38;
	[tilespmem:$0x1D000] =	vst v63  }
0x1f: {  	_ = 	snop  }
0x20: {  	[tilespmem:s16], [sflag:$0x2] =	stream.linear.gather [hbm4b:s8+s3], $0x2800, $0x38;
	[tilespmem:$0x1D000] =	vst v63  }
0x21: {  	_ =	swait.ge [sflag:s17], $0x2800  }
0x22: {  	[sflag:s17] =	ssyncset.done $0x0  }
0x23: {  	s24 =	simm.s32 $0x0;
	[sflag:s17] =	ssyncadd.s32 $0xFFFFD800  }
0x24: {  	[spmem:s2] =	stream.indirect.scatter.add.f32 [tilespmem:s15], [sflag:$0x3], $0x80, s24, s18, $0xb8;
	[tilespmem:$0x1D000] =	vst v63  }
0x25: {  	_ =	swait.ge [sflag:s14], $0x2800  }
0x26: {  	[sflag:s14] =	ssyncset.done $0x0  }
0x27: {  	[sflag:s14] =	ssyncadd.s32 $0xFFFFD800  }
0x28: {  	[tilespmem:s15], [sflag:$0x1] =	stream.linear.gather [hbm4b:s12+s3], $0x2800, $0x38;
	[tilespmem:$0x1D000] =	vst v63  }
0x29: {  	_ =	swait.ge [sflag:s19], $0x2800  }
0x2a: {  	[sflag:s19] =	ssyncset.done $0x0  }
0x2b: {  	s31 =	simm.s32 $0x80;
	[sflag:s19] =	ssyncadd.s32 $0xFFFFD800  }
0x2c: {  	[spmem:s2] =	stream.indirect.scatter.add.f32 [tilespmem:s16], [sflag:$0x3], $0x80, s31, s18, $0xb8;
	[tilespmem:$0x1D000] =	vst v63  }
0x2d: {  	_ =	swait.ge [sflag:s14], $0x2800  }
0x2e: {  	s26 =	sadd.s32 $0x500, s12;
	[sflag:s14] =	ssyncset.done $0x0  }
0x2f: {  	s25 =	sadd.s32 $0xA00, s12;
	s24 =	simm.s32 $0x400;
	[sflag:s14] =	ssyncadd.s32 $0xFFFFD800  }
.LBB2_2:
0x30: {  	[tilespmem:s16], [sflag:$0x2] =	stream.linear.gather [hbm4b:s26+s3], $0x2800, $0x38;
	[tilespmem:$0x1D000] =	vst v63  }
0x31: {  	s26 =	smov.u32 s24  }
0x32: {  	p0 =	sne.s32 s24, $0xF000;
	s24 =	sadd.s32 $0x400, s24;
	_ =	swait.ge [sflag:s17], $0x2800  }
0x33: {  	[sflag:s17] =	ssyncset.done $0x0  }
0x34: {  	s26 =	sshra.s32 s26, $0x2;
	[sflag:s17] =	ssyncadd.s32 $0xFFFFD800  }
0x35: {  	[spmem:s2] =	stream.indirect.scatter.add.f32 [tilespmem:s15], [sflag:$0x3], $0x80, s26, s18, $0xb8;
	[tilespmem:$0x1D000] =	vst v63  }
0x36: {  	_ =	swait.ge [sflag:s14], $0x2800  }
0x37: {  	[sflag:s14] =	ssyncset.done $0x0  }
0x38: {  	[sflag:s14] =	ssyncadd.s32 $0xFFFFD800  }
0x39: {  	[tilespmem:s15], [sflag:$0x1] =	stream.linear.gather [hbm4b:s25+s3], $0x2800, $0x38;
	[tilespmem:$0x1D000] =	vst v63  }
0x3a: {  	_ =	swait.ge [sflag:s19], $0x2800  }
0x3b: {  	[sflag:s19] =	ssyncset.done $0x0  }
.Ltmp0:
0x3c: {  	s26 =	sadd.s32 $0x80, s26;
	[sflag:s19] =	ssyncadd.s32 $0xFFFFD800;
	(pc) =	sbr.rel @p0 .LBB2_2-.Ltmp0, $4  }
0x3d: {  	[spmem:s2] =	stream.indirect.scatter.add.f32 [tilespmem:s16], [sflag:$0x3], $0x80, s26, s18, $0xb8;
	[tilespmem:$0x1D000] =	vst v63  }
0x3e: {  	_ =	swait.ge [sflag:s14], $0x2800  }
0x3f: {  	[sflag:s14] =	ssyncset.done $0x0  }
0x40: {  	s26 =	sadd.s32 $0x500, s25;
	s25 =	sadd.s32 $0xA00, s25;
	[sflag:s14] =	ssyncadd.s32 $0xFFFFD800  }
0x41: {  	[tilespmem:s16], [sflag:$0x2] =	stream.linear.gather [hbm4b:s26+s3], $0x2800, $0x38;
	[tilespmem:$0x1D000] =	vst v63  }
0x42: {  	_ =	swait.ge [sflag:s17], $0x2800  }
0x43: {  	[sflag:s17] =	ssyncset.done $0x0  }
0x44: {  	[sflag:s17] =	ssyncadd.s32 $0xFFFFD800  }
0x45: {  	[spmem:s2] =	stream.indirect.scatter.add.f32 [tilespmem:s15], [sflag:$0x3], $0x80, s20, s18, $0xb8;
	[tilespmem:$0x1D000] =	vst v63  }
0x46: {  	_ =	swait.ge [sflag:s14], $0x2800  }
0x47: {  	[sflag:s14] =	ssyncset.done $0x0  }
0x48: {  	[sflag:s14] =	ssyncadd.s32 $0xFFFFD800  }
0x49: {  	[tilespmem:s15], [sflag:$0x1] =	stream.linear.gather [hbm4b:s11+s3], $0x2800, $0x38;
	[tilespmem:$0x1D000] =	vst v63  }
0x4a: {  	_ =	swait.ge [sflag:s19], $0x2800  }
0x4b: {  	[sflag:s19] =	ssyncset.done $0x0  }
0x4c: {  	[sflag:s19] =	ssyncadd.s32 $0xFFFFD800  }
0x4d: {  	[spmem:s2] =	stream.indirect.scatter.add.f32 [tilespmem:s16], [sflag:$0x3], $0x80, s21, s18, $0xb8;
	[tilespmem:$0x1D000] =	vst v63  }
0x4e: {  	_ =	swait.ge [sflag:s14], $0x2800  }
0x4f: {  	[sflag:s14] =	ssyncset.done $0x0  }
0x50: {  	[sflag:s14] =	ssyncadd.s32 $0xFFFFD800  }
0x51: {  	_ =	swait.ge [sflag:s17], $0x2800  }
0x52: {  	[sflag:s17] =	ssyncset.done $0x0  }
0x53: {  	[sflag:s17] =	ssyncadd.s32 $0xFFFFD800  }
0x54: {  	[spmem:s2] =	stream.indirect.scatter.add.f32 [tilespmem:s15], [sflag:$0x3], $0x80, s22, s18, $0xb8;
	[tilespmem:$0x1D000] =	vst v63  }
0x55: {  	_ =	swait.ge [sflag:s14], $0x2800  }
0x56: {  	s23 =	sadd.s32 $0x1, s23;
	[sflag:s14] =	ssyncset.done $0x0  }
0x57: {  	p0 =	sne.s32 s23, s10;
	[sflag:s14] =	ssyncadd.s32 $0xFFFFD800  }
.Ltmp1:
0x58: {  	[bflag:$0x0] =	sbarrier.arrive $0xFFFF;
	(pc) =	sbr.rel @p0 .LBB2_1-.Ltmp1, $4  }
0x59: {  	[hbm:s9], [sflag:s5] =	dma.local [spmem:s13], $0x2800  }
0x5a: {  	_ =	swait.ge [sflag:s14], $0x2800  }
0x5b: {  	[sflag:s14] =	ssyncset.done $0x0  }
0x5c: {  	[sflag:s14] =	ssyncadd.s32 $0xFFFFD800  }
0x5d: {  	_ =	sfence.sel $0x180000  }
0x5e: {  	[bflag:$0x0] =	sbarrier.arrive $0xFFFF  }
0x5f: {  	p0 =	sne.s32 s1, $0x0;
	_ =	strace $0x90000050  }
0x60: {  	s0 =	sadd.s32 @!p0 $0x100000, s0;
	[bflag:$0x2] =	sbarrier.arrive $0xFFFF  }
0x61: {  	[sflag:s0] =	ssyncadd.tile.s32 @!p0 $0x1;
	_ =	shalt  }
.Lfunc_end2:
_tile_overlayer_lowered:
.L_overlay_start_2:
0x62: {  	(tag) =	ssettag $0x2  }
0x63: {  	s0 =	rddreg [dreg:$0x0];
	s2 =	stileid.u32  }
0x64: {  	s1 =	rddreg [dreg:$0x1];
	p0 =	sne.s32 s2, $0x0  }
0x65: {  	s3 =	rddreg [dreg:$0x2];
	[bflag:$0x3] =	sbarrier.arrive $0xFFFF;
	s2 =	simm.s32 @!p0 $0x1C03  }
0x66: {  	[timem:s3], [sflag:s2] =	dma.local @!p0 [hbm:s0], s1  }
0x67: {  	s0 =	simm.s32 @!p0 $0x3  }
0x68: {  	_ =	swait.ge @!p0 [sflag:s0], s1  }
0x69: {  	s1 =	ssub.s32 @!p0 $0x0, s1;
	[sflag:s0] =	ssyncset.done @!p0 $0x0  }
0x6a: {  	[sflag:s0] =	ssyncadd.s32 @!p0 s1  }
0x6b: {  	[bflag:$0x3] =	sbarrier.arrive $0xFFFF  }
0x6c: {  	_ =	shalt  }

// kernel: kernel.26.cloned.1.call-start
scs
__scs_entry_jumppad:
0x0: {  	(pc) =	sbr.rel $0x88, $3  }
0x1: {  	(tag) =	ssettag $0x0;
	lr =	simm.s32 $0x1  }
0x2: {  	[smem:$0x3F8C] =	sst lr;
	_ =	strace $0xD0000000  }
0x3: {  	_ = 	snop  }
0x4: {  	_ = 	snop  }
0x5: {  	_ = 	snop  }
0x6: {  	_ = 	snop  }
0x7: {  	_ = 	snop  }
__scs_overlays_trampoline_lowered:
0x8: {  	[smem:$0x3F9B] =	sst s0  }
0x9: {  	[smem:$0x3F9C] =	sst s1  }
0xa: {  	[smem:$0x3F9D] =	sst s2  }
0xb: {  	[smem:$0x3F9E] =	sst s3  }
0xc: {  	[smem:$0x3F9F] =	sst s4  }
0xd: {  	[smem:$0x3FA0] =	sst s5  }
0xe: {  	[smem:$0x3FA1] =	sst s6  }
0xf: {  	[smem:$0x3FA2] =	sst s7  }
0x10: {  	[smem:$0x3FA3] =	sst s8  }
0x11: {  	[smem:$0x3FA4] =	sst s9;
	s0 =	simm.s32 @!p0 $0x0  }
0x12: {  	s1 =	sld [smem:$0x3F8A];
	s0 =	simm.s32 @p0 $0x1  }
0x13: {  	[smem:$0x3FA5] =	sst s0;
	s0 =	simm.s32 @!p1 $0x0  }
0x14: {  	s2 =	sld [smem:$0x3F89];
	s0 =	simm.s32 @p1 $0x1  }
0x15: {  	[smem:$0x3FA6] =	sst s0;
	s0 =	simm.s32 @!p2 $0x0  }
0x16: {  	s3 =	sld [smem:$0x3FDB];
	s0 =	simm.s32 @p2 $0x1  }
0x17: {  	s4 =	simm.s32 $0x1BF5;
	[smem:$0x3FA8] =	sst s0  }
0x18: {  	s0 =	sld [smem:$0x3F8B];
	_ =	swait.ge [sflag:s4], $0x0  }
0x19: {  	s7 =	sld [smem:$0x3F8C]  }
0x1a: {  	s8 =	sadd.s32 $0xFFFFE003, lr  }
0x1b: {  	s9 =	sadd.s32 $0xFFFFFEF7, lr;
	s5 =	simm.s32 $0xFFFFFFFF;
	p2 =	slt.u32 s8, $0xFFFFF086  }
0x1c: {  	p1 =	slt.u32 s9, $0xF7A;
	s5 =	simm.s32 @!p2 $0x0  }
0x1d: {  	s5 =	simm.s32 @p1 $0x1;
	p0 =	seq.s32 s7, s2  }
0x1e: {  	s7 =	smul.u32 @!p0 $0xF7A, s2;
	p2 =	seq.s32 @!p0 s5, $0x0  }
0x1f: {  	s9 =	smul.u32 $0xF7A, s1;
	s8 =	simm.s32 @!p0 $0x1BF5;
	p2 =	por !p2, p0  }
0x20: {  	[sflag:s8] =	ssyncset.s32 @!p0 $0xFFFFF086;
	s6 =	sadd.s32 @!p0 s3, s7;
	s7 =	simm.s32 @!p0 $0x108  }
0x21: {  	s3 =	sadd.s32 s3, s9;
	s6 =	sadd.s32 @!p0 $0x88, s6;
	s7 =	simm.s32 @p2 $0x1082  }
0x22: {  	[simem:s7], [sflag:s8] =	dma.local @!p0 [hbm:s6], $0xF7A  }
0x23: {  	s9 =	sor.u32 $0xD0000000, s2;
	s6 =	simm.s32 $0x108;
	_ =	swait.ge @!p0 [sflag:s8], $0x0  }
0x24: {  	s3 =	sadd.s32 $0x88, s3;
	s6 =	simm.s32 @!p1 $0x1082;
	[sflag:s4] =	ssyncset.s32 $0xFFFFF086  }
0x25: {  	[simem:s6], [sflag:s4] =	dma.local [hbm:s3], $0xF7A  }
0x26: {  	[smem:$0x3F8C] =	sst s1;
	(tag) =	ssettag s2;
	_ =	strace s9  }
0x27: {  	s1 =	sld [smem:$0x3F9C]  }
0x28: {  	s2 =	sld [smem:$0x3F9D]  }
0x29: {  	s4 =	sld [smem:$0x3F9F]  }
0x2a: {  	p0 =	seq.s32 s5, $0x0;
	s5 =	sld [smem:$0x3FA0]  }
0x2b: {  	s6 =	sld [smem:$0x3FA1]  }
0x2c: {  	s7 =	sld [smem:$0x3FA2]  }
0x2d: {  	s3 =	simm.s32 $0x108;
	s8 =	sld [smem:$0x3FA3]  }
0x2e: {  	s3 =	simm.s32 @!p0 $0x1082;
	s9 =	sld [smem:$0x3FA4]  }
0x2f: {  	lr =	sadd.s32 s0, s3;
	s0 =	sld [smem:$0x3F9B]  }
0x30: {  	s3 =	sld [smem:$0x3F9E]  }
0x31: {  	[smem:$0x3FA7] =	sst s10  }
0x32: {  	s10 =	sld [smem:$0x3FA5];
	_ =	sdelay $0x3  }
0x33: {  	p0 =	seq.s32 s10, $0x1;
	s10 =	sld [smem:$0x3FA7];
	_ =	sdelay $0x3  }
0x34: {  	[smem:$0x3FA7] =	sst s10  }
0x35: {  	s10 =	sld [smem:$0x3FA6];
	_ =	sdelay $0x3  }
0x36: {  	p1 =	seq.s32 s10, $0x1;
	s10 =	sld [smem:$0x3FA7];
	_ =	sdelay $0x3  }
0x37: {  	[smem:$0x3FA7] =	sst s10  }
0x38: {  	s10 =	sld [smem:$0x3FA8]  }
0x39: {  	_ = 	snop;
	(pc) =	sbr.ind lr, $3  }
0x3a: {  	_ = 	snop  }
0x3b: {  	_ = 	snop  }
0x3c: {  	p2 =	seq.s32 s10, $0x1;
	s10 =	sld [smem:$0x3FA7]  }
0x3d: {  	_ =	shalt  }
0x3e: {  	_ =	shalt  }
0x3f: {  	_ =	shalt  }
0x40: {  	_ =	shalt  }
0x41: {  	_ =	shalt  }
0x42: {  	_ =	shalt  }
0x43: {  	_ =	shalt  }
0x44: {  	_ =	shalt  }
0x45: {  	_ =	shalt  }
0x46: {  	_ =	shalt  }
0x47: {  	_ =	shalt  }
0x48: {  	_ =	shalt  }
0x49: {  	_ =	shalt  }
0x4a: {  	_ =	shalt  }
0x4b: {  	_ =	shalt  }
0x4c: {  	_ =	shalt  }
0x4d: {  	_ =	shalt  }
0x4e: {  	_ =	shalt  }
0x4f: {  	_ =	shalt  }
0x50: {  	_ =	shalt  }
0x51: {  	_ =	shalt  }
0x52: {  	_ =	shalt  }
0x53: {  	_ =	shalt  }
0x54: {  	_ =	shalt  }
0x55: {  	_ =	shalt  }
0x56: {  	_ =	shalt  }
0x57: {  	_ =	shalt  }
0x58: {  	_ =	shalt  }
0x59: {  	_ =	shalt  }
0x5a: {  	_ =	shalt  }
0x5b: {  	_ =	shalt  }
0x5c: {  	_ =	shalt  }
0x5d: {  	_ =	shalt  }
0x5e: {  	_ =	shalt  }
0x5f: {  	_ =	shalt  }
0x60: {  	_ =	shalt  }
0x61: {  	_ =	shalt  }
0x62: {  	_ =	shalt  }
0x63: {  	_ =	shalt  }
0x64: {  	_ =	shalt  }
0x65: {  	_ =	shalt  }
0x66: {  	_ =	shalt  }
0x67: {  	_ =	shalt  }
0x68: {  	_ =	shalt  }
0x69: {  	_ =	shalt  }
0x6a: {  	_ =	shalt  }
0x6b: {  	_ =	shalt  }
0x6c: {  	_ =	shalt  }
0x6d: {  	_ =	shalt  }
0x6e: {  	_ =	shalt  }
0x6f: {  	_ =	shalt  }
0x70: {  	_ =	shalt  }
0x71: {  	_ =	shalt  }
0x72: {  	_ =	shalt  }
0x73: {  	_ =	shalt  }
0x74: {  	_ =	shalt  }
0x75: {  	_ =	shalt  }
0x76: {  	_ =	shalt  }
0x77: {  	_ =	shalt  }
0x78: {  	_ =	shalt  }
0x79: {  	_ =	shalt  }
0x7a: {  	_ =	shalt  }
0x7b: {  	_ =	shalt  }
0x7c: {  	_ =	shalt  }
0x7d: {  	_ =	shalt  }
0x7e: {  	_ =	shalt  }
0x7f: {  	_ =	shalt  }
0x80: {  	_ =	shalt  }
0x81: {  	_ =	shalt  }
0x82: {  	_ =	shalt  }
0x83: {  	_ =	shalt  }
0x84: {  	_ =	shalt  }
0x85: {  	_ =	shalt  }
0x86: {  	_ =	shalt  }
0x87: {  	_ =	shalt  }
.Lfunc_end0:
.L_simem_size_0:
called_computation.4_lowered:
.L_overlay_start_0:
0x88: {  	s2 =	sld [smem:$0x3FD9]  }
0x89: {  	s3 =	sld [smem:$0x3FFE];
	_ =	sdelay $0x1  }
0x8a: {  	s1 =	srdreg.scid  }
0x8b: {  	s0 =	sand.u32 $0x1, s1  }
0x8c: {  	s16 =	sshll.u32 s0, $0xA;
	s2 =	sadd.s32 s3, s2  }
0x8d: {  	s2 =	sadd.s32 s2, s16  }
0x8e: {  	[smem:$0x3FB3] =	sst s2  }
0x8f: {  	_ = 	snop  }
0x90: {  	(tm) =	ssettm $0x1  }
0x91: {  	s17 =	sld [smem:$0x3FFB];
	_ =	sdelay $0x3  }
0x92: {  	_ =	strace s17  }
0x93: {  	s2 =	sld [smem:$0x3FFC];
	_ =	sdelay $0x3  }
0x94: {  	_ =	strace s2  }
0x95: {  	s2 =	sld [smem:$0x3FFD];
	_ =	sdelay $0x3  }
0x96: {  	_ =	strace s2  }
0x97: {  	_ =	strace $0x8FFFFFFF  }
0x98: {  	s18 =	sld [smem:$0x3FDB];
	_ =	sdelay $0x1  }
0x99: {  	s19 =	simm.s32 $_scs_section_size  }
0x9a: {  	s4 =	simm.s32 $_size__tile_overlayer_lowered;
	s5 =	simm.s32 $_tile_overlayer_lowered  }
0x9b: {  	s22 =	simm.s32 $0x1BFF;
	s21 =	sshll.u32 s5, $0x1;
	s2 =	sadd.s32 s19, s18  }
0x9c: {  	s6 =	simm.s32 $0x0;
	s20 =	sshll.u32 s4, $0x1;
	s4 =	sadd.s32 s21, s2  }
0x9d: {  	[timem:s6], [sflag:s22] =	dma.local [hbm:s4], s20  }
0x9e: {  	_ =	swait.ge [sflag:s22], s20  }
0x9f: {  	s3 =	ssub.s32 $0x0, s20;
	[sflag:s22] =	ssyncset.done $0x0  }
0xa0: {  	[sflag:s22] =	ssyncadd.s32 s3;
	_ =	sdelay $0x1  }
0xa1: {  	s23 =	simm.s32 $0x1B8B  }
0xa2: {  	_ =	swait.ge [sflag:s23], $0x1  }
0xa3: {  	[sflag:s23] =	ssyncset.done $0x0  }
0xa4: {  	s25 =	simm.s32 $0x1B8E;
	s24 =	sld [smem:$0x3FFE];
	[sflag:s23] =	ssyncadd.s32 $0xFFFFFFFF  }
0xa5: {  	s26 =	simm.s32 $execute0_lowered;
	[smem:$0x3FD2] =	sst s25  }
0xa6: {  	s4 =	sshll.u32 s26, $0x1;
	_ =	strace $0x80000052;
	[dreg:$0x1] =	wrdreg $0xFFFFFFFF  }
0xa7: {  	s28 =	simm.s32 $_size_execute0_lowered;
	s2 =	sadd.s32 s2, s4;
	[dreg:$0x0] =	wrdreg $0x0  }
0xa8: {  	s4 =	sshll.u32 s28, $0x1;
	[dreg:$0x2] =	wrdreg s2  }
0xa9: {  	[dreg:$0x3] =	wrdreg s4  }
0xaa: {  	[dreg:$0x4] =	wrdreg $0xC0  }
0xab: {  	_ =	task [dreg:s6], $0x5FFFF  }
0xac: {  	[dreg:$0x1] =	wrdreg $0xFFFFFFFF  }
0xad: {  	[dreg:$0x0] =	wrdreg $0x60  }
0xae: {  	[dreg:$0x2] =	wrdreg s24  }
0xaf: {  	[dreg:$0x3] =	wrdreg $0x9  }
0xb0: {  	_ =	task.clear_ibuf [dreg:s6], $0x4FFFF;
	_ =	strace $0x90000052  }
0xb1: {  	s29 =	simm.s32 $0x9;
	_ =	strace $0x80000054  }
0xb2: {  	_ =	swait.ge [sflag:s29], $0x1  }
0xb3: {  	[sflag:s29] =	ssyncadd.s32 $0xFFFFFFFF  }
0xb4: {  	_ =	strace $0x90000054  }
0xb5: {  	_ =	sfence  }
0xb6: {  	s30 =	sld [smem:$0x0];
	_ =	sdelay $0x2  }
0xb7: {  	s31 =	sshll.u32 s1, $0xD;
	s1 =	sshrl.u32 s1, $0x2  }
0xb8: {  	s3 =	sand.u32 $0x4000, s31;
	s1 =	sadd.s32 s1, s30  }
0xb9: {  	s0 =	sor.u32 s3, s0;
	s1 =	sshll.u32 s1, $0x11  }
0xba: {  	s0 =	sor.u32 s1, s0  }
0xbb: {  	s0 =	sadd.s32 $0x8F2B, s0  }
0xbc: {  	[sflag:s0] =	ssyncadd.remote.s32 $0x1  }
0xbd: {  	_ =	sfence.sel $0xFFFF  }
0xbe: {  	[dreg:$0x0] =	wrdreg $0xFFFFFFFF;
	(pc) =	sbr.abs _section_cstart, $3  }
0xbf: {  	[dreg:$0x1] =	wrdreg $0xFFFFFFFF  }
0xc0: {  	_ =	task.clear_ibuf [dreg:s6], $0x2FFFF;
	_ =	strace $0x9FFFFFFF  }
0xc1: {  	(tm) =	ssettm $0x7FFFFFFF  }
tec
execute0_lowered:
.L_overlay_start_1:
0x0: {  	(tag) =	ssettag $0x1  }
0x1: {  	s0 =	srdreg.scid  }
0x2: {  	s10 =	stileid.u32;
	s1 =	rddreg [dreg:$0x0]  }
0x3: {  	s2 =	simm.s32 $0x0;
	s16 =	simm.s32 $0x50;
	s17 =	simm.s32 $0x8000  }
0x4: {  	s18 =	simm.s32 $0xF800;
	s29 =	simm.s32 $0x14800;
	s30 =	simm.s32 $0x2  }
0x5: {  	s31 =	simm.s32 $0x5;
	s28 =	simm.s32 $0x6;
	s0 =	sand.u32 $0x1, s0  }
0x6: {  	s3 =	sshll.u32 s10, $0x1;
	[smem:$0x7FF] =	sst s2;
	s6 =	sadd.s32 $0x28C00, s1  }
0x7: {  	s23 =	smul.u32 $0x4E200, s10;
	s4 =	sor.u32 s0, s3;
	_ =	strace $0x80000053  }
0x8: {  	s3 =	sadd.s32 $0xF1D400, s1;
	s7 =	ssub.s32 $0x2, s0;
	s11 =	smul.u32 $0x27100, s0  }
0x9: {  	s0 =	simm.s32 $0xA;
	s5 =	sshll.u32 s4, $0xB;
	s8 =	smul.u32 $0x138800, s4  }
0xa: {  	s9 =	sshrl.u32 s7, $0x1;
	s25 =	sadd.s32 s23, s6;
	s5 =	sadd.s32 s5, s1  }
0xb: {  	s4 =	smul.u32 $0x27100, s4;
	[dreg:$0x9] =	wrdreg s25;
	s19 =	sadd.s32 $0x8C00, s5  }
0xc: {  	s1 =	sadd.s32 $0x50AC00, s1;
	s5 =	sadd.s32 $0x18C00, s5;
	[dreg:$0x2] =	wrdreg s19  }
0xd: {  	s7 =	ssub.s32 s7, s9;
	s20 =	sadd.s32 s6, s4;
	[dreg:$0x3] =	wrdreg s5  }
0xe: {  	s25 =	simm.s32 $0x3;
	s4 =	sadd.s32 s1, s4;
	[dreg:$0x4] =	wrdreg s20  }
0xf: {  	s8 =	sshrl.u32 s8, $0x3;
	s24 =	smax.u32 s7, $0x1;
	[dreg:$0x5] =	wrdreg s4  }
0x10: {  	s26 =	sadd.s32 s23, s1;
	s23 =	simm.s32 $0x1;
	[dreg:$0x8] =	wrdreg s24  }
.Ltmp0:
0x11: {  	s21 =	sadd.s32 $0x500, s8;
	[dreg:$0xa] =	wrdreg s26;
	(pc) =	sbr.rel .LBB2_1-.Ltmp0, $4  }
0x12: {  	s20 =	simm.s32 $0xA800;
	s24 =	simm.s32 $0x4;
	s26 =	simm.s32 $0xD000  }
0x13: {  	s19 =	simm.s32 $0x8;
	s22 =	sadd.s32 s6, s21;
	s5 =	sadd.s32 s1, s21  }
0x14: {  	s1 =	simm.s32 $0x7;
	s21 =	simm.s32 $0xB;
	[dreg:$0x6] =	wrdreg s22  }
0x15: {  	s6 =	simm.s32 $0x0;
	[dreg:$0x7] =	wrdreg s5;
	s22 =	simm.s32 $0x12000  }
.LBB2_4:
0x16: {  	s4 =	simm.s32 $0x9  }
0x17: {  	_ =	swait.ge [sflag:s4], $0x2800  }
0x18: {  	[sflag:s4] =	ssyncset.done $0x0  }
0x19: {  	s14 =	simm.s32 $0xC;
	[sflag:s4] =	ssyncadd.s32 $0xFFFFD800  }
0x1a: {  	_ =	swait.ge [sflag:s14], $0x2800  }
0x1b: {  	[sflag:s14] =	ssyncset.done $0x0  }
0x1c: {  	[sflag:s14] =	ssyncadd.s32 $0xFFFFD800  }
0x1d: {  	_ =	swait.ge [sflag:s1], $0x2800  }
0x1e: {  	[sflag:s1] =	ssyncset.done $0x0  }
0x1f: {  	[sflag:s1] =	ssyncadd.s32 $0xFFFFD800  }
0x20: {  	_ =	swait.ge [sflag:s0], $0x2800  }
0x21: {  	[sflag:s0] =	ssyncset.done $0x0  }
0x22: {  	[sflag:s0] =	ssyncadd.s32 $0xFFFFD800  }
0x23: {  	_ =	swait.ge [sflag:s19], $0x2800  }
0x24: {  	[sflag:s19] =	ssyncset.done $0x0  }
0x25: {  	[sflag:s19] =	ssyncadd.s32 $0xFFFFD800  }
0x26: {  	_ =	swait.ge [sflag:s21], $0x2800  }
0x27: {  	s6 =	sadd.s32 $0x1, s6;
	s15 =	rddreg [dreg:$0x8]  }
0x28: {  	p0 =	sne.s32 s6, s15  }
.Ltmp1:
0x29: {  	_ = 	snop;
	(pc) =	sbr.rel @!p0 .LBB2_5-.Ltmp1, $3  }
0x2a: {  	_ =	sdelay $0x1  }
0x2b: {  	[sflag:s21] =	ssyncset.done $0x0  }
0x2c: {  	[sflag:s21] =	ssyncadd.s32 $0xFFFFD800  }
.LBB2_1:
0x2d: {  	s4 =	rddreg [dreg:$0x2];
	s5 =	simm.s32 $0xD  }
0x2e: {  	[tilespmem:s2], [sflag:$0xD] =	stream.linear.gather [hbm4b:s4+s2], $0x3E80, $0x38;
	[tilespmem:$0x17000] =	vst v63  }
0x2f: {  	_ =	swait.ge [sflag:s5], $0x3E80  }
0x30: {  	[sflag:s5] =	ssyncset.done $0x0  }
0x31: {  	s7 =	simm.s32 $0x4000;
	s14 =	rddreg [dreg:$0x3];
	[sflag:s5] =	ssyncadd.s32 $0xFFFFC180  }
0x32: {  	[tilespmem:s7], [sflag:$0xD] =	stream.linear.gather [hbm4b:s14+s2], $0x3E80, $0x38;
	[tilespmem:$0x17000] =	vst v63  }
0x33: {  	_ =	swait.ge [sflag:s5], $0x3E80  }
0x34: {  	[sflag:s5] =	ssyncset.done $0x0  }
0x35: {  	[sflag:s5] =	ssyncadd.s32 $0xFFFFC180  }
0x36: {  	[tilespmem:s17], [sflag:$0x1] =	stream.indirect.gather [hbm4b:s3+s16], $0x80, s2, s16, $0xb8;
	[tilespmem:$0x17000] =	vst v63  }
0x37: {  	_ = 	snop  }
0x38: {  	[tilespmem:s18], [sflag:$0x4] =	stream.indirect.gather [hbm4b:s3+s16], $0x80, s7, s16, $0xb8;
	[tilespmem:$0x17000] =	vst v63  }
0x39: {  	s15 =	simm.s32 $0x80  }
0x3a: {  	[tilespmem:s20], [sflag:$0x2] =	stream.indirect.gather [hbm4b:s3+s16], $0x80, s15, s16, $0xb8;
	[tilespmem:$0x17000] =	vst v63  }
0x3b: {  	s5 =	simm.s32 $0x4080  }
0x3c: {  	[tilespmem:s22], [sflag:$0x5] =	stream.indirect.gather [hbm4b:s3+s16], $0x80, s5, s16, $0xb8;
	[tilespmem:$0x17000] =	vst v63  }
0x3d: {  	_ =	swait.ge [sflag:s23], $0x2800  }
0x3e: {  	[sflag:s23] =	ssyncset.done $0x0  }
0x3f: {  	[sflag:s23] =	ssyncadd.s32 $0xFFFFD800  }
0x40: {  	_ =	swait.ge [sflag:s24], $0x2800  }
0x41: {  	[sflag:s24] =	ssyncset.done $0x0  }
0x42: {  	s7 =	rddreg [dreg:$0x4];
	[sflag:s24] =	ssyncadd.s32 $0xFFFFD800  }
0x43: {  	[hbm4b:s7+s2] =	stream.linear.scatter [tilespmem:s17], [sflag:$0x7], $0x2800, $0x38;
	[tilespmem:$0x17000] =	vst v63  }
0x44: {  	s8 =	rddreg [dreg:$0x5]  }
0x45: {  	[hbm4b:s8+s2] =	stream.linear.scatter [tilespmem:s18], [sflag:$0xA], $0x2800, $0x38;
	[tilespmem:$0x17000] =	vst v63  }
0x46: {  	s9 =	simm.s32 $0x100  }
0x47: {  	[tilespmem:s26], [sflag:$0x3] =	stream.indirect.gather [hbm4b:s3+s16], $0x80, s9, s16, $0xb8;
	[tilespmem:$0x17000] =	vst v63  }
0x48: {  	s10 =	simm.s32 $0x4100  }
0x49: {  	[tilespmem:s29], [sflag:$0x6] =	stream.indirect.gather [hbm4b:s3+s16], $0x80, s10, s16, $0xb8;
	[tilespmem:$0x17000] =	vst v63  }
0x4a: {  	_ =	swait.ge [sflag:s30], $0x2800  }
0x4b: {  	[sflag:s30] =	ssyncset.done $0x0  }
0x4c: {  	[sflag:s30] =	ssyncadd.s32 $0xFFFFD800  }
0x4d: {  	_ =	swait.ge [sflag:s31], $0x2800  }
0x4e: {  	[sflag:s31] =	ssyncset.done $0x0  }
0x4f: {  	s12 =	rddreg [dreg:$0x6];
	[sflag:s31] =	ssyncadd.s32 $0xFFFFD800  }
0x50: {  	[hbm4b:s12+s2] =	stream.linear.scatter [tilespmem:s20], [sflag:$0x8], $0x2800, $0x38;
	[tilespmem:$0x17000] =	vst v63  }
0x51: {  	s13 =	rddreg [dreg:$0x7]  }
0x52: {  	[hbm4b:s13+s2] =	stream.linear.scatter [tilespmem:s22], [sflag:$0xB], $0x2800, $0x38;
	[tilespmem:$0x17000] =	vst v63  }
0x53: {  	_ =	swait.ge [sflag:s1], $0x2800  }
0x54: {  	[sflag:s1] =	ssyncset.done $0x0  }
0x55: {  	[sflag:s1] =	ssyncadd.s32 $0xFFFFD800  }
0x56: {  	_ =	swait.ge [sflag:s0], $0x2800  }
0x57: {  	[sflag:s0] =	ssyncset.done $0x0  }
0x58: {  	s14 =	simm.s32 $0x180;
	s13 =	rddreg [dreg:$0xa];
	[sflag:s0] =	ssyncadd.s32 $0xFFFFD800  }
0x59: {  	[tilespmem:s17], [sflag:$0x1] =	stream.indirect.gather [hbm4b:s3+s16], $0x80, s14, s16, $0xb8;
	[tilespmem:$0x17000] =	vst v63  }
0x5a: {  	s15 =	simm.s32 $0x4180;
	s9 =	simm.s32 $0x0;
	s12 =	rddreg [dreg:$0x9]  }
0x5b: {  	[tilespmem:s18], [sflag:$0x4] =	stream.indirect.gather [hbm4b:s3+s16], $0x80, s15, s16, $0xb8;
	[tilespmem:$0x17000] =	vst v63  }
.LBB2_2:
0x5c: {  	_ =	swait.ge [sflag:s25], $0x2800  }
0x5d: {  	[sflag:s25] =	ssyncset.done $0x0  }
0x5e: {  	[sflag:s25] =	ssyncadd.s32 $0xFFFFD800  }
0x5f: {  	_ =	swait.ge [sflag:s28], $0x2800  }
0x60: {  	s15 =	sadd.s32 s12, s11;
	[sflag:s28] =	ssyncset.done $0x0  }
0x61: {  	s8 =	sadd.s32 s13, s11;
	s10 =	sadd.s32 $0xA00, s15;
	[sflag:s28] =	ssyncadd.s32 $0xFFFFD800  }
0x62: {  	[hbm4b:s10+s2] =	stream.linear.scatter [tilespmem:s26], [sflag:$0x9], $0x2800, $0x38;
	[tilespmem:$0x17000] =	vst v63  }
0x63: {  	s7 =	sadd.s32 $0xA00, s8  }
0x64: {  	[hbm4b:s7+s2] =	stream.linear.scatter [tilespmem:s29], [sflag:$0xC], $0x2800, $0x38;
	[tilespmem:$0x17000] =	vst v63  }
0x65: {  	_ =	swait.ge [sflag:s19], $0x2800  }
0x66: {  	[sflag:s19] =	ssyncset.done $0x0  }
0x67: {  	[sflag:s19] =	ssyncadd.s32 $0xFFFFD800  }
0x68: {  	_ =	swait.ge [sflag:s21], $0x2800  }
0x69: {  	s10 =	sshra.s32 s9, $0x2;
	[sflag:s21] =	ssyncset.done $0x0  }
0x6a: {  	s7 =	sadd.s32 $0x200, s10;
	[sflag:s21] =	ssyncadd.s32 $0xFFFFD800  }
0x6b: {  	[tilespmem:s20], [sflag:$0x2] =	stream.indirect.gather [hbm4b:s3+s16], $0x80, s7, s16, $0xb8;
	[tilespmem:$0x17000] =	vst v63  }
0x6c: {  	s14 =	sadd.s32 $0x4200, s10  }
0x6d: {  	[tilespmem:s22], [sflag:$0x5] =	stream.indirect.gather [hbm4b:s3+s16], $0x80, s14, s16, $0xb8;
	[tilespmem:$0x17000] =	vst v63  }
0x6e: {  	_ =	swait.ge [sflag:s23], $0x2800  }
0x6f: {  	[sflag:s23] =	ssyncset.done $0x0  }
0x70: {  	[sflag:s23] =	ssyncadd.s32 $0xFFFFD800  }
0x71: {  	_ =	swait.ge [sflag:s24], $0x2800  }
0x72: {  	[sflag:s24] =	ssyncset.done $0x0  }
0x73: {  	p0 =	seq.s32 s9, $0xF000;
	s4 =	sadd.s32 $0xF00, s15;
	[sflag:s24] =	ssyncadd.s32 $0xFFFFD800  }
0x74: {  	[hbm4b:s4+s2] =	stream.linear.scatter [tilespmem:s17], [sflag:$0x7], $0x2800, $0x38;
	[tilespmem:$0x17000] =	vst v63  }
0x75: {  	s5 =	sadd.s32 $0xF00, s8;
	s7 =	simm.s32 @!p0 $0x9  }
0x76: {  	[hbm4b:s5+s2] =	stream.linear.scatter [tilespmem:s18], [sflag:$0xA], $0x2800, $0x38;
	[tilespmem:$0x17000] =	vst v63  }
0x77: {  	_ =	swait.ge @!p0 [sflag:s7], $0x2800  }
0x78: {  	[sflag:s7] =	ssyncset.done @!p0 $0x0  }
0x79: {  	[sflag:s7] =	ssyncadd.s32 @!p0 $0xFFFFD800;
	s7 =	simm.s32 @!p0 $0xC  }
0x7a: {  	_ =	swait.ge @!p0 [sflag:s7], $0x2800  }
0x7b: {  	[sflag:s7] =	ssyncset.done @!p0 $0x0  }
0x7c: {  	[sflag:s7] =	ssyncadd.s32 @!p0 $0xFFFFD800;
	s7 =	sshra.s32 @!p0 s9, $0x2  }
0x7d: {  	s14 =	simm.s32 @!p0 $0xD000;
	s5 =	simm.s32 @!p0 $0x50;
	s4 =	sadd.s32 @!p0 $0x280, s7  }
0x7e: {  	[tilespmem:s14], [sflag:$0x3] =	stream.indirect.gather @!p0 [hbm4b:s3+s5], $0x80, s4, s5, $0xb8;
	[tilespmem:$0x17000] =	vst v63  }
0x7f: {  	s4 =	sadd.s32 @!p0 $0x4280, s7;
	s7 =	simm.s32 @!p0 $0x14800  }
0x80: {  	[tilespmem:s7], [sflag:$0x6] =	stream.indirect.gather @!p0 [hbm4b:s3+s5], $0x80, s4, s5, $0xb8;
	[tilespmem:$0x17000] =	vst v63  }
0x81: {  	_ =	swait.ge [sflag:s30], $0x2800  }
0x82: {  	[sflag:s30] =	ssyncset.done $0x0  }
0x83: {  	[sflag:s30] =	ssyncadd.s32 $0xFFFFD800  }
0x84: {  	_ =	swait.ge [sflag:s31], $0x2800  }
.Ltmp2:
0x85: {  	[sflag:s31] =	ssyncset.done $0x0;
	(pc) =	sbr.rel @p0 .LBB2_4-.Ltmp2, $4  }
0x86: {  	s14 =	sadd.s32 $0x1400, s15;
	[sflag:s31] =	ssyncadd.s32 $0xFFFFD800  }
0x87: {  	[hbm4b:s14+s2] =	stream.linear.scatter [tilespmem:s20], [sflag:$0x8], $0x2800, $0x38;
	[tilespmem:$0x17000] =	vst v63  }
0x88: {  	s15 =	sadd.s32 $0x1400, s8  }
0x89: {  	[hbm4b:s15+s2] =	stream.linear.scatter [tilespmem:s22], [sflag:$0xB], $0x2800, $0x38;
	[tilespmem:$0x17000] =	vst v63  }
0x8a: {  	_ =	swait.ge [sflag:s1], $0x2800  }
0x8b: {  	[sflag:s1] =	ssyncset.done $0x0  }
0x8c: {  	[sflag:s1] =	ssyncadd.s32 $0xFFFFD800  }
0x8d: {  	_ =	swait.ge [sflag:s0], $0x2800  }
.Ltmp3:
0x8e: {  	[sflag:s0] =	ssyncset.done $0x0;
	(pc) =	sbr.rel .LBB2_2-.Ltmp3, $4  }
0x8f: {  	s4 =	sadd.s32 $0x300, s10;
	s15 =	sadd.s32 $0x4300, s10;
	[sflag:s0] =	ssyncadd.s32 $0xFFFFD800  }
0x90: {  	[tilespmem:s17], [sflag:$0x1] =	stream.indirect.gather [hbm4b:s3+s16], $0x80, s4, s16, $0xb8;
	[tilespmem:$0x17000] =	vst v63  }
0x91: {  	s9 =	sadd.s32 $0x600, s9;
	s12 =	sadd.s32 $0xF00, s12;
	s13 =	sadd.s32 $0xF00, s13  }
0x92: {  	[tilespmem:s18], [sflag:$0x4] =	stream.indirect.gather [hbm4b:s3+s16], $0x80, s15, s16, $0xb8;
	[tilespmem:$0x17000] =	vst v63  }
.LBB2_5:
0x93: {  	_ =	sfence.sel $0x180000  }
0x94: {  	[bflag:$0x0] =	sbarrier.arrive $0xFFFF  }
0x95: {  	_ =	strace $0x90000053  }
0x96: {  	s0 =	stileid.u32;
	[bflag:$0x2] =	sbarrier.arrive $0xFFFF  }
0x97: {  	p0 =	sne.s32 s0, $0x0;
	s0 =	rddreg [dreg:$0x1]  }
0x98: {  	s0 =	sadd.s32 @!p0 $0x100000, s0  }
0x99: {  	[sflag:s0] =	ssyncadd.tile.s32 @!p0 $0x1;
	_ =	shalt  }
.Lfunc_end2:
_tile_overlayer_lowered:
.L_overlay_start_2:
0x9a: {  	(tag) =	ssettag $0x2  }
0x9b: {  	s0 =	rddreg [dreg:$0x0];
	s2 =	stileid.u32  }
0x9c: {  	s1 =	rddreg [dreg:$0x1];
	p0 =	sne.s32 s2, $0x0  }
0x9d: {  	s3 =	rddreg [dreg:$0x2];
	[bflag:$0x3] =	sbarrier.arrive $0xFFFF;
	s2 =	simm.s32 @!p0 $0x1C0D  }
0x9e: {  	[timem:s3], [sflag:s2] =	dma.local @!p0 [hbm:s0], s1  }
0x9f: {  	s0 =	simm.s32 @!p0 $0xD  }
0xa0: {  	_ =	swait.ge @!p0 [sflag:s0], s1  }
0xa1: {  	s1 =	ssub.s32 @!p0 $0x0, s1;
	[sflag:s0] =	ssyncset.done @!p0 $0x0  }
0xa2: {  	[sflag:s0] =	ssyncadd.s32 @!p0 s1  }
0xa3: {  	[bflag:$0x3] =	sbarrier.arrive $0xFFFF  }
0xa4: {  	_ =	shalt  }

</sc_bundles>
